<compile_context>
chip_gen: v7x
topology: tpu7x:2x2x1
jax: 0.10.2.dev20260603
libtpu: 0.0.44.dev20260713+nightly
codegen_flags: <defaults>
</compile_context>

<pallas_src>
import functools

import jax
import jax.numpy as jnp
import numpy as np
from jax import lax
from jax.experimental import pallas as pl
from jax.experimental.pallas import tpu as pltpu
from jax.experimental.pallas import tpu_sc as plsc

N = 10000
NT = 2 * N
E = 160000
E3 = 3 * E
DH = 128
XP = 16
L = 2

NC, NS = 2, 16
NW = NC * NS

G_PW = E3 // NW
G_CH = 600
G_NCH = G_PW // G_CH
S_CE = 80
S_PW0 = (2 * E) // NS
S_PW1 = E // NS
STRIPE = N // NS

BLK = 800
BN = 1000

def _sc_mesh():
    return plsc.VectorSubcoreMesh(core_axis_name="c", subcore_axis_name="s",
                                  num_cores=NC, num_subcores=NS)


def _gperm(e3, blk):
    r = np.arange(e3).reshape(-1, blk)
    out = np.empty_like(r)
    out[:, 0::2] = r[:, : blk // 2]
    out[:, 1::2] = r[:, blk // 2:]
    return out.reshape(-1)


def _pack_bf16(h):
    lo = lax.bitcast_convert_type(
        h[:, :DH // 2].astype(jnp.bfloat16).astype(jnp.float32), jnp.uint32)
    hi = lax.bitcast_convert_type(
        h[:, DH // 2:].astype(jnp.bfloat16).astype(jnp.float32), jnp.uint32)
    return hi | (lo >> 16)


def _silu(v):
    return v * jax.nn.sigmoid(v)



def _sc_gather(H, X, IDXD_G, IDXS_G, IDXD_E, IDXS_E):

    @functools.partial(
        pl.kernel,
        out_type=[
            jax.ShapeDtypeStruct((E3, DH // 2), jnp.uint32),
            jax.ShapeDtypeStruct((E3, DH // 2), jnp.uint32),
            jax.ShapeDtypeStruct((E3, XP), jnp.float32),
            jax.ShapeDtypeStruct((E3, XP), jnp.float32),
        ],
        mesh=_sc_mesh(),
        compiler_params=pltpu.CompilerParams(use_tc_tiling_on_sc=False),
        scratch_types=[
            pltpu.VMEM((G_PW,), jnp.int32),
            pltpu.VMEM((G_PW,), jnp.int32),
            pltpu.VMEM((G_CH, DH // 2), jnp.uint32),
            pltpu.VMEM((G_CH, DH // 2), jnp.uint32),
            pltpu.VMEM((G_CH, XP), jnp.float32),
            pltpu.VMEM((G_CH, XP), jnp.float32),
        ] + [pltpu.SemaphoreType.DMA] * 8,
    )
    def k(h_hbm, x_hbm, idxdg_hbm, idxsg_hbm, idxde_hbm, idxse_hbm,
          hd_out32, hs_out32, xd_out, xs_out,
          idx_vg, idx_ve, hb0, hb1, xb0, xb1,
          gh0, gh1, gx0, gx1, sh0, sh1, sx0, sx1):
        wid = lax.axis_index("s") * NC + lax.axis_index("c")
        base = wid * G_PW
        for idxg, idxe, hout, xout in ((idxdg_hbm, idxde_hbm, hd_out32, xd_out),
                                       (idxsg_hbm, idxse_hbm, hs_out32, xs_out)):
            pltpu.sync_copy(idxg.at[pl.ds(base, G_PW)], idx_vg)
            pltpu.sync_copy(idxe.at[pl.ds(base, G_PW)], idx_ve)

            def fire_g(j, hb, xb, ghs, gxs):
                pltpu.async_copy(h_hbm.at[idx_vg.at[pl.ds(j * G_CH, G_CH)]], hb, ghs)
                pltpu.async_copy(x_hbm.at[idx_ve.at[pl.ds(j * G_CH, G_CH)]], xb, gxs)

            def fire_s(j, hb, xb, shs, sxs, hout=hout, xout=xout):
                pltpu.async_copy(hb, hout.at[pl.ds(base + j * G_CH, G_CH)], shs)
                pltpu.async_copy(xb, xout.at[pl.ds(base + j * G_CH, G_CH)], sxs)

            ixg0 = idx_vg.at[pl.ds(0, G_CH)]
            ixe0 = idx_ve.at[pl.ds(0, G_CH)]
            o0 = pl.ds(base, G_CH)
            wgh0 = pltpu.make_async_copy(h_hbm.at[ixg0], hb0, gh0)
            wgh1 = pltpu.make_async_copy(h_hbm.at[ixg0], hb1, gh1)
            wgx0 = pltpu.make_async_copy(x_hbm.at[ixe0], xb0, gx0)
            wgx1 = pltpu.make_async_copy(x_hbm.at[ixe0], xb1, gx1)
            wsh0 = pltpu.make_async_copy(hb0, hout.at[o0], sh0)
            wsh1 = pltpu.make_async_copy(hb1, hout.at[o0], sh1)
            wsx0 = pltpu.make_async_copy(xb0, xout.at[o0], sx0)
            wsx1 = pltpu.make_async_copy(xb1, xout.at[o0], sx1)

            fire_g(0, hb0, xb0, gh0, gx0)
            fire_g(1, hb1, xb1, gh1, gx1)

            def body(jj, carry):
                j0 = 2 * jj
                j1 = j0 + 1
                wgh0.wait(); wgx0.wait()
                fire_s(j0, hb0, xb0, sh0, sx0)
                wgh1.wait(); wgx1.wait()
                fire_s(j1, hb1, xb1, sh1, sx1)
                wsh0.wait(); wsx0.wait()

                @pl.when(j0 + 2 < G_NCH)
                def _():
                    fire_g(j0 + 2, hb0, xb0, gh0, gx0)
                wsh1.wait(); wsx1.wait()

                @pl.when(j1 + 2 < G_NCH)
                def _():
                    fire_g(j1 + 2, hb1, xb1, gh1, gx1)
                return carry

            lax.fori_loop(0, G_NCH // 2, body, 0)
            wgh0.wait(); wgx0.wait()
            fire_s(G_NCH - 1, hb0, xb0, sh0, sx0)
            wsh0.wait(); wsx0.wait()

    return k(H, X, IDXD_G, IDXS_G, IDXD_E, IDXS_E)


def _sc_scatter(M, RC, SIDX_LC, SIDX_P, Z, Zx):

    @functools.partial(
        pl.kernel,
        out_type=[
            jax.ShapeDtypeStruct((NT, DH), jnp.float32),
            jax.ShapeDtypeStruct((NT, XP), jnp.float32),
        ],
        mesh=_sc_mesh(),
        compiler_params=pltpu.CompilerParams(use_tc_tiling_on_sc=False),
        scratch_types=[
            pltpu.VMEM_SHARED((N, DH), jnp.float32),
            pltpu.VMEM_SHARED((N, XP), jnp.float32),
            pltpu.VMEM((S_CE, DH), jnp.float32),
            pltpu.VMEM((S_CE, DH), jnp.float32),
            pltpu.VMEM((S_CE, XP), jnp.float32),
            pltpu.VMEM((S_CE, XP), jnp.float32),
            pltpu.VMEM((S_CE,), jnp.int32),
            pltpu.VMEM((S_CE,), jnp.int32),
        ] + [pltpu.SemaphoreType.DMA] * 4,
    )
    def k(m_hbm, rc_hbm, silc_hbm, sip_hbm, z_hbm, zx_hbm,
          agg_out, xupd_out, aggS, xupdS, mb0, mb1, rb0, rb1, ib0, ib1,
          ls0, ls1, ss0, ss1):
        cid = lax.axis_index("c")
        sid = lax.axis_index("s")
        row0 = sid * STRIPE
        pltpu.sync_copy(z_hbm.at[pl.ds(row0, STRIPE)], aggS.at[pl.ds(row0, STRIPE)])
        pltpu.sync_copy(zx_hbm.at[pl.ds(row0, STRIPE)], xupdS.at[pl.ds(row0, STRIPE)])
        plsc.subcore_barrier()

        def stream(src_hbm, idx_hbm, tgt, b0, b1, src_base, idx_base, nch):
            def fire_l(j, b, ib, ls):
                pltpu.async_copy(idx_hbm.at[pl.ds(idx_base + j * S_CE, S_CE)], ib, ls)
                pltpu.async_copy(src_hbm.at[pl.ds(src_base + j * S_CE, S_CE)], b, ls)

            i0 = pl.ds(idx_base, S_CE)
            s0 = pl.ds(src_base, S_CE)
            wl0i = pltpu.make_async_copy(idx_hbm.at[i0], ib0, ls0)
            wl0m = pltpu.make_async_copy(src_hbm.at[s0], b0, ls0)
            wl1i = pltpu.make_async_copy(idx_hbm.at[i0], ib1, ls1)
            wl1m = pltpu.make_async_copy(src_hbm.at[s0], b1, ls1)
            wsc0 = pltpu.make_async_copy(b0, tgt.at[ib0], ss0)
            wsc1 = pltpu.make_async_copy(b1, tgt.at[ib1], ss1)

            fire_l(0, b0, ib0, ls0)
            fire_l(1, b1, ib1, ls1)

            def body(jj, carry):
                j0 = 2 * jj
                wl0i.wait(); wl0m.wait()
                pltpu.async_copy(b0, tgt.at[ib0], ss0, add=True)
                wl1i.wait(); wl1m.wait()
                pltpu.async_copy(b1, tgt.at[ib1], ss1, add=True)
                wsc0.wait()

                @pl.when(j0 + 2 < nch)
                def _():
                    fire_l(j0 + 2, b0, ib0, ls0)
                wsc1.wait()

                @pl.when(j0 + 3 < nch)
                def _():
                    fire_l(j0 + 3, b1, ib1, ls1)
                return carry

            lax.fori_loop(0, nch // 2, body, 0)
            if nch % 2:
                wl0i.wait(); wl0m.wait()
                pltpu.async_copy(b0, tgt.at[ib0], ss0, add=True)
                wsc0.wait()

        @pl.when(cid == 0)
        def _():
            stream(m_hbm, silc_hbm, aggS, mb0, mb1,
                   sid * S_PW0, sid * S_PW0, S_PW0 // S_CE)

        @pl.when(cid == 1)
        def _():
            stream(m_hbm, sip_hbm, aggS, mb0, mb1,
                   2 * E + sid * S_PW1, sid * S_PW1, S_PW1 // S_CE)
            stream(rc_hbm, silc_hbm, xupdS, rb0, rb1,
                   sid * S_PW0, sid * S_PW0, S_PW0 // S_CE)

        plsc.subcore_barrier()
        pltpu.sync_copy(aggS.at[pl.ds(row0, STRIPE)],
                        agg_out.at[pl.ds(cid * N + row0, STRIPE)])
        pltpu.sync_copy(xupdS.at[pl.ds(row0, STRIPE)],
                        xupd_out.at[pl.ds((1 - cid) * N + row0, STRIPE)])

    return k(M, RC, SIDX_LC, SIDX_P, Z, Zx)



def _tc_prologue(H0, Win, BIN, TADD):
    def body(h0_ref, win_ref, bin_ref, tadd_ref, h_ref, hb_ref):
        u = jnp.dot(h0_ref[...], win_ref[0], preferred_element_type=jnp.float32)
        h = _silu(u + bin_ref[0]) + tadd_ref[0]
        h_ref[...] = h
        hb_ref[...] = _pack_bf16(h)

    nb = N // BN
    return pl.pallas_call(
        body,
        grid=(NT // BN,),
        in_specs=[
            pl.BlockSpec((BN, DH), lambda i: (i, 0)),
            pl.BlockSpec((1, DH, DH), lambda i: (i // nb, 0, 0)),
            pl.BlockSpec((1, 1, DH), lambda i: (i // nb, 0, 0)),
            pl.BlockSpec((1, 1, DH), lambda i: (i // nb, 0, 0)),
        ],
        out_specs=[
            pl.BlockSpec((BN, DH), lambda i: (i, 0)),
            pl.BlockSpec((BN, DH // 2), lambda i: (i, 0)),
        ],
        out_shape=[
            jax.ShapeDtypeStruct((NT, DH), jnp.float32),
            jax.ShapeDtypeStruct((NT, DH // 2), jnp.uint32),
        ],
    )(H0, Win, BIN, TADD)


def _tc_edge(HD32, HS32, XD, XS, EA, Wd, Ws, Wdist, Wea, Be, W2, B2, Wx):
    HB = BLK // 2
    HF = DH // 2

    def unpack(u):
        def expand(w):
            flo = lax.bitcast_convert_type(w << 16, jnp.float32)
            fhi = lax.bitcast_convert_type(w & jnp.uint32(0xFFFF0000),
                                           jnp.float32)
            return jnp.concatenate([flo, fhi], axis=1).astype(jnp.bfloat16)
        return expand(u[:, :HF]), expand(u[:, HF:])

    def body(hd_ref, hs_ref, xd_ref, xs_ref, ea_ref,
             wd_ref, ws_ref, wdist_ref, wea_ref, be_ref, w2_ref, b2_ref,
             wx_ref, m_ref, rc_ref):
        hdg = unpack(hd_ref[...])
        hsg = unpack(hs_ref[...])
        rel = xd_ref[...] - xs_ref[...]
        d2 = jnp.sum(rel * rel, axis=1, keepdims=True)
        ea = ea_ref[...]
        ms, rcs = [], []
        for g in range(2):
            sl = slice(g * HB, (g + 1) * HB)
            m1 = (jnp.dot(hdg[g], wd_ref[0], preferred_element_type=jnp.float32)
                  + jnp.dot(hsg[g], ws_ref[0], preferred_element_type=jnp.float32)
                  + jnp.dot(ea[sl], wea_ref[0], preferred_element_type=jnp.float32)
                  + d2[sl] * wdist_ref[0] + be_ref[0])
            m1 = _silu(m1)
            m2 = _silu(jnp.dot(m1.astype(jnp.bfloat16), w2_ref[0],
                               preferred_element_type=jnp.float32)
                       + b2_ref[0])
            coef = jnp.sum(m2 * wx_ref[0], axis=1, keepdims=True)
            ms.append(m2)
            rcs.append(rel[sl] * coef)
        m_ref[...] = jnp.concatenate(ms, axis=0)
        rc_ref[...] = jnp.concatenate(rcs, axis=0)

    eb = E // BLK
    em = lambda t, b: (t * eb + b, 0)
    wm3 = lambda t, b: (t, 0, 0)
    return pl.pallas_call(
        body,
        grid=(3, eb),
        in_specs=[
            pl.BlockSpec((HB, DH), em),
            pl.BlockSpec((HB, DH), em),
            pl.BlockSpec((BLK, XP), em),
            pl.BlockSpec((BLK, XP), em),
            pl.BlockSpec((BLK, XP), em),
            pl.BlockSpec((1, DH, DH), wm3),
            pl.BlockSpec((1, DH, DH), wm3),
            pl.BlockSpec((1, 1, DH), wm3),
            pl.BlockSpec((1, XP, DH), wm3),
            pl.BlockSpec((1, 1, DH), wm3),
            pl.BlockSpec((1, DH, DH), wm3),
            pl.BlockSpec((1, 1, DH), wm3),
            pl.BlockSpec((1, 1, DH), wm3),
        ],
        out_specs=[
            pl.BlockSpec((BLK, DH), em),
            pl.BlockSpec((BLK, XP), em),
        ],
        out_shape=[
            jax.ShapeDtypeStruct((E3, DH), jnp.float32),
            jax.ShapeDtypeStruct((E3, XP), jnp.float32),
        ],
    )(HD32, HS32, XD, XS, EA, Wd, Ws, Wdist, Wea, Be, W2, B2, Wx)


def _tc_node(H, AGG, X, XUPD, Wn1, Wn2, Bn):
    def body(h_ref, agg_ref, x_ref, xu_ref, wn1_ref, wn2_ref, bn_ref,
             hn_ref, xn_ref, hnb_ref):
        h = h_ref[...]
        u = (jnp.dot(h, wn1_ref[0], preferred_element_type=jnp.float32)
             + jnp.dot(agg_ref[...], wn2_ref[0], preferred_element_type=jnp.float32)
             + bn_ref[0])
        hn = h + _silu(u)
        hn_ref[...] = hn
        hnb_ref[...] = _pack_bf16(hn)
        xn_ref[...] = x_ref[...] + xu_ref[...] * (1.0 / 32.0)

    nb = N // BN
    return pl.pallas_call(
        body,
        grid=(NT // BN,),
        in_specs=[
            pl.BlockSpec((BN, DH), lambda i: (i, 0)),
            pl.BlockSpec((BN, DH), lambda i: (i, 0)),
            pl.BlockSpec((BN, XP), lambda i: (i, 0)),
            pl.BlockSpec((BN, XP), lambda i: (i, 0)),
            pl.BlockSpec((1, DH, DH), lambda i: (i // nb, 0, 0)),
            pl.BlockSpec((1, DH, DH), lambda i: (i // nb, 0, 0)),
            pl.BlockSpec((1, 1, DH), lambda i: (i // nb, 0, 0)),
        ],
        out_specs=[
            pl.BlockSpec((BN, DH), lambda i: (i, 0)),
            pl.BlockSpec((BN, XP), lambda i: (i, 0)),
            pl.BlockSpec((BN, DH // 2), lambda i: (i, 0)),
        ],
        out_shape=[
            jax.ShapeDtypeStruct((NT, DH), jnp.float32),
            jax.ShapeDtypeStruct((NT, XP), jnp.float32),
            jax.ShapeDtypeStruct((NT, DH // 2), jnp.uint32),
        ],
    )(H, AGG, X, XUPD, Wn1, Wn2, Bn)


def _tc_final(H, X, C, Wout, Bout):
    def body(h_ref, x_ref, c_ref, wout_ref, bout_ref, out_ref):
        @pl.when(pl.program_id(0) == 0)
        def _():
            out_ref[...] = jnp.zeros_like(out_ref)
        d = (x_ref[...] - c_ref[...]
             + jnp.dot(h_ref[...], wout_ref[...], preferred_element_type=jnp.float32)
             + bout_ref[...])
        out_ref[...] = out_ref[...] + jnp.sum(d * d) * (1.0 / (3 * N))

    return pl.pallas_call(
        body,
        grid=(N // BN,),
        in_specs=[
            pl.BlockSpec((BN, DH), lambda i: (i, 0)),
            pl.BlockSpec((BN, XP), lambda i: (i, 0)),
            pl.BlockSpec((BN, XP), lambda i: (i, 0)),
            pl.BlockSpec((DH, XP), lambda i: (0, 0)),
            pl.BlockSpec((1, XP), lambda i: (0, 0)),
        ],
        out_specs=pl.BlockSpec((1, 1), lambda i: (0, 0)),
        out_shape=jax.ShapeDtypeStruct((1, 1), jnp.float32),
    )(H, X, C, Wout, Bout)



def kernel(lig_x, lig_h, poc_x, poc_h, lig_edge_index, lig_edge_attr,
           poc_edge_index, poc_edge_attr, cross_edge_index, cross_edge_attr,
           params):
    p = params
    k1, k2 = jax.random.split(jax.random.key(42))
    t = jax.random.uniform(k1, (), dtype=jnp.float32)
    x0 = jax.random.normal(k2, (N, 3), dtype=jnp.float32)
    poc_center = jnp.mean(poc_x, axis=0, keepdims=True)
    lig_x1 = lig_x - poc_center
    poc_xc = poc_x - poc_center
    x_t = (1.0 - t) * x0 + t * lig_x1

    lig_src, lig_dst = lig_edge_index[0], lig_edge_index[1]
    poc_src, poc_dst = poc_edge_index[0], poc_edge_index[1]
    poc_idx, lig_idx = cross_edge_index[0], cross_edge_index[1]
    IDXD = jnp.concatenate([lig_dst, lig_idx, poc_dst + N]).astype(jnp.int32)
    IDXS = jnp.concatenate([lig_src, poc_idx + N, poc_src + N]).astype(jnp.int32)
    GP = jnp.asarray(_gperm(E3, BLK), dtype=jnp.int32)
    IDXD_G = jnp.take(IDXD, GP)
    IDXS_G = jnp.take(IDXS, GP)
    SIDX_LC = jnp.concatenate([lig_dst, lig_idx]).astype(jnp.int32)
    SIDX_P = poc_dst.astype(jnp.int32)
    EA = jnp.concatenate([lig_edge_attr, cross_edge_attr, poc_edge_attr],
                         axis=0).astype(jnp.bfloat16)

    We = jnp.stack([p['We_lig'], p['We_cross'], p['We_poc']], axis=1)
    WD = We[:, :, 0:DH, :].astype(jnp.bfloat16)
    WS = We[:, :, DH:2 * DH, :].astype(jnp.bfloat16)
    WDIST = We[:, :, 2 * DH:2 * DH + 1, :]
    WEA = We[:, :, 2 * DH + 1:, :].astype(jnp.bfloat16)
    BE = jnp.stack([p['be_lig'], p['be_cross'], p['be_poc']], axis=1)[:, :, None, :]
    W2 = jnp.stack([p['We2_lig'], p['We2_cross'], p['We2_poc']],
                   axis=1).astype(jnp.bfloat16)
    B2 = jnp.stack([p['be2_lig'], p['be2_cross'], p['be2_poc']], axis=1)[:, :, None, :]
    wx_l = jnp.swapaxes(p['Wx_lig'], 1, 2)
    wx_c = jnp.swapaxes(p['Wx_cross'], 1, 2)
    WX = jnp.stack([wx_l, wx_c, jnp.zeros_like(wx_l)], axis=1)
    Wn = jnp.stack([p['Wn_lig'], p['Wn_poc']], axis=1)
    WN1, WN2 = Wn[:, :, 0:DH, :], Wn[:, :, DH:, :]
    BN_ = jnp.stack([p['bn_lig'], p['bn_poc']], axis=1)[:, :, None, :]

    Win = jnp.stack([p['W_lig_in'], p['W_poc_in']])
    BIN = jnp.stack([p['b_lig_in'], p['b_poc_in']])[:, None, :]
    t_emb = _silu(t * p['W_t'] + p['b_t'])
    TADD = jnp.stack([t_emb, jnp.zeros_like(t_emb)])

    H0 = jnp.concatenate([lig_h, poc_h], axis=0)
    X = jnp.concatenate([
        jnp.pad(x_t, ((0, 0), (0, XP - 3))),
        jnp.pad(poc_xc, ((0, 0), (0, XP - 3))),
    ], axis=0)
    Z = jnp.zeros((N, DH), jnp.float32)
    Zx = jnp.zeros((N, XP), jnp.float32)

    H, Hb = _tc_prologue(H0, Win, BIN, TADD)
    for l in range(L):
        HD64, HS64, XD, XS = _sc_gather(Hb, X, IDXD_G, IDXS_G, IDXD, IDXS)
        M, RC = _tc_edge(HD64.reshape(E3 // 2, DH), HS64.reshape(E3 // 2, DH),
                         XD, XS, EA, WD[l], WS[l], WDIST[l], WEA[l],
                         BE[l], W2[l], B2[l], WX[l])
        AGG, XUPD = _sc_scatter(M, RC, SIDX_LC, SIDX_P, Z, Zx)
        H, X, Hb = _tc_node(H, AGG, X, XUPD, WN1[l], WN2[l], BN_[l])

    C = jnp.pad(x_t + (lig_x1 - x0), ((0, 0), (0, XP - 3)))
    Wout = jnp.pad(p['W_out'], ((0, 0), (0, XP - 3)))
    Bout = jnp.pad(p['b_out'], (0, XP - 3))[None, :]
    loss = _tc_final(H, X, C, Wout, Bout)
    return loss[0, 0]

# --- scband reference (transcript-rebuilt; emitter-appended) ---
"""Pipeline reference for scband-flow-matcher-3616362463718 (READ-ONLY COPY).

The authoritative reference and input builder live on the scoring server;
editing this copy changes nothing except your own understanding.
"""

import jax, jax.numpy as jnp
import numpy as np

N_LIG = 10000
N_POC = 10000
E_LIG = 160000
E_POC = 160000
E_CROSS = 160000
D_FEAT = 128
D_EDGE = 16
H = 128
L = 2


def setup_inputs(seed: int = 0):
    key = jax.random.key(seed)
    ks = jax.random.split(key, 48)
    it = iter(range(48))

    def nrm(shape, s=1.0):
        return jax.random.normal(ks[next(it)], shape, dtype=jnp.float32) * s

    lig_x = nrm((N_LIG, 3))
    lig_h = nrm((N_LIG, D_FEAT))
    poc_x = nrm((N_POC, 3))
    poc_h = nrm((N_POC, D_FEAT))
    lig_edge_index = jax.random.randint(ks[next(it)], (2, E_LIG), 0, N_LIG)
    poc_edge_index = jax.random.randint(ks[next(it)], (2, E_POC), 0, N_POC)
    cross_edge_index = jax.random.randint(ks[next(it)], (2, E_CROSS), 0, N_LIG)
    lig_edge_attr = nrm((E_LIG, D_EDGE))
    poc_edge_attr = nrm((E_POC, D_EDGE))
    cross_edge_attr = nrm((E_CROSS, D_EDGE))

    msg_in = 2 * H + 1 + D_EDGE
    params = {
        'W_lig_in': nrm((D_FEAT, H), 0.05), 'b_lig_in': jnp.zeros((H,), jnp.float32),
        'W_poc_in': nrm((D_FEAT, H), 0.05), 'b_poc_in': jnp.zeros((H,), jnp.float32),
        'W_t': nrm((1, H), 0.05), 'b_t': jnp.zeros((H,), jnp.float32),
        'We_lig': nrm((L, msg_in, H), 0.05), 'be_lig': jnp.zeros((L, H), jnp.float32),
        'We2_lig': nrm((L, H, H), 0.05), 'be2_lig': jnp.zeros((L, H), jnp.float32),
        'Wx_lig': nrm((L, H, 1), 0.05),
        'We_cross': nrm((L, msg_in, H), 0.05), 'be_cross': jnp.zeros((L, H), jnp.float32),
        'We2_cross': nrm((L, H, H), 0.05), 'be2_cross': jnp.zeros((L, H), jnp.float32),
        'Wx_cross': nrm((L, H, 1), 0.05),
        'We_poc': nrm((L, msg_in, H), 0.05), 'be_poc': jnp.zeros((L, H), jnp.float32),
        'We2_poc': nrm((L, H, H), 0.05), 'be2_poc': jnp.zeros((L, H), jnp.float32),
        'Wn_lig': nrm((L, 2 * H, H), 0.05), 'bn_lig': jnp.zeros((L, H), jnp.float32),
        'Wn_poc': nrm((L, 2 * H, H), 0.05), 'bn_poc': jnp.zeros((L, H), jnp.float32),
        'W_out': nrm((H, 3), 0.05), 'b_out': jnp.zeros((3,), jnp.float32),
    }
    return {
        'lig_x': lig_x, 'lig_h': lig_h, 'poc_x': poc_x, 'poc_h': poc_h,
        'lig_edge_index': lig_edge_index, 'lig_edge_attr': lig_edge_attr,
        'poc_edge_index': poc_edge_index, 'poc_edge_attr': poc_edge_attr,
        'cross_edge_index': cross_edge_index, 'cross_edge_attr': cross_edge_attr,
        'params': params,
    }


def _egnn(x_lig, h_lig0, x_poc, h_poc0, lig_ei, lig_ea, poc_ei, poc_ea, cross_ei, cross_ea, t, p):
    t_emb = jax.nn.silu(jnp.reshape(t, (1, 1)) @ p['W_t'] + p['b_t'])
    h_lig = jax.nn.silu(h_lig0 @ p['W_lig_in'] + p['b_lig_in']) + t_emb
    h_poc = jax.nn.silu(h_poc0 @ p['W_poc_in'] + p['b_poc_in'])
    lig_src, lig_dst = lig_ei[0], lig_ei[1]
    poc_src, poc_dst = poc_ei[0], poc_ei[1]
    poc_idx, lig_idx = cross_ei[0], cross_ei[1]
    for l in range(L):
        rel = x_lig[lig_dst] - x_lig[lig_src]
        d2 = jnp.sum(rel * rel, axis=-1, keepdims=True)
        m = jnp.concatenate([h_lig[lig_dst], h_lig[lig_src], d2, lig_ea], axis=-1)
        m = jax.nn.silu(m @ p['We_lig'][l] + p['be_lig'][l])
        m = jax.nn.silu(m @ p['We2_lig'][l] + p['be2_lig'][l])
        coef = m @ p['Wx_lig'][l]
        x_upd = jax.ops.segment_sum(rel * coef, lig_dst, num_segments=N_LIG)
        agg = jax.ops.segment_sum(m, lig_dst, num_segments=N_LIG)
        rel_c = x_lig[lig_idx] - x_poc[poc_idx]
        d2c = jnp.sum(rel_c * rel_c, axis=-1, keepdims=True)
        mc = jnp.concatenate([h_lig[lig_idx], h_poc[poc_idx], d2c, cross_ea], axis=-1)
        mc = jax.nn.silu(mc @ p['We_cross'][l] + p['be_cross'][l])
        mc = jax.nn.silu(mc @ p['We2_cross'][l] + p['be2_cross'][l])
        coef_c = mc @ p['Wx_cross'][l]
        x_upd = x_upd + jax.ops.segment_sum(rel_c * coef_c, lig_idx, num_segments=N_LIG)
        agg = agg + jax.ops.segment_sum(mc, lig_idx, num_segments=N_LIG)
        x_lig = x_lig + x_upd / 32.0
        h_lig = h_lig + jax.nn.silu(jnp.concatenate([h_lig, agg], axis=-1) @ p['Wn_lig'][l] + p['bn_lig'][l])
        rel_p = x_poc[poc_dst] - x_poc[poc_src]
        d2p = jnp.sum(rel_p * rel_p, axis=-1, keepdims=True)
        mp = jnp.concatenate([h_poc[poc_dst], h_poc[poc_src], d2p, poc_ea], axis=-1)
        mp = jax.nn.silu(mp @ p['We_poc'][l] + p['be_poc'][l])
        mp = jax.nn.silu(mp @ p['We2_poc'][l] + p['be2_poc'][l])
        agg_p = jax.ops.segment_sum(mp, poc_dst, num_segments=N_POC)
        h_poc = h_poc + jax.nn.silu(jnp.concatenate([h_poc, agg_p], axis=-1) @ p['Wn_poc'][l] + p['bn_poc'][l])
    return x_lig, h_lig


def reference(lig_x, lig_h, poc_x, poc_h, lig_edge_index, lig_edge_attr, poc_edge_index, poc_edge_attr, cross_edge_index, cross_edge_attr, params):
    # compute_loss path for a single-graph batch (n_graphs=1): center on pocket
    # centroid, sample t and x0 (deterministic keys), run EGNN velocity field,
    # MSE against constant velocity target x1 - x0.
    poc_center = jnp.mean(poc_x, axis=0, keepdims=True)
    lig_x1 = lig_x - poc_center
    poc_xc = poc_x - poc_center
    k1, k2 = jax.random.split(jax.random.key(42))
    t = jax.random.uniform(k1, (), dtype=jnp.float32)
    x0 = jax.random.normal(k2, lig_x1.shape, dtype=jnp.float32)
    x_t = (1.0 - t) * x0 + t * lig_x1
    target = lig_x1 - x0
    xf, hf = _egnn(x_t, lig_h, poc_xc, poc_h, lig_edge_index, lig_edge_attr, poc_edge_index, poc_edge_attr, cross_edge_index, cross_edge_attr, t, params)
    v_pred = (xf - x_t) + hf @ params['W_out'] + params['b_out']
    loss = jnp.mean((v_pred - target) ** 2)
    return loss

if __name__ == "__main__":
    import jax
    _d = setup_inputs()
    print(jax.jit(kernel)(*tuple(_d.values())))

</pallas_src>

<mosaic_0001>
#map = affine_map<(d0, d1) -> (0, 0)>
#map1 = affine_map<(d0, d1) -> (0)>
module attributes {stable_mosaic.version = 14 : i64} {
  func.func @k(%arg0: i32, %arg1: i32, %arg2: memref<480000x128xf32, #tpu.memory_space<hbm>>, %arg3: memref<480000x16xf32, #tpu.memory_space<hbm>>, %arg4: memref<320000xi32, #tpu.memory_space<hbm>>, %arg5: memref<160000xi32, #tpu.memory_space<hbm>>, %arg6: memref<10000x128xf32, #tpu.memory_space<hbm>>, %arg7: memref<10000x16xf32, #tpu.memory_space<hbm>>, %arg8: memref<20000x128xf32, #tpu.memory_space<hbm>>, %arg9: memref<20000x16xf32, #tpu.memory_space<hbm>>, %arg10: memref<10000x128xf32, #tpu.memory_space<vmem_shared>>, %arg11: memref<10000x16xf32, #tpu.memory_space<vmem_shared>>, %arg12: memref<80x128xf32, #tpu.memory_space<vmem>>, %arg13: memref<80x128xf32, #tpu.memory_space<vmem>>, %arg14: memref<80x16xf32, #tpu.memory_space<vmem>>, %arg15: memref<80x16xf32, #tpu.memory_space<vmem>>, %arg16: memref<80xi32, #tpu.memory_space<vmem>>, %arg17: memref<80xi32, #tpu.memory_space<vmem>>, %arg18: memref<!tpu.dma_semaphore, #tpu.memory_space<semaphore_mem>>, %arg19: memref<!tpu.dma_semaphore, #tpu.memory_space<semaphore_mem>>, %arg20: memref<!tpu.dma_semaphore, #tpu.memory_space<semaphore_mem>>, %arg21: memref<!tpu.dma_semaphore, #tpu.memory_space<semaphore_mem>>) attributes {dimension_semantics = [#tpu.dimension_semantics<core_parallel>, #tpu.dimension_semantics<subcore_parallel>], iteration_bounds = array<i64: 2, 16>, scalar_prefetch = 0 : i64, scratch_operands = 12 : i64, tpu.core_type = #tpu.core_type<sc_vector_subcore>, window_params = [{transform_indices = #map}, {transform_indices = #map}, {transform_indices = #map1}, {transform_indices = #map1}, {transform_indices = #map}, {transform_indices = #map}, {transform_indices = #map}, {transform_indices = #map}]} {
    %mul3A = arith.constant 625 : i32
    %mul3A_0 = arith.muli %arg1, %mul3A : i32
    "tpu.region"() ({
      %run_scoped3A = tpu.sem_alloc : memref<!tpu.dma_semaphore, #tpu.memory_space<semaphore_mem>>
      %dma_start3A = arith.constant 0 : i32
      %dma_start3A_15 = tpu.memref_slice %arg10[%mul3A_0, %dma_start3A] : memref<10000x128xf32, #tpu.memory_space<vmem_shared>> -> memref<625x128xf32, #tpu.memory_space<vmem_shared>>
      %dma_start3A_16 = arith.constant 0 : i32
      %dma_start3A_17 = tpu.memref_slice %arg6[%mul3A_0, %dma_start3A_16] : memref<10000x128xf32, #tpu.memory_space<hbm>> -> memref<625x128xf32, #tpu.memory_space<hbm>>
      tpu.enqueue_dma source(%dma_start3A_17 : memref<625x128xf32, #tpu.memory_space<hbm>>) target(%dma_start3A_15 : memref<625x128xf32, #tpu.memory_space<vmem_shared>>) target_semaphore(%run_scoped3A : memref<!tpu.dma_semaphore, #tpu.memory_space<semaphore_mem>>)
      %dma_wait3A = arith.constant 0 : i32
      %dma_wait3A_18 = tpu.memref_slice %arg10[%mul3A_0, %dma_wait3A] : memref<10000x128xf32, #tpu.memory_space<vmem_shared>> -> memref<625x128xf32, #tpu.memory_space<vmem_shared>>
      %dma_wait3A_19 = arith.constant 0 : i32
      %dma_wait3A_20 = tpu.memref_slice %arg6[%mul3A_0, %dma_wait3A_19] : memref<10000x128xf32, #tpu.memory_space<hbm>> -> memref<625x128xf32, #tpu.memory_space<hbm>>
      tpu.wait_dma2 semaphore(%run_scoped3A : memref<!tpu.dma_semaphore, #tpu.memory_space<semaphore_mem>>) src(%dma_wait3A_20 : memref<625x128xf32, #tpu.memory_space<hbm>>) dst(%dma_wait3A_18 : memref<625x128xf32, #tpu.memory_space<vmem_shared>>)
      tpu.yield
    }) : () -> ()
    "tpu.region"() ({
      %run_scoped3A = tpu.sem_alloc : memref<!tpu.dma_semaphore, #tpu.memory_space<semaphore_mem>>
      %dma_start3A = arith.constant 0 : i32
      %dma_start3A_15 = tpu.memref_slice %arg11[%mul3A_0, %dma_start3A] : memref<10000x16xf32, #tpu.memory_space<vmem_shared>> -> memref<625x16xf32, #tpu.memory_space<vmem_shared>>
      %dma_start3A_16 = arith.constant 0 : i32
      %dma_start3A_17 = tpu.memref_slice %arg7[%mul3A_0, %dma_start3A_16] : memref<10000x16xf32, #tpu.memory_space<hbm>> -> memref<625x16xf32, #tpu.memory_space<hbm>>
      tpu.enqueue_dma source(%dma_start3A_17 : memref<625x16xf32, #tpu.memory_space<hbm>>) target(%dma_start3A_15 : memref<625x16xf32, #tpu.memory_space<vmem_shared>>) target_semaphore(%run_scoped3A : memref<!tpu.dma_semaphore, #tpu.memory_space<semaphore_mem>>)
      %dma_wait3A = arith.constant 0 : i32
      %dma_wait3A_18 = tpu.memref_slice %arg11[%mul3A_0, %dma_wait3A] : memref<10000x16xf32, #tpu.memory_space<vmem_shared>> -> memref<625x16xf32, #tpu.memory_space<vmem_shared>>
      %dma_wait3A_19 = arith.constant 0 : i32
      %dma_wait3A_20 = tpu.memref_slice %arg7[%mul3A_0, %dma_wait3A_19] : memref<10000x16xf32, #tpu.memory_space<hbm>> -> memref<625x16xf32, #tpu.memory_space<hbm>>
      tpu.wait_dma2 semaphore(%run_scoped3A : memref<!tpu.dma_semaphore, #tpu.memory_space<semaphore_mem>>) src(%dma_wait3A_20 : memref<625x16xf32, #tpu.memory_space<hbm>>) dst(%dma_wait3A_18 : memref<625x16xf32, #tpu.memory_space<vmem_shared>>)
      tpu.yield
    }) : () -> ()
    %barrier3A = arith.constant 0 : index
    tpu.barrier barrier_id(%barrier3A)
    %eq3A = arith.constant 0 : i32
    %eq3A_1 = arith.cmpi eq, %arg0, %eq3A : i32
    %convert_element_type3A = arith.extui %eq3A_1 : i1 to i32
    %cond3A = arith.constant 0 : i32
    %cond3A_2 = arith.cmpi ne, %convert_element_type3A, %cond3A : i32
    scf.if %cond3A_2 {
      %mul3A_15 = arith.constant 20000 : i32
      %mul3A_16 = arith.muli %arg1, %mul3A_15 : i32
      %mul3A_17 = arith.constant 20000 : i32
      %mul3A_18 = arith.muli %arg1, %mul3A_17 : i32
      %add3A_19 = arith.constant 0 : i32
      %add3A_20 = arith.addi %mul3A_18, %add3A_19 : i32
      %dma_start3A = tpu.memref_slice %arg4[%add3A_20] : memref<320000xi32, #tpu.memory_space<hbm>> -> memref<80xi32, #tpu.memory_space<hbm>>
      %dma_start3A_21 = tpu.memref_slice %arg4[%add3A_20] : memref<320000xi32, #tpu.memory_space<hbm>> -> memref<80xi32, #tpu.memory_space<hbm>>
      tpu.enqueue_dma source(%dma_start3A_21 : memref<80xi32, #tpu.memory_space<hbm>>) target(%arg16 : memref<80xi32, #tpu.memory_space<vmem>>) target_semaphore(%arg18 : memref<!tpu.dma_semaphore, #tpu.memory_space<semaphore_mem>>)
      %add3A_22 = arith.constant 0 : i32
      %add3A_23 = arith.addi %mul3A_16, %add3A_22 : i32
      %dma_start3A_24 = arith.constant 0 : i32
      %dma_start3A_25 = tpu.memref_slice %arg2[%add3A_23, %dma_start3A_24] : memref<480000x128xf32, #tpu.memory_space<hbm>> -> memref<80x128xf32, #tpu.memory_space<hbm>>
      %dma_start3A_26 = arith.constant 0 : i32
      %dma_start3A_27 = tpu.memref_slice %arg2[%add3A_23, %dma_start3A_26] : memref<480000x128xf32, #tpu.memory_space<hbm>> -> memref<80x128xf32, #tpu.memory_space<hbm>>
      tpu.enqueue_dma source(%dma_start3A_27 : memref<80x128xf32, #tpu.memory_space<hbm>>) target(%arg12 : memref<80x128xf32, #tpu.memory_space<vmem>>) target_semaphore(%arg18 : memref<!tpu.dma_semaphore, #tpu.memory_space<semaphore_mem>>)
      %add3A_28 = arith.constant 80 : i32
      %add3A_29 = arith.addi %mul3A_18, %add3A_28 : i32
      %dma_start3A_30 = tpu.memref_slice %arg4[%add3A_29] : memref<320000xi32, #tpu.memory_space<hbm>> -> memref<80xi32, #tpu.memory_space<hbm>>
      %dma_start3A_31 = tpu.memref_slice %arg4[%add3A_29] : memref<320000xi32, #tpu.memory_space<hbm>> -> memref<80xi32, #tpu.memory_space<hbm>>
      tpu.enqueue_dma source(%dma_start3A_31 : memref<80xi32, #tpu.memory_space<hbm>>) target(%arg17 : memref<80xi32, #tpu.memory_space<vmem>>) target_semaphore(%arg19 : memref<!tpu.dma_semaphore, #tpu.memory_space<semaphore_mem>>)
      %add3A_32 = arith.constant 80 : i32
      %add3A_33 = arith.addi %mul3A_16, %add3A_32 : i32
      %dma_start3A_34 = arith.constant 0 : i32
      %dma_start3A_35 = tpu.memref_slice %arg2[%add3A_33, %dma_start3A_34] : memref<480000x128xf32, #tpu.memory_space<hbm>> -> memref<80x128xf32, #tpu.memory_space<hbm>>
      %dma_start3A_36 = arith.constant 0 : i32
      %dma_start3A_37 = tpu.memref_slice %arg2[%add3A_33, %dma_start3A_36] : memref<480000x128xf32, #tpu.memory_space<hbm>> -> memref<80x128xf32, #tpu.memory_space<hbm>>
      tpu.enqueue_dma source(%dma_start3A_37 : memref<80x128xf32, #tpu.memory_space<hbm>>) target(%arg13 : memref<80x128xf32, #tpu.memory_space<vmem>>) target_semaphore(%arg19 : memref<!tpu.dma_semaphore, #tpu.memory_space<semaphore_mem>>)
      %scan3A = arith.constant 0 : i32
      %scan3A_38 = arith.constant 0 : i32
      %scan3A_39 = arith.constant 125 : i32
      %scan3A_40 = arith.addi %scan3A_38, %scan3A_39 : i32
      %scan3A_41 = arith.constant 1 : i32
      scf.for %scan3A_43 = %scan3A_38 to %scan3A_40 step %scan3A_41  : i32 {
        %mul3A_44 = arith.constant 2 : i32
        %mul3A_45 = arith.muli %mul3A_44, %scan3A_43 : i32
        %dma_wait3A = tpu.memref_slice %arg4[%mul3A_18] : memref<320000xi32, #tpu.memory_space<hbm>> -> memref<80xi32, #tpu.memory_space<hbm>>
        %dma_wait3A_46 = tpu.memref_slice %arg4[%mul3A_18] : memref<320000xi32, #tpu.memory_space<hbm>> -> memref<80xi32, #tpu.memory_space<hbm>>
        tpu.wait_dma2 semaphore(%arg18 : memref<!tpu.dma_semaphore, #tpu.memory_space<semaphore_mem>>) src(%dma_wait3A_46 : memref<80xi32, #tpu.memory_space<hbm>>) dst(%arg16 : memref<80xi32, #tpu.memory_space<vmem>>)
        %dma_wait3A_47 = arith.constant 0 : i32
        %dma_wait3A_48 = tpu.memref_slice %arg2[%mul3A_16, %dma_wait3A_47] : memref<480000x128xf32, #tpu.memory_space<hbm>> -> memref<80x128xf32, #tpu.memory_space<hbm>>
        %dma_wait3A_49 = arith.constant 0 : i32
        %dma_wait3A_50 = tpu.memref_slice %arg2[%mul3A_16, %dma_wait3A_49] : memref<480000x128xf32, #tpu.memory_space<hbm>> -> memref<80x128xf32, #tpu.memory_space<hbm>>
        tpu.wait_dma2 semaphore(%arg18 : memref<!tpu.dma_semaphore, #tpu.memory_space<semaphore_mem>>) src(%dma_wait3A_50 : memref<80x128xf32, #tpu.memory_space<hbm>>) dst(%arg12 : memref<80x128xf32, #tpu.memory_space<vmem>>)
        %dma_start3A_51 = arith.constant 0 : i32
        %dma_start3A_52 = arith.constant 0 : i32
        %dma_start3A_53 = tpu.memref_slice %arg10[%dma_start3A_51, %dma_start3A_52] : memref<10000x128xf32, #tpu.memory_space<vmem_shared>> -> memref<10000x128xf32, #tpu.memory_space<vmem_shared>>
        tpu.enqueue_indirect_dma source(%arg12 : memref<80x128xf32, #tpu.memory_space<vmem>>) target(%dma_start3A_53 : memref<10000x128xf32, #tpu.memory_space<vmem_shared>>) offsets(%arg16 : memref<80xi32, #tpu.memory_space<vmem>>) semaphore(%arg20 : memref<!tpu.dma_semaphore, #tpu.memory_space<semaphore_mem>>) {add = true}
        %dma_wait3A_54 = tpu.memref_slice %arg4[%mul3A_18] : memref<320000xi32, #tpu.memory_space<hbm>> -> memref<80xi32, #tpu.memory_space<hbm>>
        %dma_wait3A_55 = tpu.memref_slice %arg4[%mul3A_18] : memref<320000xi32, #tpu.memory_space<hbm>> -> memref<80xi32, #tpu.memory_space<hbm>>
        tpu.wait_dma2 semaphore(%arg19 : memref<!tpu.dma_semaphore, #tpu.memory_space<semaphore_mem>>) src(%dma_wait3A_55 : memref<80xi32, #tpu.memory_space<hbm>>) dst(%arg17 : memref<80xi32, #tpu.memory_space<vmem>>)
        %dma_wait3A_56 = arith.constant 0 : i32
        %dma_wait3A_57 = tpu.memref_slice %arg2[%mul3A_16, %dma_wait3A_56] : memref<480000x128xf32, #tpu.memory_space<hbm>> -> memref<80x128xf32, #tpu.memory_space<hbm>>
        %dma_wait3A_58 = arith.constant 0 : i32
        %dma_wait3A_59 = tpu.memref_slice %arg2[%mul3A_16, %dma_wait3A_58] : memref<480000x128xf32, #tpu.memory_space<hbm>> -> memref<80x128xf32, #tpu.memory_space<hbm>>
        tpu.wait_dma2 semaphore(%arg19 : memref<!tpu.dma_semaphore, #tpu.memory_space<semaphore_mem>>) src(%dma_wait3A_59 : memref<80x128xf32, #tpu.memory_space<hbm>>) dst(%arg13 : memref<80x128xf32, #tpu.memory_space<vmem>>)
        %dma_start3A_60 = arith.constant 0 : i32
        %dma_start3A_61 = arith.constant 0 : i32
        %dma_start3A_62 = tpu.memref_slice %arg10[%dma_start3A_60, %dma_start3A_61] : memref<10000x128xf32, #tpu.memory_space<vmem_shared>> -> memref<10000x128xf32, #tpu.memory_space<vmem_shared>>
        tpu.enqueue_indirect_dma source(%arg13 : memref<80x128xf32, #tpu.memory_space<vmem>>) target(%dma_start3A_62 : memref<10000x128xf32, #tpu.memory_space<vmem_shared>>) offsets(%arg17 : memref<80xi32, #tpu.memory_space<vmem>>) semaphore(%arg21 : memref<!tpu.dma_semaphore, #tpu.memory_space<semaphore_mem>>) {add = true}
        %dma_wait3A_63 = arith.constant 0 : i32
        %dma_wait3A_64 = arith.constant 0 : i32
        %dma_wait3A_65 = tpu.memref_slice %arg10[%dma_wait3A_63, %dma_wait3A_64] : memref<10000x128xf32, #tpu.memory_space<vmem_shared>> -> memref<10000x128xf32, #tpu.memory_space<vmem_shared>>
        tpu.wait_indirect_dma semaphore(%arg20 : memref<!tpu.dma_semaphore, #tpu.memory_space<semaphore_mem>>) src(%arg12 : memref<80x128xf32, #tpu.memory_space<vmem>>) dst(%dma_wait3A_65 : memref<10000x128xf32, #tpu.memory_space<vmem_shared>>)
        %add3A_66 = arith.constant 2 : i32
        %add3A_67 = arith.addi %mul3A_45, %add3A_66 : i32
        %lt3A = arith.constant 250 : i32
        %lt3A_68 = arith.cmpi slt, %add3A_67, %lt3A : i32
        %convert_element_type3A_69 = arith.extui %lt3A_68 : i1 to i32
        %cond3A_70 = arith.constant 0 : i32
        %cond3A_71 = arith.cmpi ne, %convert_element_type3A_69, %cond3A_70 : i32
        scf.if %cond3A_71 {
          %add3A_82 = arith.constant 2 : i32
          %add3A_83 = arith.addi %mul3A_45, %add3A_82 : i32
          %mul3A_84 = arith.constant 80 : i32
          %mul3A_85 = arith.muli %add3A_83, %mul3A_84 : i32
          %add3A_86 = arith.addi %mul3A_18, %mul3A_85 : i32
          %dma_start3A_87 = tpu.memref_slice %arg4[%add3A_86] : memref<320000xi32, #tpu.memory_space<hbm>> -> memref<80xi32, #tpu.memory_space<hbm>>
          %dma_start3A_88 = tpu.memref_slice %arg4[%add3A_86] : memref<320000xi32, #tpu.memory_space<hbm>> -> memref<80xi32, #tpu.memory_space<hbm>>
          tpu.enqueue_dma source(%dma_start3A_88 : memref<80xi32, #tpu.memory_space<hbm>>) target(%arg16 : memref<80xi32, #tpu.memory_space<vmem>>) target_semaphore(%arg18 : memref<!tpu.dma_semaphore, #tpu.memory_space<semaphore_mem>>)
          %mul3A_89 = arith.constant 80 : i32
          %mul3A_90 = arith.muli %add3A_83, %mul3A_89 : i32
          %add3A_91 = arith.addi %mul3A_16, %mul3A_90 : i32
          %dma_start3A_92 = arith.constant 0 : i32
          %dma_start3A_93 = tpu.memref_slice %arg2[%add3A_91, %dma_start3A_92] : memref<480000x128xf32, #tpu.memory_space<hbm>> -> memref<80x128xf32, #tpu.memory_space<hbm>>
          %dma_start3A_94 = arith.constant 0 : i32
          %dma_start3A_95 = tpu.memref_slice %arg2[%add3A_91, %dma_start3A_94] : memref<480000x128xf32, #tpu.memory_space<hbm>> -> memref<80x128xf32, #tpu.memory_space<hbm>>
          tpu.enqueue_dma source(%dma_start3A_95 : memref<80x128xf32, #tpu.memory_space<hbm>>) target(%arg12 : memref<80x128xf32, #tpu.memory_space<vmem>>) target_semaphore(%arg18 : memref<!tpu.dma_semaphore, #tpu.memory_space<semaphore_mem>>)
        } else {
        }
        %dma_wait3A_72 = arith.constant 0 : i32
        %dma_wait3A_73 = arith.constant 0 : i32
        %dma_wait3A_74 = tpu.memref_slice %arg10[%dma_wait3A_72, %dma_wait3A_73] : memref<10000x128xf32, #tpu.memory_space<vmem_shared>> -> memref<10000x128xf32, #tpu.memory_space<vmem_shared>>
        tpu.wait_indirect_dma semaphore(%arg21 : memref<!tpu.dma_semaphore, #tpu.memory_space<semaphore_mem>>) src(%arg13 : memref<80x128xf32, #tpu.memory_space<vmem>>) dst(%dma_wait3A_74 : memref<10000x128xf32, #tpu.memory_space<vmem_shared>>)
        %add3A_75 = arith.constant 3 : i32
        %add3A_76 = arith.addi %mul3A_45, %add3A_75 : i32
        %lt3A_77 = arith.constant 250 : i32
        %lt3A_78 = arith.cmpi slt, %add3A_76, %lt3A_77 : i32
        %convert_element_type3A_79 = arith.extui %lt3A_78 : i1 to i32
        %cond3A_80 = arith.constant 0 : i32
        %cond3A_81 = arith.cmpi ne, %convert_element_type3A_79, %cond3A_80 : i32
        scf.if %cond3A_81 {
          %add3A_82 = arith.constant 3 : i32
          %add3A_83 = arith.addi %mul3A_45, %add3A_82 : i32
          %mul3A_84 = arith.constant 80 : i32
          %mul3A_85 = arith.muli %add3A_83, %mul3A_84 : i32
          %add3A_86 = arith.addi %mul3A_18, %mul3A_85 : i32
          %dma_start3A_87 = tpu.memref_slice %arg4[%add3A_86] : memref<320000xi32, #tpu.memory_space<hbm>> -> memref<80xi32, #tpu.memory_space<hbm>>
          %dma_start3A_88 = tpu.memref_slice %arg4[%add3A_86] : memref<320000xi32, #tpu.memory_space<hbm>> -> memref<80xi32, #tpu.memory_space<hbm>>
          tpu.enqueue_dma source(%dma_start3A_88 : memref<80xi32, #tpu.memory_space<hbm>>) target(%arg17 : memref<80xi32, #tpu.memory_space<vmem>>) target_semaphore(%arg19 : memref<!tpu.dma_semaphore, #tpu.memory_space<semaphore_mem>>)
          %mul3A_89 = arith.constant 80 : i32
          %mul3A_90 = arith.muli %add3A_83, %mul3A_89 : i32
          %add3A_91 = arith.addi %mul3A_16, %mul3A_90 : i32
          %dma_start3A_92 = arith.constant 0 : i32
          %dma_start3A_93 = tpu.memref_slice %arg2[%add3A_91, %dma_start3A_92] : memref<480000x128xf32, #tpu.memory_space<hbm>> -> memref<80x128xf32, #tpu.memory_space<hbm>>
          %dma_start3A_94 = arith.constant 0 : i32
          %dma_start3A_95 = tpu.memref_slice %arg2[%add3A_91, %dma_start3A_94] : memref<480000x128xf32, #tpu.memory_space<hbm>> -> memref<80x128xf32, #tpu.memory_space<hbm>>
          tpu.enqueue_dma source(%dma_start3A_95 : memref<80x128xf32, #tpu.memory_space<hbm>>) target(%arg13 : memref<80x128xf32, #tpu.memory_space<vmem>>) target_semaphore(%arg19 : memref<!tpu.dma_semaphore, #tpu.memory_space<semaphore_mem>>)
        } else {
        }
      }
      %scan3A_42 = arith.constant 125 : i32
    } else {
    }
    %eq3A_3 = arith.constant 1 : i32
    %eq3A_4 = arith.cmpi eq, %arg0, %eq3A_3 : i32
    %convert_element_type3A_5 = arith.extui %eq3A_4 : i1 to i32
    %cond3A_6 = arith.constant 0 : i32
    %cond3A_7 = arith.cmpi ne, %convert_element_type3A_5, %cond3A_6 : i32
    scf.if %cond3A_7 {
      %mul3A_15 = arith.constant 10000 : i32
      %mul3A_16 = arith.muli %arg1, %mul3A_15 : i32
      %add3A_17 = arith.constant 320000 : i32
      %add3A_18 = arith.addi %add3A_17, %mul3A_16 : i32
      %mul3A_19 = arith.constant 10000 : i32
      %mul3A_20 = arith.muli %arg1, %mul3A_19 : i32
      %add3A_21 = arith.constant 0 : i32
      %add3A_22 = arith.addi %mul3A_20, %add3A_21 : i32
      %dma_start3A = tpu.memref_slice %arg5[%add3A_22] : memref<160000xi32, #tpu.memory_space<hbm>> -> memref<80xi32, #tpu.memory_space<hbm>>
      %dma_start3A_23 = tpu.memref_slice %arg5[%add3A_22] : memref<160000xi32, #tpu.memory_space<hbm>> -> memref<80xi32, #tpu.memory_space<hbm>>
      tpu.enqueue_dma source(%dma_start3A_23 : memref<80xi32, #tpu.memory_space<hbm>>) target(%arg16 : memref<80xi32, #tpu.memory_space<vmem>>) target_semaphore(%arg18 : memref<!tpu.dma_semaphore, #tpu.memory_space<semaphore_mem>>)
      %add3A_24 = arith.constant 0 : i32
      %add3A_25 = arith.addi %add3A_18, %add3A_24 : i32
      %dma_start3A_26 = arith.constant 0 : i32
      %dma_start3A_27 = tpu.memref_slice %arg2[%add3A_25, %dma_start3A_26] : memref<480000x128xf32, #tpu.memory_space<hbm>> -> memref<80x128xf32, #tpu.memory_space<hbm>>
      %dma_start3A_28 = arith.constant 0 : i32
      %dma_start3A_29 = tpu.memref_slice %arg2[%add3A_25, %dma_start3A_28] : memref<480000x128xf32, #tpu.memory_space<hbm>> -> memref<80x128xf32, #tpu.memory_space<hbm>>
      tpu.enqueue_dma source(%dma_start3A_29 : memref<80x128xf32, #tpu.memory_space<hbm>>) target(%arg12 : memref<80x128xf32, #tpu.memory_space<vmem>>) target_semaphore(%arg18 : memref<!tpu.dma_semaphore, #tpu.memory_space<semaphore_mem>>)
      %add3A_30 = arith.constant 80 : i32
      %add3A_31 = arith.addi %mul3A_20, %add3A_30 : i32
      %dma_start3A_32 = tpu.memref_slice %arg5[%add3A_31] : memref<160000xi32, #tpu.memory_space<hbm>> -> memref<80xi32, #tpu.memory_space<hbm>>
      %dma_start3A_33 = tpu.memref_slice %arg5[%add3A_31] : memref<160000xi32, #tpu.memory_space<hbm>> -> memref<80xi32, #tpu.memory_space<hbm>>
      tpu.enqueue_dma source(%dma_start3A_33 : memref<80xi32, #tpu.memory_space<hbm>>) target(%arg17 : memref<80xi32, #tpu.memory_space<vmem>>) target_semaphore(%arg19 : memref<!tpu.dma_semaphore, #tpu.memory_space<semaphore_mem>>)
      %add3A_34 = arith.constant 80 : i32
      %add3A_35 = arith.addi %add3A_18, %add3A_34 : i32
      %dma_start3A_36 = arith.constant 0 : i32
      %dma_start3A_37 = tpu.memref_slice %arg2[%add3A_35, %dma_start3A_36] : memref<480000x128xf32, #tpu.memory_space<hbm>> -> memref<80x128xf32, #tpu.memory_space<hbm>>
      %dma_start3A_38 = arith.constant 0 : i32
      %dma_start3A_39 = tpu.memref_slice %arg2[%add3A_35, %dma_start3A_38] : memref<480000x128xf32, #tpu.memory_space<hbm>> -> memref<80x128xf32, #tpu.memory_space<hbm>>
      tpu.enqueue_dma source(%dma_start3A_39 : memref<80x128xf32, #tpu.memory_space<hbm>>) target(%arg13 : memref<80x128xf32, #tpu.memory_space<vmem>>) target_semaphore(%arg19 : memref<!tpu.dma_semaphore, #tpu.memory_space<semaphore_mem>>)
      %scan3A = arith.constant 0 : i32
      %scan3A_40 = arith.constant 0 : i32
      %scan3A_41 = arith.constant 62 : i32
      %scan3A_42 = arith.addi %scan3A_40, %scan3A_41 : i32
      %scan3A_43 = arith.constant 1 : i32
      scf.for %scan3A_86 = %scan3A_40 to %scan3A_42 step %scan3A_43  : i32 {
        %mul3A_87 = arith.constant 2 : i32
        %mul3A_88 = arith.muli %mul3A_87, %scan3A_86 : i32
        %dma_wait3A_89 = tpu.memref_slice %arg5[%mul3A_20] : memref<160000xi32, #tpu.memory_space<hbm>> -> memref<80xi32, #tpu.memory_space<hbm>>
        %dma_wait3A_90 = tpu.memref_slice %arg5[%mul3A_20] : memref<160000xi32, #tpu.memory_space<hbm>> -> memref<80xi32, #tpu.memory_space<hbm>>
        tpu.wait_dma2 semaphore(%arg18 : memref<!tpu.dma_semaphore, #tpu.memory_space<semaphore_mem>>) src(%dma_wait3A_90 : memref<80xi32, #tpu.memory_space<hbm>>) dst(%arg16 : memref<80xi32, #tpu.memory_space<vmem>>)
        %dma_wait3A_91 = arith.constant 0 : i32
        %dma_wait3A_92 = tpu.memref_slice %arg2[%add3A_18, %dma_wait3A_91] : memref<480000x128xf32, #tpu.memory_space<hbm>> -> memref<80x128xf32, #tpu.memory_space<hbm>>
        %dma_wait3A_93 = arith.constant 0 : i32
        %dma_wait3A_94 = tpu.memref_slice %arg2[%add3A_18, %dma_wait3A_93] : memref<480000x128xf32, #tpu.memory_space<hbm>> -> memref<80x128xf32, #tpu.memory_space<hbm>>
        tpu.wait_dma2 semaphore(%arg18 : memref<!tpu.dma_semaphore, #tpu.memory_space<semaphore_mem>>) src(%dma_wait3A_94 : memref<80x128xf32, #tpu.memory_space<hbm>>) dst(%arg12 : memref<80x128xf32, #tpu.memory_space<vmem>>)
        %dma_start3A_95 = arith.constant 0 : i32
        %dma_start3A_96 = arith.constant 0 : i32
        %dma_start3A_97 = tpu.memref_slice %arg10[%dma_start3A_95, %dma_start3A_96] : memref<10000x128xf32, #tpu.memory_space<vmem_shared>> -> memref<10000x128xf32, #tpu.memory_space<vmem_shared>>
        tpu.enqueue_indirect_dma source(%arg12 : memref<80x128xf32, #tpu.memory_space<vmem>>) target(%dma_start3A_97 : memref<10000x128xf32, #tpu.memory_space<vmem_shared>>) offsets(%arg16 : memref<80xi32, #tpu.memory_space<vmem>>) semaphore(%arg20 : memref<!tpu.dma_semaphore, #tpu.memory_space<semaphore_mem>>) {add = true}
        %dma_wait3A_98 = tpu.memref_slice %arg5[%mul3A_20] : memref<160000xi32, #tpu.memory_space<hbm>> -> memref<80xi32, #tpu.memory_space<hbm>>
        %dma_wait3A_99 = tpu.memref_slice %arg5[%mul3A_20] : memref<160000xi32, #tpu.memory_space<hbm>> -> memref<80xi32, #tpu.memory_space<hbm>>
        tpu.wait_dma2 semaphore(%arg19 : memref<!tpu.dma_semaphore, #tpu.memory_space<semaphore_mem>>) src(%dma_wait3A_99 : memref<80xi32, #tpu.memory_space<hbm>>) dst(%arg17 : memref<80xi32, #tpu.memory_space<vmem>>)
        %dma_wait3A_100 = arith.constant 0 : i32
        %dma_wait3A_101 = tpu.memref_slice %arg2[%add3A_18, %dma_wait3A_100] : memref<480000x128xf32, #tpu.memory_space<hbm>> -> memref<80x128xf32, #tpu.memory_space<hbm>>
        %dma_wait3A_102 = arith.constant 0 : i32
        %dma_wait3A_103 = tpu.memref_slice %arg2[%add3A_18, %dma_wait3A_102] : memref<480000x128xf32, #tpu.memory_space<hbm>> -> memref<80x128xf32, #tpu.memory_space<hbm>>
        tpu.wait_dma2 semaphore(%arg19 : memref<!tpu.dma_semaphore, #tpu.memory_space<semaphore_mem>>) src(%dma_wait3A_103 : memref<80x128xf32, #tpu.memory_space<hbm>>) dst(%arg13 : memref<80x128xf32, #tpu.memory_space<vmem>>)
        %dma_start3A_104 = arith.constant 0 : i32
        %dma_start3A_105 = arith.constant 0 : i32
        %dma_start3A_106 = tpu.memref_slice %arg10[%dma_start3A_104, %dma_start3A_105] : memref<10000x128xf32, #tpu.memory_space<vmem_shared>> -> memref<10000x128xf32, #tpu.memory_space<vmem_shared>>
        tpu.enqueue_indirect_dma source(%arg13 : memref<80x128xf32, #tpu.memory_space<vmem>>) target(%dma_start3A_106 : memref<10000x128xf32, #tpu.memory_space<vmem_shared>>) offsets(%arg17 : memref<80xi32, #tpu.memory_space<vmem>>) semaphore(%arg21 : memref<!tpu.dma_semaphore, #tpu.memory_space<semaphore_mem>>) {add = true}
        %dma_wait3A_107 = arith.constant 0 : i32
        %dma_wait3A_108 = arith.constant 0 : i32
        %dma_wait3A_109 = tpu.memref_slice %arg10[%dma_wait3A_107, %dma_wait3A_108] : memref<10000x128xf32, #tpu.memory_space<vmem_shared>> -> memref<10000x128xf32, #tpu.memory_space<vmem_shared>>
        tpu.wait_indirect_dma semaphore(%arg20 : memref<!tpu.dma_semaphore, #tpu.memory_space<semaphore_mem>>) src(%arg12 : memref<80x128xf32, #tpu.memory_space<vmem>>) dst(%dma_wait3A_109 : memref<10000x128xf32, #tpu.memory_space<vmem_shared>>)
        %add3A_110 = arith.constant 2 : i32
        %add3A_111 = arith.addi %mul3A_88, %add3A_110 : i32
        %lt3A = arith.constant 125 : i32
        %lt3A_112 = arith.cmpi slt, %add3A_111, %lt3A : i32
        %convert_element_type3A_113 = arith.extui %lt3A_112 : i1 to i32
        %cond3A_114 = arith.constant 0 : i32
        %cond3A_115 = arith.cmpi ne, %convert_element_type3A_113, %cond3A_114 : i32
        scf.if %cond3A_115 {
          %add3A_126 = arith.constant 2 : i32
          %add3A_127 = arith.addi %mul3A_88, %add3A_126 : i32
          %mul3A_128 = arith.constant 80 : i32
          %mul3A_129 = arith.muli %add3A_127, %mul3A_128 : i32
          %add3A_130 = arith.addi %mul3A_20, %mul3A_129 : i32
          %dma_start3A_131 = tpu.memref_slice %arg5[%add3A_130] : memref<160000xi32, #tpu.memory_space<hbm>> -> memref<80xi32, #tpu.memory_space<hbm>>
          %dma_start3A_132 = tpu.memref_slice %arg5[%add3A_130] : memref<160000xi32, #tpu.memory_space<hbm>> -> memref<80xi32, #tpu.memory_space<hbm>>
          tpu.enqueue_dma source(%dma_start3A_132 : memref<80xi32, #tpu.memory_space<hbm>>) target(%arg16 : memref<80xi32, #tpu.memory_space<vmem>>) target_semaphore(%arg18 : memref<!tpu.dma_semaphore, #tpu.memory_space<semaphore_mem>>)
          %mul3A_133 = arith.constant 80 : i32
          %mul3A_134 = arith.muli %add3A_127, %mul3A_133 : i32
          %add3A_135 = arith.addi %add3A_18, %mul3A_134 : i32
          %dma_start3A_136 = arith.constant 0 : i32
          %dma_start3A_137 = tpu.memref_slice %arg2[%add3A_135, %dma_start3A_136] : memref<480000x128xf32, #tpu.memory_space<hbm>> -> memref<80x128xf32, #tpu.memory_space<hbm>>
          %dma_start3A_138 = arith.constant 0 : i32
          %dma_start3A_139 = tpu.memref_slice %arg2[%add3A_135, %dma_start3A_138] : memref<480000x128xf32, #tpu.memory_space<hbm>> -> memref<80x128xf32, #tpu.memory_space<hbm>>
          tpu.enqueue_dma source(%dma_start3A_139 : memref<80x128xf32, #tpu.memory_space<hbm>>) target(%arg12 : memref<80x128xf32, #tpu.memory_space<vmem>>) target_semaphore(%arg18 : memref<!tpu.dma_semaphore, #tpu.memory_space<semaphore_mem>>)
        } else {
        }
        %dma_wait3A_116 = arith.constant 0 : i32
        %dma_wait3A_117 = arith.constant 0 : i32
        %dma_wait3A_118 = tpu.memref_slice %arg10[%dma_wait3A_116, %dma_wait3A_117] : memref<10000x128xf32, #tpu.memory_space<vmem_shared>> -> memref<10000x128xf32, #tpu.memory_space<vmem_shared>>
        tpu.wait_indirect_dma semaphore(%arg21 : memref<!tpu.dma_semaphore, #tpu.memory_space<semaphore_mem>>) src(%arg13 : memref<80x128xf32, #tpu.memory_space<vmem>>) dst(%dma_wait3A_118 : memref<10000x128xf32, #tpu.memory_space<vmem_shared>>)
        %add3A_119 = arith.constant 3 : i32
        %add3A_120 = arith.addi %mul3A_88, %add3A_119 : i32
        %lt3A_121 = arith.constant 125 : i32
        %lt3A_122 = arith.cmpi slt, %add3A_120, %lt3A_121 : i32
        %convert_element_type3A_123 = arith.extui %lt3A_122 : i1 to i32
        %cond3A_124 = arith.constant 0 : i32
        %cond3A_125 = arith.cmpi ne, %convert_element_type3A_123, %cond3A_124 : i32
        scf.if %cond3A_125 {
          %add3A_126 = arith.constant 3 : i32
          %add3A_127 = arith.addi %mul3A_88, %add3A_126 : i32
          %mul3A_128 = arith.constant 80 : i32
          %mul3A_129 = arith.muli %add3A_127, %mul3A_128 : i32
          %add3A_130 = arith.addi %mul3A_20, %mul3A_129 : i32
          %dma_start3A_131 = tpu.memref_slice %arg5[%add3A_130] : memref<160000xi32, #tpu.memory_space<hbm>> -> memref<80xi32, #tpu.memory_space<hbm>>
          %dma_start3A_132 = tpu.memref_slice %arg5[%add3A_130] : memref<160000xi32, #tpu.memory_space<hbm>> -> memref<80xi32, #tpu.memory_space<hbm>>
          tpu.enqueue_dma source(%dma_start3A_132 : memref<80xi32, #tpu.memory_space<hbm>>) target(%arg17 : memref<80xi32, #tpu.memory_space<vmem>>) target_semaphore(%arg19 : memref<!tpu.dma_semaphore, #tpu.memory_space<semaphore_mem>>)
          %mul3A_133 = arith.constant 80 : i32
          %mul3A_134 = arith.muli %add3A_127, %mul3A_133 : i32
          %add3A_135 = arith.addi %add3A_18, %mul3A_134 : i32
          %dma_start3A_136 = arith.constant 0 : i32
          %dma_start3A_137 = tpu.memref_slice %arg2[%add3A_135, %dma_start3A_136] : memref<480000x128xf32, #tpu.memory_space<hbm>> -> memref<80x128xf32, #tpu.memory_space<hbm>>
          %dma_start3A_138 = arith.constant 0 : i32
          %dma_start3A_139 = tpu.memref_slice %arg2[%add3A_135, %dma_start3A_138] : memref<480000x128xf32, #tpu.memory_space<hbm>> -> memref<80x128xf32, #tpu.memory_space<hbm>>
          tpu.enqueue_dma source(%dma_start3A_139 : memref<80x128xf32, #tpu.memory_space<hbm>>) target(%arg13 : memref<80x128xf32, #tpu.memory_space<vmem>>) target_semaphore(%arg19 : memref<!tpu.dma_semaphore, #tpu.memory_space<semaphore_mem>>)
        } else {
        }
      }
      %scan3A_44 = arith.constant 62 : i32
      %dma_wait3A = tpu.memref_slice %arg5[%mul3A_20] : memref<160000xi32, #tpu.memory_space<hbm>> -> memref<80xi32, #tpu.memory_space<hbm>>
      %dma_wait3A_45 = tpu.memref_slice %arg5[%mul3A_20] : memref<160000xi32, #tpu.memory_space<hbm>> -> memref<80xi32, #tpu.memory_space<hbm>>
      tpu.wait_dma2 semaphore(%arg18 : memref<!tpu.dma_semaphore, #tpu.memory_space<semaphore_mem>>) src(%dma_wait3A_45 : memref<80xi32, #tpu.memory_space<hbm>>) dst(%arg16 : memref<80xi32, #tpu.memory_space<vmem>>)
      %dma_wait3A_46 = arith.constant 0 : i32
      %dma_wait3A_47 = tpu.memref_slice %arg2[%add3A_18, %dma_wait3A_46] : memref<480000x128xf32, #tpu.memory_space<hbm>> -> memref<80x128xf32, #tpu.memory_space<hbm>>
      %dma_wait3A_48 = arith.constant 0 : i32
      %dma_wait3A_49 = tpu.memref_slice %arg2[%add3A_18, %dma_wait3A_48] : memref<480000x128xf32, #tpu.memory_space<hbm>> -> memref<80x128xf32, #tpu.memory_space<hbm>>
      tpu.wait_dma2 semaphore(%arg18 : memref<!tpu.dma_semaphore, #tpu.memory_space<semaphore_mem>>) src(%dma_wait3A_49 : memref<80x128xf32, #tpu.memory_space<hbm>>) dst(%arg12 : memref<80x128xf32, #tpu.memory_space<vmem>>)
      %dma_start3A_50 = arith.constant 0 : i32
      %dma_start3A_51 = arith.constant 0 : i32
      %dma_start3A_52 = tpu.memref_slice %arg10[%dma_start3A_50, %dma_start3A_51] : memref<10000x128xf32, #tpu.memory_space<vmem_shared>> -> memref<10000x128xf32, #tpu.memory_space<vmem_shared>>
      tpu.enqueue_indirect_dma source(%arg12 : memref<80x128xf32, #tpu.memory_space<vmem>>) target(%dma_start3A_52 : memref<10000x128xf32, #tpu.memory_space<vmem_shared>>) offsets(%arg16 : memref<80xi32, #tpu.memory_space<vmem>>) semaphore(%arg20 : memref<!tpu.dma_semaphore, #tpu.memory_space<semaphore_mem>>) {add = true}
      %dma_wait3A_53 = arith.constant 0 : i32
      %dma_wait3A_54 = arith.constant 0 : i32
      %dma_wait3A_55 = tpu.memref_slice %arg10[%dma_wait3A_53, %dma_wait3A_54] : memref<10000x128xf32, #tpu.memory_space<vmem_shared>> -> memref<10000x128xf32, #tpu.memory_space<vmem_shared>>
      tpu.wait_indirect_dma semaphore(%arg20 : memref<!tpu.dma_semaphore, #tpu.memory_space<semaphore_mem>>) src(%arg12 : memref<80x128xf32, #tpu.memory_space<vmem>>) dst(%dma_wait3A_55 : memref<10000x128xf32, #tpu.memory_space<vmem_shared>>)
      %mul3A_56 = arith.constant 20000 : i32
      %mul3A_57 = arith.muli %arg1, %mul3A_56 : i32
      %mul3A_58 = arith.constant 20000 : i32
      %mul3A_59 = arith.muli %arg1, %mul3A_58 : i32
      %add3A_60 = arith.constant 0 : i32
      %add3A_61 = arith.addi %mul3A_59, %add3A_60 : i32
      %dma_start3A_62 = tpu.memref_slice %arg4[%add3A_61] : memref<320000xi32, #tpu.memory_space<hbm>> -> memref<80xi32, #tpu.memory_space<hbm>>
      %dma_start3A_63 = tpu.memref_slice %arg4[%add3A_61] : memref<320000xi32, #tpu.memory_space<hbm>> -> memref<80xi32, #tpu.memory_space<hbm>>
      tpu.enqueue_dma source(%dma_start3A_63 : memref<80xi32, #tpu.memory_space<hbm>>) target(%arg16 : memref<80xi32, #tpu.memory_space<vmem>>) target_semaphore(%arg18 : memref<!tpu.dma_semaphore, #tpu.memory_space<semaphore_mem>>)
      %add3A_64 = arith.constant 0 : i32
      %add3A_65 = arith.addi %mul3A_57, %add3A_64 : i32
      %dma_start3A_66 = arith.constant 0 : i32
      %dma_start3A_67 = tpu.memref_slice %arg3[%add3A_65, %dma_start3A_66] : memref<480000x16xf32, #tpu.memory_space<hbm>> -> memref<80x16xf32, #tpu.memory_space<hbm>>
      %dma_start3A_68 = arith.constant 0 : i32
      %dma_start3A_69 = tpu.memref_slice %arg3[%add3A_65, %dma_start3A_68] : memref<480000x16xf32, #tpu.memory_space<hbm>> -> memref<80x16xf32, #tpu.memory_space<hbm>>
      tpu.enqueue_dma source(%dma_start3A_69 : memref<80x16xf32, #tpu.memory_space<hbm>>) target(%arg14 : memref<80x16xf32, #tpu.memory_space<vmem>>) target_semaphore(%arg18 : memref<!tpu.dma_semaphore, #tpu.memory_space<semaphore_mem>>)
      %add3A_70 = arith.constant 80 : i32
      %add3A_71 = arith.addi %mul3A_59, %add3A_70 : i32
      %dma_start3A_72 = tpu.memref_slice %arg4[%add3A_71] : memref<320000xi32, #tpu.memory_space<hbm>> -> memref<80xi32, #tpu.memory_space<hbm>>
      %dma_start3A_73 = tpu.memref_slice %arg4[%add3A_71] : memref<320000xi32, #tpu.memory_space<hbm>> -> memref<80xi32, #tpu.memory_space<hbm>>
      tpu.enqueue_dma source(%dma_start3A_73 : memref<80xi32, #tpu.memory_space<hbm>>) target(%arg17 : memref<80xi32, #tpu.memory_space<vmem>>) target_semaphore(%arg19 : memref<!tpu.dma_semaphore, #tpu.memory_space<semaphore_mem>>)
      %add3A_74 = arith.constant 80 : i32
      %add3A_75 = arith.addi %mul3A_57, %add3A_74 : i32
      %dma_start3A_76 = arith.constant 0 : i32
      %dma_start3A_77 = tpu.memref_slice %arg3[%add3A_75, %dma_start3A_76] : memref<480000x16xf32, #tpu.memory_space<hbm>> -> memref<80x16xf32, #tpu.memory_space<hbm>>
      %dma_start3A_78 = arith.constant 0 : i32
      %dma_start3A_79 = tpu.memref_slice %arg3[%add3A_75, %dma_start3A_78] : memref<480000x16xf32, #tpu.memory_space<hbm>> -> memref<80x16xf32, #tpu.memory_space<hbm>>
      tpu.enqueue_dma source(%dma_start3A_79 : memref<80x16xf32, #tpu.memory_space<hbm>>) target(%arg15 : memref<80x16xf32, #tpu.memory_space<vmem>>) target_semaphore(%arg19 : memref<!tpu.dma_semaphore, #tpu.memory_space<semaphore_mem>>)
      %scan3A_80 = arith.constant 0 : i32
      %scan3A_81 = arith.constant 0 : i32
      %scan3A_82 = arith.constant 125 : i32
      %scan3A_83 = arith.addi %scan3A_81, %scan3A_82 : i32
      %scan3A_84 = arith.constant 1 : i32
      scf.for %scan3A_86 = %scan3A_81 to %scan3A_83 step %scan3A_84  : i32 {
        %mul3A_87 = arith.constant 2 : i32
        %mul3A_88 = arith.muli %mul3A_87, %scan3A_86 : i32
        %dma_wait3A_89 = tpu.memref_slice %arg4[%mul3A_59] : memref<320000xi32, #tpu.memory_space<hbm>> -> memref<80xi32, #tpu.memory_space<hbm>>
        %dma_wait3A_90 = tpu.memref_slice %arg4[%mul3A_59] : memref<320000xi32, #tpu.memory_space<hbm>> -> memref<80xi32, #tpu.memory_space<hbm>>
        tpu.wait_dma2 semaphore(%arg18 : memref<!tpu.dma_semaphore, #tpu.memory_space<semaphore_mem>>) src(%dma_wait3A_90 : memref<80xi32, #tpu.memory_space<hbm>>) dst(%arg16 : memref<80xi32, #tpu.memory_space<vmem>>)
        %dma_wait3A_91 = arith.constant 0 : i32
        %dma_wait3A_92 = tpu.memref_slice %arg3[%mul3A_57, %dma_wait3A_91] : memref<480000x16xf32, #tpu.memory_space<hbm>> -> memref<80x16xf32, #tpu.memory_space<hbm>>
        %dma_wait3A_93 = arith.constant 0 : i32
        %dma_wait3A_94 = tpu.memref_slice %arg3[%mul3A_57, %dma_wait3A_93] : memref<480000x16xf32, #tpu.memory_space<hbm>> -> memref<80x16xf32, #tpu.memory_space<hbm>>
        tpu.wait_dma2 semaphore(%arg18 : memref<!tpu.dma_semaphore, #tpu.memory_space<semaphore_mem>>) src(%dma_wait3A_94 : memref<80x16xf32, #tpu.memory_space<hbm>>) dst(%arg14 : memref<80x16xf32, #tpu.memory_space<vmem>>)
        %dma_start3A_95 = arith.constant 0 : i32
        %dma_start3A_96 = arith.constant 0 : i32
        %dma_start3A_97 = tpu.memref_slice %arg11[%dma_start3A_95, %dma_start3A_96] : memref<10000x16xf32, #tpu.memory_space<vmem_shared>> -> memref<10000x16xf32, #tpu.memory_space<vmem_shared>>
        tpu.enqueue_indirect_dma source(%arg14 : memref<80x16xf32, #tpu.memory_space<vmem>>) target(%dma_start3A_97 : memref<10000x16xf32, #tpu.memory_space<vmem_shared>>) offsets(%arg16 : memref<80xi32, #tpu.memory_space<vmem>>) semaphore(%arg20 : memref<!tpu.dma_semaphore, #tpu.memory_space<semaphore_mem>>) {add = true}
        %dma_wait3A_98 = tpu.memref_slice %arg4[%mul3A_59] : memref<320000xi32, #tpu.memory_space<hbm>> -> memref<80xi32, #tpu.memory_space<hbm>>
        %dma_wait3A_99 = tpu.memref_slice %arg4[%mul3A_59] : memref<320000xi32, #tpu.memory_space<hbm>> -> memref<80xi32, #tpu.memory_space<hbm>>
        tpu.wait_dma2 semaphore(%arg19 : memref<!tpu.dma_semaphore, #tpu.memory_space<semaphore_mem>>) src(%dma_wait3A_99 : memref<80xi32, #tpu.memory_space<hbm>>) dst(%arg17 : memref<80xi32, #tpu.memory_space<vmem>>)
        %dma_wait3A_100 = arith.constant 0 : i32
        %dma_wait3A_101 = tpu.memref_slice %arg3[%mul3A_57, %dma_wait3A_100] : memref<480000x16xf32, #tpu.memory_space<hbm>> -> memref<80x16xf32, #tpu.memory_space<hbm>>
        %dma_wait3A_102 = arith.constant 0 : i32
        %dma_wait3A_103 = tpu.memref_slice %arg3[%mul3A_57, %dma_wait3A_102] : memref<480000x16xf32, #tpu.memory_space<hbm>> -> memref<80x16xf32, #tpu.memory_space<hbm>>
        tpu.wait_dma2 semaphore(%arg19 : memref<!tpu.dma_semaphore, #tpu.memory_space<semaphore_mem>>) src(%dma_wait3A_103 : memref<80x16xf32, #tpu.memory_space<hbm>>) dst(%arg15 : memref<80x16xf32, #tpu.memory_space<vmem>>)
        %dma_start3A_104 = arith.constant 0 : i32
        %dma_start3A_105 = arith.constant 0 : i32
        %dma_start3A_106 = tpu.memref_slice %arg11[%dma_start3A_104, %dma_start3A_105] : memref<10000x16xf32, #tpu.memory_space<vmem_shared>> -> memref<10000x16xf32, #tpu.memory_space<vmem_shared>>
        tpu.enqueue_indirect_dma source(%arg15 : memref<80x16xf32, #tpu.memory_space<vmem>>) target(%dma_start3A_106 : memref<10000x16xf32, #tpu.memory_space<vmem_shared>>) offsets(%arg17 : memref<80xi32, #tpu.memory_space<vmem>>) semaphore(%arg21 : memref<!tpu.dma_semaphore, #tpu.memory_space<semaphore_mem>>) {add = true}
        %dma_wait3A_107 = arith.constant 0 : i32
        %dma_wait3A_108 = arith.constant 0 : i32
        %dma_wait3A_109 = tpu.memref_slice %arg11[%dma_wait3A_107, %dma_wait3A_108] : memref<10000x16xf32, #tpu.memory_space<vmem_shared>> -> memref<10000x16xf32, #tpu.memory_space<vmem_shared>>
        tpu.wait_indirect_dma semaphore(%arg20 : memref<!tpu.dma_semaphore, #tpu.memory_space<semaphore_mem>>) src(%arg14 : memref<80x16xf32, #tpu.memory_space<vmem>>) dst(%dma_wait3A_109 : memref<10000x16xf32, #tpu.memory_space<vmem_shared>>)
        %add3A_110 = arith.constant 2 : i32
        %add3A_111 = arith.addi %mul3A_88, %add3A_110 : i32
        %lt3A = arith.constant 250 : i32
        %lt3A_112 = arith.cmpi slt, %add3A_111, %lt3A : i32
        %convert_element_type3A_113 = arith.extui %lt3A_112 : i1 to i32
        %cond3A_114 = arith.constant 0 : i32
        %cond3A_115 = arith.cmpi ne, %convert_element_type3A_113, %cond3A_114 : i32
        scf.if %cond3A_115 {
          %add3A_126 = arith.constant 2 : i32
          %add3A_127 = arith.addi %mul3A_88, %add3A_126 : i32
          %mul3A_128 = arith.constant 80 : i32
          %mul3A_129 = arith.muli %add3A_127, %mul3A_128 : i32
          %add3A_130 = arith.addi %mul3A_59, %mul3A_129 : i32
          %dma_start3A_131 = tpu.memref_slice %arg4[%add3A_130] : memref<320000xi32, #tpu.memory_space<hbm>> -> memref<80xi32, #tpu.memory_space<hbm>>
          %dma_start3A_132 = tpu.memref_slice %arg4[%add3A_130] : memref<320000xi32, #tpu.memory_space<hbm>> -> memref<80xi32, #tpu.memory_space<hbm>>
          tpu.enqueue_dma source(%dma_start3A_132 : memref<80xi32, #tpu.memory_space<hbm>>) target(%arg16 : memref<80xi32, #tpu.memory_space<vmem>>) target_semaphore(%arg18 : memref<!tpu.dma_semaphore, #tpu.memory_space<semaphore_mem>>)
          %mul3A_133 = arith.constant 80 : i32
          %mul3A_134 = arith.muli %add3A_127, %mul3A_133 : i32
          %add3A_135 = arith.addi %mul3A_57, %mul3A_134 : i32
          %dma_start3A_136 = arith.constant 0 : i32
          %dma_start3A_137 = tpu.memref_slice %arg3[%add3A_135, %dma_start3A_136] : memref<480000x16xf32, #tpu.memory_space<hbm>> -> memref<80x16xf32, #tpu.memory_space<hbm>>
          %dma_start3A_138 = arith.constant 0 : i32
          %dma_start3A_139 = tpu.memref_slice %arg3[%add3A_135, %dma_start3A_138] : memref<480000x16xf32, #tpu.memory_space<hbm>> -> memref<80x16xf32, #tpu.memory_space<hbm>>
          tpu.enqueue_dma source(%dma_start3A_139 : memref<80x16xf32, #tpu.memory_space<hbm>>) target(%arg14 : memref<80x16xf32, #tpu.memory_space<vmem>>) target_semaphore(%arg18 : memref<!tpu.dma_semaphore, #tpu.memory_space<semaphore_mem>>)
        } else {
        }
        %dma_wait3A_116 = arith.constant 0 : i32
        %dma_wait3A_117 = arith.constant 0 : i32
        %dma_wait3A_118 = tpu.memref_slice %arg11[%dma_wait3A_116, %dma_wait3A_117] : memref<10000x16xf32, #tpu.memory_space<vmem_shared>> -> memref<10000x16xf32, #tpu.memory_space<vmem_shared>>
        tpu.wait_indirect_dma semaphore(%arg21 : memref<!tpu.dma_semaphore, #tpu.memory_space<semaphore_mem>>) src(%arg15 : memref<80x16xf32, #tpu.memory_space<vmem>>) dst(%dma_wait3A_118 : memref<10000x16xf32, #tpu.memory_space<vmem_shared>>)
        %add3A_119 = arith.constant 3 : i32
        %add3A_120 = arith.addi %mul3A_88, %add3A_119 : i32
        %lt3A_121 = arith.constant 250 : i32
        %lt3A_122 = arith.cmpi slt, %add3A_120, %lt3A_121 : i32
        %convert_element_type3A_123 = arith.extui %lt3A_122 : i1 to i32
        %cond3A_124 = arith.constant 0 : i32
        %cond3A_125 = arith.cmpi ne, %convert_element_type3A_123, %cond3A_124 : i32
        scf.if %cond3A_125 {
          %add3A_126 = arith.constant 3 : i32
          %add3A_127 = arith.addi %mul3A_88, %add3A_126 : i32
          %mul3A_128 = arith.constant 80 : i32
          %mul3A_129 = arith.muli %add3A_127, %mul3A_128 : i32
          %add3A_130 = arith.addi %mul3A_59, %mul3A_129 : i32
          %dma_start3A_131 = tpu.memref_slice %arg4[%add3A_130] : memref<320000xi32, #tpu.memory_space<hbm>> -> memref<80xi32, #tpu.memory_space<hbm>>
          %dma_start3A_132 = tpu.memref_slice %arg4[%add3A_130] : memref<320000xi32, #tpu.memory_space<hbm>> -> memref<80xi32, #tpu.memory_space<hbm>>
          tpu.enqueue_dma source(%dma_start3A_132 : memref<80xi32, #tpu.memory_space<hbm>>) target(%arg17 : memref<80xi32, #tpu.memory_space<vmem>>) target_semaphore(%arg19 : memref<!tpu.dma_semaphore, #tpu.memory_space<semaphore_mem>>)
          %mul3A_133 = arith.constant 80 : i32
          %mul3A_134 = arith.muli %add3A_127, %mul3A_133 : i32
          %add3A_135 = arith.addi %mul3A_57, %mul3A_134 : i32
          %dma_start3A_136 = arith.constant 0 : i32
          %dma_start3A_137 = tpu.memref_slice %arg3[%add3A_135, %dma_start3A_136] : memref<480000x16xf32, #tpu.memory_space<hbm>> -> memref<80x16xf32, #tpu.memory_space<hbm>>
          %dma_start3A_138 = arith.constant 0 : i32
          %dma_start3A_139 = tpu.memref_slice %arg3[%add3A_135, %dma_start3A_138] : memref<480000x16xf32, #tpu.memory_space<hbm>> -> memref<80x16xf32, #tpu.memory_space<hbm>>
          tpu.enqueue_dma source(%dma_start3A_139 : memref<80x16xf32, #tpu.memory_space<hbm>>) target(%arg15 : memref<80x16xf32, #tpu.memory_space<vmem>>) target_semaphore(%arg19 : memref<!tpu.dma_semaphore, #tpu.memory_space<semaphore_mem>>)
        } else {
        }
      }
      %scan3A_85 = arith.constant 125 : i32
    } else {
    }
    %barrier3A_8 = arith.constant 0 : index
    tpu.barrier barrier_id(%barrier3A_8)
    %mul3A_9 = arith.constant 10000 : i32
    %mul3A_10 = arith.muli %arg0, %mul3A_9 : i32
    %add3A = arith.addi %mul3A_10, %mul3A_0 : i32
    "tpu.region"() ({
      %run_scoped3A = tpu.sem_alloc : memref<!tpu.dma_semaphore, #tpu.memory_space<semaphore_mem>>
      %dma_start3A = arith.constant 0 : i32
      %dma_start3A_15 = tpu.memref_slice %arg8[%add3A, %dma_start3A] : memref<20000x128xf32, #tpu.memory_space<hbm>> -> memref<625x128xf32, #tpu.memory_space<hbm>>
      %dma_start3A_16 = arith.constant 0 : i32
      %dma_start3A_17 = tpu.memref_slice %arg10[%mul3A_0, %dma_start3A_16] : memref<10000x128xf32, #tpu.memory_space<vmem_shared>> -> memref<625x128xf32, #tpu.memory_space<vmem_shared>>
      tpu.enqueue_dma source(%dma_start3A_17 : memref<625x128xf32, #tpu.memory_space<vmem_shared>>) target(%dma_start3A_15 : memref<625x128xf32, #tpu.memory_space<hbm>>) target_semaphore(%run_scoped3A : memref<!tpu.dma_semaphore, #tpu.memory_space<semaphore_mem>>)
      %dma_wait3A = arith.constant 0 : i32
      %dma_wait3A_18 = tpu.memref_slice %arg8[%add3A, %dma_wait3A] : memref<20000x128xf32, #tpu.memory_space<hbm>> -> memref<625x128xf32, #tpu.memory_space<hbm>>
      %dma_wait3A_19 = arith.constant 0 : i32
      %dma_wait3A_20 = tpu.memref_slice %arg10[%mul3A_0, %dma_wait3A_19] : memref<10000x128xf32, #tpu.memory_space<vmem_shared>> -> memref<625x128xf32, #tpu.memory_space<vmem_shared>>
      tpu.wait_dma2 semaphore(%run_scoped3A : memref<!tpu.dma_semaphore, #tpu.memory_space<semaphore_mem>>) src(%dma_wait3A_20 : memref<625x128xf32, #tpu.memory_space<vmem_shared>>) dst(%dma_wait3A_18 : memref<625x128xf32, #tpu.memory_space<hbm>>)
      tpu.yield
    }) : () -> ()
    %sub3A = arith.constant 1 : i32
    %sub3A_11 = arith.subi %sub3A, %arg0 : i32
    %mul3A_12 = arith.constant 10000 : i32
    %mul3A_13 = arith.muli %sub3A_11, %mul3A_12 : i32
    %add3A_14 = arith.addi %mul3A_13, %mul3A_0 : i32
    "tpu.region"() ({
      %run_scoped3A = tpu.sem_alloc : memref<!tpu.dma_semaphore, #tpu.memory_space<semaphore_mem>>
      %dma_start3A = arith.constant 0 : i32
      %dma_start3A_15 = tpu.memref_slice %arg9[%add3A_14, %dma_start3A] : memref<20000x16xf32, #tpu.memory_space<hbm>> -> memref<625x16xf32, #tpu.memory_space<hbm>>
      %dma_start3A_16 = arith.constant 0 : i32
      %dma_start3A_17 = tpu.memref_slice %arg11[%mul3A_0, %dma_start3A_16] : memref<10000x16xf32, #tpu.memory_space<vmem_shared>> -> memref<625x16xf32, #tpu.memory_space<vmem_shared>>
      tpu.enqueue_dma source(%dma_start3A_17 : memref<625x16xf32, #tpu.memory_space<vmem_shared>>) target(%dma_start3A_15 : memref<625x16xf32, #tpu.memory_space<hbm>>) target_semaphore(%run_scoped3A : memref<!tpu.dma_semaphore, #tpu.memory_space<semaphore_mem>>)
      %dma_wait3A = arith.constant 0 : i32
      %dma_wait3A_18 = tpu.memref_slice %arg9[%add3A_14, %dma_wait3A] : memref<20000x16xf32, #tpu.memory_space<hbm>> -> memref<625x16xf32, #tpu.memory_space<hbm>>
      %dma_wait3A_19 = arith.constant 0 : i32
      %dma_wait3A_20 = tpu.memref_slice %arg11[%mul3A_0, %dma_wait3A_19] : memref<10000x16xf32, #tpu.memory_space<vmem_shared>> -> memref<625x16xf32, #tpu.memory_space<vmem_shared>>
      tpu.wait_dma2 semaphore(%run_scoped3A : memref<!tpu.dma_semaphore, #tpu.memory_space<semaphore_mem>>) src(%dma_wait3A_20 : memref<625x16xf32, #tpu.memory_space<vmem_shared>>) dst(%dma_wait3A_18 : memref<625x16xf32, #tpu.memory_space<hbm>>)
      tpu.yield
    }) : () -> ()
    return
  }
}

#map = affine_map<(d0, d1) -> (0, 0)>
#map1 = affine_map<(d0, d1) -> (0)>
module attributes {stable_mosaic.version = 14 : i64} {
  func.func @k(%arg0: i32, %arg1: i32, %arg2: memref<20000x64xi32, #tpu.memory_space<hbm>>, %arg3: memref<20000x16xf32, #tpu.memory_space<hbm>>, %arg4: memref<480000xi32, #tpu.memory_space<hbm>>, %arg5: memref<480000xi32, #tpu.memory_space<hbm>>, %arg6: memref<480000xi32, #tpu.memory_space<hbm>>, %arg7: memref<480000xi32, #tpu.memory_space<hbm>>, %arg8: memref<480000x64xi32, #tpu.memory_space<hbm>>, %arg9: memref<480000x64xi32, #tpu.memory_space<hbm>>, %arg10: memref<480000x16xf32, #tpu.memory_space<hbm>>, %arg11: memref<480000x16xf32, #tpu.memory_space<hbm>>, %arg12: memref<15000xi32, #tpu.memory_space<vmem>>, %arg13: memref<15000xi32, #tpu.memory_space<vmem>>, %arg14: memref<600x64xi32, #tpu.memory_space<vmem>>, %arg15: memref<600x64xi32, #tpu.memory_space<vmem>>, %arg16: memref<600x16xf32, #tpu.memory_space<vmem>>, %arg17: memref<600x16xf32, #tpu.memory_space<vmem>>, %arg18: memref<!tpu.dma_semaphore, #tpu.memory_space<semaphore_mem>>, %arg19: memref<!tpu.dma_semaphore, #tpu.memory_space<semaphore_mem>>, %arg20: memref<!tpu.dma_semaphore, #tpu.memory_space<semaphore_mem>>, %arg21: memref<!tpu.dma_semaphore, #tpu.memory_space<semaphore_mem>>, %arg22: memref<!tpu.dma_semaphore, #tpu.memory_space<semaphore_mem>>, %arg23: memref<!tpu.dma_semaphore, #tpu.memory_space<semaphore_mem>>, %arg24: memref<!tpu.dma_semaphore, #tpu.memory_space<semaphore_mem>>, %arg25: memref<!tpu.dma_semaphore, #tpu.memory_space<semaphore_mem>>) attributes {dimension_semantics = [#tpu.dimension_semantics<core_parallel>, #tpu.dimension_semantics<subcore_parallel>], iteration_bounds = array<i64: 2, 16>, scalar_prefetch = 0 : i64, scratch_operands = 14 : i64, tpu.core_type = #tpu.core_type<sc_vector_subcore>, window_params = [{transform_indices = #map}, {transform_indices = #map}, {transform_indices = #map1}, {transform_indices = #map1}, {transform_indices = #map1}, {transform_indices = #map1}, {transform_indices = #map}, {transform_indices = #map}, {transform_indices = #map}, {transform_indices = #map}]} {
    %mul3A = arith.constant 2 : i32
    %mul3A_0 = arith.muli %arg1, %mul3A : i32
    %add3A = arith.addi %mul3A_0, %arg0 : i32
    %mul3A_1 = arith.constant 15000 : i32
    %mul3A_2 = arith.muli %add3A, %mul3A_1 : i32
    "tpu.region"() ({
      %run_scoped3A = tpu.sem_alloc : memref<!tpu.dma_semaphore, #tpu.memory_space<semaphore_mem>>
      %dma_start3A_112 = tpu.memref_slice %arg4[%mul3A_2] : memref<480000xi32, #tpu.memory_space<hbm>> -> memref<15000xi32, #tpu.memory_space<hbm>>
      %dma_start3A_113 = tpu.memref_slice %arg4[%mul3A_2] : memref<480000xi32, #tpu.memory_space<hbm>> -> memref<15000xi32, #tpu.memory_space<hbm>>
      tpu.enqueue_dma source(%dma_start3A_113 : memref<15000xi32, #tpu.memory_space<hbm>>) target(%arg12 : memref<15000xi32, #tpu.memory_space<vmem>>) target_semaphore(%run_scoped3A : memref<!tpu.dma_semaphore, #tpu.memory_space<semaphore_mem>>)
      %dma_wait3A_114 = tpu.memref_slice %arg4[%mul3A_2] : memref<480000xi32, #tpu.memory_space<hbm>> -> memref<15000xi32, #tpu.memory_space<hbm>>
      %dma_wait3A_115 = tpu.memref_slice %arg4[%mul3A_2] : memref<480000xi32, #tpu.memory_space<hbm>> -> memref<15000xi32, #tpu.memory_space<hbm>>
      tpu.wait_dma2 semaphore(%run_scoped3A : memref<!tpu.dma_semaphore, #tpu.memory_space<semaphore_mem>>) src(%dma_wait3A_115 : memref<15000xi32, #tpu.memory_space<hbm>>) dst(%arg12 : memref<15000xi32, #tpu.memory_space<vmem>>)
      tpu.yield
    }) : () -> ()
    "tpu.region"() ({
      %run_scoped3A = tpu.sem_alloc : memref<!tpu.dma_semaphore, #tpu.memory_space<semaphore_mem>>
      %dma_start3A_112 = tpu.memref_slice %arg6[%mul3A_2] : memref<480000xi32, #tpu.memory_space<hbm>> -> memref<15000xi32, #tpu.memory_space<hbm>>
      %dma_start3A_113 = tpu.memref_slice %arg6[%mul3A_2] : memref<480000xi32, #tpu.memory_space<hbm>> -> memref<15000xi32, #tpu.memory_space<hbm>>
      tpu.enqueue_dma source(%dma_start3A_113 : memref<15000xi32, #tpu.memory_space<hbm>>) target(%arg13 : memref<15000xi32, #tpu.memory_space<vmem>>) target_semaphore(%run_scoped3A : memref<!tpu.dma_semaphore, #tpu.memory_space<semaphore_mem>>)
      %dma_wait3A_114 = tpu.memref_slice %arg6[%mul3A_2] : memref<480000xi32, #tpu.memory_space<hbm>> -> memref<15000xi32, #tpu.memory_space<hbm>>
      %dma_wait3A_115 = tpu.memref_slice %arg6[%mul3A_2] : memref<480000xi32, #tpu.memory_space<hbm>> -> memref<15000xi32, #tpu.memory_space<hbm>>
      tpu.wait_dma2 semaphore(%run_scoped3A : memref<!tpu.dma_semaphore, #tpu.memory_space<semaphore_mem>>) src(%dma_wait3A_115 : memref<15000xi32, #tpu.memory_space<hbm>>) dst(%arg13 : memref<15000xi32, #tpu.memory_space<vmem>>)
      tpu.yield
    }) : () -> ()
    %dma_start3A = arith.constant 0 : i32
    %dma_start3A_3 = tpu.memref_slice %arg12[%dma_start3A] : memref<15000xi32, #tpu.memory_space<vmem>> -> memref<600xi32, #tpu.memory_space<vmem>>
    %dma_start3A_4 = arith.constant 0 : i32
    %dma_start3A_5 = arith.constant 0 : i32
    %dma_start3A_6 = tpu.memref_slice %arg2[%dma_start3A_4, %dma_start3A_5] : memref<20000x64xi32, #tpu.memory_space<hbm>> -> memref<20000x64xi32, #tpu.memory_space<hbm>>
    tpu.enqueue_indirect_dma source(%dma_start3A_6 : memref<20000x64xi32, #tpu.memory_space<hbm>>) target(%arg14 : memref<600x64xi32, #tpu.memory_space<vmem>>) offsets(%dma_start3A_3 : memref<600xi32, #tpu.memory_space<vmem>>) semaphore(%arg18 : memref<!tpu.dma_semaphore, #tpu.memory_space<semaphore_mem>>)
    %dma_start3A_7 = arith.constant 0 : i32
    %dma_start3A_8 = tpu.memref_slice %arg13[%dma_start3A_7] : memref<15000xi32, #tpu.memory_space<vmem>> -> memref<600xi32, #tpu.memory_space<vmem>>
    %dma_start3A_9 = arith.constant 0 : i32
    %dma_start3A_10 = arith.constant 0 : i32
    %dma_start3A_11 = tpu.memref_slice %arg3[%dma_start3A_9, %dma_start3A_10] : memref<20000x16xf32, #tpu.memory_space<hbm>> -> memref<20000x16xf32, #tpu.memory_space<hbm>>
    tpu.enqueue_indirect_dma source(%dma_start3A_11 : memref<20000x16xf32, #tpu.memory_space<hbm>>) target(%arg16 : memref<600x16xf32, #tpu.memory_space<vmem>>) offsets(%dma_start3A_8 : memref<600xi32, #tpu.memory_space<vmem>>) semaphore(%arg20 : memref<!tpu.dma_semaphore, #tpu.memory_space<semaphore_mem>>)
    %dma_start3A_12 = arith.constant 600 : i32
    %dma_start3A_13 = tpu.memref_slice %arg12[%dma_start3A_12] : memref<15000xi32, #tpu.memory_space<vmem>> -> memref<600xi32, #tpu.memory_space<vmem>>
    %dma_start3A_14 = arith.constant 0 : i32
    %dma_start3A_15 = arith.constant 0 : i32
    %dma_start3A_16 = tpu.memref_slice %arg2[%dma_start3A_14, %dma_start3A_15] : memref<20000x64xi32, #tpu.memory_space<hbm>> -> memref<20000x64xi32, #tpu.memory_space<hbm>>
    tpu.enqueue_indirect_dma source(%dma_start3A_16 : memref<20000x64xi32, #tpu.memory_space<hbm>>) target(%arg15 : memref<600x64xi32, #tpu.memory_space<vmem>>) offsets(%dma_start3A_13 : memref<600xi32, #tpu.memory_space<vmem>>) semaphore(%arg19 : memref<!tpu.dma_semaphore, #tpu.memory_space<semaphore_mem>>)
    %dma_start3A_17 = arith.constant 600 : i32
    %dma_start3A_18 = tpu.memref_slice %arg13[%dma_start3A_17] : memref<15000xi32, #tpu.memory_space<vmem>> -> memref<600xi32, #tpu.memory_space<vmem>>
    %dma_start3A_19 = arith.constant 0 : i32
    %dma_start3A_20 = arith.constant 0 : i32
    %dma_start3A_21 = tpu.memref_slice %arg3[%dma_start3A_19, %dma_start3A_20] : memref<20000x16xf32, #tpu.memory_space<hbm>> -> memref<20000x16xf32, #tpu.memory_space<hbm>>
    tpu.enqueue_indirect_dma source(%dma_start3A_21 : memref<20000x16xf32, #tpu.memory_space<hbm>>) target(%arg17 : memref<600x16xf32, #tpu.memory_space<vmem>>) offsets(%dma_start3A_18 : memref<600xi32, #tpu.memory_space<vmem>>) semaphore(%arg21 : memref<!tpu.dma_semaphore, #tpu.memory_space<semaphore_mem>>)
    %scan3A = arith.constant 0 : i32
    %scan3A_22 = arith.constant 0 : i32
    %scan3A_23 = arith.constant 12 : i32
    %scan3A_24 = arith.addi %scan3A_22, %scan3A_23 : i32
    %scan3A_25 = arith.constant 1 : i32
    scf.for %scan3A_112 = %scan3A_22 to %scan3A_24 step %scan3A_25  : i32 {
      %mul3A_113 = arith.constant 2 : i32
      %mul3A_114 = arith.muli %mul3A_113, %scan3A_112 : i32
      %add3A_115 = arith.constant 1 : i32
      %add3A_116 = arith.addi %mul3A_114, %add3A_115 : i32
      %dma_wait3A_117 = arith.constant 0 : i32
      %dma_wait3A_118 = tpu.memref_slice %arg12[%dma_wait3A_117] : memref<15000xi32, #tpu.memory_space<vmem>> -> memref<600xi32, #tpu.memory_space<vmem>>
      %dma_wait3A_119 = arith.constant 0 : i32
      %dma_wait3A_120 = arith.constant 0 : i32
      %dma_wait3A_121 = tpu.memref_slice %arg2[%dma_wait3A_119, %dma_wait3A_120] : memref<20000x64xi32, #tpu.memory_space<hbm>> -> memref<20000x64xi32, #tpu.memory_space<hbm>>
      tpu.wait_indirect_dma semaphore(%arg18 : memref<!tpu.dma_semaphore, #tpu.memory_space<semaphore_mem>>) src(%dma_wait3A_121 : memref<20000x64xi32, #tpu.memory_space<hbm>>) dst(%arg14 : memref<600x64xi32, #tpu.memory_space<vmem>>)
      %dma_wait3A_122 = arith.constant 0 : i32
      %dma_wait3A_123 = tpu.memref_slice %arg13[%dma_wait3A_122] : memref<15000xi32, #tpu.memory_space<vmem>> -> memref<600xi32, #tpu.memory_space<vmem>>
      %dma_wait3A_124 = arith.constant 0 : i32
      %dma_wait3A_125 = arith.constant 0 : i32
      %dma_wait3A_126 = tpu.memref_slice %arg3[%dma_wait3A_124, %dma_wait3A_125] : memref<20000x16xf32, #tpu.memory_space<hbm>> -> memref<20000x16xf32, #tpu.memory_space<hbm>>
      tpu.wait_indirect_dma semaphore(%arg20 : memref<!tpu.dma_semaphore, #tpu.memory_space<semaphore_mem>>) src(%dma_wait3A_126 : memref<20000x16xf32, #tpu.memory_space<hbm>>) dst(%arg16 : memref<600x16xf32, #tpu.memory_space<vmem>>)
      %mul3A_127 = arith.constant 600 : i32
      %mul3A_128 = arith.muli %mul3A_114, %mul3A_127 : i32
      %add3A_129 = arith.addi %mul3A_2, %mul3A_128 : i32
      %dma_start3A_130 = arith.constant 0 : i32
      %dma_start3A_131 = tpu.memref_slice %arg8[%add3A_129, %dma_start3A_130] : memref<480000x64xi32, #tpu.memory_space<hbm>> -> memref<600x64xi32, #tpu.memory_space<hbm>>
      %dma_start3A_132 = arith.constant 0 : i32
      %dma_start3A_133 = tpu.memref_slice %arg8[%add3A_129, %dma_start3A_132] : memref<480000x64xi32, #tpu.memory_space<hbm>> -> memref<600x64xi32, #tpu.memory_space<hbm>>
      tpu.enqueue_dma source(%arg14 : memref<600x64xi32, #tpu.memory_space<vmem>>) target(%dma_start3A_133 : memref<600x64xi32, #tpu.memory_space<hbm>>) target_semaphore(%arg22 : memref<!tpu.dma_semaphore, #tpu.memory_space<semaphore_mem>>)
      %mul3A_134 = arith.constant 600 : i32
      %mul3A_135 = arith.muli %mul3A_114, %mul3A_134 : i32
      %add3A_136 = arith.addi %mul3A_2, %mul3A_135 : i32
      %dma_start3A_137 = arith.constant 0 : i32
      %dma_start3A_138 = tpu.memref_slice %arg10[%add3A_136, %dma_start3A_137] : memref<480000x16xf32, #tpu.memory_space<hbm>> -> memref<600x16xf32, #tpu.memory_space<hbm>>
      %dma_start3A_139 = arith.constant 0 : i32
      %dma_start3A_140 = tpu.memref_slice %arg10[%add3A_136, %dma_start3A_139] : memref<480000x16xf32, #tpu.memory_space<hbm>> -> memref<600x16xf32, #tpu.memory_space<hbm>>
      tpu.enqueue_dma source(%arg16 : memref<600x16xf32, #tpu.memory_space<vmem>>) target(%dma_start3A_140 : memref<600x16xf32, #tpu.memory_space<hbm>>) target_semaphore(%arg24 : memref<!tpu.dma_semaphore, #tpu.memory_space<semaphore_mem>>)
      %dma_wait3A_141 = arith.constant 0 : i32
      %dma_wait3A_142 = tpu.memref_slice %arg12[%dma_wait3A_141] : memref<15000xi32, #tpu.memory_space<vmem>> -> memref<600xi32, #tpu.memory_space<vmem>>
      %dma_wait3A_143 = arith.constant 0 : i32
      %dma_wait3A_144 = arith.constant 0 : i32
      %dma_wait3A_145 = tpu.memref_slice %arg2[%dma_wait3A_143, %dma_wait3A_144] : memref<20000x64xi32, #tpu.memory_space<hbm>> -> memref<20000x64xi32, #tpu.memory_space<hbm>>
      tpu.wait_indirect_dma semaphore(%arg19 : memref<!tpu.dma_semaphore, #tpu.memory_space<semaphore_mem>>) src(%dma_wait3A_145 : memref<20000x64xi32, #tpu.memory_space<hbm>>) dst(%arg15 : memref<600x64xi32, #tpu.memory_space<vmem>>)
      %dma_wait3A_146 = arith.constant 0 : i32
      %dma_wait3A_147 = tpu.memref_slice %arg13[%dma_wait3A_146] : memref<15000xi32, #tpu.memory_space<vmem>> -> memref<600xi32, #tpu.memory_space<vmem>>
      %dma_wait3A_148 = arith.constant 0 : i32
      %dma_wait3A_149 = arith.constant 0 : i32
      %dma_wait3A_150 = tpu.memref_slice %arg3[%dma_wait3A_148, %dma_wait3A_149] : memref<20000x16xf32, #tpu.memory_space<hbm>> -> memref<20000x16xf32, #tpu.memory_space<hbm>>
      tpu.wait_indirect_dma semaphore(%arg21 : memref<!tpu.dma_semaphore, #tpu.memory_space<semaphore_mem>>) src(%dma_wait3A_150 : memref<20000x16xf32, #tpu.memory_space<hbm>>) dst(%arg17 : memref<600x16xf32, #tpu.memory_space<vmem>>)
      %mul3A_151 = arith.constant 600 : i32
      %mul3A_152 = arith.muli %add3A_116, %mul3A_151 : i32
      %add3A_153 = arith.addi %mul3A_2, %mul3A_152 : i32
      %dma_start3A_154 = arith.constant 0 : i32
      %dma_start3A_155 = tpu.memref_slice %arg8[%add3A_153, %dma_start3A_154] : memref<480000x64xi32, #tpu.memory_space<hbm>> -> memref<600x64xi32, #tpu.memory_space<hbm>>
      %dma_start3A_156 = arith.constant 0 : i32
      %dma_start3A_157 = tpu.memref_slice %arg8[%add3A_153, %dma_start3A_156] : memref<480000x64xi32, #tpu.memory_space<hbm>> -> memref<600x64xi32, #tpu.memory_space<hbm>>
      tpu.enqueue_dma source(%arg15 : memref<600x64xi32, #tpu.memory_space<vmem>>) target(%dma_start3A_157 : memref<600x64xi32, #tpu.memory_space<hbm>>) target_semaphore(%arg23 : memref<!tpu.dma_semaphore, #tpu.memory_space<semaphore_mem>>)
      %mul3A_158 = arith.constant 600 : i32
      %mul3A_159 = arith.muli %add3A_116, %mul3A_158 : i32
      %add3A_160 = arith.addi %mul3A_2, %mul3A_159 : i32
      %dma_start3A_161 = arith.constant 0 : i32
      %dma_start3A_162 = tpu.memref_slice %arg10[%add3A_160, %dma_start3A_161] : memref<480000x16xf32, #tpu.memory_space<hbm>> -> memref<600x16xf32, #tpu.memory_space<hbm>>
      %dma_start3A_163 = arith.constant 0 : i32
      %dma_start3A_164 = tpu.memref_slice %arg10[%add3A_160, %dma_start3A_163] : memref<480000x16xf32, #tpu.memory_space<hbm>> -> memref<600x16xf32, #tpu.memory_space<hbm>>
      tpu.enqueue_dma source(%arg17 : memref<600x16xf32, #tpu.memory_space<vmem>>) target(%dma_start3A_164 : memref<600x16xf32, #tpu.memory_space<hbm>>) target_semaphore(%arg25 : memref<!tpu.dma_semaphore, #tpu.memory_space<semaphore_mem>>)
      %dma_wait3A_165 = arith.constant 0 : i32
      %dma_wait3A_166 = tpu.memref_slice %arg8[%mul3A_2, %dma_wait3A_165] : memref<480000x64xi32, #tpu.memory_space<hbm>> -> memref<600x64xi32, #tpu.memory_space<hbm>>
      %dma_wait3A_167 = arith.constant 0 : i32
      %dma_wait3A_168 = tpu.memref_slice %arg8[%mul3A_2, %dma_wait3A_167] : memref<480000x64xi32, #tpu.memory_space<hbm>> -> memref<600x64xi32, #tpu.memory_space<hbm>>
      tpu.wait_dma2 semaphore(%arg22 : memref<!tpu.dma_semaphore, #tpu.memory_space<semaphore_mem>>) src(%arg14 : memref<600x64xi32, #tpu.memory_space<vmem>>) dst(%dma_wait3A_168 : memref<600x64xi32, #tpu.memory_space<hbm>>)
      %dma_wait3A_169 = arith.constant 0 : i32
      %dma_wait3A_170 = tpu.memref_slice %arg10[%mul3A_2, %dma_wait3A_169] : memref<480000x16xf32, #tpu.memory_space<hbm>> -> memref<600x16xf32, #tpu.memory_space<hbm>>
      %dma_wait3A_171 = arith.constant 0 : i32
      %dma_wait3A_172 = tpu.memref_slice %arg10[%mul3A_2, %dma_wait3A_171] : memref<480000x16xf32, #tpu.memory_space<hbm>> -> memref<600x16xf32, #tpu.memory_space<hbm>>
      tpu.wait_dma2 semaphore(%arg24 : memref<!tpu.dma_semaphore, #tpu.memory_space<semaphore_mem>>) src(%arg16 : memref<600x16xf32, #tpu.memory_space<vmem>>) dst(%dma_wait3A_172 : memref<600x16xf32, #tpu.memory_space<hbm>>)
      %add3A_173 = arith.constant 2 : i32
      %add3A_174 = arith.addi %mul3A_114, %add3A_173 : i32
      %lt3A = arith.constant 25 : i32
      %lt3A_175 = arith.cmpi slt, %add3A_174, %lt3A : i32
      %convert_element_type3A = arith.extui %lt3A_175 : i1 to i32
      %cond3A = arith.constant 0 : i32
      %cond3A_176 = arith.cmpi ne, %convert_element_type3A, %cond3A : i32
      scf.if %cond3A_176 {
        %add3A_192 = arith.constant 2 : i32
        %add3A_193 = arith.addi %mul3A_114, %add3A_192 : i32
        %mul3A_194 = arith.constant 600 : i32
        %mul3A_195 = arith.muli %add3A_193, %mul3A_194 : i32
        %dma_start3A_196 = tpu.memref_slice %arg12[%mul3A_195] : memref<15000xi32, #tpu.memory_space<vmem>> -> memref<600xi32, #tpu.memory_space<vmem>>
        %dma_start3A_197 = arith.constant 0 : i32
        %dma_start3A_198 = arith.constant 0 : i32
        %dma_start3A_199 = tpu.memref_slice %arg2[%dma_start3A_197, %dma_start3A_198] : memref<20000x64xi32, #tpu.memory_space<hbm>> -> memref<20000x64xi32, #tpu.memory_space<hbm>>
        tpu.enqueue_indirect_dma source(%dma_start3A_199 : memref<20000x64xi32, #tpu.memory_space<hbm>>) target(%arg14 : memref<600x64xi32, #tpu.memory_space<vmem>>) offsets(%dma_start3A_196 : memref<600xi32, #tpu.memory_space<vmem>>) semaphore(%arg18 : memref<!tpu.dma_semaphore, #tpu.memory_space<semaphore_mem>>)
        %mul3A_200 = arith.constant 600 : i32
        %mul3A_201 = arith.muli %add3A_193, %mul3A_200 : i32
        %dma_start3A_202 = tpu.memref_slice %arg13[%mul3A_201] : memref<15000xi32, #tpu.memory_space<vmem>> -> memref<600xi32, #tpu.memory_space<vmem>>
        %dma_start3A_203 = arith.constant 0 : i32
        %dma_start3A_204 = arith.constant 0 : i32
        %dma_start3A_205 = tpu.memref_slice %arg3[%dma_start3A_203, %dma_start3A_204] : memref<20000x16xf32, #tpu.memory_space<hbm>> -> memref<20000x16xf32, #tpu.memory_space<hbm>>
        tpu.enqueue_indirect_dma source(%dma_start3A_205 : memref<20000x16xf32, #tpu.memory_space<hbm>>) target(%arg16 : memref<600x16xf32, #tpu.memory_space<vmem>>) offsets(%dma_start3A_202 : memref<600xi32, #tpu.memory_space<vmem>>) semaphore(%arg20 : memref<!tpu.dma_semaphore, #tpu.memory_space<semaphore_mem>>)
      } else {
      }
      %dma_wait3A_177 = arith.constant 0 : i32
      %dma_wait3A_178 = tpu.memref_slice %arg8[%mul3A_2, %dma_wait3A_177] : memref<480000x64xi32, #tpu.memory_space<hbm>> -> memref<600x64xi32, #tpu.memory_space<hbm>>
      %dma_wait3A_179 = arith.constant 0 : i32
      %dma_wait3A_180 = tpu.memref_slice %arg8[%mul3A_2, %dma_wait3A_179] : memref<480000x64xi32, #tpu.memory_space<hbm>> -> memref<600x64xi32, #tpu.memory_space<hbm>>
      tpu.wait_dma2 semaphore(%arg23 : memref<!tpu.dma_semaphore, #tpu.memory_space<semaphore_mem>>) src(%arg15 : memref<600x64xi32, #tpu.memory_space<vmem>>) dst(%dma_wait3A_180 : memref<600x64xi32, #tpu.memory_space<hbm>>)
      %dma_wait3A_181 = arith.constant 0 : i32
      %dma_wait3A_182 = tpu.memref_slice %arg10[%mul3A_2, %dma_wait3A_181] : memref<480000x16xf32, #tpu.memory_space<hbm>> -> memref<600x16xf32, #tpu.memory_space<hbm>>
      %dma_wait3A_183 = arith.constant 0 : i32
      %dma_wait3A_184 = tpu.memref_slice %arg10[%mul3A_2, %dma_wait3A_183] : memref<480000x16xf32, #tpu.memory_space<hbm>> -> memref<600x16xf32, #tpu.memory_space<hbm>>
      tpu.wait_dma2 semaphore(%arg25 : memref<!tpu.dma_semaphore, #tpu.memory_space<semaphore_mem>>) src(%arg17 : memref<600x16xf32, #tpu.memory_space<vmem>>) dst(%dma_wait3A_184 : memref<600x16xf32, #tpu.memory_space<hbm>>)
      %add3A_185 = arith.constant 2 : i32
      %add3A_186 = arith.addi %add3A_116, %add3A_185 : i32
      %lt3A_187 = arith.constant 25 : i32
      %lt3A_188 = arith.cmpi slt, %add3A_186, %lt3A_187 : i32
      %convert_element_type3A_189 = arith.extui %lt3A_188 : i1 to i32
      %cond3A_190 = arith.constant 0 : i32
      %cond3A_191 = arith.cmpi ne, %convert_element_type3A_189, %cond3A_190 : i32
      scf.if %cond3A_191 {
        %add3A_192 = arith.constant 2 : i32
        %add3A_193 = arith.addi %add3A_116, %add3A_192 : i32
        %mul3A_194 = arith.constant 600 : i32
        %mul3A_195 = arith.muli %add3A_193, %mul3A_194 : i32
        %dma_start3A_196 = tpu.memref_slice %arg12[%mul3A_195] : memref<15000xi32, #tpu.memory_space<vmem>> -> memref<600xi32, #tpu.memory_space<vmem>>
        %dma_start3A_197 = arith.constant 0 : i32
        %dma_start3A_198 = arith.constant 0 : i32
        %dma_start3A_199 = tpu.memref_slice %arg2[%dma_start3A_197, %dma_start3A_198] : memref<20000x64xi32, #tpu.memory_space<hbm>> -> memref<20000x64xi32, #tpu.memory_space<hbm>>
        tpu.enqueue_indirect_dma source(%dma_start3A_199 : memref<20000x64xi32, #tpu.memory_space<hbm>>) target(%arg15 : memref<600x64xi32, #tpu.memory_space<vmem>>) offsets(%dma_start3A_196 : memref<600xi32, #tpu.memory_space<vmem>>) semaphore(%arg19 : memref<!tpu.dma_semaphore, #tpu.memory_space<semaphore_mem>>)
        %mul3A_200 = arith.constant 600 : i32
        %mul3A_201 = arith.muli %add3A_193, %mul3A_200 : i32
        %dma_start3A_202 = tpu.memref_slice %arg13[%mul3A_201] : memref<15000xi32, #tpu.memory_space<vmem>> -> memref<600xi32, #tpu.memory_space<vmem>>
        %dma_start3A_203 = arith.constant 0 : i32
        %dma_start3A_204 = arith.constant 0 : i32
        %dma_start3A_205 = tpu.memref_slice %arg3[%dma_start3A_203, %dma_start3A_204] : memref<20000x16xf32, #tpu.memory_space<hbm>> -> memref<20000x16xf32, #tpu.memory_space<hbm>>
        tpu.enqueue_indirect_dma source(%dma_start3A_205 : memref<20000x16xf32, #tpu.memory_space<hbm>>) target(%arg17 : memref<600x16xf32, #tpu.memory_space<vmem>>) offsets(%dma_start3A_202 : memref<600xi32, #tpu.memory_space<vmem>>) semaphore(%arg21 : memref<!tpu.dma_semaphore, #tpu.memory_space<semaphore_mem>>)
      } else {
      }
    }
    %scan3A_26 = arith.constant 12 : i32
    %dma_wait3A = arith.constant 0 : i32
    %dma_wait3A_27 = tpu.memref_slice %arg12[%dma_wait3A] : memref<15000xi32, #tpu.memory_space<vmem>> -> memref<600xi32, #tpu.memory_space<vmem>>
    %dma_wait3A_28 = arith.constant 0 : i32
    %dma_wait3A_29 = arith.constant 0 : i32
    %dma_wait3A_30 = tpu.memref_slice %arg2[%dma_wait3A_28, %dma_wait3A_29] : memref<20000x64xi32, #tpu.memory_space<hbm>> -> memref<20000x64xi32, #tpu.memory_space<hbm>>
    tpu.wait_indirect_dma semaphore(%arg18 : memref<!tpu.dma_semaphore, #tpu.memory_space<semaphore_mem>>) src(%dma_wait3A_30 : memref<20000x64xi32, #tpu.memory_space<hbm>>) dst(%arg14 : memref<600x64xi32, #tpu.memory_space<vmem>>)
    %dma_wait3A_31 = arith.constant 0 : i32
    %dma_wait3A_32 = tpu.memref_slice %arg13[%dma_wait3A_31] : memref<15000xi32, #tpu.memory_space<vmem>> -> memref<600xi32, #tpu.memory_space<vmem>>
    %dma_wait3A_33 = arith.constant 0 : i32
    %dma_wait3A_34 = arith.constant 0 : i32
    %dma_wait3A_35 = tpu.memref_slice %arg3[%dma_wait3A_33, %dma_wait3A_34] : memref<20000x16xf32, #tpu.memory_space<hbm>> -> memref<20000x16xf32, #tpu.memory_space<hbm>>
    tpu.wait_indirect_dma semaphore(%arg20 : memref<!tpu.dma_semaphore, #tpu.memory_space<semaphore_mem>>) src(%dma_wait3A_35 : memref<20000x16xf32, #tpu.memory_space<hbm>>) dst(%arg16 : memref<600x16xf32, #tpu.memory_space<vmem>>)
    %add3A_36 = arith.constant 14400 : i32
    %add3A_37 = arith.addi %mul3A_2, %add3A_36 : i32
    %dma_start3A_38 = arith.constant 0 : i32
    %dma_start3A_39 = tpu.memref_slice %arg8[%add3A_37, %dma_start3A_38] : memref<480000x64xi32, #tpu.memory_space<hbm>> -> memref<600x64xi32, #tpu.memory_space<hbm>>
    %dma_start3A_40 = arith.constant 0 : i32
    %dma_start3A_41 = tpu.memref_slice %arg8[%add3A_37, %dma_start3A_40] : memref<480000x64xi32, #tpu.memory_space<hbm>> -> memref<600x64xi32, #tpu.memory_space<hbm>>
    tpu.enqueue_dma source(%arg14 : memref<600x64xi32, #tpu.memory_space<vmem>>) target(%dma_start3A_41 : memref<600x64xi32, #tpu.memory_space<hbm>>) target_semaphore(%arg22 : memref<!tpu.dma_semaphore, #tpu.memory_space<semaphore_mem>>)
    %add3A_42 = arith.constant 14400 : i32
    %add3A_43 = arith.addi %mul3A_2, %add3A_42 : i32
    %dma_start3A_44 = arith.constant 0 : i32
    %dma_start3A_45 = tpu.memref_slice %arg10[%add3A_43, %dma_start3A_44] : memref<480000x16xf32, #tpu.memory_space<hbm>> -> memref<600x16xf32, #tpu.memory_space<hbm>>
    %dma_start3A_46 = arith.constant 0 : i32
    %dma_start3A_47 = tpu.memref_slice %arg10[%add3A_43, %dma_start3A_46] : memref<480000x16xf32, #tpu.memory_space<hbm>> -> memref<600x16xf32, #tpu.memory_space<hbm>>
    tpu.enqueue_dma source(%arg16 : memref<600x16xf32, #tpu.memory_space<vmem>>) target(%dma_start3A_47 : memref<600x16xf32, #tpu.memory_space<hbm>>) target_semaphore(%arg24 : memref<!tpu.dma_semaphore, #tpu.memory_space<semaphore_mem>>)
    %dma_wait3A_48 = arith.constant 0 : i32
    %dma_wait3A_49 = tpu.memref_slice %arg8[%mul3A_2, %dma_wait3A_48] : memref<480000x64xi32, #tpu.memory_space<hbm>> -> memref<600x64xi32, #tpu.memory_space<hbm>>
    %dma_wait3A_50 = arith.constant 0 : i32
    %dma_wait3A_51 = tpu.memref_slice %arg8[%mul3A_2, %dma_wait3A_50] : memref<480000x64xi32, #tpu.memory_space<hbm>> -> memref<600x64xi32, #tpu.memory_space<hbm>>
    tpu.wait_dma2 semaphore(%arg22 : memref<!tpu.dma_semaphore, #tpu.memory_space<semaphore_mem>>) src(%arg14 : memref<600x64xi32, #tpu.memory_space<vmem>>) dst(%dma_wait3A_51 : memref<600x64xi32, #tpu.memory_space<hbm>>)
    %dma_wait3A_52 = arith.constant 0 : i32
    %dma_wait3A_53 = tpu.memref_slice %arg10[%mul3A_2, %dma_wait3A_52] : memref<480000x16xf32, #tpu.memory_space<hbm>> -> memref<600x16xf32, #tpu.memory_space<hbm>>
    %dma_wait3A_54 = arith.constant 0 : i32
    %dma_wait3A_55 = tpu.memref_slice %arg10[%mul3A_2, %dma_wait3A_54] : memref<480000x16xf32, #tpu.memory_space<hbm>> -> memref<600x16xf32, #tpu.memory_space<hbm>>
    tpu.wait_dma2 semaphore(%arg24 : memref<!tpu.dma_semaphore, #tpu.memory_space<semaphore_mem>>) src(%arg16 : memref<600x16xf32, #tpu.memory_space<vmem>>) dst(%dma_wait3A_55 : memref<600x16xf32, #tpu.memory_space<hbm>>)
    "tpu.region"() ({
      %run_scoped3A = tpu.sem_alloc : memref<!tpu.dma_semaphore, #tpu.memory_space<semaphore_mem>>
      %dma_start3A_112 = tpu.memref_slice %arg5[%mul3A_2] : memref<480000xi32, #tpu.memory_space<hbm>> -> memref<15000xi32, #tpu.memory_space<hbm>>
      %dma_start3A_113 = tpu.memref_slice %arg5[%mul3A_2] : memref<480000xi32, #tpu.memory_space<hbm>> -> memref<15000xi32, #tpu.memory_space<hbm>>
      tpu.enqueue_dma source(%dma_start3A_113 : memref<15000xi32, #tpu.memory_space<hbm>>) target(%arg12 : memref<15000xi32, #tpu.memory_space<vmem>>) target_semaphore(%run_scoped3A : memref<!tpu.dma_semaphore, #tpu.memory_space<semaphore_mem>>)
      %dma_wait3A_114 = tpu.memref_slice %arg5[%mul3A_2] : memref<480000xi32, #tpu.memory_space<hbm>> -> memref<15000xi32, #tpu.memory_space<hbm>>
      %dma_wait3A_115 = tpu.memref_slice %arg5[%mul3A_2] : memref<480000xi32, #tpu.memory_space<hbm>> -> memref<15000xi32, #tpu.memory_space<hbm>>
      tpu.wait_dma2 semaphore(%run_scoped3A : memref<!tpu.dma_semaphore, #tpu.memory_space<semaphore_mem>>) src(%dma_wait3A_115 : memref<15000xi32, #tpu.memory_space<hbm>>) dst(%arg12 : memref<15000xi32, #tpu.memory_space<vmem>>)
      tpu.yield
    }) : () -> ()
    "tpu.region"() ({
      %run_scoped3A = tpu.sem_alloc : memref<!tpu.dma_semaphore, #tpu.memory_space<semaphore_mem>>
      %dma_start3A_112 = tpu.memref_slice %arg7[%mul3A_2] : memref<480000xi32, #tpu.memory_space<hbm>> -> memref<15000xi32, #tpu.memory_space<hbm>>
      %dma_start3A_113 = tpu.memref_slice %arg7[%mul3A_2] : memref<480000xi32, #tpu.memory_space<hbm>> -> memref<15000xi32, #tpu.memory_space<hbm>>
      tpu.enqueue_dma source(%dma_start3A_113 : memref<15000xi32, #tpu.memory_space<hbm>>) target(%arg13 : memref<15000xi32, #tpu.memory_space<vmem>>) target_semaphore(%run_scoped3A : memref<!tpu.dma_semaphore, #tpu.memory_space<semaphore_mem>>)
      %dma_wait3A_114 = tpu.memref_slice %arg7[%mul3A_2] : memref<480000xi32, #tpu.memory_space<hbm>> -> memref<15000xi32, #tpu.memory_space<hbm>>
      %dma_wait3A_115 = tpu.memref_slice %arg7[%mul3A_2] : memref<480000xi32, #tpu.memory_space<hbm>> -> memref<15000xi32, #tpu.memory_space<hbm>>
      tpu.wait_dma2 semaphore(%run_scoped3A : memref<!tpu.dma_semaphore, #tpu.memory_space<semaphore_mem>>) src(%dma_wait3A_115 : memref<15000xi32, #tpu.memory_space<hbm>>) dst(%arg13 : memref<15000xi32, #tpu.memory_space<vmem>>)
      tpu.yield
    }) : () -> ()
    %dma_start3A_56 = arith.constant 0 : i32
    %dma_start3A_57 = tpu.memref_slice %arg12[%dma_start3A_56] : memref<15000xi32, #tpu.memory_space<vmem>> -> memref<600xi32, #tpu.memory_space<vmem>>
    %dma_start3A_58 = arith.constant 0 : i32
    %dma_start3A_59 = arith.constant 0 : i32
    %dma_start3A_60 = tpu.memref_slice %arg2[%dma_start3A_58, %dma_start3A_59] : memref<20000x64xi32, #tpu.memory_space<hbm>> -> memref<20000x64xi32, #tpu.memory_space<hbm>>
    tpu.enqueue_indirect_dma source(%dma_start3A_60 : memref<20000x64xi32, #tpu.memory_space<hbm>>) target(%arg14 : memref<600x64xi32, #tpu.memory_space<vmem>>) offsets(%dma_start3A_57 : memref<600xi32, #tpu.memory_space<vmem>>) semaphore(%arg18 : memref<!tpu.dma_semaphore, #tpu.memory_space<semaphore_mem>>)
    %dma_start3A_61 = arith.constant 0 : i32
    %dma_start3A_62 = tpu.memref_slice %arg13[%dma_start3A_61] : memref<15000xi32, #tpu.memory_space<vmem>> -> memref<600xi32, #tpu.memory_space<vmem>>
    %dma_start3A_63 = arith.constant 0 : i32
    %dma_start3A_64 = arith.constant 0 : i32
    %dma_start3A_65 = tpu.memref_slice %arg3[%dma_start3A_63, %dma_start3A_64] : memref<20000x16xf32, #tpu.memory_space<hbm>> -> memref<20000x16xf32, #tpu.memory_space<hbm>>
    tpu.enqueue_indirect_dma source(%dma_start3A_65 : memref<20000x16xf32, #tpu.memory_space<hbm>>) target(%arg16 : memref<600x16xf32, #tpu.memory_space<vmem>>) offsets(%dma_start3A_62 : memref<600xi32, #tpu.memory_space<vmem>>) semaphore(%arg20 : memref<!tpu.dma_semaphore, #tpu.memory_space<semaphore_mem>>)
    %dma_start3A_66 = arith.constant 600 : i32
    %dma_start3A_67 = tpu.memref_slice %arg12[%dma_start3A_66] : memref<15000xi32, #tpu.memory_space<vmem>> -> memref<600xi32, #tpu.memory_space<vmem>>
    %dma_start3A_68 = arith.constant 0 : i32
    %dma_start3A_69 = arith.constant 0 : i32
    %dma_start3A_70 = tpu.memref_slice %arg2[%dma_start3A_68, %dma_start3A_69] : memref<20000x64xi32, #tpu.memory_space<hbm>> -> memref<20000x64xi32, #tpu.memory_space<hbm>>
    tpu.enqueue_indirect_dma source(%dma_start3A_70 : memref<20000x64xi32, #tpu.memory_space<hbm>>) target(%arg15 : memref<600x64xi32, #tpu.memory_space<vmem>>) offsets(%dma_start3A_67 : memref<600xi32, #tpu.memory_space<vmem>>) semaphore(%arg19 : memref<!tpu.dma_semaphore, #tpu.memory_space<semaphore_mem>>)
    %dma_start3A_71 = arith.constant 600 : i32
    %dma_start3A_72 = tpu.memref_slice %arg13[%dma_start3A_71] : memref<15000xi32, #tpu.memory_space<vmem>> -> memref<600xi32, #tpu.memory_space<vmem>>
    %dma_start3A_73 = arith.constant 0 : i32
    %dma_start3A_74 = arith.constant 0 : i32
    %dma_start3A_75 = tpu.memref_slice %arg3[%dma_start3A_73, %dma_start3A_74] : memref<20000x16xf32, #tpu.memory_space<hbm>> -> memref<20000x16xf32, #tpu.memory_space<hbm>>
    tpu.enqueue_indirect_dma source(%dma_start3A_75 : memref<20000x16xf32, #tpu.memory_space<hbm>>) target(%arg17 : memref<600x16xf32, #tpu.memory_space<vmem>>) offsets(%dma_start3A_72 : memref<600xi32, #tpu.memory_space<vmem>>) semaphore(%arg21 : memref<!tpu.dma_semaphore, #tpu.memory_space<semaphore_mem>>)
    %scan3A_76 = arith.constant 0 : i32
    %scan3A_77 = arith.constant 0 : i32
    %scan3A_78 = arith.constant 12 : i32
    %scan3A_79 = arith.addi %scan3A_77, %scan3A_78 : i32
    %scan3A_80 = arith.constant 1 : i32
    scf.for %scan3A_112 = %scan3A_77 to %scan3A_79 step %scan3A_80  : i32 {
      %mul3A_113 = arith.constant 2 : i32
      %mul3A_114 = arith.muli %mul3A_113, %scan3A_112 : i32
      %add3A_115 = arith.constant 1 : i32
      %add3A_116 = arith.addi %mul3A_114, %add3A_115 : i32
      %dma_wait3A_117 = arith.constant 0 : i32
      %dma_wait3A_118 = tpu.memref_slice %arg12[%dma_wait3A_117] : memref<15000xi32, #tpu.memory_space<vmem>> -> memref<600xi32, #tpu.memory_space<vmem>>
      %dma_wait3A_119 = arith.constant 0 : i32
      %dma_wait3A_120 = arith.constant 0 : i32
      %dma_wait3A_121 = tpu.memref_slice %arg2[%dma_wait3A_119, %dma_wait3A_120] : memref<20000x64xi32, #tpu.memory_space<hbm>> -> memref<20000x64xi32, #tpu.memory_space<hbm>>
      tpu.wait_indirect_dma semaphore(%arg18 : memref<!tpu.dma_semaphore, #tpu.memory_space<semaphore_mem>>) src(%dma_wait3A_121 : memref<20000x64xi32, #tpu.memory_space<hbm>>) dst(%arg14 : memref<600x64xi32, #tpu.memory_space<vmem>>)
      %dma_wait3A_122 = arith.constant 0 : i32
      %dma_wait3A_123 = tpu.memref_slice %arg13[%dma_wait3A_122] : memref<15000xi32, #tpu.memory_space<vmem>> -> memref<600xi32, #tpu.memory_space<vmem>>
      %dma_wait3A_124 = arith.constant 0 : i32
      %dma_wait3A_125 = arith.constant 0 : i32
      %dma_wait3A_126 = tpu.memref_slice %arg3[%dma_wait3A_124, %dma_wait3A_125] : memref<20000x16xf32, #tpu.memory_space<hbm>> -> memref<20000x16xf32, #tpu.memory_space<hbm>>
      tpu.wait_indirect_dma semaphore(%arg20 : memref<!tpu.dma_semaphore, #tpu.memory_space<semaphore_mem>>) src(%dma_wait3A_126 : memref<20000x16xf32, #tpu.memory_space<hbm>>) dst(%arg16 : memref<600x16xf32, #tpu.memory_space<vmem>>)
      %mul3A_127 = arith.constant 600 : i32
      %mul3A_128 = arith.muli %mul3A_114, %mul3A_127 : i32
      %add3A_129 = arith.addi %mul3A_2, %mul3A_128 : i32
      %dma_start3A_130 = arith.constant 0 : i32
      %dma_start3A_131 = tpu.memref_slice %arg9[%add3A_129, %dma_start3A_130] : memref<480000x64xi32, #tpu.memory_space<hbm>> -> memref<600x64xi32, #tpu.memory_space<hbm>>
      %dma_start3A_132 = arith.constant 0 : i32
      %dma_start3A_133 = tpu.memref_slice %arg9[%add3A_129, %dma_start3A_132] : memref<480000x64xi32, #tpu.memory_space<hbm>> -> memref<600x64xi32, #tpu.memory_space<hbm>>
      tpu.enqueue_dma source(%arg14 : memref<600x64xi32, #tpu.memory_space<vmem>>) target(%dma_start3A_133 : memref<600x64xi32, #tpu.memory_space<hbm>>) target_semaphore(%arg22 : memref<!tpu.dma_semaphore, #tpu.memory_space<semaphore_mem>>)
      %mul3A_134 = arith.constant 600 : i32
      %mul3A_135 = arith.muli %mul3A_114, %mul3A_134 : i32
      %add3A_136 = arith.addi %mul3A_2, %mul3A_135 : i32
      %dma_start3A_137 = arith.constant 0 : i32
      %dma_start3A_138 = tpu.memref_slice %arg11[%add3A_136, %dma_start3A_137] : memref<480000x16xf32, #tpu.memory_space<hbm>> -> memref<600x16xf32, #tpu.memory_space<hbm>>
      %dma_start3A_139 = arith.constant 0 : i32
      %dma_start3A_140 = tpu.memref_slice %arg11[%add3A_136, %dma_start3A_139] : memref<480000x16xf32, #tpu.memory_space<hbm>> -> memref<600x16xf32, #tpu.memory_space<hbm>>
      tpu.enqueue_dma source(%arg16 : memref<600x16xf32, #tpu.memory_space<vmem>>) target(%dma_start3A_140 : memref<600x16xf32, #tpu.memory_space<hbm>>) target_semaphore(%arg24 : memref<!tpu.dma_semaphore, #tpu.memory_space<semaphore_mem>>)
      %dma_wait3A_141 = arith.constant 0 : i32
      %dma_wait3A_142 = tpu.memref_slice %arg12[%dma_wait3A_141] : memref<15000xi32, #tpu.memory_space<vmem>> -> memref<600xi32, #tpu.memory_space<vmem>>
      %dma_wait3A_143 = arith.constant 0 : i32
      %dma_wait3A_144 = arith.constant 0 : i32
      %dma_wait3A_145 = tpu.memref_slice %arg2[%dma_wait3A_143, %dma_wait3A_144] : memref<20000x64xi32, #tpu.memory_space<hbm>> -> memref<20000x64xi32, #tpu.memory_space<hbm>>
      tpu.wait_indirect_dma semaphore(%arg19 : memref<!tpu.dma_semaphore, #tpu.memory_space<semaphore_mem>>) src(%dma_wait3A_145 : memref<20000x64xi32, #tpu.memory_space<hbm>>) dst(%arg15 : memref<600x64xi32, #tpu.memory_space<vmem>>)
      %dma_wait3A_146 = arith.constant 0 : i32
      %dma_wait3A_147 = tpu.memref_slice %arg13[%dma_wait3A_146] : memref<15000xi32, #tpu.memory_space<vmem>> -> memref<600xi32, #tpu.memory_space<vmem>>
      %dma_wait3A_148 = arith.constant 0 : i32
      %dma_wait3A_149 = arith.constant 0 : i32
      %dma_wait3A_150 = tpu.memref_slice %arg3[%dma_wait3A_148, %dma_wait3A_149] : memref<20000x16xf32, #tpu.memory_space<hbm>> -> memref<20000x16xf32, #tpu.memory_space<hbm>>
      tpu.wait_indirect_dma semaphore(%arg21 : memref<!tpu.dma_semaphore, #tpu.memory_space<semaphore_mem>>) src(%dma_wait3A_150 : memref<20000x16xf32, #tpu.memory_space<hbm>>) dst(%arg17 : memref<600x16xf32, #tpu.memory_space<vmem>>)
      %mul3A_151 = arith.constant 600 : i32
      %mul3A_152 = arith.muli %add3A_116, %mul3A_151 : i32
      %add3A_153 = arith.addi %mul3A_2, %mul3A_152 : i32
      %dma_start3A_154 = arith.constant 0 : i32
      %dma_start3A_155 = tpu.memref_slice %arg9[%add3A_153, %dma_start3A_154] : memref<480000x64xi32, #tpu.memory_space<hbm>> -> memref<600x64xi32, #tpu.memory_space<hbm>>
      %dma_start3A_156 = arith.constant 0 : i32
      %dma_start3A_157 = tpu.memref_slice %arg9[%add3A_153, %dma_start3A_156] : memref<480000x64xi32, #tpu.memory_space<hbm>> -> memref<600x64xi32, #tpu.memory_space<hbm>>
      tpu.enqueue_dma source(%arg15 : memref<600x64xi32, #tpu.memory_space<vmem>>) target(%dma_start3A_157 : memref<600x64xi32, #tpu.memory_space<hbm>>) target_semaphore(%arg23 : memref<!tpu.dma_semaphore, #tpu.memory_space<semaphore_mem>>)
      %mul3A_158 = arith.constant 600 : i32
      %mul3A_159 = arith.muli %add3A_116, %mul3A_158 : i32
      %add3A_160 = arith.addi %mul3A_2, %mul3A_159 : i32
      %dma_start3A_161 = arith.constant 0 : i32
      %dma_start3A_162 = tpu.memref_slice %arg11[%add3A_160, %dma_start3A_161] : memref<480000x16xf32, #tpu.memory_space<hbm>> -> memref<600x16xf32, #tpu.memory_space<hbm>>
      %dma_start3A_163 = arith.constant 0 : i32
      %dma_start3A_164 = tpu.memref_slice %arg11[%add3A_160, %dma_start3A_163] : memref<480000x16xf32, #tpu.memory_space<hbm>> -> memref<600x16xf32, #tpu.memory_space<hbm>>
      tpu.enqueue_dma source(%arg17 : memref<600x16xf32, #tpu.memory_space<vmem>>) target(%dma_start3A_164 : memref<600x16xf32, #tpu.memory_space<hbm>>) target_semaphore(%arg25 : memref<!tpu.dma_semaphore, #tpu.memory_space<semaphore_mem>>)
      %dma_wait3A_165 = arith.constant 0 : i32
      %dma_wait3A_166 = tpu.memref_slice %arg9[%mul3A_2, %dma_wait3A_165] : memref<480000x64xi32, #tpu.memory_space<hbm>> -> memref<600x64xi32, #tpu.memory_space<hbm>>
      %dma_wait3A_167 = arith.constant 0 : i32
      %dma_wait3A_168 = tpu.memref_slice %arg9[%mul3A_2, %dma_wait3A_167] : memref<480000x64xi32, #tpu.memory_space<hbm>> -> memref<600x64xi32, #tpu.memory_space<hbm>>
      tpu.wait_dma2 semaphore(%arg22 : memref<!tpu.dma_semaphore, #tpu.memory_space<semaphore_mem>>) src(%arg14 : memref<600x64xi32, #tpu.memory_space<vmem>>) dst(%dma_wait3A_168 : memref<600x64xi32, #tpu.memory_space<hbm>>)
      %dma_wait3A_169 = arith.constant 0 : i32
      %dma_wait3A_170 = tpu.memref_slice %arg11[%mul3A_2, %dma_wait3A_169] : memref<480000x16xf32, #tpu.memory_space<hbm>> -> memref<600x16xf32, #tpu.memory_space<hbm>>
      %dma_wait3A_171 = arith.constant 0 : i32
      %dma_wait3A_172 = tpu.memref_slice %arg11[%mul3A_2, %dma_wait3A_171] : memref<480000x16xf32, #tpu.memory_space<hbm>> -> memref<600x16xf32, #tpu.memory_space<hbm>>
      tpu.wait_dma2 semaphore(%arg24 : memref<!tpu.dma_semaphore, #tpu.memory_space<semaphore_mem>>) src(%arg16 : memref<600x16xf32, #tpu.memory_space<vmem>>) dst(%dma_wait3A_172 : memref<600x16xf32, #tpu.memory_space<hbm>>)
      %add3A_173 = arith.constant 2 : i32
      %add3A_174 = arith.addi %mul3A_114, %add3A_173 : i32
      %lt3A = arith.constant 25 : i32
      %lt3A_175 = arith.cmpi slt, %add3A_174, %lt3A : i32
      %convert_element_type3A = arith.extui %lt3A_175 : i1 to i32
      %cond3A = arith.constant 0 : i32
      %cond3A_176 = arith.cmpi ne, %convert_element_type3A, %cond3A : i32
      scf.if %cond3A_176 {
        %add3A_192 = arith.constant 2 : i32
        %add3A_193 = arith.addi %mul3A_114, %add3A_192 : i32
        %mul3A_194 = arith.constant 600 : i32
        %mul3A_195 = arith.muli %add3A_193, %mul3A_194 : i32
        %dma_start3A_196 = tpu.memref_slice %arg12[%mul3A_195] : memref<15000xi32, #tpu.memory_space<vmem>> -> memref<600xi32, #tpu.memory_space<vmem>>
        %dma_start3A_197 = arith.constant 0 : i32
        %dma_start3A_198 = arith.constant 0 : i32
        %dma_start3A_199 = tpu.memref_slice %arg2[%dma_start3A_197, %dma_start3A_198] : memref<20000x64xi32, #tpu.memory_space<hbm>> -> memref<20000x64xi32, #tpu.memory_space<hbm>>
        tpu.enqueue_indirect_dma source(%dma_start3A_199 : memref<20000x64xi32, #tpu.memory_space<hbm>>) target(%arg14 : memref<600x64xi32, #tpu.memory_space<vmem>>) offsets(%dma_start3A_196 : memref<600xi32, #tpu.memory_space<vmem>>) semaphore(%arg18 : memref<!tpu.dma_semaphore, #tpu.memory_space<semaphore_mem>>)
        %mul3A_200 = arith.constant 600 : i32
        %mul3A_201 = arith.muli %add3A_193, %mul3A_200 : i32
        %dma_start3A_202 = tpu.memref_slice %arg13[%mul3A_201] : memref<15000xi32, #tpu.memory_space<vmem>> -> memref<600xi32, #tpu.memory_space<vmem>>
        %dma_start3A_203 = arith.constant 0 : i32
        %dma_start3A_204 = arith.constant 0 : i32
        %dma_start3A_205 = tpu.memref_slice %arg3[%dma_start3A_203, %dma_start3A_204] : memref<20000x16xf32, #tpu.memory_space<hbm>> -> memref<20000x16xf32, #tpu.memory_space<hbm>>
        tpu.enqueue_indirect_dma source(%dma_start3A_205 : memref<20000x16xf32, #tpu.memory_space<hbm>>) target(%arg16 : memref<600x16xf32, #tpu.memory_space<vmem>>) offsets(%dma_start3A_202 : memref<600xi32, #tpu.memory_space<vmem>>) semaphore(%arg20 : memref<!tpu.dma_semaphore, #tpu.memory_space<semaphore_mem>>)
      } else {
      }
      %dma_wait3A_177 = arith.constant 0 : i32
      %dma_wait3A_178 = tpu.memref_slice %arg9[%mul3A_2, %dma_wait3A_177] : memref<480000x64xi32, #tpu.memory_space<hbm>> -> memref<600x64xi32, #tpu.memory_space<hbm>>
      %dma_wait3A_179 = arith.constant 0 : i32
      %dma_wait3A_180 = tpu.memref_slice %arg9[%mul3A_2, %dma_wait3A_179] : memref<480000x64xi32, #tpu.memory_space<hbm>> -> memref<600x64xi32, #tpu.memory_space<hbm>>
      tpu.wait_dma2 semaphore(%arg23 : memref<!tpu.dma_semaphore, #tpu.memory_space<semaphore_mem>>) src(%arg15 : memref<600x64xi32, #tpu.memory_space<vmem>>) dst(%dma_wait3A_180 : memref<600x64xi32, #tpu.memory_space<hbm>>)
      %dma_wait3A_181 = arith.constant 0 : i32
      %dma_wait3A_182 = tpu.memref_slice %arg11[%mul3A_2, %dma_wait3A_181] : memref<480000x16xf32, #tpu.memory_space<hbm>> -> memref<600x16xf32, #tpu.memory_space<hbm>>
      %dma_wait3A_183 = arith.constant 0 : i32
      %dma_wait3A_184 = tpu.memref_slice %arg11[%mul3A_2, %dma_wait3A_183] : memref<480000x16xf32, #tpu.memory_space<hbm>> -> memref<600x16xf32, #tpu.memory_space<hbm>>
      tpu.wait_dma2 semaphore(%arg25 : memref<!tpu.dma_semaphore, #tpu.memory_space<semaphore_mem>>) src(%arg17 : memref<600x16xf32, #tpu.memory_space<vmem>>) dst(%dma_wait3A_184 : memref<600x16xf32, #tpu.memory_space<hbm>>)
      %add3A_185 = arith.constant 2 : i32
      %add3A_186 = arith.addi %add3A_116, %add3A_185 : i32
      %lt3A_187 = arith.constant 25 : i32
      %lt3A_188 = arith.cmpi slt, %add3A_186, %lt3A_187 : i32
      %convert_element_type3A_189 = arith.extui %lt3A_188 : i1 to i32
      %cond3A_190 = arith.constant 0 : i32
      %cond3A_191 = arith.cmpi ne, %convert_element_type3A_189, %cond3A_190 : i32
      scf.if %cond3A_191 {
        %add3A_192 = arith.constant 2 : i32
        %add3A_193 = arith.addi %add3A_116, %add3A_192 : i32
        %mul3A_194 = arith.constant 600 : i32
        %mul3A_195 = arith.muli %add3A_193, %mul3A_194 : i32
        %dma_start3A_196 = tpu.memref_slice %arg12[%mul3A_195] : memref<15000xi32, #tpu.memory_space<vmem>> -> memref<600xi32, #tpu.memory_space<vmem>>
        %dma_start3A_197 = arith.constant 0 : i32
        %dma_start3A_198 = arith.constant 0 : i32
        %dma_start3A_199 = tpu.memref_slice %arg2[%dma_start3A_197, %dma_start3A_198] : memref<20000x64xi32, #tpu.memory_space<hbm>> -> memref<20000x64xi32, #tpu.memory_space<hbm>>
        tpu.enqueue_indirect_dma source(%dma_start3A_199 : memref<20000x64xi32, #tpu.memory_space<hbm>>) target(%arg15 : memref<600x64xi32, #tpu.memory_space<vmem>>) offsets(%dma_start3A_196 : memref<600xi32, #tpu.memory_space<vmem>>) semaphore(%arg19 : memref<!tpu.dma_semaphore, #tpu.memory_space<semaphore_mem>>)
        %mul3A_200 = arith.constant 600 : i32
        %mul3A_201 = arith.muli %add3A_193, %mul3A_200 : i32
        %dma_start3A_202 = tpu.memref_slice %arg13[%mul3A_201] : memref<15000xi32, #tpu.memory_space<vmem>> -> memref<600xi32, #tpu.memory_space<vmem>>
        %dma_start3A_203 = arith.constant 0 : i32
        %dma_start3A_204 = arith.constant 0 : i32
        %dma_start3A_205 = tpu.memref_slice %arg3[%dma_start3A_203, %dma_start3A_204] : memref<20000x16xf32, #tpu.memory_space<hbm>> -> memref<20000x16xf32, #tpu.memory_space<hbm>>
        tpu.enqueue_indirect_dma source(%dma_start3A_205 : memref<20000x16xf32, #tpu.memory_space<hbm>>) target(%arg17 : memref<600x16xf32, #tpu.memory_space<vmem>>) offsets(%dma_start3A_202 : memref<600xi32, #tpu.memory_space<vmem>>) semaphore(%arg21 : memref<!tpu.dma_semaphore, #tpu.memory_space<semaphore_mem>>)
      } else {
      }
    }
    %scan3A_81 = arith.constant 12 : i32
    %dma_wait3A_82 = arith.constant 0 : i32
    %dma_wait3A_83 = tpu.memref_slice %arg12[%dma_wait3A_82] : memref<15000xi32, #tpu.memory_space<vmem>> -> memref<600xi32, #tpu.memory_space<vmem>>
    %dma_wait3A_84 = arith.constant 0 : i32
    %dma_wait3A_85 = arith.constant 0 : i32
    %dma_wait3A_86 = tpu.memref_slice %arg2[%dma_wait3A_84, %dma_wait3A_85] : memref<20000x64xi32, #tpu.memory_space<hbm>> -> memref<20000x64xi32, #tpu.memory_space<hbm>>
    tpu.wait_indirect_dma semaphore(%arg18 : memref<!tpu.dma_semaphore, #tpu.memory_space<semaphore_mem>>) src(%dma_wait3A_86 : memref<20000x64xi32, #tpu.memory_space<hbm>>) dst(%arg14 : memref<600x64xi32, #tpu.memory_space<vmem>>)
    %dma_wait3A_87 = arith.constant 0 : i32
    %dma_wait3A_88 = tpu.memref_slice %arg13[%dma_wait3A_87] : memref<15000xi32, #tpu.memory_space<vmem>> -> memref<600xi32, #tpu.memory_space<vmem>>
    %dma_wait3A_89 = arith.constant 0 : i32
    %dma_wait3A_90 = arith.constant 0 : i32
    %dma_wait3A_91 = tpu.memref_slice %arg3[%dma_wait3A_89, %dma_wait3A_90] : memref<20000x16xf32, #tpu.memory_space<hbm>> -> memref<20000x16xf32, #tpu.memory_space<hbm>>
    tpu.wait_indirect_dma semaphore(%arg20 : memref<!tpu.dma_semaphore, #tpu.memory_space<semaphore_mem>>) src(%dma_wait3A_91 : memref<20000x16xf32, #tpu.memory_space<hbm>>) dst(%arg16 : memref<600x16xf32, #tpu.memory_space<vmem>>)
    %add3A_92 = arith.constant 14400 : i32
    %add3A_93 = arith.addi %mul3A_2, %add3A_92 : i32
    %dma_start3A_94 = arith.constant 0 : i32
    %dma_start3A_95 = tpu.memref_slice %arg9[%add3A_93, %dma_start3A_94] : memref<480000x64xi32, #tpu.memory_space<hbm>> -> memref<600x64xi32, #tpu.memory_space<hbm>>
    %dma_start3A_96 = arith.constant 0 : i32
    %dma_start3A_97 = tpu.memref_slice %arg9[%add3A_93, %dma_start3A_96] : memref<480000x64xi32, #tpu.memory_space<hbm>> -> memref<600x64xi32, #tpu.memory_space<hbm>>
    tpu.enqueue_dma source(%arg14 : memref<600x64xi32, #tpu.memory_space<vmem>>) target(%dma_start3A_97 : memref<600x64xi32, #tpu.memory_space<hbm>>) target_semaphore(%arg22 : memref<!tpu.dma_semaphore, #tpu.memory_space<semaphore_mem>>)
    %add3A_98 = arith.constant 14400 : i32
    %add3A_99 = arith.addi %mul3A_2, %add3A_98 : i32
    %dma_start3A_100 = arith.constant 0 : i32
    %dma_start3A_101 = tpu.memref_slice %arg11[%add3A_99, %dma_start3A_100] : memref<480000x16xf32, #tpu.memory_space<hbm>> -> memref<600x16xf32, #tpu.memory_space<hbm>>
    %dma_start3A_102 = arith.constant 0 : i32
    %dma_start3A_103 = tpu.memref_slice %arg11[%add3A_99, %dma_start3A_102] : memref<480000x16xf32, #tpu.memory_space<hbm>> -> memref<600x16xf32, #tpu.memory_space<hbm>>
    tpu.enqueue_dma source(%arg16 : memref<600x16xf32, #tpu.memory_space<vmem>>) target(%dma_start3A_103 : memref<600x16xf32, #tpu.memory_space<hbm>>) target_semaphore(%arg24 : memref<!tpu.dma_semaphore, #tpu.memory_space<semaphore_mem>>)
    %dma_wait3A_104 = arith.constant 0 : i32
    %dma_wait3A_105 = tpu.memref_slice %arg9[%mul3A_2, %dma_wait3A_104] : memref<480000x64xi32, #tpu.memory_space<hbm>> -> memref<600x64xi32, #tpu.memory_space<hbm>>
    %dma_wait3A_106 = arith.constant 0 : i32
    %dma_wait3A_107 = tpu.memref_slice %arg9[%mul3A_2, %dma_wait3A_106] : memref<480000x64xi32, #tpu.memory_space<hbm>> -> memref<600x64xi32, #tpu.memory_space<hbm>>
    tpu.wait_dma2 semaphore(%arg22 : memref<!tpu.dma_semaphore, #tpu.memory_space<semaphore_mem>>) src(%arg14 : memref<600x64xi32, #tpu.memory_space<vmem>>) dst(%dma_wait3A_107 : memref<600x64xi32, #tpu.memory_space<hbm>>)
    %dma_wait3A_108 = arith.constant 0 : i32
    %dma_wait3A_109 = tpu.memref_slice %arg11[%mul3A_2, %dma_wait3A_108] : memref<480000x16xf32, #tpu.memory_space<hbm>> -> memref<600x16xf32, #tpu.memory_space<hbm>>
    %dma_wait3A_110 = arith.constant 0 : i32
    %dma_wait3A_111 = tpu.memref_slice %arg11[%mul3A_2, %dma_wait3A_110] : memref<480000x16xf32, #tpu.memory_space<hbm>> -> memref<600x16xf32, #tpu.memory_space<hbm>>
    tpu.wait_dma2 semaphore(%arg24 : memref<!tpu.dma_semaphore, #tpu.memory_space<semaphore_mem>>) src(%arg16 : memref<600x16xf32, #tpu.memory_space<vmem>>) dst(%dma_wait3A_111 : memref<600x16xf32, #tpu.memory_space<hbm>>)
    return
  }
}

#map = affine_map<(d0, d1) -> (0, 0)>
#map1 = affine_map<(d0, d1) -> (0)>
module attributes {stable_mosaic.version = 14 : i64} {
  func.func @k(%arg0: i32, %arg1: i32, %arg2: memref<20000x64xi32, #tpu.memory_space<hbm>>, %arg3: memref<20000x16xf32, #tpu.memory_space<hbm>>, %arg4: memref<480000xi32, #tpu.memory_space<hbm>>, %arg5: memref<480000xi32, #tpu.memory_space<hbm>>, %arg6: memref<480000xi32, #tpu.memory_space<hbm>>, %arg7: memref<480000xi32, #tpu.memory_space<hbm>>, %arg8: memref<480000x64xi32, #tpu.memory_space<hbm>>, %arg9: memref<480000x64xi32, #tpu.memory_space<hbm>>, %arg10: memref<480000x16xf32, #tpu.memory_space<hbm>>, %arg11: memref<480000x16xf32, #tpu.memory_space<hbm>>, %arg12: memref<15000xi32, #tpu.memory_space<vmem>>, %arg13: memref<15000xi32, #tpu.memory_space<vmem>>, %arg14: memref<600x64xi32, #tpu.memory_space<vmem>>, %arg15: memref<600x64xi32, #tpu.memory_space<vmem>>, %arg16: memref<600x16xf32, #tpu.memory_space<vmem>>, %arg17: memref<600x16xf32, #tpu.memory_space<vmem>>, %arg18: memref<!tpu.dma_semaphore, #tpu.memory_space<semaphore_mem>>, %arg19: memref<!tpu.dma_semaphore, #tpu.memory_space<semaphore_mem>>, %arg20: memref<!tpu.dma_semaphore, #tpu.memory_space<semaphore_mem>>, %arg21: memref<!tpu.dma_semaphore, #tpu.memory_space<semaphore_mem>>, %arg22: memref<!tpu.dma_semaphore, #tpu.memory_space<semaphore_mem>>, %arg23: memref<!tpu.dma_semaphore, #tpu.memory_space<semaphore_mem>>, %arg24: memref<!tpu.dma_semaphore, #tpu.memory_space<semaphore_mem>>, %arg25: memref<!tpu.dma_semaphore, #tpu.memory_space<semaphore_mem>>) attributes {dimension_semantics = [#tpu.dimension_semantics<core_parallel>, #tpu.dimension_semantics<subcore_parallel>], iteration_bounds = array<i64: 2, 16>, scalar_prefetch = 0 : i64, scratch_operands = 14 : i64, tpu.core_type = #tpu.core_type<sc_vector_subcore>, window_params = [{transform_indices = #map}, {transform_indices = #map}, {transform_indices = #map1}, {transform_indices = #map1}, {transform_indices = #map1}, {transform_indices = #map1}, {transform_indices = #map}, {transform_indices = #map}, {transform_indices = #map}, {transform_indices = #map}]} {
    %mul3A = arith.constant 2 : i32
    %mul3A_0 = arith.muli %arg1, %mul3A : i32
    %add3A = arith.addi %mul3A_0, %arg0 : i32
    %mul3A_1 = arith.constant 15000 : i32
    %mul3A_2 = arith.muli %add3A, %mul3A_1 : i32
    "tpu.region"() ({
      %run_scoped3A = tpu.sem_alloc : memref<!tpu.dma_semaphore, #tpu.memory_space<semaphore_mem>>
      %dma_start3A_112 = tpu.memref_slice %arg4[%mul3A_2] : memref<480000xi32, #tpu.memory_space<hbm>> -> memref<15000xi32, #tpu.memory_space<hbm>>
      %dma_start3A_113 = tpu.memref_slice %arg4[%mul3A_2] : memref<480000xi32, #tpu.memory_space<hbm>> -> memref<15000xi32, #tpu.memory_space<hbm>>
      tpu.enqueue_dma source(%dma_start3A_113 : memref<15000xi32, #tpu.memory_space<hbm>>) target(%arg12 : memref<15000xi32, #tpu.memory_space<vmem>>) target_semaphore(%run_scoped3A : memref<!tpu.dma_semaphore, #tpu.memory_space<semaphore_mem>>)
      %dma_wait3A_114 = tpu.memref_slice %arg4[%mul3A_2] : memref<480000xi32, #tpu.memory_space<hbm>> -> memref<15000xi32, #tpu.memory_space<hbm>>
      %dma_wait3A_115 = tpu.memref_slice %arg4[%mul3A_2] : memref<480000xi32, #tpu.memory_space<hbm>> -> memref<15000xi32, #tpu.memory_space<hbm>>
      tpu.wait_dma2 semaphore(%run_scoped3A : memref<!tpu.dma_semaphore, #tpu.memory_space<semaphore_mem>>) src(%dma_wait3A_115 : memref<15000xi32, #tpu.memory_space<hbm>>) dst(%arg12 : memref<15000xi32, #tpu.memory_space<vmem>>)
      tpu.yield
    }) : () -> ()
    "tpu.region"() ({
      %run_scoped3A = tpu.sem_alloc : memref<!tpu.dma_semaphore, #tpu.memory_space<semaphore_mem>>
      %dma_start3A_112 = tpu.memref_slice %arg6[%mul3A_2] : memref<480000xi32, #tpu.memory_space<hbm>> -> memref<15000xi32, #tpu.memory_space<hbm>>
      %dma_start3A_113 = tpu.memref_slice %arg6[%mul3A_2] : memref<480000xi32, #tpu.memory_space<hbm>> -> memref<15000xi32, #tpu.memory_space<hbm>>
      tpu.enqueue_dma source(%dma_start3A_113 : memref<15000xi32, #tpu.memory_space<hbm>>) target(%arg13 : memref<15000xi32, #tpu.memory_space<vmem>>) target_semaphore(%run_scoped3A : memref<!tpu.dma_semaphore, #tpu.memory_space<semaphore_mem>>)
      %dma_wait3A_114 = tpu.memref_slice %arg6[%mul3A_2] : memref<480000xi32, #tpu.memory_space<hbm>> -> memref<15000xi32, #tpu.memory_space<hbm>>
      %dma_wait3A_115 = tpu.memref_slice %arg6[%mul3A_2] : memref<480000xi32, #tpu.memory_space<hbm>> -> memref<15000xi32, #tpu.memory_space<hbm>>
      tpu.wait_dma2 semaphore(%run_scoped3A : memref<!tpu.dma_semaphore, #tpu.memory_space<semaphore_mem>>) src(%dma_wait3A_115 : memref<15000xi32, #tpu.memory_space<hbm>>) dst(%arg13 : memref<15000xi32, #tpu.memory_space<vmem>>)
      tpu.yield
    }) : () -> ()
    %dma_start3A = arith.constant 0 : i32
    %dma_start3A_3 = tpu.memref_slice %arg12[%dma_start3A] : memref<15000xi32, #tpu.memory_space<vmem>> -> memref<600xi32, #tpu.memory_space<vmem>>
    %dma_start3A_4 = arith.constant 0 : i32
    %dma_start3A_5 = arith.constant 0 : i32
    %dma_start3A_6 = tpu.memref_slice %arg2[%dma_start3A_4, %dma_start3A_5] : memref<20000x64xi32, #tpu.memory_space<hbm>> -> memref<20000x64xi32, #tpu.memory_space<hbm>>
    tpu.enqueue_indirect_dma source(%dma_start3A_6 : memref<20000x64xi32, #tpu.memory_space<hbm>>) target(%arg14 : memref<600x64xi32, #tpu.memory_space<vmem>>) offsets(%dma_start3A_3 : memref<600xi32, #tpu.memory_space<vmem>>) semaphore(%arg18 : memref<!tpu.dma_semaphore, #tpu.memory_space<semaphore_mem>>)
    %dma_start3A_7 = arith.constant 0 : i32
    %dma_start3A_8 = tpu.memref_slice %arg13[%dma_start3A_7] : memref<15000xi32, #tpu.memory_space<vmem>> -> memref<600xi32, #tpu.memory_space<vmem>>
    %dma_start3A_9 = arith.constant 0 : i32
    %dma_start3A_10 = arith.constant 0 : i32
    %dma_start3A_11 = tpu.memref_slice %arg3[%dma_start3A_9, %dma_start3A_10] : memref<20000x16xf32, #tpu.memory_space<hbm>> -> memref<20000x16xf32, #tpu.memory_space<hbm>>
    tpu.enqueue_indirect_dma source(%dma_start3A_11 : memref<20000x16xf32, #tpu.memory_space<hbm>>) target(%arg16 : memref<600x16xf32, #tpu.memory_space<vmem>>) offsets(%dma_start3A_8 : memref<600xi32, #tpu.memory_space<vmem>>) semaphore(%arg20 : memref<!tpu.dma_semaphore, #tpu.memory_space<semaphore_mem>>)
    %dma_start3A_12 = arith.constant 600 : i32
    %dma_start3A_13 = tpu.memref_slice %arg12[%dma_start3A_12] : memref<15000xi32, #tpu.memory_space<vmem>> -> memref<600xi32, #tpu.memory_space<vmem>>
    %dma_start3A_14 = arith.constant 0 : i32
    %dma_start3A_15 = arith.constant 0 : i32
    %dma_start3A_16 = tpu.memref_slice %arg2[%dma_start3A_14, %dma_start3A_15] : memref<20000x64xi32, #tpu.memory_space<hbm>> -> memref<20000x64xi32, #tpu.memory_space<hbm>>
    tpu.enqueue_indirect_dma source(%dma_start3A_16 : memref<20000x64xi32, #tpu.memory_space<hbm>>) target(%arg15 : memref<600x64xi32, #tpu.memory_space<vmem>>) offsets(%dma_start3A_13 : memref<600xi32, #tpu.memory_space<vmem>>) semaphore(%arg19 : memref<!tpu.dma_semaphore, #tpu.memory_space<semaphore_mem>>)
    %dma_start3A_17 = arith.constant 600 : i32
    %dma_start3A_18 = tpu.memref_slice %arg13[%dma_start3A_17] : memref<15000xi32, #tpu.memory_space<vmem>> -> memref<600xi32, #tpu.memory_space<vmem>>
    %dma_start3A_19 = arith.constant 0 : i32
    %dma_start3A_20 = arith.constant 0 : i32
    %dma_start3A_21 = tpu.memref_slice %arg3[%dma_start3A_19, %dma_start3A_20] : memref<20000x16xf32, #tpu.memory_space<hbm>> -> memref<20000x16xf32, #tpu.memory_space<hbm>>
    tpu.enqueue_indirect_dma source(%dma_start3A_21 : memref<20000x16xf32, #tpu.memory_space<hbm>>) target(%arg17 : memref<600x16xf32, #tpu.memory_space<vmem>>) offsets(%dma_start3A_18 : memref<600xi32, #tpu.memory_space<vmem>>) semaphore(%arg21 : memref<!tpu.dma_semaphore, #tpu.memory_space<semaphore_mem>>)
    %scan3A = arith.constant 0 : i32
    %scan3A_22 = arith.constant 0 : i32
    %scan3A_23 = arith.constant 12 : i32
    %scan3A_24 = arith.addi %scan3A_22, %scan3A_23 : i32
    %scan3A_25 = arith.constant 1 : i32
    scf.for %scan3A_112 = %scan3A_22 to %scan3A_24 step %scan3A_25  : i32 {
      %mul3A_113 = arith.constant 2 : i32
      %mul3A_114 = arith.muli %mul3A_113, %scan3A_112 : i32
      %add3A_115 = arith.constant 1 : i32
      %add3A_116 = arith.addi %mul3A_114, %add3A_115 : i32
      %dma_wait3A_117 = arith.constant 0 : i32
      %dma_wait3A_118 = tpu.memref_slice %arg12[%dma_wait3A_117] : memref<15000xi32, #tpu.memory_space<vmem>> -> memref<600xi32, #tpu.memory_space<vmem>>
      %dma_wait3A_119 = arith.constant 0 : i32
      %dma_wait3A_120 = arith.constant 0 : i32
      %dma_wait3A_121 = tpu.memref_slice %arg2[%dma_wait3A_119, %dma_wait3A_120] : memref<20000x64xi32, #tpu.memory_space<hbm>> -> memref<20000x64xi32, #tpu.memory_space<hbm>>
      tpu.wait_indirect_dma semaphore(%arg18 : memref<!tpu.dma_semaphore, #tpu.memory_space<semaphore_mem>>) src(%dma_wait3A_121 : memref<20000x64xi32, #tpu.memory_space<hbm>>) dst(%arg14 : memref<600x64xi32, #tpu.memory_space<vmem>>)
      %dma_wait3A_122 = arith.constant 0 : i32
      %dma_wait3A_123 = tpu.memref_slice %arg13[%dma_wait3A_122] : memref<15000xi32, #tpu.memory_space<vmem>> -> memref<600xi32, #tpu.memory_space<vmem>>
      %dma_wait3A_124 = arith.constant 0 : i32
      %dma_wait3A_125 = arith.constant 0 : i32
      %dma_wait3A_126 = tpu.memref_slice %arg3[%dma_wait3A_124, %dma_wait3A_125] : memref<20000x16xf32, #tpu.memory_space<hbm>> -> memref<20000x16xf32, #tpu.memory_space<hbm>>
      tpu.wait_indirect_dma semaphore(%arg20 : memref<!tpu.dma_semaphore, #tpu.memory_space<semaphore_mem>>) src(%dma_wait3A_126 : memref<20000x16xf32, #tpu.memory_space<hbm>>) dst(%arg16 : memref<600x16xf32, #tpu.memory_space<vmem>>)
      %mul3A_127 = arith.constant 600 : i32
      %mul3A_128 = arith.muli %mul3A_114, %mul3A_127 : i32
      %add3A_129 = arith.addi %mul3A_2, %mul3A_128 : i32
      %dma_start3A_130 = arith.constant 0 : i32
      %dma_start3A_131 = tpu.memref_slice %arg8[%add3A_129, %dma_start3A_130] : memref<480000x64xi32, #tpu.memory_space<hbm>> -> memref<600x64xi32, #tpu.memory_space<hbm>>
      %dma_start3A_132 = arith.constant 0 : i32
      %dma_start3A_133 = tpu.memref_slice %arg8[%add3A_129, %dma_start3A_132] : memref<480000x64xi32, #tpu.memory_space<hbm>> -> memref<600x64xi32, #tpu.memory_space<hbm>>
      tpu.enqueue_dma source(%arg14 : memref<600x64xi32, #tpu.memory_space<vmem>>) target(%dma_start3A_133 : memref<600x64xi32, #tpu.memory_space<hbm>>) target_semaphore(%arg22 : memref<!tpu.dma_semaphore, #tpu.memory_space<semaphore_mem>>)
      %mul3A_134 = arith.constant 600 : i32
      %mul3A_135 = arith.muli %mul3A_114, %mul3A_134 : i32
      %add3A_136 = arith.addi %mul3A_2, %mul3A_135 : i32
      %dma_start3A_137 = arith.constant 0 : i32
      %dma_start3A_138 = tpu.memref_slice %arg10[%add3A_136, %dma_start3A_137] : memref<480000x16xf32, #tpu.memory_space<hbm>> -> memref<600x16xf32, #tpu.memory_space<hbm>>
      %dma_start3A_139 = arith.constant 0 : i32
      %dma_start3A_140 = tpu.memref_slice %arg10[%add3A_136, %dma_start3A_139] : memref<480000x16xf32, #tpu.memory_space<hbm>> -> memref<600x16xf32, #tpu.memory_space<hbm>>
      tpu.enqueue_dma source(%arg16 : memref<600x16xf32, #tpu.memory_space<vmem>>) target(%dma_start3A_140 : memref<600x16xf32, #tpu.memory_space<hbm>>) target_semaphore(%arg24 : memref<!tpu.dma_semaphore, #tpu.memory_space<semaphore_mem>>)
      %dma_wait3A_141 = arith.constant 0 : i32
      %dma_wait3A_142 = tpu.memref_slice %arg12[%dma_wait3A_141] : memref<15000xi32, #tpu.memory_space<vmem>> -> memref<600xi32, #tpu.memory_space<vmem>>
      %dma_wait3A_143 = arith.constant 0 : i32
      %dma_wait3A_144 = arith.constant 0 : i32
      %dma_wait3A_145 = tpu.memref_slice %arg2[%dma_wait3A_143, %dma_wait3A_144] : memref<20000x64xi32, #tpu.memory_space<hbm>> -> memref<20000x64xi32, #tpu.memory_space<hbm>>
      tpu.wait_indirect_dma semaphore(%arg19 : memref<!tpu.dma_semaphore, #tpu.memory_space<semaphore_mem>>) src(%dma_wait3A_145 : memref<20000x64xi32, #tpu.memory_space<hbm>>) dst(%arg15 : memref<600x64xi32, #tpu.memory_space<vmem>>)
      %dma_wait3A_146 = arith.constant 0 : i32
      %dma_wait3A_147 = tpu.memref_slice %arg13[%dma_wait3A_146] : memref<15000xi32, #tpu.memory_space<vmem>> -> memref<600xi32, #tpu.memory_space<vmem>>
      %dma_wait3A_148 = arith.constant 0 : i32
      %dma_wait3A_149 = arith.constant 0 : i32
      %dma_wait3A_150 = tpu.memref_slice %arg3[%dma_wait3A_148, %dma_wait3A_149] : memref<20000x16xf32, #tpu.memory_space<hbm>> -> memref<20000x16xf32, #tpu.memory_space<hbm>>
      tpu.wait_indirect_dma semaphore(%arg21 : memref<!tpu.dma_semaphore, #tpu.memory_space<semaphore_mem>>) src(%dma_wait3A_150 : memref<20000x16xf32, #tpu.memory_space<hbm>>) dst(%arg17 : memref<600x16xf32, #tpu.memory_space<vmem>>)
      %mul3A_151 = arith.constant 600 : i32
      %mul3A_152 = arith.muli %add3A_116, %mul3A_151 : i32
      %add3A_153 = arith.addi %mul3A_2, %mul3A_152 : i32
      %dma_start3A_154 = arith.constant 0 : i32
      %dma_start3A_155 = tpu.memref_slice %arg8[%add3A_153, %dma_start3A_154] : memref<480000x64xi32, #tpu.memory_space<hbm>> -> memref<600x64xi32, #tpu.memory_space<hbm>>
      %dma_start3A_156 = arith.constant 0 : i32
      %dma_start3A_157 = tpu.memref_slice %arg8[%add3A_153, %dma_start3A_156] : memref<480000x64xi32, #tpu.memory_space<hbm>> -> memref<600x64xi32, #tpu.memory_space<hbm>>
      tpu.enqueue_dma source(%arg15 : memref<600x64xi32, #tpu.memory_space<vmem>>) target(%dma_start3A_157 : memref<600x64xi32, #tpu.memory_space<hbm>>) target_semaphore(%arg23 : memref<!tpu.dma_semaphore, #tpu.memory_space<semaphore_mem>>)
      %mul3A_158 = arith.constant 600 : i32
      %mul3A_159 = arith.muli %add3A_116, %mul3A_158 : i32
      %add3A_160 = arith.addi %mul3A_2, %mul3A_159 : i32
      %dma_start3A_161 = arith.constant 0 : i32
      %dma_start3A_162 = tpu.memref_slice %arg10[%add3A_160, %dma_start3A_161] : memref<480000x16xf32, #tpu.memory_space<hbm>> -> memref<600x16xf32, #tpu.memory_space<hbm>>
      %dma_start3A_163 = arith.constant 0 : i32
      %dma_start3A_164 = tpu.memref_slice %arg10[%add3A_160, %dma_start3A_163] : memref<480000x16xf32, #tpu.memory_space<hbm>> -> memref<600x16xf32, #tpu.memory_space<hbm>>
      tpu.enqueue_dma source(%arg17 : memref<600x16xf32, #tpu.memory_space<vmem>>) target(%dma_start3A_164 : memref<600x16xf32, #tpu.memory_space<hbm>>) target_semaphore(%arg25 : memref<!tpu.dma_semaphore, #tpu.memory_space<semaphore_mem>>)
      %dma_wait3A_165 = arith.constant 0 : i32
      %dma_wait3A_166 = tpu.memref_slice %arg8[%mul3A_2, %dma_wait3A_165] : memref<480000x64xi32, #tpu.memory_space<hbm>> -> memref<600x64xi32, #tpu.memory_space<hbm>>
      %dma_wait3A_167 = arith.constant 0 : i32
      %dma_wait3A_168 = tpu.memref_slice %arg8[%mul3A_2, %dma_wait3A_167] : memref<480000x64xi32, #tpu.memory_space<hbm>> -> memref<600x64xi32, #tpu.memory_space<hbm>>
      tpu.wait_dma2 semaphore(%arg22 : memref<!tpu.dma_semaphore, #tpu.memory_space<semaphore_mem>>) src(%arg14 : memref<600x64xi32, #tpu.memory_space<vmem>>) dst(%dma_wait3A_168 : memref<600x64xi32, #tpu.memory_space<hbm>>)
      %dma_wait3A_169 = arith.constant 0 : i32
      %dma_wait3A_170 = tpu.memref_slice %arg10[%mul3A_2, %dma_wait3A_169] : memref<480000x16xf32, #tpu.memory_space<hbm>> -> memref<600x16xf32, #tpu.memory_space<hbm>>
      %dma_wait3A_171 = arith.constant 0 : i32
      %dma_wait3A_172 = tpu.memref_slice %arg10[%mul3A_2, %dma_wait3A_171] : memref<480000x16xf32, #tpu.memory_space<hbm>> -> memref<600x16xf32, #tpu.memory_space<hbm>>
      tpu.wait_dma2 semaphore(%arg24 : memref<!tpu.dma_semaphore, #tpu.memory_space<semaphore_mem>>) src(%arg16 : memref<600x16xf32, #tpu.memory_space<vmem>>) dst(%dma_wait3A_172 : memref<600x16xf32, #tpu.memory_space<hbm>>)
      %add3A_173 = arith.constant 2 : i32
      %add3A_174 = arith.addi %mul3A_114, %add3A_173 : i32
      %lt3A = arith.constant 25 : i32
      %lt3A_175 = arith.cmpi slt, %add3A_174, %lt3A : i32
      %convert_element_type3A = arith.extui %lt3A_175 : i1 to i32
      %cond3A = arith.constant 0 : i32
      %cond3A_176 = arith.cmpi ne, %convert_element_type3A, %cond3A : i32
      scf.if %cond3A_176 {
        %add3A_192 = arith.constant 2 : i32
        %add3A_193 = arith.addi %mul3A_114, %add3A_192 : i32
        %mul3A_194 = arith.constant 600 : i32
        %mul3A_195 = arith.muli %add3A_193, %mul3A_194 : i32
        %dma_start3A_196 = tpu.memref_slice %arg12[%mul3A_195] : memref<15000xi32, #tpu.memory_space<vmem>> -> memref<600xi32, #tpu.memory_space<vmem>>
        %dma_start3A_197 = arith.constant 0 : i32
        %dma_start3A_198 = arith.constant 0 : i32
        %dma_start3A_199 = tpu.memref_slice %arg2[%dma_start3A_197, %dma_start3A_198] : memref<20000x64xi32, #tpu.memory_space<hbm>> -> memref<20000x64xi32, #tpu.memory_space<hbm>>
        tpu.enqueue_indirect_dma source(%dma_start3A_199 : memref<20000x64xi32, #tpu.memory_space<hbm>>) target(%arg14 : memref<600x64xi32, #tpu.memory_space<vmem>>) offsets(%dma_start3A_196 : memref<600xi32, #tpu.memory_space<vmem>>) semaphore(%arg18 : memref<!tpu.dma_semaphore, #tpu.memory_space<semaphore_mem>>)
        %mul3A_200 = arith.constant 600 : i32
        %mul3A_201 = arith.muli %add3A_193, %mul3A_200 : i32
        %dma_start3A_202 = tpu.memref_slice %arg13[%mul3A_201] : memref<15000xi32, #tpu.memory_space<vmem>> -> memref<600xi32, #tpu.memory_space<vmem>>
        %dma_start3A_203 = arith.constant 0 : i32
        %dma_start3A_204 = arith.constant 0 : i32
        %dma_start3A_205 = tpu.memref_slice %arg3[%dma_start3A_203, %dma_start3A_204] : memref<20000x16xf32, #tpu.memory_space<hbm>> -> memref<20000x16xf32, #tpu.memory_space<hbm>>
        tpu.enqueue_indirect_dma source(%dma_start3A_205 : memref<20000x16xf32, #tpu.memory_space<hbm>>) target(%arg16 : memref<600x16xf32, #tpu.memory_space<vmem>>) offsets(%dma_start3A_202 : memref<600xi32, #tpu.memory_space<vmem>>) semaphore(%arg20 : memref<!tpu.dma_semaphore, #tpu.memory_space<semaphore_mem>>)
      } else {
      }
      %dma_wait3A_177 = arith.constant 0 : i32
      %dma_wait3A_178 = tpu.memref_slice %arg8[%mul3A_2, %dma_wait3A_177] : memref<480000x64xi32, #tpu.memory_space<hbm>> -> memref<600x64xi32, #tpu.memory_space<hbm>>
      %dma_wait3A_179 = arith.constant 0 : i32
      %dma_wait3A_180 = tpu.memref_slice %arg8[%mul3A_2, %dma_wait3A_179] : memref<480000x64xi32, #tpu.memory_space<hbm>> -> memref<600x64xi32, #tpu.memory_space<hbm>>
      tpu.wait_dma2 semaphore(%arg23 : memref<!tpu.dma_semaphore, #tpu.memory_space<semaphore_mem>>) src(%arg15 : memref<600x64xi32, #tpu.memory_space<vmem>>) dst(%dma_wait3A_180 : memref<600x64xi32, #tpu.memory_space<hbm>>)
      %dma_wait3A_181 = arith.constant 0 : i32
      %dma_wait3A_182 = tpu.memref_slice %arg10[%mul3A_2, %dma_wait3A_181] : memref<480000x16xf32, #tpu.memory_space<hbm>> -> memref<600x16xf32, #tpu.memory_space<hbm>>
      %dma_wait3A_183 = arith.constant 0 : i32
      %dma_wait3A_184 = tpu.memref_slice %arg10[%mul3A_2, %dma_wait3A_183] : memref<480000x16xf32, #tpu.memory_space<hbm>> -> memref<600x16xf32, #tpu.memory_space<hbm>>
      tpu.wait_dma2 semaphore(%arg25 : memref<!tpu.dma_semaphore, #tpu.memory_space<semaphore_mem>>) src(%arg17 : memref<600x16xf32, #tpu.memory_space<vmem>>) dst(%dma_wait3A_184 : memref<600x16xf32, #tpu.memory_space<hbm>>)
      %add3A_185 = arith.constant 2 : i32
      %add3A_186 = arith.addi %add3A_116, %add3A_185 : i32
      %lt3A_187 = arith.constant 25 : i32
      %lt3A_188 = arith.cmpi slt, %add3A_186, %lt3A_187 : i32
      %convert_element_type3A_189 = arith.extui %lt3A_188 : i1 to i32
      %cond3A_190 = arith.constant 0 : i32
      %cond3A_191 = arith.cmpi ne, %convert_element_type3A_189, %cond3A_190 : i32
      scf.if %cond3A_191 {
        %add3A_192 = arith.constant 2 : i32
        %add3A_193 = arith.addi %add3A_116, %add3A_192 : i32
        %mul3A_194 = arith.constant 600 : i32
        %mul3A_195 = arith.muli %add3A_193, %mul3A_194 : i32
        %dma_start3A_196 = tpu.memref_slice %arg12[%mul3A_195] : memref<15000xi32, #tpu.memory_space<vmem>> -> memref<600xi32, #tpu.memory_space<vmem>>
        %dma_start3A_197 = arith.constant 0 : i32
        %dma_start3A_198 = arith.constant 0 : i32
        %dma_start3A_199 = tpu.memref_slice %arg2[%dma_start3A_197, %dma_start3A_198] : memref<20000x64xi32, #tpu.memory_space<hbm>> -> memref<20000x64xi32, #tpu.memory_space<hbm>>
        tpu.enqueue_indirect_dma source(%dma_start3A_199 : memref<20000x64xi32, #tpu.memory_space<hbm>>) target(%arg15 : memref<600x64xi32, #tpu.memory_space<vmem>>) offsets(%dma_start3A_196 : memref<600xi32, #tpu.memory_space<vmem>>) semaphore(%arg19 : memref<!tpu.dma_semaphore, #tpu.memory_space<semaphore_mem>>)
        %mul3A_200 = arith.constant 600 : i32
        %mul3A_201 = arith.muli %add3A_193, %mul3A_200 : i32
        %dma_start3A_202 = tpu.memref_slice %arg13[%mul3A_201] : memref<15000xi32, #tpu.memory_space<vmem>> -> memref<600xi32, #tpu.memory_space<vmem>>
        %dma_start3A_203 = arith.constant 0 : i32
        %dma_start3A_204 = arith.constant 0 : i32
        %dma_start3A_205 = tpu.memref_slice %arg3[%dma_start3A_203, %dma_start3A_204] : memref<20000x16xf32, #tpu.memory_space<hbm>> -> memref<20000x16xf32, #tpu.memory_space<hbm>>
        tpu.enqueue_indirect_dma source(%dma_start3A_205 : memref<20000x16xf32, #tpu.memory_space<hbm>>) target(%arg17 : memref<600x16xf32, #tpu.memory_space<vmem>>) offsets(%dma_start3A_202 : memref<600xi32, #tpu.memory_space<vmem>>) semaphore(%arg21 : memref<!tpu.dma_semaphore, #tpu.memory_space<semaphore_mem>>)
      } else {
      }
    }
    %scan3A_26 = arith.constant 12 : i32
    %dma_wait3A = arith.constant 0 : i32
    %dma_wait3A_27 = tpu.memref_slice %arg12[%dma_wait3A] : memref<15000xi32, #tpu.memory_space<vmem>> -> memref<600xi32, #tpu.memory_space<vmem>>
    %dma_wait3A_28 = arith.constant 0 : i32
    %dma_wait3A_29 = arith.constant 0 : i32
    %dma_wait3A_30 = tpu.memref_slice %arg2[%dma_wait3A_28, %dma_wait3A_29] : memref<20000x64xi32, #tpu.memory_space<hbm>> -> memref<20000x64xi32, #tpu.memory_space<hbm>>
    tpu.wait_indirect_dma semaphore(%arg18 : memref<!tpu.dma_semaphore, #tpu.memory_space<semaphore_mem>>) src(%dma_wait3A_30 : memref<20000x64xi32, #tpu.memory_space<hbm>>) dst(%arg14 : memref<600x64xi32, #tpu.memory_space<vmem>>)
    %dma_wait3A_31 = arith.constant 0 : i32
    %dma_wait3A_32 = tpu.memref_slice %arg13[%dma_wait3A_31] : memref<15000xi32, #tpu.memory_space<vmem>> -> memref<600xi32, #tpu.memory_space<vmem>>
    %dma_wait3A_33 = arith.constant 0 : i32
    %dma_wait3A_34 = arith.constant 0 : i32
    %dma_wait3A_35 = tpu.memref_slice %arg3[%dma_wait3A_33, %dma_wait3A_34] : memref<20000x16xf32, #tpu.memory_space<hbm>> -> memref<20000x16xf32, #tpu.memory_space<hbm>>
    tpu.wait_indirect_dma semaphore(%arg20 : memref<!tpu.dma_semaphore, #tpu.memory_space<semaphore_mem>>) src(%dma_wait3A_35 : memref<20000x16xf32, #tpu.memory_space<hbm>>) dst(%arg16 : memref<600x16xf32, #tpu.memory_space<vmem>>)
    %add3A_36 = arith.constant 14400 : i32
    %add3A_37 = arith.addi %mul3A_2, %add3A_36 : i32
    %dma_start3A_38 = arith.constant 0 : i32
    %dma_start3A_39 = tpu.memref_slice %arg8[%add3A_37, %dma_start3A_38] : memref<480000x64xi32, #tpu.memory_space<hbm>> -> memref<600x64xi32, #tpu.memory_space<hbm>>
    %dma_start3A_40 = arith.constant 0 : i32
    %dma_start3A_41 = tpu.memref_slice %arg8[%add3A_37, %dma_start3A_40] : memref<480000x64xi32, #tpu.memory_space<hbm>> -> memref<600x64xi32, #tpu.memory_space<hbm>>
    tpu.enqueue_dma source(%arg14 : memref<600x64xi32, #tpu.memory_space<vmem>>) target(%dma_start3A_41 : memref<600x64xi32, #tpu.memory_space<hbm>>) target_semaphore(%arg22 : memref<!tpu.dma_semaphore, #tpu.memory_space<semaphore_mem>>)
    %add3A_42 = arith.constant 14400 : i32
    %add3A_43 = arith.addi %mul3A_2, %add3A_42 : i32
    %dma_start3A_44 = arith.constant 0 : i32
    %dma_start3A_45 = tpu.memref_slice %arg10[%add3A_43, %dma_start3A_44] : memref<480000x16xf32, #tpu.memory_space<hbm>> -> memref<600x16xf32, #tpu.memory_space<hbm>>
    %dma_start3A_46 = arith.constant 0 : i32
    %dma_start3A_47 = tpu.memref_slice %arg10[%add3A_43, %dma_start3A_46] : memref<480000x16xf32, #tpu.memory_space<hbm>> -> memref<600x16xf32, #tpu.memory_space<hbm>>
    tpu.enqueue_dma source(%arg16 : memref<600x16xf32, #tpu.memory_space<vmem>>) target(%dma_start3A_47 : memref<600x16xf32, #tpu.memory_space<hbm>>) target_semaphore(%arg24 : memref<!tpu.dma_semaphore, #tpu.memory_space<semaphore_mem>>)
    %dma_wait3A_48 = arith.constant 0 : i32
    %dma_wait3A_49 = tpu.memref_slice %arg8[%mul3A_2, %dma_wait3A_48] : memref<480000x64xi32, #tpu.memory_space<hbm>> -> memref<600x64xi32, #tpu.memory_space<hbm>>
    %dma_wait3A_50 = arith.constant 0 : i32
    %dma_wait3A_51 = tpu.memref_slice %arg8[%mul3A_2, %dma_wait3A_50] : memref<480000x64xi32, #tpu.memory_space<hbm>> -> memref<600x64xi32, #tpu.memory_space<hbm>>
    tpu.wait_dma2 semaphore(%arg22 : memref<!tpu.dma_semaphore, #tpu.memory_space<semaphore_mem>>) src(%arg14 : memref<600x64xi32, #tpu.memory_space<vmem>>) dst(%dma_wait3A_51 : memref<600x64xi32, #tpu.memory_space<hbm>>)
    %dma_wait3A_52 = arith.constant 0 : i32
    %dma_wait3A_53 = tpu.memref_slice %arg10[%mul3A_2, %dma_wait3A_52] : memref<480000x16xf32, #tpu.memory_space<hbm>> -> memref<600x16xf32, #tpu.memory_space<hbm>>
    %dma_wait3A_54 = arith.constant 0 : i32
    %dma_wait3A_55 = tpu.memref_slice %arg10[%mul3A_2, %dma_wait3A_54] : memref<480000x16xf32, #tpu.memory_space<hbm>> -> memref<600x16xf32, #tpu.memory_space<hbm>>
    tpu.wait_dma2 semaphore(%arg24 : memref<!tpu.dma_semaphore, #tpu.memory_space<semaphore_mem>>) src(%arg16 : memref<600x16xf32, #tpu.memory_space<vmem>>) dst(%dma_wait3A_55 : memref<600x16xf32, #tpu.memory_space<hbm>>)
    "tpu.region"() ({
      %run_scoped3A = tpu.sem_alloc : memref<!tpu.dma_semaphore, #tpu.memory_space<semaphore_mem>>
      %dma_start3A_112 = tpu.memref_slice %arg5[%mul3A_2] : memref<480000xi32, #tpu.memory_space<hbm>> -> memref<15000xi32, #tpu.memory_space<hbm>>
      %dma_start3A_113 = tpu.memref_slice %arg5[%mul3A_2] : memref<480000xi32, #tpu.memory_space<hbm>> -> memref<15000xi32, #tpu.memory_space<hbm>>
      tpu.enqueue_dma source(%dma_start3A_113 : memref<15000xi32, #tpu.memory_space<hbm>>) target(%arg12 : memref<15000xi32, #tpu.memory_space<vmem>>) target_semaphore(%run_scoped3A : memref<!tpu.dma_semaphore, #tpu.memory_space<semaphore_mem>>)
      %dma_wait3A_114 = tpu.memref_slice %arg5[%mul3A_2] : memref<480000xi32, #tpu.memory_space<hbm>> -> memref<15000xi32, #tpu.memory_space<hbm>>
      %dma_wait3A_115 = tpu.memref_slice %arg5[%mul3A_2] : memref<480000xi32, #tpu.memory_space<hbm>> -> memref<15000xi32, #tpu.memory_space<hbm>>
      tpu.wait_dma2 semaphore(%run_scoped3A : memref<!tpu.dma_semaphore, #tpu.memory_space<semaphore_mem>>) src(%dma_wait3A_115 : memref<15000xi32, #tpu.memory_space<hbm>>) dst(%arg12 : memref<15000xi32, #tpu.memory_space<vmem>>)
      tpu.yield
    }) : () -> ()
    "tpu.region"() ({
      %run_scoped3A = tpu.sem_alloc : memref<!tpu.dma_semaphore, #tpu.memory_space<semaphore_mem>>
      %dma_start3A_112 = tpu.memref_slice %arg7[%mul3A_2] : memref<480000xi32, #tpu.memory_space<hbm>> -> memref<15000xi32, #tpu.memory_space<hbm>>
      %dma_start3A_113 = tpu.memref_slice %arg7[%mul3A_2] : memref<480000xi32, #tpu.memory_space<hbm>> -> memref<15000xi32, #tpu.memory_space<hbm>>
      tpu.enqueue_dma source(%dma_start3A_113 : memref<15000xi32, #tpu.memory_space<hbm>>) target(%arg13 : memref<15000xi32, #tpu.memory_space<vmem>>) target_semaphore(%run_scoped3A : memref<!tpu.dma_semaphore, #tpu.memory_space<semaphore_mem>>)
      %dma_wait3A_114 = tpu.memref_slice %arg7[%mul3A_2] : memref<480000xi32, #tpu.memory_space<hbm>> -> memref<15000xi32, #tpu.memory_space<hbm>>
      %dma_wait3A_115 = tpu.memref_slice %arg7[%mul3A_2] : memref<480000xi32, #tpu.memory_space<hbm>> -> memref<15000xi32, #tpu.memory_space<hbm>>
      tpu.wait_dma2 semaphore(%run_scoped3A : memref<!tpu.dma_semaphore, #tpu.memory_space<semaphore_mem>>) src(%dma_wait3A_115 : memref<15000xi32, #tpu.memory_space<hbm>>) dst(%arg13 : memref<15000xi32, #tpu.memory_space<vmem>>)
      tpu.yield
    }) : () -> ()
    %dma_start3A_56 = arith.constant 0 : i32
    %dma_start3A_57 = tpu.memref_slice %arg12[%dma_start3A_56] : memref<15000xi32, #tpu.memory_space<vmem>> -> memref<600xi32, #tpu.memory_space<vmem>>
    %dma_start3A_58 = arith.constant 0 : i32
    %dma_start3A_59 = arith.constant 0 : i32
    %dma_start3A_60 = tpu.memref_slice %arg2[%dma_start3A_58, %dma_start3A_59] : memref<20000x64xi32, #tpu.memory_space<hbm>> -> memref<20000x64xi32, #tpu.memory_space<hbm>>
    tpu.enqueue_indirect_dma source(%dma_start3A_60 : memref<20000x64xi32, #tpu.memory_space<hbm>>) target(%arg14 : memref<600x64xi32, #tpu.memory_space<vmem>>) offsets(%dma_start3A_57 : memref<600xi32, #tpu.memory_space<vmem>>) semaphore(%arg18 : memref<!tpu.dma_semaphore, #tpu.memory_space<semaphore_mem>>)
    %dma_start3A_61 = arith.constant 0 : i32
    %dma_start3A_62 = tpu.memref_slice %arg13[%dma_start3A_61] : memref<15000xi32, #tpu.memory_space<vmem>> -> memref<600xi32, #tpu.memory_space<vmem>>
    %dma_start3A_63 = arith.constant 0 : i32
    %dma_start3A_64 = arith.constant 0 : i32
    %dma_start3A_65 = tpu.memref_slice %arg3[%dma_start3A_63, %dma_start3A_64] : memref<20000x16xf32, #tpu.memory_space<hbm>> -> memref<20000x16xf32, #tpu.memory_space<hbm>>
    tpu.enqueue_indirect_dma source(%dma_start3A_65 : memref<20000x16xf32, #tpu.memory_space<hbm>>) target(%arg16 : memref<600x16xf32, #tpu.memory_space<vmem>>) offsets(%dma_start3A_62 : memref<600xi32, #tpu.memory_space<vmem>>) semaphore(%arg20 : memref<!tpu.dma_semaphore, #tpu.memory_space<semaphore_mem>>)
    %dma_start3A_66 = arith.constant 600 : i32
    %dma_start3A_67 = tpu.memref_slice %arg12[%dma_start3A_66] : memref<15000xi32, #tpu.memory_space<vmem>> -> memref<600xi32, #tpu.memory_space<vmem>>
    %dma_start3A_68 = arith.constant 0 : i32
    %dma_start3A_69 = arith.constant 0 : i32
    %dma_start3A_70 = tpu.memref_slice %arg2[%dma_start3A_68, %dma_start3A_69] : memref<20000x64xi32, #tpu.memory_space<hbm>> -> memref<20000x64xi32, #tpu.memory_space<hbm>>
    tpu.enqueue_indirect_dma source(%dma_start3A_70 : memref<20000x64xi32, #tpu.memory_space<hbm>>) target(%arg15 : memref<600x64xi32, #tpu.memory_space<vmem>>) offsets(%dma_start3A_67 : memref<600xi32, #tpu.memory_space<vmem>>) semaphore(%arg19 : memref<!tpu.dma_semaphore, #tpu.memory_space<semaphore_mem>>)
    %dma_start3A_71 = arith.constant 600 : i32
    %dma_start3A_72 = tpu.memref_slice %arg13[%dma_start3A_71] : memref<15000xi32, #tpu.memory_space<vmem>> -> memref<600xi32, #tpu.memory_space<vmem>>
    %dma_start3A_73 = arith.constant 0 : i32
    %dma_start3A_74 = arith.constant 0 : i32
    %dma_start3A_75 = tpu.memref_slice %arg3[%dma_start3A_73, %dma_start3A_74] : memref<20000x16xf32, #tpu.memory_space<hbm>> -> memref<20000x16xf32, #tpu.memory_space<hbm>>
    tpu.enqueue_indirect_dma source(%dma_start3A_75 : memref<20000x16xf32, #tpu.memory_space<hbm>>) target(%arg17 : memref<600x16xf32, #tpu.memory_space<vmem>>) offsets(%dma_start3A_72 : memref<600xi32, #tpu.memory_space<vmem>>) semaphore(%arg21 : memref<!tpu.dma_semaphore, #tpu.memory_space<semaphore_mem>>)
    %scan3A_76 = arith.constant 0 : i32
    %scan3A_77 = arith.constant 0 : i32
    %scan3A_78 = arith.constant 12 : i32
    %scan3A_79 = arith.addi %scan3A_77, %scan3A_78 : i32
    %scan3A_80 = arith.constant 1 : i32
    scf.for %scan3A_112 = %scan3A_77 to %scan3A_79 step %scan3A_80  : i32 {
      %mul3A_113 = arith.constant 2 : i32
      %mul3A_114 = arith.muli %mul3A_113, %scan3A_112 : i32
      %add3A_115 = arith.constant 1 : i32
      %add3A_116 = arith.addi %mul3A_114, %add3A_115 : i32
      %dma_wait3A_117 = arith.constant 0 : i32
      %dma_wait3A_118 = tpu.memref_slice %arg12[%dma_wait3A_117] : memref<15000xi32, #tpu.memory_space<vmem>> -> memref<600xi32, #tpu.memory_space<vmem>>
      %dma_wait3A_119 = arith.constant 0 : i32
      %dma_wait3A_120 = arith.constant 0 : i32
      %dma_wait3A_121 = tpu.memref_slice %arg2[%dma_wait3A_119, %dma_wait3A_120] : memref<20000x64xi32, #tpu.memory_space<hbm>> -> memref<20000x64xi32, #tpu.memory_space<hbm>>
      tpu.wait_indirect_dma semaphore(%arg18 : memref<!tpu.dma_semaphore, #tpu.memory_space<semaphore_mem>>) src(%dma_wait3A_121 : memref<20000x64xi32, #tpu.memory_space<hbm>>) dst(%arg14 : memref<600x64xi32, #tpu.memory_space<vmem>>)
      %dma_wait3A_122 = arith.constant 0 : i32
      %dma_wait3A_123 = tpu.memref_slice %arg13[%dma_wait3A_122] : memref<15000xi32, #tpu.memory_space<vmem>> -> memref<600xi32, #tpu.memory_space<vmem>>
      %dma_wait3A_124 = arith.constant 0 : i32
      %dma_wait3A_125 = arith.constant 0 : i32
      %dma_wait3A_126 = tpu.memref_slice %arg3[%dma_wait3A_124, %dma_wait3A_125] : memref<20000x16xf32, #tpu.memory_space<hbm>> -> memref<20000x16xf32, #tpu.memory_space<hbm>>
      tpu.wait_indirect_dma semaphore(%arg20 : memref<!tpu.dma_semaphore, #tpu.memory_space<semaphore_mem>>) src(%dma_wait3A_126 : memref<20000x16xf32, #tpu.memory_space<hbm>>) dst(%arg16 : memref<600x16xf32, #tpu.memory_space<vmem>>)
      %mul3A_127 = arith.constant 600 : i32
      %mul3A_128 = arith.muli %mul3A_114, %mul3A_127 : i32
      %add3A_129 = arith.addi %mul3A_2, %mul3A_128 : i32
      %dma_start3A_130 = arith.constant 0 : i32
      %dma_start3A_131 = tpu.memref_slice %arg9[%add3A_129, %dma_start3A_130] : memref<480000x64xi32, #tpu.memory_space<hbm>> -> memref<600x64xi32, #tpu.memory_space<hbm>>
      %dma_start3A_132 = arith.constant 0 : i32
      %dma_start3A_133 = tpu.memref_slice %arg9[%add3A_129, %dma_start3A_132] : memref<480000x64xi32, #tpu.memory_space<hbm>> -> memref<600x64xi32, #tpu.memory_space<hbm>>
      tpu.enqueue_dma source(%arg14 : memref<600x64xi32, #tpu.memory_space<vmem>>) target(%dma_start3A_133 : memref<600x64xi32, #tpu.memory_space<hbm>>) target_semaphore(%arg22 : memref<!tpu.dma_semaphore, #tpu.memory_space<semaphore_mem>>)
      %mul3A_134 = arith.constant 600 : i32
      %mul3A_135 = arith.muli %mul3A_114, %mul3A_134 : i32
      %add3A_136 = arith.addi %mul3A_2, %mul3A_135 : i32
      %dma_start3A_137 = arith.constant 0 : i32
      %dma_start3A_138 = tpu.memref_slice %arg11[%add3A_136, %dma_start3A_137] : memref<480000x16xf32, #tpu.memory_space<hbm>> -> memref<600x16xf32, #tpu.memory_space<hbm>>
      %dma_start3A_139 = arith.constant 0 : i32
      %dma_start3A_140 = tpu.memref_slice %arg11[%add3A_136, %dma_start3A_139] : memref<480000x16xf32, #tpu.memory_space<hbm>> -> memref<600x16xf32, #tpu.memory_space<hbm>>
      tpu.enqueue_dma source(%arg16 : memref<600x16xf32, #tpu.memory_space<vmem>>) target(%dma_start3A_140 : memref<600x16xf32, #tpu.memory_space<hbm>>) target_semaphore(%arg24 : memref<!tpu.dma_semaphore, #tpu.memory_space<semaphore_mem>>)
      %dma_wait3A_141 = arith.constant 0 : i32
      %dma_wait3A_142 = tpu.memref_slice %arg12[%dma_wait3A_141] : memref<15000xi32, #tpu.memory_space<vmem>> -> memref<600xi32, #tpu.memory_space<vmem>>
      %dma_wait3A_143 = arith.constant 0 : i32
      %dma_wait3A_144 = arith.constant 0 : i32
      %dma_wait3A_145 = tpu.memref_slice %arg2[%dma_wait3A_143, %dma_wait3A_144] : memref<20000x64xi32, #tpu.memory_space<hbm>> -> memref<20000x64xi32, #tpu.memory_space<hbm>>
      tpu.wait_indirect_dma semaphore(%arg19 : memref<!tpu.dma_semaphore, #tpu.memory_space<semaphore_mem>>) src(%dma_wait3A_145 : memref<20000x64xi32, #tpu.memory_space<hbm>>) dst(%arg15 : memref<600x64xi32, #tpu.memory_space<vmem>>)
      %dma_wait3A_146 = arith.constant 0 : i32
      %dma_wait3A_147 = tpu.memref_slice %arg13[%dma_wait3A_146] : memref<15000xi32, #tpu.memory_space<vmem>> -> memref<600xi32, #tpu.memory_space<vmem>>
      %dma_wait3A_148 = arith.constant 0 : i32
      %dma_wait3A_149 = arith.constant 0 : i32
      %dma_wait3A_150 = tpu.memref_slice %arg3[%dma_wait3A_148, %dma_wait3A_149] : memref<20000x16xf32, #tpu.memory_space<hbm>> -> memref<20000x16xf32, #tpu.memory_space<hbm>>
      tpu.wait_indirect_dma semaphore(%arg21 : memref<!tpu.dma_semaphore, #tpu.memory_space<semaphore_mem>>) src(%dma_wait3A_150 : memref<20000x16xf32, #tpu.memory_space<hbm>>) dst(%arg17 : memref<600x16xf32, #tpu.memory_space<vmem>>)
      %mul3A_151 = arith.constant 600 : i32
      %mul3A_152 = arith.muli %add3A_116, %mul3A_151 : i32
      %add3A_153 = arith.addi %mul3A_2, %mul3A_152 : i32
      %dma_start3A_154 = arith.constant 0 : i32
      %dma_start3A_155 = tpu.memref_slice %arg9[%add3A_153, %dma_start3A_154] : memref<480000x64xi32, #tpu.memory_space<hbm>> -> memref<600x64xi32, #tpu.memory_space<hbm>>
      %dma_start3A_156 = arith.constant 0 : i32
      %dma_start3A_157 = tpu.memref_slice %arg9[%add3A_153, %dma_start3A_156] : memref<480000x64xi32, #tpu.memory_space<hbm>> -> memref<600x64xi32, #tpu.memory_space<hbm>>
      tpu.enqueue_dma source(%arg15 : memref<600x64xi32, #tpu.memory_space<vmem>>) target(%dma_start3A_157 : memref<600x64xi32, #tpu.memory_space<hbm>>) target_semaphore(%arg23 : memref<!tpu.dma_semaphore, #tpu.memory_space<semaphore_mem>>)
      %mul3A_158 = arith.constant 600 : i32
      %mul3A_159 = arith.muli %add3A_116, %mul3A_158 : i32
      %add3A_160 = arith.addi %mul3A_2, %mul3A_159 : i32
      %dma_start3A_161 = arith.constant 0 : i32
      %dma_start3A_162 = tpu.memref_slice %arg11[%add3A_160, %dma_start3A_161] : memref<480000x16xf32, #tpu.memory_space<hbm>> -> memref<600x16xf32, #tpu.memory_space<hbm>>
      %dma_start3A_163 = arith.constant 0 : i32
      %dma_start3A_164 = tpu.memref_slice %arg11[%add3A_160, %dma_start3A_163] : memref<480000x16xf32, #tpu.memory_space<hbm>> -> memref<600x16xf32, #tpu.memory_space<hbm>>
      tpu.enqueue_dma source(%arg17 : memref<600x16xf32, #tpu.memory_space<vmem>>) target(%dma_start3A_164 : memref<600x16xf32, #tpu.memory_space<hbm>>) target_semaphore(%arg25 : memref<!tpu.dma_semaphore, #tpu.memory_space<semaphore_mem>>)
      %dma_wait3A_165 = arith.constant 0 : i32
      %dma_wait3A_166 = tpu.memref_slice %arg9[%mul3A_2, %dma_wait3A_165] : memref<480000x64xi32, #tpu.memory_space<hbm>> -> memref<600x64xi32, #tpu.memory_space<hbm>>
      %dma_wait3A_167 = arith.constant 0 : i32
      %dma_wait3A_168 = tpu.memref_slice %arg9[%mul3A_2, %dma_wait3A_167] : memref<480000x64xi32, #tpu.memory_space<hbm>> -> memref<600x64xi32, #tpu.memory_space<hbm>>
      tpu.wait_dma2 semaphore(%arg22 : memref<!tpu.dma_semaphore, #tpu.memory_space<semaphore_mem>>) src(%arg14 : memref<600x64xi32, #tpu.memory_space<vmem>>) dst(%dma_wait3A_168 : memref<600x64xi32, #tpu.memory_space<hbm>>)
      %dma_wait3A_169 = arith.constant 0 : i32
      %dma_wait3A_170 = tpu.memref_slice %arg11[%mul3A_2, %dma_wait3A_169] : memref<480000x16xf32, #tpu.memory_space<hbm>> -> memref<600x16xf32, #tpu.memory_space<hbm>>
      %dma_wait3A_171 = arith.constant 0 : i32
      %dma_wait3A_172 = tpu.memref_slice %arg11[%mul3A_2, %dma_wait3A_171] : memref<480000x16xf32, #tpu.memory_space<hbm>> -> memref<600x16xf32, #tpu.memory_space<hbm>>
      tpu.wait_dma2 semaphore(%arg24 : memref<!tpu.dma_semaphore, #tpu.memory_space<semaphore_mem>>) src(%arg16 : memref<600x16xf32, #tpu.memory_space<vmem>>) dst(%dma_wait3A_172 : memref<600x16xf32, #tpu.memory_space<hbm>>)
      %add3A_173 = arith.constant 2 : i32
      %add3A_174 = arith.addi %mul3A_114, %add3A_173 : i32
      %lt3A = arith.constant 25 : i32
      %lt3A_175 = arith.cmpi slt, %add3A_174, %lt3A : i32
      %convert_element_type3A = arith.extui %lt3A_175 : i1 to i32
      %cond3A = arith.constant 0 : i32
      %cond3A_176 = arith.cmpi ne, %convert_element_type3A, %cond3A : i32
      scf.if %cond3A_176 {
        %add3A_192 = arith.constant 2 : i32
        %add3A_193 = arith.addi %mul3A_114, %add3A_192 : i32
        %mul3A_194 = arith.constant 600 : i32
        %mul3A_195 = arith.muli %add3A_193, %mul3A_194 : i32
        %dma_start3A_196 = tpu.memref_slice %arg12[%mul3A_195] : memref<15000xi32, #tpu.memory_space<vmem>> -> memref<600xi32, #tpu.memory_space<vmem>>
        %dma_start3A_197 = arith.constant 0 : i32
        %dma_start3A_198 = arith.constant 0 : i32
        %dma_start3A_199 = tpu.memref_slice %arg2[%dma_start3A_197, %dma_start3A_198] : memref<20000x64xi32, #tpu.memory_space<hbm>> -> memref<20000x64xi32, #tpu.memory_space<hbm>>
        tpu.enqueue_indirect_dma source(%dma_start3A_199 : memref<20000x64xi32, #tpu.memory_space<hbm>>) target(%arg14 : memref<600x64xi32, #tpu.memory_space<vmem>>) offsets(%dma_start3A_196 : memref<600xi32, #tpu.memory_space<vmem>>) semaphore(%arg18 : memref<!tpu.dma_semaphore, #tpu.memory_space<semaphore_mem>>)
        %mul3A_200 = arith.constant 600 : i32
        %mul3A_201 = arith.muli %add3A_193, %mul3A_200 : i32
        %dma_start3A_202 = tpu.memref_slice %arg13[%mul3A_201] : memref<15000xi32, #tpu.memory_space<vmem>> -> memref<600xi32, #tpu.memory_space<vmem>>
        %dma_start3A_203 = arith.constant 0 : i32
        %dma_start3A_204 = arith.constant 0 : i32
        %dma_start3A_205 = tpu.memref_slice %arg3[%dma_start3A_203, %dma_start3A_204] : memref<20000x16xf32, #tpu.memory_space<hbm>> -> memref<20000x16xf32, #tpu.memory_space<hbm>>
        tpu.enqueue_indirect_dma source(%dma_start3A_205 : memref<20000x16xf32, #tpu.memory_space<hbm>>) target(%arg16 : memref<600x16xf32, #tpu.memory_space<vmem>>) offsets(%dma_start3A_202 : memref<600xi32, #tpu.memory_space<vmem>>) semaphore(%arg20 : memref<!tpu.dma_semaphore, #tpu.memory_space<semaphore_mem>>)
      } else {
      }
      %dma_wait3A_177 = arith.constant 0 : i32
      %dma_wait3A_178 = tpu.memref_slice %arg9[%mul3A_2, %dma_wait3A_177] : memref<480000x64xi32, #tpu.memory_space<hbm>> -> memref<600x64xi32, #tpu.memory_space<hbm>>
      %dma_wait3A_179 = arith.constant 0 : i32
      %dma_wait3A_180 = tpu.memref_slice %arg9[%mul3A_2, %dma_wait3A_179] : memref<480000x64xi32, #tpu.memory_space<hbm>> -> memref<600x64xi32, #tpu.memory_space<hbm>>
      tpu.wait_dma2 semaphore(%arg23 : memref<!tpu.dma_semaphore, #tpu.memory_space<semaphore_mem>>) src(%arg15 : memref<600x64xi32, #tpu.memory_space<vmem>>) dst(%dma_wait3A_180 : memref<600x64xi32, #tpu.memory_space<hbm>>)
      %dma_wait3A_181 = arith.constant 0 : i32
      %dma_wait3A_182 = tpu.memref_slice %arg11[%mul3A_2, %dma_wait3A_181] : memref<480000x16xf32, #tpu.memory_space<hbm>> -> memref<600x16xf32, #tpu.memory_space<hbm>>
      %dma_wait3A_183 = arith.constant 0 : i32
      %dma_wait3A_184 = tpu.memref_slice %arg11[%mul3A_2, %dma_wait3A_183] : memref<480000x16xf32, #tpu.memory_space<hbm>> -> memref<600x16xf32, #tpu.memory_space<hbm>>
      tpu.wait_dma2 semaphore(%arg25 : memref<!tpu.dma_semaphore, #tpu.memory_space<semaphore_mem>>) src(%arg17 : memref<600x16xf32, #tpu.memory_space<vmem>>) dst(%dma_wait3A_184 : memref<600x16xf32, #tpu.memory_space<hbm>>)
      %add3A_185 = arith.constant 2 : i32
      %add3A_186 = arith.addi %add3A_116, %add3A_185 : i32
      %lt3A_187 = arith.constant 25 : i32
      %lt3A_188 = arith.cmpi slt, %add3A_186, %lt3A_187 : i32
      %convert_element_type3A_189 = arith.extui %lt3A_188 : i1 to i32
      %cond3A_190 = arith.constant 0 : i32
      %cond3A_191 = arith.cmpi ne, %convert_element_type3A_189, %cond3A_190 : i32
      scf.if %cond3A_191 {
        %add3A_192 = arith.constant 2 : i32
        %add3A_193 = arith.addi %add3A_116, %add3A_192 : i32
        %mul3A_194 = arith.constant 600 : i32
        %mul3A_195 = arith.muli %add3A_193, %mul3A_194 : i32
        %dma_start3A_196 = tpu.memref_slice %arg12[%mul3A_195] : memref<15000xi32, #tpu.memory_space<vmem>> -> memref<600xi32, #tpu.memory_space<vmem>>
        %dma_start3A_197 = arith.constant 0 : i32
        %dma_start3A_198 = arith.constant 0 : i32
        %dma_start3A_199 = tpu.memref_slice %arg2[%dma_start3A_197, %dma_start3A_198] : memref<20000x64xi32, #tpu.memory_space<hbm>> -> memref<20000x64xi32, #tpu.memory_space<hbm>>
        tpu.enqueue_indirect_dma source(%dma_start3A_199 : memref<20000x64xi32, #tpu.memory_space<hbm>>) target(%arg15 : memref<600x64xi32, #tpu.memory_space<vmem>>) offsets(%dma_start3A_196 : memref<600xi32, #tpu.memory_space<vmem>>) semaphore(%arg19 : memref<!tpu.dma_semaphore, #tpu.memory_space<semaphore_mem>>)
        %mul3A_200 = arith.constant 600 : i32
        %mul3A_201 = arith.muli %add3A_193, %mul3A_200 : i32
        %dma_start3A_202 = tpu.memref_slice %arg13[%mul3A_201] : memref<15000xi32, #tpu.memory_space<vmem>> -> memref<600xi32, #tpu.memory_space<vmem>>
        %dma_start3A_203 = arith.constant 0 : i32
        %dma_start3A_204 = arith.constant 0 : i32
        %dma_start3A_205 = tpu.memref_slice %arg3[%dma_start3A_203, %dma_start3A_204] : memref<20000x16xf32, #tpu.memory_space<hbm>> -> memref<20000x16xf32, #tpu.memory_space<hbm>>
        tpu.enqueue_indirect_dma source(%dma_start3A_205 : memref<20000x16xf32, #tpu.memory_space<hbm>>) target(%arg17 : memref<600x16xf32, #tpu.memory_space<vmem>>) offsets(%dma_start3A_202 : memref<600xi32, #tpu.memory_space<vmem>>) semaphore(%arg21 : memref<!tpu.dma_semaphore, #tpu.memory_space<semaphore_mem>>)
      } else {
      }
    }
    %scan3A_81 = arith.constant 12 : i32
    %dma_wait3A_82 = arith.constant 0 : i32
    %dma_wait3A_83 = tpu.memref_slice %arg12[%dma_wait3A_82] : memref<15000xi32, #tpu.memory_space<vmem>> -> memref<600xi32, #tpu.memory_space<vmem>>
    %dma_wait3A_84 = arith.constant 0 : i32
    %dma_wait3A_85 = arith.constant 0 : i32
    %dma_wait3A_86 = tpu.memref_slice %arg2[%dma_wait3A_84, %dma_wait3A_85] : memref<20000x64xi32, #tpu.memory_space<hbm>> -> memref<20000x64xi32, #tpu.memory_space<hbm>>
    tpu.wait_indirect_dma semaphore(%arg18 : memref<!tpu.dma_semaphore, #tpu.memory_space<semaphore_mem>>) src(%dma_wait3A_86 : memref<20000x64xi32, #tpu.memory_space<hbm>>) dst(%arg14 : memref<600x64xi32, #tpu.memory_space<vmem>>)
    %dma_wait3A_87 = arith.constant 0 : i32
    %dma_wait3A_88 = tpu.memref_slice %arg13[%dma_wait3A_87] : memref<15000xi32, #tpu.memory_space<vmem>> -> memref<600xi32, #tpu.memory_space<vmem>>
    %dma_wait3A_89 = arith.constant 0 : i32
    %dma_wait3A_90 = arith.constant 0 : i32
    %dma_wait3A_91 = tpu.memref_slice %arg3[%dma_wait3A_89, %dma_wait3A_90] : memref<20000x16xf32, #tpu.memory_space<hbm>> -> memref<20000x16xf32, #tpu.memory_space<hbm>>
    tpu.wait_indirect_dma semaphore(%arg20 : memref<!tpu.dma_semaphore, #tpu.memory_space<semaphore_mem>>) src(%dma_wait3A_91 : memref<20000x16xf32, #tpu.memory_space<hbm>>) dst(%arg16 : memref<600x16xf32, #tpu.memory_space<vmem>>)
    %add3A_92 = arith.constant 14400 : i32
    %add3A_93 = arith.addi %mul3A_2, %add3A_92 : i32
    %dma_start3A_94 = arith.constant 0 : i32
    %dma_start3A_95 = tpu.memref_slice %arg9[%add3A_93, %dma_start3A_94] : memref<480000x64xi32, #tpu.memory_space<hbm>> -> memref<600x64xi32, #tpu.memory_space<hbm>>
    %dma_start3A_96 = arith.constant 0 : i32
    %dma_start3A_97 = tpu.memref_slice %arg9[%add3A_93, %dma_start3A_96] : memref<480000x64xi32, #tpu.memory_space<hbm>> -> memref<600x64xi32, #tpu.memory_space<hbm>>
    tpu.enqueue_dma source(%arg14 : memref<600x64xi32, #tpu.memory_space<vmem>>) target(%dma_start3A_97 : memref<600x64xi32, #tpu.memory_space<hbm>>) target_semaphore(%arg22 : memref<!tpu.dma_semaphore, #tpu.memory_space<semaphore_mem>>)
    %add3A_98 = arith.constant 14400 : i32
    %add3A_99 = arith.addi %mul3A_2, %add3A_98 : i32
    %dma_start3A_100 = arith.constant 0 : i32
    %dma_start3A_101 = tpu.memref_slice %arg11[%add3A_99, %dma_start3A_100] : memref<480000x16xf32, #tpu.memory_space<hbm>> -> memref<600x16xf32, #tpu.memory_space<hbm>>
    %dma_start3A_102 = arith.constant 0 : i32
    %dma_start3A_103 = tpu.memref_slice %arg11[%add3A_99, %dma_start3A_102] : memref<480000x16xf32, #tpu.memory_space<hbm>> -> memref<600x16xf32, #tpu.memory_space<hbm>>
    tpu.enqueue_dma source(%arg16 : memref<600x16xf32, #tpu.memory_space<vmem>>) target(%dma_start3A_103 : memref<600x16xf32, #tpu.memory_space<hbm>>) target_semaphore(%arg24 : memref<!tpu.dma_semaphore, #tpu.memory_space<semaphore_mem>>)
    %dma_wait3A_104 = arith.constant 0 : i32
    %dma_wait3A_105 = tpu.memref_slice %arg9[%mul3A_2, %dma_wait3A_104] : memref<480000x64xi32, #tpu.memory_space<hbm>> -> memref<600x64xi32, #tpu.memory_space<hbm>>
    %dma_wait3A_106 = arith.constant 0 : i32
    %dma_wait3A_107 = tpu.memref_slice %arg9[%mul3A_2, %dma_wait3A_106] : memref<480000x64xi32, #tpu.memory_space<hbm>> -> memref<600x64xi32, #tpu.memory_space<hbm>>
    tpu.wait_dma2 semaphore(%arg22 : memref<!tpu.dma_semaphore, #tpu.memory_space<semaphore_mem>>) src(%arg14 : memref<600x64xi32, #tpu.memory_space<vmem>>) dst(%dma_wait3A_107 : memref<600x64xi32, #tpu.memory_space<hbm>>)
    %dma_wait3A_108 = arith.constant 0 : i32
    %dma_wait3A_109 = tpu.memref_slice %arg11[%mul3A_2, %dma_wait3A_108] : memref<480000x16xf32, #tpu.memory_space<hbm>> -> memref<600x16xf32, #tpu.memory_space<hbm>>
    %dma_wait3A_110 = arith.constant 0 : i32
    %dma_wait3A_111 = tpu.memref_slice %arg11[%mul3A_2, %dma_wait3A_110] : memref<480000x16xf32, #tpu.memory_space<hbm>> -> memref<600x16xf32, #tpu.memory_space<hbm>>
    tpu.wait_dma2 semaphore(%arg24 : memref<!tpu.dma_semaphore, #tpu.memory_space<semaphore_mem>>) src(%arg16 : memref<600x16xf32, #tpu.memory_space<vmem>>) dst(%dma_wait3A_111 : memref<600x16xf32, #tpu.memory_space<hbm>>)
    return
  }
}

#map = affine_map<(d0, d1) -> (0, 0)>
#map1 = affine_map<(d0, d1) -> (0)>
module attributes {stable_mosaic.version = 14 : i64} {
  func.func @k(%arg0: i32, %arg1: i32, %arg2: memref<480000x128xf32, #tpu.memory_space<hbm>>, %arg3: memref<480000x16xf32, #tpu.memory_space<hbm>>, %arg4: memref<320000xi32, #tpu.memory_space<hbm>>, %arg5: memref<160000xi32, #tpu.memory_space<hbm>>, %arg6: memref<10000x128xf32, #tpu.memory_space<hbm>>, %arg7: memref<10000x16xf32, #tpu.memory_space<hbm>>, %arg8: memref<20000x128xf32, #tpu.memory_space<hbm>>, %arg9: memref<20000x16xf32, #tpu.memory_space<hbm>>, %arg10: memref<10000x128xf32, #tpu.memory_space<vmem_shared>>, %arg11: memref<10000x16xf32, #tpu.memory_space<vmem_shared>>, %arg12: memref<80x128xf32, #tpu.memory_space<vmem>>, %arg13: memref<80x128xf32, #tpu.memory_space<vmem>>, %arg14: memref<80x16xf32, #tpu.memory_space<vmem>>, %arg15: memref<80x16xf32, #tpu.memory_space<vmem>>, %arg16: memref<80xi32, #tpu.memory_space<vmem>>, %arg17: memref<80xi32, #tpu.memory_space<vmem>>, %arg18: memref<!tpu.dma_semaphore, #tpu.memory_space<semaphore_mem>>, %arg19: memref<!tpu.dma_semaphore, #tpu.memory_space<semaphore_mem>>, %arg20: memref<!tpu.dma_semaphore, #tpu.memory_space<semaphore_mem>>, %arg21: memref<!tpu.dma_semaphore, #tpu.memory_space<semaphore_mem>>) attributes {dimension_semantics = [#tpu.dimension_semantics<core_parallel>, #tpu.dimension_semantics<subcore_parallel>], iteration_bounds = array<i64: 2, 16>, scalar_prefetch = 0 : i64, scratch_operands = 12 : i64, tpu.core_type = #tpu.core_type<sc_vector_subcore>, window_params = [{transform_indices = #map}, {transform_indices = #map}, {transform_indices = #map1}, {transform_indices = #map1}, {transform_indices = #map}, {transform_indices = #map}, {transform_indices = #map}, {transform_indices = #map}]} {
    %mul3A = arith.constant 625 : i32
    %mul3A_0 = arith.muli %arg1, %mul3A : i32
    "tpu.region"() ({
      %run_scoped3A = tpu.sem_alloc : memref<!tpu.dma_semaphore, #tpu.memory_space<semaphore_mem>>
      %dma_start3A = arith.constant 0 : i32
      %dma_start3A_15 = tpu.memref_slice %arg10[%mul3A_0, %dma_start3A] : memref<10000x128xf32, #tpu.memory_space<vmem_shared>> -> memref<625x128xf32, #tpu.memory_space<vmem_shared>>
      %dma_start3A_16 = arith.constant 0 : i32
      %dma_start3A_17 = tpu.memref_slice %arg6[%mul3A_0, %dma_start3A_16] : memref<10000x128xf32, #tpu.memory_space<hbm>> -> memref<625x128xf32, #tpu.memory_space<hbm>>
      tpu.enqueue_dma source(%dma_start3A_17 : memref<625x128xf32, #tpu.memory_space<hbm>>) target(%dma_start3A_15 : memref<625x128xf32, #tpu.memory_space<vmem_shared>>) target_semaphore(%run_scoped3A : memref<!tpu.dma_semaphore, #tpu.memory_space<semaphore_mem>>)
      %dma_wait3A = arith.constant 0 : i32
      %dma_wait3A_18 = tpu.memref_slice %arg10[%mul3A_0, %dma_wait3A] : memref<10000x128xf32, #tpu.memory_space<vmem_shared>> -> memref<625x128xf32, #tpu.memory_space<vmem_shared>>
      %dma_wait3A_19 = arith.constant 0 : i32
      %dma_wait3A_20 = tpu.memref_slice %arg6[%mul3A_0, %dma_wait3A_19] : memref<10000x128xf32, #tpu.memory_space<hbm>> -> memref<625x128xf32, #tpu.memory_space<hbm>>
      tpu.wait_dma2 semaphore(%run_scoped3A : memref<!tpu.dma_semaphore, #tpu.memory_space<semaphore_mem>>) src(%dma_wait3A_20 : memref<625x128xf32, #tpu.memory_space<hbm>>) dst(%dma_wait3A_18 : memref<625x128xf32, #tpu.memory_space<vmem_shared>>)
      tpu.yield
    }) : () -> ()
    "tpu.region"() ({
      %run_scoped3A = tpu.sem_alloc : memref<!tpu.dma_semaphore, #tpu.memory_space<semaphore_mem>>
      %dma_start3A = arith.constant 0 : i32
      %dma_start3A_15 = tpu.memref_slice %arg11[%mul3A_0, %dma_start3A] : memref<10000x16xf32, #tpu.memory_space<vmem_shared>> -> memref<625x16xf32, #tpu.memory_space<vmem_shared>>
      %dma_start3A_16 = arith.constant 0 : i32
      %dma_start3A_17 = tpu.memref_slice %arg7[%mul3A_0, %dma_start3A_16] : memref<10000x16xf32, #tpu.memory_space<hbm>> -> memref<625x16xf32, #tpu.memory_space<hbm>>
      tpu.enqueue_dma source(%dma_start3A_17 : memref<625x16xf32, #tpu.memory_space<hbm>>) target(%dma_start3A_15 : memref<625x16xf32, #tpu.memory_space<vmem_shared>>) target_semaphore(%run_scoped3A : memref<!tpu.dma_semaphore, #tpu.memory_space<semaphore_mem>>)
      %dma_wait3A = arith.constant 0 : i32
      %dma_wait3A_18 = tpu.memref_slice %arg11[%mul3A_0, %dma_wait3A] : memref<10000x16xf32, #tpu.memory_space<vmem_shared>> -> memref<625x16xf32, #tpu.memory_space<vmem_shared>>
      %dma_wait3A_19 = arith.constant 0 : i32
      %dma_wait3A_20 = tpu.memref_slice %arg7[%mul3A_0, %dma_wait3A_19] : memref<10000x16xf32, #tpu.memory_space<hbm>> -> memref<625x16xf32, #tpu.memory_space<hbm>>
      tpu.wait_dma2 semaphore(%run_scoped3A : memref<!tpu.dma_semaphore, #tpu.memory_space<semaphore_mem>>) src(%dma_wait3A_20 : memref<625x16xf32, #tpu.memory_space<hbm>>) dst(%dma_wait3A_18 : memref<625x16xf32, #tpu.memory_space<vmem_shared>>)
      tpu.yield
    }) : () -> ()
    %barrier3A = arith.constant 0 : index
    tpu.barrier barrier_id(%barrier3A)
    %eq3A = arith.constant 0 : i32
    %eq3A_1 = arith.cmpi eq, %arg0, %eq3A : i32
    %convert_element_type3A = arith.extui %eq3A_1 : i1 to i32
    %cond3A = arith.constant 0 : i32
    %cond3A_2 = arith.cmpi ne, %convert_element_type3A, %cond3A : i32
    scf.if %cond3A_2 {
      %mul3A_15 = arith.constant 20000 : i32
      %mul3A_16 = arith.muli %arg1, %mul3A_15 : i32
      %mul3A_17 = arith.constant 20000 : i32
      %mul3A_18 = arith.muli %arg1, %mul3A_17 : i32
      %add3A_19 = arith.constant 0 : i32
      %add3A_20 = arith.addi %mul3A_18, %add3A_19 : i32
      %dma_start3A = tpu.memref_slice %arg4[%add3A_20] : memref<320000xi32, #tpu.memory_space<hbm>> -> memref<80xi32, #tpu.memory_space<hbm>>
      %dma_start3A_21 = tpu.memref_slice %arg4[%add3A_20] : memref<320000xi32, #tpu.memory_space<hbm>> -> memref<80xi32, #tpu.memory_space<hbm>>
      tpu.enqueue_dma source(%dma_start3A_21 : memref<80xi32, #tpu.memory_space<hbm>>) target(%arg16 : memref<80xi32, #tpu.memory_space<vmem>>) target_semaphore(%arg18 : memref<!tpu.dma_semaphore, #tpu.memory_space<semaphore_mem>>)
      %add3A_22 = arith.constant 0 : i32
      %add3A_23 = arith.addi %mul3A_16, %add3A_22 : i32
      %dma_start3A_24 = arith.constant 0 : i32
      %dma_start3A_25 = tpu.memref_slice %arg2[%add3A_23, %dma_start3A_24] : memref<480000x128xf32, #tpu.memory_space<hbm>> -> memref<80x128xf32, #tpu.memory_space<hbm>>
      %dma_start3A_26 = arith.constant 0 : i32
      %dma_start3A_27 = tpu.memref_slice %arg2[%add3A_23, %dma_start3A_26] : memref<480000x128xf32, #tpu.memory_space<hbm>> -> memref<80x128xf32, #tpu.memory_space<hbm>>
      tpu.enqueue_dma source(%dma_start3A_27 : memref<80x128xf32, #tpu.memory_space<hbm>>) target(%arg12 : memref<80x128xf32, #tpu.memory_space<vmem>>) target_semaphore(%arg18 : memref<!tpu.dma_semaphore, #tpu.memory_space<semaphore_mem>>)
      %add3A_28 = arith.constant 80 : i32
      %add3A_29 = arith.addi %mul3A_18, %add3A_28 : i32
      %dma_start3A_30 = tpu.memref_slice %arg4[%add3A_29] : memref<320000xi32, #tpu.memory_space<hbm>> -> memref<80xi32, #tpu.memory_space<hbm>>
      %dma_start3A_31 = tpu.memref_slice %arg4[%add3A_29] : memref<320000xi32, #tpu.memory_space<hbm>> -> memref<80xi32, #tpu.memory_space<hbm>>
      tpu.enqueue_dma source(%dma_start3A_31 : memref<80xi32, #tpu.memory_space<hbm>>) target(%arg17 : memref<80xi32, #tpu.memory_space<vmem>>) target_semaphore(%arg19 : memref<!tpu.dma_semaphore, #tpu.memory_space<semaphore_mem>>)
      %add3A_32 = arith.constant 80 : i32
      %add3A_33 = arith.addi %mul3A_16, %add3A_32 : i32
      %dma_start3A_34 = arith.constant 0 : i32
      %dma_start3A_35 = tpu.memref_slice %arg2[%add3A_33, %dma_start3A_34] : memref<480000x128xf32, #tpu.memory_space<hbm>> -> memref<80x128xf32, #tpu.memory_space<hbm>>
      %dma_start3A_36 = arith.constant 0 : i32
      %dma_start3A_37 = tpu.memref_slice %arg2[%add3A_33, %dma_start3A_36] : memref<480000x128xf32, #tpu.memory_space<hbm>> -> memref<80x128xf32, #tpu.memory_space<hbm>>
      tpu.enqueue_dma source(%dma_start3A_37 : memref<80x128xf32, #tpu.memory_space<hbm>>) target(%arg13 : memref<80x128xf32, #tpu.memory_space<vmem>>) target_semaphore(%arg19 : memref<!tpu.dma_semaphore, #tpu.memory_space<semaphore_mem>>)
      %scan3A = arith.constant 0 : i32
      %scan3A_38 = arith.constant 0 : i32
      %scan3A_39 = arith.constant 125 : i32
      %scan3A_40 = arith.addi %scan3A_38, %scan3A_39 : i32
      %scan3A_41 = arith.constant 1 : i32
      scf.for %scan3A_43 = %scan3A_38 to %scan3A_40 step %scan3A_41  : i32 {
        %mul3A_44 = arith.constant 2 : i32
        %mul3A_45 = arith.muli %mul3A_44, %scan3A_43 : i32
        %dma_wait3A = tpu.memref_slice %arg4[%mul3A_18] : memref<320000xi32, #tpu.memory_space<hbm>> -> memref<80xi32, #tpu.memory_space<hbm>>
        %dma_wait3A_46 = tpu.memref_slice %arg4[%mul3A_18] : memref<320000xi32, #tpu.memory_space<hbm>> -> memref<80xi32, #tpu.memory_space<hbm>>
        tpu.wait_dma2 semaphore(%arg18 : memref<!tpu.dma_semaphore, #tpu.memory_space<semaphore_mem>>) src(%dma_wait3A_46 : memref<80xi32, #tpu.memory_space<hbm>>) dst(%arg16 : memref<80xi32, #tpu.memory_space<vmem>>)
        %dma_wait3A_47 = arith.constant 0 : i32
        %dma_wait3A_48 = tpu.memref_slice %arg2[%mul3A_16, %dma_wait3A_47] : memref<480000x128xf32, #tpu.memory_space<hbm>> -> memref<80x128xf32, #tpu.memory_space<hbm>>
        %dma_wait3A_49 = arith.constant 0 : i32
        %dma_wait3A_50 = tpu.memref_slice %arg2[%mul3A_16, %dma_wait3A_49] : memref<480000x128xf32, #tpu.memory_space<hbm>> -> memref<80x128xf32, #tpu.memory_space<hbm>>
        tpu.wait_dma2 semaphore(%arg18 : memref<!tpu.dma_semaphore, #tpu.memory_space<semaphore_mem>>) src(%dma_wait3A_50 : memref<80x128xf32, #tpu.memory_space<hbm>>) dst(%arg12 : memref<80x128xf32, #tpu.memory_space<vmem>>)
        %dma_start3A_51 = arith.constant 0 : i32
        %dma_start3A_52 = arith.constant 0 : i32
        %dma_start3A_53 = tpu.memref_slice %arg10[%dma_start3A_51, %dma_start3A_52] : memref<10000x128xf32, #tpu.memory_space<vmem_shared>> -> memref<10000x128xf32, #tpu.memory_space<vmem_shared>>
        tpu.enqueue_indirect_dma source(%arg12 : memref<80x128xf32, #tpu.memory_space<vmem>>) target(%dma_start3A_53 : memref<10000x128xf32, #tpu.memory_space<vmem_shared>>) offsets(%arg16 : memref<80xi32, #tpu.memory_space<vmem>>) semaphore(%arg20 : memref<!tpu.dma_semaphore, #tpu.memory_space<semaphore_mem>>) {add = true}
        %dma_wait3A_54 = tpu.memref_slice %arg4[%mul3A_18] : memref<320000xi32, #tpu.memory_space<hbm>> -> memref<80xi32, #tpu.memory_space<hbm>>
        %dma_wait3A_55 = tpu.memref_slice %arg4[%mul3A_18] : memref<320000xi32, #tpu.memory_space<hbm>> -> memref<80xi32, #tpu.memory_space<hbm>>
        tpu.wait_dma2 semaphore(%arg19 : memref<!tpu.dma_semaphore, #tpu.memory_space<semaphore_mem>>) src(%dma_wait3A_55 : memref<80xi32, #tpu.memory_space<hbm>>) dst(%arg17 : memref<80xi32, #tpu.memory_space<vmem>>)
        %dma_wait3A_56 = arith.constant 0 : i32
        %dma_wait3A_57 = tpu.memref_slice %arg2[%mul3A_16, %dma_wait3A_56] : memref<480000x128xf32, #tpu.memory_space<hbm>> -> memref<80x128xf32, #tpu.memory_space<hbm>>
        %dma_wait3A_58 = arith.constant 0 : i32
        %dma_wait3A_59 = tpu.memref_slice %arg2[%mul3A_16, %dma_wait3A_58] : memref<480000x128xf32, #tpu.memory_space<hbm>> -> memref<80x128xf32, #tpu.memory_space<hbm>>
        tpu.wait_dma2 semaphore(%arg19 : memref<!tpu.dma_semaphore, #tpu.memory_space<semaphore_mem>>) src(%dma_wait3A_59 : memref<80x128xf32, #tpu.memory_space<hbm>>) dst(%arg13 : memref<80x128xf32, #tpu.memory_space<vmem>>)
        %dma_start3A_60 = arith.constant 0 : i32
        %dma_start3A_61 = arith.constant 0 : i32
        %dma_start3A_62 = tpu.memref_slice %arg10[%dma_start3A_60, %dma_start3A_61] : memref<10000x128xf32, #tpu.memory_space<vmem_shared>> -> memref<10000x128xf32, #tpu.memory_space<vmem_shared>>
        tpu.enqueue_indirect_dma source(%arg13 : memref<80x128xf32, #tpu.memory_space<vmem>>) target(%dma_start3A_62 : memref<10000x128xf32, #tpu.memory_space<vmem_shared>>) offsets(%arg17 : memref<80xi32, #tpu.memory_space<vmem>>) semaphore(%arg21 : memref<!tpu.dma_semaphore, #tpu.memory_space<semaphore_mem>>) {add = true}
        %dma_wait3A_63 = arith.constant 0 : i32
        %dma_wait3A_64 = arith.constant 0 : i32
        %dma_wait3A_65 = tpu.memref_slice %arg10[%dma_wait3A_63, %dma_wait3A_64] : memref<10000x128xf32, #tpu.memory_space<vmem_shared>> -> memref<10000x128xf32, #tpu.memory_space<vmem_shared>>
        tpu.wait_indirect_dma semaphore(%arg20 : memref<!tpu.dma_semaphore, #tpu.memory_space<semaphore_mem>>) src(%arg12 : memref<80x128xf32, #tpu.memory_space<vmem>>) dst(%dma_wait3A_65 : memref<10000x128xf32, #tpu.memory_space<vmem_shared>>)
        %add3A_66 = arith.constant 2 : i32
        %add3A_67 = arith.addi %mul3A_45, %add3A_66 : i32
        %lt3A = arith.constant 250 : i32
        %lt3A_68 = arith.cmpi slt, %add3A_67, %lt3A : i32
        %convert_element_type3A_69 = arith.extui %lt3A_68 : i1 to i32
        %cond3A_70 = arith.constant 0 : i32
        %cond3A_71 = arith.cmpi ne, %convert_element_type3A_69, %cond3A_70 : i32
        scf.if %cond3A_71 {
          %add3A_82 = arith.constant 2 : i32
          %add3A_83 = arith.addi %mul3A_45, %add3A_82 : i32
          %mul3A_84 = arith.constant 80 : i32
          %mul3A_85 = arith.muli %add3A_83, %mul3A_84 : i32
          %add3A_86 = arith.addi %mul3A_18, %mul3A_85 : i32
          %dma_start3A_87 = tpu.memref_slice %arg4[%add3A_86] : memref<320000xi32, #tpu.memory_space<hbm>> -> memref<80xi32, #tpu.memory_space<hbm>>
          %dma_start3A_88 = tpu.memref_slice %arg4[%add3A_86] : memref<320000xi32, #tpu.memory_space<hbm>> -> memref<80xi32, #tpu.memory_space<hbm>>
          tpu.enqueue_dma source(%dma_start3A_88 : memref<80xi32, #tpu.memory_space<hbm>>) target(%arg16 : memref<80xi32, #tpu.memory_space<vmem>>) target_semaphore(%arg18 : memref<!tpu.dma_semaphore, #tpu.memory_space<semaphore_mem>>)
          %mul3A_89 = arith.constant 80 : i32
          %mul3A_90 = arith.muli %add3A_83, %mul3A_89 : i32
          %add3A_91 = arith.addi %mul3A_16, %mul3A_90 : i32
          %dma_start3A_92 = arith.constant 0 : i32
          %dma_start3A_93 = tpu.memref_slice %arg2[%add3A_91, %dma_start3A_92] : memref<480000x128xf32, #tpu.memory_space<hbm>> -> memref<80x128xf32, #tpu.memory_space<hbm>>
          %dma_start3A_94 = arith.constant 0 : i32
          %dma_start3A_95 = tpu.memref_slice %arg2[%add3A_91, %dma_start3A_94] : memref<480000x128xf32, #tpu.memory_space<hbm>> -> memref<80x128xf32, #tpu.memory_space<hbm>>
          tpu.enqueue_dma source(%dma_start3A_95 : memref<80x128xf32, #tpu.memory_space<hbm>>) target(%arg12 : memref<80x128xf32, #tpu.memory_space<vmem>>) target_semaphore(%arg18 : memref<!tpu.dma_semaphore, #tpu.memory_space<semaphore_mem>>)
        } else {
        }
        %dma_wait3A_72 = arith.constant 0 : i32
        %dma_wait3A_73 = arith.constant 0 : i32
        %dma_wait3A_74 = tpu.memref_slice %arg10[%dma_wait3A_72, %dma_wait3A_73] : memref<10000x128xf32, #tpu.memory_space<vmem_shared>> -> memref<10000x128xf32, #tpu.memory_space<vmem_shared>>
        tpu.wait_indirect_dma semaphore(%arg21 : memref<!tpu.dma_semaphore, #tpu.memory_space<semaphore_mem>>) src(%arg13 : memref<80x128xf32, #tpu.memory_space<vmem>>) dst(%dma_wait3A_74 : memref<10000x128xf32, #tpu.memory_space<vmem_shared>>)
        %add3A_75 = arith.constant 3 : i32
        %add3A_76 = arith.addi %mul3A_45, %add3A_75 : i32
        %lt3A_77 = arith.constant 250 : i32
        %lt3A_78 = arith.cmpi slt, %add3A_76, %lt3A_77 : i32
        %convert_element_type3A_79 = arith.extui %lt3A_78 : i1 to i32
        %cond3A_80 = arith.constant 0 : i32
        %cond3A_81 = arith.cmpi ne, %convert_element_type3A_79, %cond3A_80 : i32
        scf.if %cond3A_81 {
          %add3A_82 = arith.constant 3 : i32
          %add3A_83 = arith.addi %mul3A_45, %add3A_82 : i32
          %mul3A_84 = arith.constant 80 : i32
          %mul3A_85 = arith.muli %add3A_83, %mul3A_84 : i32
          %add3A_86 = arith.addi %mul3A_18, %mul3A_85 : i32
          %dma_start3A_87 = tpu.memref_slice %arg4[%add3A_86] : memref<320000xi32, #tpu.memory_space<hbm>> -> memref<80xi32, #tpu.memory_space<hbm>>
          %dma_start3A_88 = tpu.memref_slice %arg4[%add3A_86] : memref<320000xi32, #tpu.memory_space<hbm>> -> memref<80xi32, #tpu.memory_space<hbm>>
          tpu.enqueue_dma source(%dma_start3A_88 : memref<80xi32, #tpu.memory_space<hbm>>) target(%arg17 : memref<80xi32, #tpu.memory_space<vmem>>) target_semaphore(%arg19 : memref<!tpu.dma_semaphore, #tpu.memory_space<semaphore_mem>>)
          %mul3A_89 = arith.constant 80 : i32
          %mul3A_90 = arith.muli %add3A_83, %mul3A_89 : i32
          %add3A_91 = arith.addi %mul3A_16, %mul3A_90 : i32
          %dma_start3A_92 = arith.constant 0 : i32
          %dma_start3A_93 = tpu.memref_slice %arg2[%add3A_91, %dma_start3A_92] : memref<480000x128xf32, #tpu.memory_space<hbm>> -> memref<80x128xf32, #tpu.memory_space<hbm>>
          %dma_start3A_94 = arith.constant 0 : i32
          %dma_start3A_95 = tpu.memref_slice %arg2[%add3A_91, %dma_start3A_94] : memref<480000x128xf32, #tpu.memory_space<hbm>> -> memref<80x128xf32, #tpu.memory_space<hbm>>
          tpu.enqueue_dma source(%dma_start3A_95 : memref<80x128xf32, #tpu.memory_space<hbm>>) target(%arg13 : memref<80x128xf32, #tpu.memory_space<vmem>>) target_semaphore(%arg19 : memref<!tpu.dma_semaphore, #tpu.memory_space<semaphore_mem>>)
        } else {
        }
      }
      %scan3A_42 = arith.constant 125 : i32
    } else {
    }
    %eq3A_3 = arith.constant 1 : i32
    %eq3A_4 = arith.cmpi eq, %arg0, %eq3A_3 : i32
    %convert_element_type3A_5 = arith.extui %eq3A_4 : i1 to i32
    %cond3A_6 = arith.constant 0 : i32
    %cond3A_7 = arith.cmpi ne, %convert_element_type3A_5, %cond3A_6 : i32
    scf.if %cond3A_7 {
      %mul3A_15 = arith.constant 10000 : i32
      %mul3A_16 = arith.muli %arg1, %mul3A_15 : i32
      %add3A_17 = arith.constant 320000 : i32
      %add3A_18 = arith.addi %add3A_17, %mul3A_16 : i32
      %mul3A_19 = arith.constant 10000 : i32
      %mul3A_20 = arith.muli %arg1, %mul3A_19 : i32
      %add3A_21 = arith.constant 0 : i32
      %add3A_22 = arith.addi %mul3A_20, %add3A_21 : i32
      %dma_start3A = tpu.memref_slice %arg5[%add3A_22] : memref<160000xi32, #tpu.memory_space<hbm>> -> memref<80xi32, #tpu.memory_space<hbm>>
      %dma_start3A_23 = tpu.memref_slice %arg5[%add3A_22] : memref<160000xi32, #tpu.memory_space<hbm>> -> memref<80xi32, #tpu.memory_space<hbm>>
      tpu.enqueue_dma source(%dma_start3A_23 : memref<80xi32, #tpu.memory_space<hbm>>) target(%arg16 : memref<80xi32, #tpu.memory_space<vmem>>) target_semaphore(%arg18 : memref<!tpu.dma_semaphore, #tpu.memory_space<semaphore_mem>>)
      %add3A_24 = arith.constant 0 : i32
      %add3A_25 = arith.addi %add3A_18, %add3A_24 : i32
      %dma_start3A_26 = arith.constant 0 : i32
      %dma_start3A_27 = tpu.memref_slice %arg2[%add3A_25, %dma_start3A_26] : memref<480000x128xf32, #tpu.memory_space<hbm>> -> memref<80x128xf32, #tpu.memory_space<hbm>>
      %dma_start3A_28 = arith.constant 0 : i32
      %dma_start3A_29 = tpu.memref_slice %arg2[%add3A_25, %dma_start3A_28] : memref<480000x128xf32, #tpu.memory_space<hbm>> -> memref<80x128xf32, #tpu.memory_space<hbm>>
      tpu.enqueue_dma source(%dma_start3A_29 : memref<80x128xf32, #tpu.memory_space<hbm>>) target(%arg12 : memref<80x128xf32, #tpu.memory_space<vmem>>) target_semaphore(%arg18 : memref<!tpu.dma_semaphore, #tpu.memory_space<semaphore_mem>>)
      %add3A_30 = arith.constant 80 : i32
      %add3A_31 = arith.addi %mul3A_20, %add3A_30 : i32
      %dma_start3A_32 = tpu.memref_slice %arg5[%add3A_31] : memref<160000xi32, #tpu.memory_space<hbm>> -> memref<80xi32, #tpu.memory_space<hbm>>
      %dma_start3A_33 = tpu.memref_slice %arg5[%add3A_31] : memref<160000xi32, #tpu.memory_space<hbm>> -> memref<80xi32, #tpu.memory_space<hbm>>
      tpu.enqueue_dma source(%dma_start3A_33 : memref<80xi32, #tpu.memory_space<hbm>>) target(%arg17 : memref<80xi32, #tpu.memory_space<vmem>>) target_semaphore(%arg19 : memref<!tpu.dma_semaphore, #tpu.memory_space<semaphore_mem>>)
      %add3A_34 = arith.constant 80 : i32
      %add3A_35 = arith.addi %add3A_18, %add3A_34 : i32
      %dma_start3A_36 = arith.constant 0 : i32
      %dma_start3A_37 = tpu.memref_slice %arg2[%add3A_35, %dma_start3A_36] : memref<480000x128xf32, #tpu.memory_space<hbm>> -> memref<80x128xf32, #tpu.memory_space<hbm>>
      %dma_start3A_38 = arith.constant 0 : i32
      %dma_start3A_39 = tpu.memref_slice %arg2[%add3A_35, %dma_start3A_38] : memref<480000x128xf32, #tpu.memory_space<hbm>> -> memref<80x128xf32, #tpu.memory_space<hbm>>
      tpu.enqueue_dma source(%dma_start3A_39 : memref<80x128xf32, #tpu.memory_space<hbm>>) target(%arg13 : memref<80x128xf32, #tpu.memory_space<vmem>>) target_semaphore(%arg19 : memref<!tpu.dma_semaphore, #tpu.memory_space<semaphore_mem>>)
      %scan3A = arith.constant 0 : i32
      %scan3A_40 = arith.constant 0 : i32
      %scan3A_41 = arith.constant 62 : i32
      %scan3A_42 = arith.addi %scan3A_40, %scan3A_41 : i32
      %scan3A_43 = arith.constant 1 : i32
      scf.for %scan3A_86 = %scan3A_40 to %scan3A_42 step %scan3A_43  : i32 {
        %mul3A_87 = arith.constant 2 : i32
        %mul3A_88 = arith.muli %mul3A_87, %scan3A_86 : i32
        %dma_wait3A_89 = tpu.memref_slice %arg5[%mul3A_20] : memref<160000xi32, #tpu.memory_space<hbm>> -> memref<80xi32, #tpu.memory_space<hbm>>
        %dma_wait3A_90 = tpu.memref_slice %arg5[%mul3A_20] : memref<160000xi32, #tpu.memory_space<hbm>> -> memref<80xi32, #tpu.memory_space<hbm>>
        tpu.wait_dma2 semaphore(%arg18 : memref<!tpu.dma_semaphore, #tpu.memory_space<semaphore_mem>>) src(%dma_wait3A_90 : memref<80xi32, #tpu.memory_space<hbm>>) dst(%arg16 : memref<80xi32, #tpu.memory_space<vmem>>)
        %dma_wait3A_91 = arith.constant 0 : i32
        %dma_wait3A_92 = tpu.memref_slice %arg2[%add3A_18, %dma_wait3A_91] : memref<480000x128xf32, #tpu.memory_space<hbm>> -> memref<80x128xf32, #tpu.memory_space<hbm>>
        %dma_wait3A_93 = arith.constant 0 : i32
        %dma_wait3A_94 = tpu.memref_slice %arg2[%add3A_18, %dma_wait3A_93] : memref<480000x128xf32, #tpu.memory_space<hbm>> -> memref<80x128xf32, #tpu.memory_space<hbm>>
        tpu.wait_dma2 semaphore(%arg18 : memref<!tpu.dma_semaphore, #tpu.memory_space<semaphore_mem>>) src(%dma_wait3A_94 : memref<80x128xf32, #tpu.memory_space<hbm>>) dst(%arg12 : memref<80x128xf32, #tpu.memory_space<vmem>>)
        %dma_start3A_95 = arith.constant 0 : i32
        %dma_start3A_96 = arith.constant 0 : i32
        %dma_start3A_97 = tpu.memref_slice %arg10[%dma_start3A_95, %dma_start3A_96] : memref<10000x128xf32, #tpu.memory_space<vmem_shared>> -> memref<10000x128xf32, #tpu.memory_space<vmem_shared>>
        tpu.enqueue_indirect_dma source(%arg12 : memref<80x128xf32, #tpu.memory_space<vmem>>) target(%dma_start3A_97 : memref<10000x128xf32, #tpu.memory_space<vmem_shared>>) offsets(%arg16 : memref<80xi32, #tpu.memory_space<vmem>>) semaphore(%arg20 : memref<!tpu.dma_semaphore, #tpu.memory_space<semaphore_mem>>) {add = true}
        %dma_wait3A_98 = tpu.memref_slice %arg5[%mul3A_20] : memref<160000xi32, #tpu.memory_space<hbm>> -> memref<80xi32, #tpu.memory_space<hbm>>
        %dma_wait3A_99 = tpu.memref_slice %arg5[%mul3A_20] : memref<160000xi32, #tpu.memory_space<hbm>> -> memref<80xi32, #tpu.memory_space<hbm>>
        tpu.wait_dma2 semaphore(%arg19 : memref<!tpu.dma_semaphore, #tpu.memory_space<semaphore_mem>>) src(%dma_wait3A_99 : memref<80xi32, #tpu.memory_space<hbm>>) dst(%arg17 : memref<80xi32, #tpu.memory_space<vmem>>)
        %dma_wait3A_100 = arith.constant 0 : i32
        %dma_wait3A_101 = tpu.memref_slice %arg2[%add3A_18, %dma_wait3A_100] : memref<480000x128xf32, #tpu.memory_space<hbm>> -> memref<80x128xf32, #tpu.memory_space<hbm>>
        %dma_wait3A_102 = arith.constant 0 : i32
        %dma_wait3A_103 = tpu.memref_slice %arg2[%add3A_18, %dma_wait3A_102] : memref<480000x128xf32, #tpu.memory_space<hbm>> -> memref<80x128xf32, #tpu.memory_space<hbm>>
        tpu.wait_dma2 semaphore(%arg19 : memref<!tpu.dma_semaphore, #tpu.memory_space<semaphore_mem>>) src(%dma_wait3A_103 : memref<80x128xf32, #tpu.memory_space<hbm>>) dst(%arg13 : memref<80x128xf32, #tpu.memory_space<vmem>>)
        %dma_start3A_104 = arith.constant 0 : i32
        %dma_start3A_105 = arith.constant 0 : i32
        %dma_start3A_106 = tpu.memref_slice %arg10[%dma_start3A_104, %dma_start3A_105] : memref<10000x128xf32, #tpu.memory_space<vmem_shared>> -> memref<10000x128xf32, #tpu.memory_space<vmem_shared>>
        tpu.enqueue_indirect_dma source(%arg13 : memref<80x128xf32, #tpu.memory_space<vmem>>) target(%dma_start3A_106 : memref<10000x128xf32, #tpu.memory_space<vmem_shared>>) offsets(%arg17 : memref<80xi32, #tpu.memory_space<vmem>>) semaphore(%arg21 : memref<!tpu.dma_semaphore, #tpu.memory_space<semaphore_mem>>) {add = true}
        %dma_wait3A_107 = arith.constant 0 : i32
        %dma_wait3A_108 = arith.constant 0 : i32
        %dma_wait3A_109 = tpu.memref_slice %arg10[%dma_wait3A_107, %dma_wait3A_108] : memref<10000x128xf32, #tpu.memory_space<vmem_shared>> -> memref<10000x128xf32, #tpu.memory_space<vmem_shared>>
        tpu.wait_indirect_dma semaphore(%arg20 : memref<!tpu.dma_semaphore, #tpu.memory_space<semaphore_mem>>) src(%arg12 : memref<80x128xf32, #tpu.memory_space<vmem>>) dst(%dma_wait3A_109 : memref<10000x128xf32, #tpu.memory_space<vmem_shared>>)
        %add3A_110 = arith.constant 2 : i32
        %add3A_111 = arith.addi %mul3A_88, %add3A_110 : i32
        %lt3A = arith.constant 125 : i32
        %lt3A_112 = arith.cmpi slt, %add3A_111, %lt3A : i32
        %convert_element_type3A_113 = arith.extui %lt3A_112 : i1 to i32
        %cond3A_114 = arith.constant 0 : i32
        %cond3A_115 = arith.cmpi ne, %convert_element_type3A_113, %cond3A_114 : i32
        scf.if %cond3A_115 {
          %add3A_126 = arith.constant 2 : i32
          %add3A_127 = arith.addi %mul3A_88, %add3A_126 : i32
          %mul3A_128 = arith.constant 80 : i32
          %mul3A_129 = arith.muli %add3A_127, %mul3A_128 : i32
          %add3A_130 = arith.addi %mul3A_20, %mul3A_129 : i32
          %dma_start3A_131 = tpu.memref_slice %arg5[%add3A_130] : memref<160000xi32, #tpu.memory_space<hbm>> -> memref<80xi32, #tpu.memory_space<hbm>>
          %dma_start3A_132 = tpu.memref_slice %arg5[%add3A_130] : memref<160000xi32, #tpu.memory_space<hbm>> -> memref<80xi32, #tpu.memory_space<hbm>>
          tpu.enqueue_dma source(%dma_start3A_132 : memref<80xi32, #tpu.memory_space<hbm>>) target(%arg16 : memref<80xi32, #tpu.memory_space<vmem>>) target_semaphore(%arg18 : memref<!tpu.dma_semaphore, #tpu.memory_space<semaphore_mem>>)
          %mul3A_133 = arith.constant 80 : i32
          %mul3A_134 = arith.muli %add3A_127, %mul3A_133 : i32
          %add3A_135 = arith.addi %add3A_18, %mul3A_134 : i32
          %dma_start3A_136 = arith.constant 0 : i32
          %dma_start3A_137 = tpu.memref_slice %arg2[%add3A_135, %dma_start3A_136] : memref<480000x128xf32, #tpu.memory_space<hbm>> -> memref<80x128xf32, #tpu.memory_space<hbm>>
          %dma_start3A_138 = arith.constant 0 : i32
          %dma_start3A_139 = tpu.memref_slice %arg2[%add3A_135, %dma_start3A_138] : memref<480000x128xf32, #tpu.memory_space<hbm>> -> memref<80x128xf32, #tpu.memory_space<hbm>>
          tpu.enqueue_dma source(%dma_start3A_139 : memref<80x128xf32, #tpu.memory_space<hbm>>) target(%arg12 : memref<80x128xf32, #tpu.memory_space<vmem>>) target_semaphore(%arg18 : memref<!tpu.dma_semaphore, #tpu.memory_space<semaphore_mem>>)
        } else {
        }
        %dma_wait3A_116 = arith.constant 0 : i32
        %dma_wait3A_117 = arith.constant 0 : i32
        %dma_wait3A_118 = tpu.memref_slice %arg10[%dma_wait3A_116, %dma_wait3A_117] : memref<10000x128xf32, #tpu.memory_space<vmem_shared>> -> memref<10000x128xf32, #tpu.memory_space<vmem_shared>>
        tpu.wait_indirect_dma semaphore(%arg21 : memref<!tpu.dma_semaphore, #tpu.memory_space<semaphore_mem>>) src(%arg13 : memref<80x128xf32, #tpu.memory_space<vmem>>) dst(%dma_wait3A_118 : memref<10000x128xf32, #tpu.memory_space<vmem_shared>>)
        %add3A_119 = arith.constant 3 : i32
        %add3A_120 = arith.addi %mul3A_88, %add3A_119 : i32
        %lt3A_121 = arith.constant 125 : i32
        %lt3A_122 = arith.cmpi slt, %add3A_120, %lt3A_121 : i32
        %convert_element_type3A_123 = arith.extui %lt3A_122 : i1 to i32
        %cond3A_124 = arith.constant 0 : i32
        %cond3A_125 = arith.cmpi ne, %convert_element_type3A_123, %cond3A_124 : i32
        scf.if %cond3A_125 {
          %add3A_126 = arith.constant 3 : i32
          %add3A_127 = arith.addi %mul3A_88, %add3A_126 : i32
          %mul3A_128 = arith.constant 80 : i32
          %mul3A_129 = arith.muli %add3A_127, %mul3A_128 : i32
          %add3A_130 = arith.addi %mul3A_20, %mul3A_129 : i32
          %dma_start3A_131 = tpu.memref_slice %arg5[%add3A_130] : memref<160000xi32, #tpu.memory_space<hbm>> -> memref<80xi32, #tpu.memory_space<hbm>>
          %dma_start3A_132 = tpu.memref_slice %arg5[%add3A_130] : memref<160000xi32, #tpu.memory_space<hbm>> -> memref<80xi32, #tpu.memory_space<hbm>>
          tpu.enqueue_dma source(%dma_start3A_132 : memref<80xi32, #tpu.memory_space<hbm>>) target(%arg17 : memref<80xi32, #tpu.memory_space<vmem>>) target_semaphore(%arg19 : memref<!tpu.dma_semaphore, #tpu.memory_space<semaphore_mem>>)
          %mul3A_133 = arith.constant 80 : i32
          %mul3A_134 = arith.muli %add3A_127, %mul3A_133 : i32
          %add3A_135 = arith.addi %add3A_18, %mul3A_134 : i32
          %dma_start3A_136 = arith.constant 0 : i32
          %dma_start3A_137 = tpu.memref_slice %arg2[%add3A_135, %dma_start3A_136] : memref<480000x128xf32, #tpu.memory_space<hbm>> -> memref<80x128xf32, #tpu.memory_space<hbm>>
          %dma_start3A_138 = arith.constant 0 : i32
          %dma_start3A_139 = tpu.memref_slice %arg2[%add3A_135, %dma_start3A_138] : memref<480000x128xf32, #tpu.memory_space<hbm>> -> memref<80x128xf32, #tpu.memory_space<hbm>>
          tpu.enqueue_dma source(%dma_start3A_139 : memref<80x128xf32, #tpu.memory_space<hbm>>) target(%arg13 : memref<80x128xf32, #tpu.memory_space<vmem>>) target_semaphore(%arg19 : memref<!tpu.dma_semaphore, #tpu.memory_space<semaphore_mem>>)
        } else {
        }
      }
      %scan3A_44 = arith.constant 62 : i32
      %dma_wait3A = tpu.memref_slice %arg5[%mul3A_20] : memref<160000xi32, #tpu.memory_space<hbm>> -> memref<80xi32, #tpu.memory_space<hbm>>
      %dma_wait3A_45 = tpu.memref_slice %arg5[%mul3A_20] : memref<160000xi32, #tpu.memory_space<hbm>> -> memref<80xi32, #tpu.memory_space<hbm>>
      tpu.wait_dma2 semaphore(%arg18 : memref<!tpu.dma_semaphore, #tpu.memory_space<semaphore_mem>>) src(%dma_wait3A_45 : memref<80xi32, #tpu.memory_space<hbm>>) dst(%arg16 : memref<80xi32, #tpu.memory_space<vmem>>)
      %dma_wait3A_46 = arith.constant 0 : i32
      %dma_wait3A_47 = tpu.memref_slice %arg2[%add3A_18, %dma_wait3A_46] : memref<480000x128xf32, #tpu.memory_space<hbm>> -> memref<80x128xf32, #tpu.memory_space<hbm>>
      %dma_wait3A_48 = arith.constant 0 : i32
      %dma_wait3A_49 = tpu.memref_slice %arg2[%add3A_18, %dma_wait3A_48] : memref<480000x128xf32, #tpu.memory_space<hbm>> -> memref<80x128xf32, #tpu.memory_space<hbm>>
      tpu.wait_dma2 semaphore(%arg18 : memref<!tpu.dma_semaphore, #tpu.memory_space<semaphore_mem>>) src(%dma_wait3A_49 : memref<80x128xf32, #tpu.memory_space<hbm>>) dst(%arg12 : memref<80x128xf32, #tpu.memory_space<vmem>>)
      %dma_start3A_50 = arith.constant 0 : i32
      %dma_start3A_51 = arith.constant 0 : i32
      %dma_start3A_52 = tpu.memref_slice %arg10[%dma_start3A_50, %dma_start3A_51] : memref<10000x128xf32, #tpu.memory_space<vmem_shared>> -> memref<10000x128xf32, #tpu.memory_space<vmem_shared>>
      tpu.enqueue_indirect_dma source(%arg12 : memref<80x128xf32, #tpu.memory_space<vmem>>) target(%dma_start3A_52 : memref<10000x128xf32, #tpu.memory_space<vmem_shared>>) offsets(%arg16 : memref<80xi32, #tpu.memory_space<vmem>>) semaphore(%arg20 : memref<!tpu.dma_semaphore, #tpu.memory_space<semaphore_mem>>) {add = true}
      %dma_wait3A_53 = arith.constant 0 : i32
      %dma_wait3A_54 = arith.constant 0 : i32
      %dma_wait3A_55 = tpu.memref_slice %arg10[%dma_wait3A_53, %dma_wait3A_54] : memref<10000x128xf32, #tpu.memory_space<vmem_shared>> -> memref<10000x128xf32, #tpu.memory_space<vmem_shared>>
      tpu.wait_indirect_dma semaphore(%arg20 : memref<!tpu.dma_semaphore, #tpu.memory_space<semaphore_mem>>) src(%arg12 : memref<80x128xf32, #tpu.memory_space<vmem>>) dst(%dma_wait3A_55 : memref<10000x128xf32, #tpu.memory_space<vmem_shared>>)
      %mul3A_56 = arith.constant 20000 : i32
      %mul3A_57 = arith.muli %arg1, %mul3A_56 : i32
      %mul3A_58 = arith.constant 20000 : i32
      %mul3A_59 = arith.muli %arg1, %mul3A_58 : i32
      %add3A_60 = arith.constant 0 : i32
      %add3A_61 = arith.addi %mul3A_59, %add3A_60 : i32
      %dma_start3A_62 = tpu.memref_slice %arg4[%add3A_61] : memref<320000xi32, #tpu.memory_space<hbm>> -> memref<80xi32, #tpu.memory_space<hbm>>
      %dma_start3A_63 = tpu.memref_slice %arg4[%add3A_61] : memref<320000xi32, #tpu.memory_space<hbm>> -> memref<80xi32, #tpu.memory_space<hbm>>
      tpu.enqueue_dma source(%dma_start3A_63 : memref<80xi32, #tpu.memory_space<hbm>>) target(%arg16 : memref<80xi32, #tpu.memory_space<vmem>>) target_semaphore(%arg18 : memref<!tpu.dma_semaphore, #tpu.memory_space<semaphore_mem>>)
      %add3A_64 = arith.constant 0 : i32
      %add3A_65 = arith.addi %mul3A_57, %add3A_64 : i32
      %dma_start3A_66 = arith.constant 0 : i32
      %dma_start3A_67 = tpu.memref_slice %arg3[%add3A_65, %dma_start3A_66] : memref<480000x16xf32, #tpu.memory_space<hbm>> -> memref<80x16xf32, #tpu.memory_space<hbm>>
      %dma_start3A_68 = arith.constant 0 : i32
      %dma_start3A_69 = tpu.memref_slice %arg3[%add3A_65, %dma_start3A_68] : memref<480000x16xf32, #tpu.memory_space<hbm>> -> memref<80x16xf32, #tpu.memory_space<hbm>>
      tpu.enqueue_dma source(%dma_start3A_69 : memref<80x16xf32, #tpu.memory_space<hbm>>) target(%arg14 : memref<80x16xf32, #tpu.memory_space<vmem>>) target_semaphore(%arg18 : memref<!tpu.dma_semaphore, #tpu.memory_space<semaphore_mem>>)
      %add3A_70 = arith.constant 80 : i32
      %add3A_71 = arith.addi %mul3A_59, %add3A_70 : i32
      %dma_start3A_72 = tpu.memref_slice %arg4[%add3A_71] : memref<320000xi32, #tpu.memory_space<hbm>> -> memref<80xi32, #tpu.memory_space<hbm>>
      %dma_start3A_73 = tpu.memref_slice %arg4[%add3A_71] : memref<320000xi32, #tpu.memory_space<hbm>> -> memref<80xi32, #tpu.memory_space<hbm>>
      tpu.enqueue_dma source(%dma_start3A_73 : memref<80xi32, #tpu.memory_space<hbm>>) target(%arg17 : memref<80xi32, #tpu.memory_space<vmem>>) target_semaphore(%arg19 : memref<!tpu.dma_semaphore, #tpu.memory_space<semaphore_mem>>)
      %add3A_74 = arith.constant 80 : i32
      %add3A_75 = arith.addi %mul3A_57, %add3A_74 : i32
      %dma_start3A_76 = arith.constant 0 : i32
      %dma_start3A_77 = tpu.memref_slice %arg3[%add3A_75, %dma_start3A_76] : memref<480000x16xf32, #tpu.memory_space<hbm>> -> memref<80x16xf32, #tpu.memory_space<hbm>>
      %dma_start3A_78 = arith.constant 0 : i32
      %dma_start3A_79 = tpu.memref_slice %arg3[%add3A_75, %dma_start3A_78] : memref<480000x16xf32, #tpu.memory_space<hbm>> -> memref<80x16xf32, #tpu.memory_space<hbm>>
      tpu.enqueue_dma source(%dma_start3A_79 : memref<80x16xf32, #tpu.memory_space<hbm>>) target(%arg15 : memref<80x16xf32, #tpu.memory_space<vmem>>) target_semaphore(%arg19 : memref<!tpu.dma_semaphore, #tpu.memory_space<semaphore_mem>>)
      %scan3A_80 = arith.constant 0 : i32
      %scan3A_81 = arith.constant 0 : i32
      %scan3A_82 = arith.constant 125 : i32
      %scan3A_83 = arith.addi %scan3A_81, %scan3A_82 : i32
      %scan3A_84 = arith.constant 1 : i32
      scf.for %scan3A_86 = %scan3A_81 to %scan3A_83 step %scan3A_84  : i32 {
        %mul3A_87 = arith.constant 2 : i32
        %mul3A_88 = arith.muli %mul3A_87, %scan3A_86 : i32
        %dma_wait3A_89 = tpu.memref_slice %arg4[%mul3A_59] : memref<320000xi32, #tpu.memory_space<hbm>> -> memref<80xi32, #tpu.memory_space<hbm>>
        %dma_wait3A_90 = tpu.memref_slice %arg4[%mul3A_59] : memref<320000xi32, #tpu.memory_space<hbm>> -> memref<80xi32, #tpu.memory_space<hbm>>
        tpu.wait_dma2 semaphore(%arg18 : memref<!tpu.dma_semaphore, #tpu.memory_space<semaphore_mem>>) src(%dma_wait3A_90 : memref<80xi32, #tpu.memory_space<hbm>>) dst(%arg16 : memref<80xi32, #tpu.memory_space<vmem>>)
        %dma_wait3A_91 = arith.constant 0 : i32
        %dma_wait3A_92 = tpu.memref_slice %arg3[%mul3A_57, %dma_wait3A_91] : memref<480000x16xf32, #tpu.memory_space<hbm>> -> memref<80x16xf32, #tpu.memory_space<hbm>>
        %dma_wait3A_93 = arith.constant 0 : i32
        %dma_wait3A_94 = tpu.memref_slice %arg3[%mul3A_57, %dma_wait3A_93] : memref<480000x16xf32, #tpu.memory_space<hbm>> -> memref<80x16xf32, #tpu.memory_space<hbm>>
        tpu.wait_dma2 semaphore(%arg18 : memref<!tpu.dma_semaphore, #tpu.memory_space<semaphore_mem>>) src(%dma_wait3A_94 : memref<80x16xf32, #tpu.memory_space<hbm>>) dst(%arg14 : memref<80x16xf32, #tpu.memory_space<vmem>>)
        %dma_start3A_95 = arith.constant 0 : i32
        %dma_start3A_96 = arith.constant 0 : i32
        %dma_start3A_97 = tpu.memref_slice %arg11[%dma_start3A_95, %dma_start3A_96] : memref<10000x16xf32, #tpu.memory_space<vmem_shared>> -> memref<10000x16xf32, #tpu.memory_space<vmem_shared>>
        tpu.enqueue_indirect_dma source(%arg14 : memref<80x16xf32, #tpu.memory_space<vmem>>) target(%dma_start3A_97 : memref<10000x16xf32, #tpu.memory_space<vmem_shared>>) offsets(%arg16 : memref<80xi32, #tpu.memory_space<vmem>>) semaphore(%arg20 : memref<!tpu.dma_semaphore, #tpu.memory_space<semaphore_mem>>) {add = true}
        %dma_wait3A_98 = tpu.memref_slice %arg4[%mul3A_59] : memref<320000xi32, #tpu.memory_space<hbm>> -> memref<80xi32, #tpu.memory_space<hbm>>
        %dma_wait3A_99 = tpu.memref_slice %arg4[%mul3A_59] : memref<320000xi32, #tpu.memory_space<hbm>> -> memref<80xi32, #tpu.memory_space<hbm>>
        tpu.wait_dma2 semaphore(%arg19 : memref<!tpu.dma_semaphore, #tpu.memory_space<semaphore_mem>>) src(%dma_wait3A_99 : memref<80xi32, #tpu.memory_space<hbm>>) dst(%arg17 : memref<80xi32, #tpu.memory_space<vmem>>)
        %dma_wait3A_100 = arith.constant 0 : i32
        %dma_wait3A_101 = tpu.memref_slice %arg3[%mul3A_57, %dma_wait3A_100] : memref<480000x16xf32, #tpu.memory_space<hbm>> -> memref<80x16xf32, #tpu.memory_space<hbm>>
        %dma_wait3A_102 = arith.constant 0 : i32
        %dma_wait3A_103 = tpu.memref_slice %arg3[%mul3A_57, %dma_wait3A_102] : memref<480000x16xf32, #tpu.memory_space<hbm>> -> memref<80x16xf32, #tpu.memory_space<hbm>>
        tpu.wait_dma2 semaphore(%arg19 : memref<!tpu.dma_semaphore, #tpu.memory_space<semaphore_mem>>) src(%dma_wait3A_103 : memref<80x16xf32, #tpu.memory_space<hbm>>) dst(%arg15 : memref<80x16xf32, #tpu.memory_space<vmem>>)
        %dma_start3A_104 = arith.constant 0 : i32
        %dma_start3A_105 = arith.constant 0 : i32
        %dma_start3A_106 = tpu.memref_slice %arg11[%dma_start3A_104, %dma_start3A_105] : memref<10000x16xf32, #tpu.memory_space<vmem_shared>> -> memref<10000x16xf32, #tpu.memory_space<vmem_shared>>
        tpu.enqueue_indirect_dma source(%arg15 : memref<80x16xf32, #tpu.memory_space<vmem>>) target(%dma_start3A_106 : memref<10000x16xf32, #tpu.memory_space<vmem_shared>>) offsets(%arg17 : memref<80xi32, #tpu.memory_space<vmem>>) semaphore(%arg21 : memref<!tpu.dma_semaphore, #tpu.memory_space<semaphore_mem>>) {add = true}
        %dma_wait3A_107 = arith.constant 0 : i32
        %dma_wait3A_108 = arith.constant 0 : i32
        %dma_wait3A_109 = tpu.memref_slice %arg11[%dma_wait3A_107, %dma_wait3A_108] : memref<10000x16xf32, #tpu.memory_space<vmem_shared>> -> memref<10000x16xf32, #tpu.memory_space<vmem_shared>>
        tpu.wait_indirect_dma semaphore(%arg20 : memref<!tpu.dma_semaphore, #tpu.memory_space<semaphore_mem>>) src(%arg14 : memref<80x16xf32, #tpu.memory_space<vmem>>) dst(%dma_wait3A_109 : memref<10000x16xf32, #tpu.memory_space<vmem_shared>>)
        %add3A_110 = arith.constant 2 : i32
        %add3A_111 = arith.addi %mul3A_88, %add3A_110 : i32
        %lt3A = arith.constant 250 : i32
        %lt3A_112 = arith.cmpi slt, %add3A_111, %lt3A : i32
        %convert_element_type3A_113 = arith.extui %lt3A_112 : i1 to i32
        %cond3A_114 = arith.constant 0 : i32
        %cond3A_115 = arith.cmpi ne, %convert_element_type3A_113, %cond3A_114 : i32
        scf.if %cond3A_115 {
          %add3A_126 = arith.constant 2 : i32
          %add3A_127 = arith.addi %mul3A_88, %add3A_126 : i32
          %mul3A_128 = arith.constant 80 : i32
          %mul3A_129 = arith.muli %add3A_127, %mul3A_128 : i32
          %add3A_130 = arith.addi %mul3A_59, %mul3A_129 : i32
          %dma_start3A_131 = tpu.memref_slice %arg4[%add3A_130] : memref<320000xi32, #tpu.memory_space<hbm>> -> memref<80xi32, #tpu.memory_space<hbm>>
          %dma_start3A_132 = tpu.memref_slice %arg4[%add3A_130] : memref<320000xi32, #tpu.memory_space<hbm>> -> memref<80xi32, #tpu.memory_space<hbm>>
          tpu.enqueue_dma source(%dma_start3A_132 : memref<80xi32, #tpu.memory_space<hbm>>) target(%arg16 : memref<80xi32, #tpu.memory_space<vmem>>) target_semaphore(%arg18 : memref<!tpu.dma_semaphore, #tpu.memory_space<semaphore_mem>>)
          %mul3A_133 = arith.constant 80 : i32
          %mul3A_134 = arith.muli %add3A_127, %mul3A_133 : i32
          %add3A_135 = arith.addi %mul3A_57, %mul3A_134 : i32
          %dma_start3A_136 = arith.constant 0 : i32
          %dma_start3A_137 = tpu.memref_slice %arg3[%add3A_135, %dma_start3A_136] : memref<480000x16xf32, #tpu.memory_space<hbm>> -> memref<80x16xf32, #tpu.memory_space<hbm>>
          %dma_start3A_138 = arith.constant 0 : i32
          %dma_start3A_139 = tpu.memref_slice %arg3[%add3A_135, %dma_start3A_138] : memref<480000x16xf32, #tpu.memory_space<hbm>> -> memref<80x16xf32, #tpu.memory_space<hbm>>
          tpu.enqueue_dma source(%dma_start3A_139 : memref<80x16xf32, #tpu.memory_space<hbm>>) target(%arg14 : memref<80x16xf32, #tpu.memory_space<vmem>>) target_semaphore(%arg18 : memref<!tpu.dma_semaphore, #tpu.memory_space<semaphore_mem>>)
        } else {
        }
        %dma_wait3A_116 = arith.constant 0 : i32
        %dma_wait3A_117 = arith.constant 0 : i32
        %dma_wait3A_118 = tpu.memref_slice %arg11[%dma_wait3A_116, %dma_wait3A_117] : memref<10000x16xf32, #tpu.memory_space<vmem_shared>> -> memref<10000x16xf32, #tpu.memory_space<vmem_shared>>
        tpu.wait_indirect_dma semaphore(%arg21 : memref<!tpu.dma_semaphore, #tpu.memory_space<semaphore_mem>>) src(%arg15 : memref<80x16xf32, #tpu.memory_space<vmem>>) dst(%dma_wait3A_118 : memref<10000x16xf32, #tpu.memory_space<vmem_shared>>)
        %add3A_119 = arith.constant 3 : i32
        %add3A_120 = arith.addi %mul3A_88, %add3A_119 : i32
        %lt3A_121 = arith.constant 250 : i32
        %lt3A_122 = arith.cmpi slt, %add3A_120, %lt3A_121 : i32
        %convert_element_type3A_123 = arith.extui %lt3A_122 : i1 to i32
        %cond3A_124 = arith.constant 0 : i32
        %cond3A_125 = arith.cmpi ne, %convert_element_type3A_123, %cond3A_124 : i32
        scf.if %cond3A_125 {
          %add3A_126 = arith.constant 3 : i32
          %add3A_127 = arith.addi %mul3A_88, %add3A_126 : i32
          %mul3A_128 = arith.constant 80 : i32
          %mul3A_129 = arith.muli %add3A_127, %mul3A_128 : i32
          %add3A_130 = arith.addi %mul3A_59, %mul3A_129 : i32
          %dma_start3A_131 = tpu.memref_slice %arg4[%add3A_130] : memref<320000xi32, #tpu.memory_space<hbm>> -> memref<80xi32, #tpu.memory_space<hbm>>
          %dma_start3A_132 = tpu.memref_slice %arg4[%add3A_130] : memref<320000xi32, #tpu.memory_space<hbm>> -> memref<80xi32, #tpu.memory_space<hbm>>
          tpu.enqueue_dma source(%dma_start3A_132 : memref<80xi32, #tpu.memory_space<hbm>>) target(%arg17 : memref<80xi32, #tpu.memory_space<vmem>>) target_semaphore(%arg19 : memref<!tpu.dma_semaphore, #tpu.memory_space<semaphore_mem>>)
          %mul3A_133 = arith.constant 80 : i32
          %mul3A_134 = arith.muli %add3A_127, %mul3A_133 : i32
          %add3A_135 = arith.addi %mul3A_57, %mul3A_134 : i32
          %dma_start3A_136 = arith.constant 0 : i32
          %dma_start3A_137 = tpu.memref_slice %arg3[%add3A_135, %dma_start3A_136] : memref<480000x16xf32, #tpu.memory_space<hbm>> -> memref<80x16xf32, #tpu.memory_space<hbm>>
          %dma_start3A_138 = arith.constant 0 : i32
          %dma_start3A_139 = tpu.memref_slice %arg3[%add3A_135, %dma_start3A_138] : memref<480000x16xf32, #tpu.memory_space<hbm>> -> memref<80x16xf32, #tpu.memory_space<hbm>>
          tpu.enqueue_dma source(%dma_start3A_139 : memref<80x16xf32, #tpu.memory_space<hbm>>) target(%arg15 : memref<80x16xf32, #tpu.memory_space<vmem>>) target_semaphore(%arg19 : memref<!tpu.dma_semaphore, #tpu.memory_space<semaphore_mem>>)
        } else {
        }
      }
      %scan3A_85 = arith.constant 125 : i32
    } else {
    }
    %barrier3A_8 = arith.constant 0 : index
    tpu.barrier barrier_id(%barrier3A_8)
    %mul3A_9 = arith.constant 10000 : i32
    %mul3A_10 = arith.muli %arg0, %mul3A_9 : i32
    %add3A = arith.addi %mul3A_10, %mul3A_0 : i32
    "tpu.region"() ({
      %run_scoped3A = tpu.sem_alloc : memref<!tpu.dma_semaphore, #tpu.memory_space<semaphore_mem>>
      %dma_start3A = arith.constant 0 : i32
      %dma_start3A_15 = tpu.memref_slice %arg8[%add3A, %dma_start3A] : memref<20000x128xf32, #tpu.memory_space<hbm>> -> memref<625x128xf32, #tpu.memory_space<hbm>>
      %dma_start3A_16 = arith.constant 0 : i32
      %dma_start3A_17 = tpu.memref_slice %arg10[%mul3A_0, %dma_start3A_16] : memref<10000x128xf32, #tpu.memory_space<vmem_shared>> -> memref<625x128xf32, #tpu.memory_space<vmem_shared>>
      tpu.enqueue_dma source(%dma_start3A_17 : memref<625x128xf32, #tpu.memory_space<vmem_shared>>) target(%dma_start3A_15 : memref<625x128xf32, #tpu.memory_space<hbm>>) target_semaphore(%run_scoped3A : memref<!tpu.dma_semaphore, #tpu.memory_space<semaphore_mem>>)
      %dma_wait3A = arith.constant 0 : i32
      %dma_wait3A_18 = tpu.memref_slice %arg8[%add3A, %dma_wait3A] : memref<20000x128xf32, #tpu.memory_space<hbm>> -> memref<625x128xf32, #tpu.memory_space<hbm>>
      %dma_wait3A_19 = arith.constant 0 : i32
      %dma_wait3A_20 = tpu.memref_slice %arg10[%mul3A_0, %dma_wait3A_19] : memref<10000x128xf32, #tpu.memory_space<vmem_shared>> -> memref<625x128xf32, #tpu.memory_space<vmem_shared>>
      tpu.wait_dma2 semaphore(%run_scoped3A : memref<!tpu.dma_semaphore, #tpu.memory_space<semaphore_mem>>) src(%dma_wait3A_20 : memref<625x128xf32, #tpu.memory_space<vmem_shared>>) dst(%dma_wait3A_18 : memref<625x128xf32, #tpu.memory_space<hbm>>)
      tpu.yield
    }) : () -> ()
    %sub3A = arith.constant 1 : i32
    %sub3A_11 = arith.subi %sub3A, %arg0 : i32
    %mul3A_12 = arith.constant 10000 : i32
    %mul3A_13 = arith.muli %sub3A_11, %mul3A_12 : i32
    %add3A_14 = arith.addi %mul3A_13, %mul3A_0 : i32
    "tpu.region"() ({
      %run_scoped3A = tpu.sem_alloc : memref<!tpu.dma_semaphore, #tpu.memory_space<semaphore_mem>>
      %dma_start3A = arith.constant 0 : i32
      %dma_start3A_15 = tpu.memref_slice %arg9[%add3A_14, %dma_start3A] : memref<20000x16xf32, #tpu.memory_space<hbm>> -> memref<625x16xf32, #tpu.memory_space<hbm>>
      %dma_start3A_16 = arith.constant 0 : i32
      %dma_start3A_17 = tpu.memref_slice %arg11[%mul3A_0, %dma_start3A_16] : memref<10000x16xf32, #tpu.memory_space<vmem_shared>> -> memref<625x16xf32, #tpu.memory_space<vmem_shared>>
      tpu.enqueue_dma source(%dma_start3A_17 : memref<625x16xf32, #tpu.memory_space<vmem_shared>>) target(%dma_start3A_15 : memref<625x16xf32, #tpu.memory_space<hbm>>) target_semaphore(%run_scoped3A : memref<!tpu.dma_semaphore, #tpu.memory_space<semaphore_mem>>)
      %dma_wait3A = arith.constant 0 : i32
      %dma_wait3A_18 = tpu.memref_slice %arg9[%add3A_14, %dma_wait3A] : memref<20000x16xf32, #tpu.memory_space<hbm>> -> memref<625x16xf32, #tpu.memory_space<hbm>>
      %dma_wait3A_19 = arith.constant 0 : i32
      %dma_wait3A_20 = tpu.memref_slice %arg11[%mul3A_0, %dma_wait3A_19] : memref<10000x16xf32, #tpu.memory_space<vmem_shared>> -> memref<625x16xf32, #tpu.memory_space<vmem_shared>>
      tpu.wait_dma2 semaphore(%run_scoped3A : memref<!tpu.dma_semaphore, #tpu.memory_space<semaphore_mem>>) src(%dma_wait3A_20 : memref<625x16xf32, #tpu.memory_space<vmem_shared>>) dst(%dma_wait3A_18 : memref<625x16xf32, #tpu.memory_space<hbm>>)
      tpu.yield
    }) : () -> ()
    return
  }
}

module attributes {stable_mosaic.version = 14 : i64} {
  func.func @body(%arg0: i32, %arg1: memref<1000x128xf32, #tpu.memory_space<vmem>>, %arg2: memref<1x128x128xf32, #tpu.memory_space<vmem>>, %arg3: memref<1x1x128xf32, #tpu.memory_space<vmem>>, %arg4: memref<1x1x128xf32, #tpu.memory_space<vmem>>, %arg5: memref<1000x128xf32, #tpu.memory_space<vmem>>, %arg6: memref<1000x64xi32, #tpu.memory_space<vmem>>) attributes {dimension_semantics = [#tpu.dimension_semantics<arbitrary>], iteration_bounds = array<i64: 20>, scalar_prefetch = 0 : i64, scratch_operands = 0 : i64, tpu.core_type = #tpu.core_type<tc>, window_params = [{transform_indices = @transform_0, window_bounds = array<i64: 1000, 128>}, {transform_indices = @transform_1, window_bounds = array<i64: 1, 128, 128>}, {transform_indices = @transform_2, window_bounds = array<i64: 1, 1, 128>}, {transform_indices = @transform_3, window_bounds = array<i64: 1, 1, 128>}, {transform_indices = @transform_4, window_bounds = array<i64: 1000, 128>}, {transform_indices = @transform_5, window_bounds = array<i64: 1000, 64>}]} {
    %get3A = arith.constant 0 : index
    %get3A_0 = arith.constant 0 : index
    %get3A_1 = vector.load %arg1[%get3A, %get3A_0] : memref<1000x128xf32, #tpu.memory_space<vmem>>, vector<1000x128xf32>
    %get3A_2 = arith.constant 0 : index
    %get3A_3 = arith.constant 0 : index
    %get3A_4 = arith.constant 0 : index
    %get3A_5 = vector.load %arg2[%get3A_2, %get3A_3, %get3A_4] : memref<1x128x128xf32, #tpu.memory_space<vmem>>, vector<1x128x128xf32>
    %get3A_6 = vector.shape_cast %get3A_5 : vector<1x128x128xf32> to vector<128x128xf32>
    %dot_general3A = arith.constant dense<0.000000e+00> : vector<1000x128xf32>
    %dot_general3A_7 = tpu.matmul %get3A_1, %get3A_6, %dot_general3A {dimension_numbers = #tpu.dot_dimension_numbers<[1], [0], [0], [1], [0, 0, 1, 1], [], []>, transpose_lhs_hint = false} : vector<1000x128xf32>, vector<128x128xf32>, vector<1000x128xf32> -> vector<1000x128xf32>
    %get3A_8 = arith.constant 0 : index
    %get3A_9 = arith.constant 0 : index
    %get3A_10 = arith.constant 0 : index
    %get3A_11 = vector.load %arg3[%get3A_8, %get3A_9, %get3A_10] : memref<1x1x128xf32, #tpu.memory_space<vmem>>, vector<1x1x128xf32>
    %get3A_12 = vector.shape_cast %get3A_11 : vector<1x1x128xf32> to vector<1x128xf32>
    %add3A = vector.broadcast %get3A_12 : vector<1x128xf32> to vector<1000x128xf32>
    %add3A_13 = arith.addf %dot_general3A_7, %add3A : vector<1000x128xf32>
    %logistic3A = arith.negf %add3A_13 : vector<1000x128xf32>
    %logistic3A_14 = math.exp %logistic3A : vector<1000x128xf32>
    %logistic3A_15 = arith.constant 1.000000e+00 : f32
    %logistic3A_16 = vector.broadcast %logistic3A_15 : f32 to vector<1000x128xf32>
    %logistic3A_17 = arith.addf %logistic3A_16, %logistic3A_14 : vector<1000x128xf32>
    %logistic3A_18 = arith.divf %logistic3A_16, %logistic3A_17 : vector<1000x128xf32>
    %mul3A = arith.mulf %add3A_13, %logistic3A_18 : vector<1000x128xf32>
    %get3A_19 = arith.constant 0 : index
    %get3A_20 = arith.constant 0 : index
    %get3A_21 = arith.constant 0 : index
    %get3A_22 = vector.load %arg4[%get3A_19, %get3A_20, %get3A_21] : memref<1x1x128xf32, #tpu.memory_space<vmem>>, vector<1x1x128xf32>
    %get3A_23 = vector.shape_cast %get3A_22 : vector<1x1x128xf32> to vector<1x128xf32>
    %add3A_24 = vector.broadcast %get3A_23 : vector<1x128xf32> to vector<1000x128xf32>
    %add3A_25 = arith.addf %mul3A, %add3A_24 : vector<1000x128xf32>
    %swap3A = arith.constant 0 : index
    %swap3A_26 = arith.constant 0 : index
    %swap3A_27 = vector.load %arg5[%swap3A, %swap3A_26] : memref<1000x128xf32, #tpu.memory_space<vmem>>, vector<1000x128xf32>
    tpu.vector_store %arg5[%swap3A, %swap3A_26], %add3A_25 {strides = array<i32>} : memref<1000x128xf32, #tpu.memory_space<vmem>>, vector<1000x128xf32>,
    %slice3A = vector.extract_strided_slice %add3A_25 {offsets = [0, 0], sizes = [1000, 64], strides = [1, 1]} : vector<1000x128xf32> to vector<1000x64xf32>
    %convert_element_type3A = arith.truncf %slice3A : vector<1000x64xf32> to vector<1000x64xbf16>
    %convert_element_type3A_28 = arith.extf %convert_element_type3A : vector<1000x64xbf16> to vector<1000x64xf32>
    %bitcast_convert_type3A = tpu.bitcast %convert_element_type3A_28 : vector<1000x64xf32> -> vector<1000x64xi32>
    %slice3A_29 = vector.extract_strided_slice %add3A_25 {offsets = [0, 64], sizes = [1000, 64], strides = [1, 1]} : vector<1000x128xf32> to vector<1000x64xf32>
    %convert_element_type3A_30 = arith.truncf %slice3A_29 : vector<1000x64xf32> to vector<1000x64xbf16>
    %convert_element_type3A_31 = arith.extf %convert_element_type3A_30 : vector<1000x64xbf16> to vector<1000x64xf32>
    %bitcast_convert_type3A_32 = tpu.bitcast %convert_element_type3A_31 : vector<1000x64xf32> -> vector<1000x64xi32>
    %shift_right_logical3A = arith.constant 16 : i32
    %shift_right_logical3A_33 = vector.broadcast %shift_right_logical3A : i32 to vector<1000x64xi32>
    %shift_right_logical3A_34 = arith.shrui %bitcast_convert_type3A, %shift_right_logical3A_33 : vector<1000x64xi32>
    %or3A = arith.ori %bitcast_convert_type3A_32, %shift_right_logical3A_34 : vector<1000x64xi32>
    %swap3A_35 = arith.constant 0 : index
    %swap3A_36 = arith.constant 0 : index
    %swap3A_37 = vector.load %arg6[%swap3A_35, %swap3A_36] : memref<1000x64xi32, #tpu.memory_space<vmem>>, vector<1000x64xi32>
    tpu.vector_store %arg6[%swap3A_35, %swap3A_36], %or3A {strides = array<i32>} : memref<1000x64xi32, #tpu.memory_space<vmem>>, vector<1000x64xi32>,
    return
  }
  func.func @transform_0(%arg0: i32) -> (i32, i32) {
    %c0_i32 = arith.constant 0 : i32
    %c0_i32_0 = arith.constant 0 : i32
    return %arg0, %c0_i32 : i32, i32
  }
  func.func @transform_1(%arg0: i32) -> (i32, i32, i32) {
    %jit3A = arith.constant 10 : i32
    %div3A = arith.divsi %arg0, %jit3A : i32
    %sign3A = arith.constant 0 : i32
    %sign3A_0 = arith.cmpi sgt, %arg0, %sign3A : i32
    %sign3A_1 = arith.extui %sign3A_0 : i1 to i32
    %sign3A_2 = arith.constant 0 : i32
    %sign3A_3 = arith.cmpi slt, %arg0, %sign3A_2 : i32
    %sign3A_4 = arith.extui %sign3A_3 : i1 to i32
    %sign3A_5 = arith.subi %sign3A_1, %sign3A_4 : i32
    %sign3A_6 = arith.constant 0 : i32
    %sign3A_7 = arith.cmpi sgt, %jit3A, %sign3A_6 : i32
    %sign3A_8 = arith.extui %sign3A_7 : i1 to i32
    %sign3A_9 = arith.constant 0 : i32
    %sign3A_10 = arith.cmpi slt, %jit3A, %sign3A_9 : i32
    %sign3A_11 = arith.extui %sign3A_10 : i1 to i32
    %sign3A_12 = arith.subi %sign3A_8, %sign3A_11 : i32
    %ne3A = arith.cmpi ne, %sign3A_5, %sign3A_12 : i32
    %rem3A = arith.remsi %arg0, %jit3A : i32
    %ne3A_13 = arith.constant 0 : i32
    %ne3A_14 = arith.cmpi ne, %rem3A, %ne3A_13 : i32
    %and3A = arith.andi %ne3A, %ne3A_14 : i1
    %sub3A = arith.constant 1 : i32
    %sub3A_15 = arith.subi %div3A, %sub3A : i32
    %select_n3A = arith.select %and3A, %sub3A_15, %div3A : i32
    %c0_i32 = arith.constant 0 : i32
    %c0_i32_16 = arith.constant 0 : i32
    %c0_i32_17 = arith.constant 0 : i32
    return %select_n3A, %c0_i32, %c0_i32_16 : i32, i32, i32
  }
  func.func @transform_2(%arg0: i32) -> (i32, i32, i32) {
    %jit3A = arith.constant 10 : i32
    %div3A = arith.divsi %arg0, %jit3A : i32
    %sign3A = arith.constant 0 : i32
    %sign3A_0 = arith.cmpi sgt, %arg0, %sign3A : i32
    %sign3A_1 = arith.extui %sign3A_0 : i1 to i32
    %sign3A_2 = arith.constant 0 : i32
    %sign3A_3 = arith.cmpi slt, %arg0, %sign3A_2 : i32
    %sign3A_4 = arith.extui %sign3A_3 : i1 to i32
    %sign3A_5 = arith.subi %sign3A_1, %sign3A_4 : i32
    %sign3A_6 = arith.constant 0 : i32
    %sign3A_7 = arith.cmpi sgt, %jit3A, %sign3A_6 : i32
    %sign3A_8 = arith.extui %sign3A_7 : i1 to i32
    %sign3A_9 = arith.constant 0 : i32
    %sign3A_10 = arith.cmpi slt, %jit3A, %sign3A_9 : i32
    %sign3A_11 = arith.extui %sign3A_10 : i1 to i32
    %sign3A_12 = arith.subi %sign3A_8, %sign3A_11 : i32
    %ne3A = arith.cmpi ne, %sign3A_5, %sign3A_12 : i32
    %rem3A = arith.remsi %arg0, %jit3A : i32
    %ne3A_13 = arith.constant 0 : i32
    %ne3A_14 = arith.cmpi ne, %rem3A, %ne3A_13 : i32
    %and3A = arith.andi %ne3A, %ne3A_14 : i1
    %sub3A = arith.constant 1 : i32
    %sub3A_15 = arith.subi %div3A, %sub3A : i32
    %select_n3A = arith.select %and3A, %sub3A_15, %div3A : i32
    %c0_i32 = arith.constant 0 : i32
    %c0_i32_16 = arith.constant 0 : i32
    %c0_i32_17 = arith.constant 0 : i32
    return %select_n3A, %c0_i32, %c0_i32_16 : i32, i32, i32
  }
  func.func @transform_3(%arg0: i32) -> (i32, i32, i32) {
    %jit3A = arith.constant 10 : i32
    %div3A = arith.divsi %arg0, %jit3A : i32
    %sign3A = arith.constant 0 : i32
    %sign3A_0 = arith.cmpi sgt, %arg0, %sign3A : i32
    %sign3A_1 = arith.extui %sign3A_0 : i1 to i32
    %sign3A_2 = arith.constant 0 : i32
    %sign3A_3 = arith.cmpi slt, %arg0, %sign3A_2 : i32
    %sign3A_4 = arith.extui %sign3A_3 : i1 to i32
    %sign3A_5 = arith.subi %sign3A_1, %sign3A_4 : i32
    %sign3A_6 = arith.constant 0 : i32
    %sign3A_7 = arith.cmpi sgt, %jit3A, %sign3A_6 : i32
    %sign3A_8 = arith.extui %sign3A_7 : i1 to i32
    %sign3A_9 = arith.constant 0 : i32
    %sign3A_10 = arith.cmpi slt, %jit3A, %sign3A_9 : i32
    %sign3A_11 = arith.extui %sign3A_10 : i1 to i32
    %sign3A_12 = arith.subi %sign3A_8, %sign3A_11 : i32
    %ne3A = arith.cmpi ne, %sign3A_5, %sign3A_12 : i32
    %rem3A = arith.remsi %arg0, %jit3A : i32
    %ne3A_13 = arith.constant 0 : i32
    %ne3A_14 = arith.cmpi ne, %rem3A, %ne3A_13 : i32
    %and3A = arith.andi %ne3A, %ne3A_14 : i1
    %sub3A = arith.constant 1 : i32
    %sub3A_15 = arith.subi %div3A, %sub3A : i32
    %select_n3A = arith.select %and3A, %sub3A_15, %div3A : i32
    %c0_i32 = arith.constant 0 : i32
    %c0_i32_16 = arith.constant 0 : i32
    %c0_i32_17 = arith.constant 0 : i32
    return %select_n3A, %c0_i32, %c0_i32_16 : i32, i32, i32
  }
  func.func @transform_4(%arg0: i32) -> (i32, i32) {
    %c0_i32 = arith.constant 0 : i32
    %c0_i32_0 = arith.constant 0 : i32
    return %arg0, %c0_i32 : i32, i32
  }
  func.func @transform_5(%arg0: i32) -> (i32, i32) {
    %c0_i32 = arith.constant 0 : i32
    %c0_i32_0 = arith.constant 0 : i32
    return %arg0, %c0_i32 : i32, i32
  }
}

module attributes {stable_mosaic.version = 14 : i64} {
  func.func @body(%arg0: i32, %arg1: i32, %arg2: memref<400x128xi32, #tpu.memory_space<vmem>>, %arg3: memref<400x128xi32, #tpu.memory_space<vmem>>, %arg4: memref<800x16xf32, #tpu.memory_space<vmem>>, %arg5: memref<800x16xf32, #tpu.memory_space<vmem>>, %arg6: memref<800x16xbf16, #tpu.memory_space<vmem>>, %arg7: memref<1x128x128xbf16, #tpu.memory_space<vmem>>, %arg8: memref<1x128x128xbf16, #tpu.memory_space<vmem>>, %arg9: memref<1x1x128xf32, #tpu.memory_space<vmem>>, %arg10: memref<1x16x128xbf16, #tpu.memory_space<vmem>>, %arg11: memref<1x1x128xf32, #tpu.memory_space<vmem>>, %arg12: memref<1x128x128xbf16, #tpu.memory_space<vmem>>, %arg13: memref<1x1x128xf32, #tpu.memory_space<vmem>>, %arg14: memref<1x1x128xf32, #tpu.memory_space<vmem>>, %arg15: memref<800x128xf32, #tpu.memory_space<vmem>>, %arg16: memref<800x16xf32, #tpu.memory_space<vmem>>) attributes {dimension_semantics = [#tpu.dimension_semantics<arbitrary>, #tpu.dimension_semantics<arbitrary>], iteration_bounds = array<i64: 3, 200>, scalar_prefetch = 0 : i64, scratch_operands = 0 : i64, tpu.core_type = #tpu.core_type<tc>, window_params = [{transform_indices = @transform_0, window_bounds = array<i64: 400, 128>}, {transform_indices = @transform_1, window_bounds = array<i64: 400, 128>}, {transform_indices = @transform_2, window_bounds = array<i64: 800, 16>}, {transform_indices = @transform_3, window_bounds = array<i64: 800, 16>}, {transform_indices = @transform_4, window_bounds = array<i64: 800, 16>}, {transform_indices = @transform_5, window_bounds = array<i64: 1, 128, 128>}, {transform_indices = @transform_6, window_bounds = array<i64: 1, 128, 128>}, {transform_indices = @transform_7, window_bounds = array<i64: 1, 1, 128>}, {transform_indices = @transform_8, window_bounds = array<i64: 1, 16, 128>}, {transform_indices = @transform_9, window_bounds = array<i64: 1, 1, 128>}, {transform_indices = @transform_10, window_bounds = array<i64: 1, 128, 128>}, {transform_indices = @transform_11, window_bounds = array<i64: 1, 1, 128>}, {transform_indices = @transform_12, window_bounds = array<i64: 1, 1, 128>}, {transform_indices = @transform_13, window_bounds = array<i64: 800, 128>}, {transform_indices = @transform_14, window_bounds = array<i64: 800, 16>}]} {
    %get3A = arith.constant 0 : index
    %get3A_0 = arith.constant 0 : index
    %get3A_1 = vector.load %arg2[%get3A, %get3A_0] : memref<400x128xi32, #tpu.memory_space<vmem>>, vector<400x128xi32>
    %slice3A = vector.extract_strided_slice %get3A_1 {offsets = [0, 0], sizes = [400, 64], strides = [1, 1]} : vector<400x128xi32> to vector<400x64xi32>
    %shift_left3A = arith.constant 16 : i32
    %shift_left3A_2 = vector.broadcast %shift_left3A : i32 to vector<400x64xi32>
    %shift_left3A_3 = arith.shli %slice3A, %shift_left3A_2 : vector<400x64xi32>
    %bitcast_convert_type3A = tpu.bitcast %shift_left3A_3 : vector<400x64xi32> -> vector<400x64xf32>
    %and3A = arith.constant -65536 : i32
    %and3A_4 = vector.broadcast %and3A : i32 to vector<400x64xi32>
    %and3A_5 = arith.andi %slice3A, %and3A_4 : vector<400x64xi32>
    %bitcast_convert_type3A_6 = tpu.bitcast %and3A_5 : vector<400x64xi32> -> vector<400x64xf32>
    %concatenate3A = tpu.concatenate %bitcast_convert_type3A, %bitcast_convert_type3A_6 in 1 : vector<400x64xf32>, vector<400x64xf32> -> vector<400x128xf32>
    %convert_element_type3A = arith.truncf %concatenate3A : vector<400x128xf32> to vector<400x128xbf16>
    %slice3A_7 = vector.extract_strided_slice %get3A_1 {offsets = [0, 64], sizes = [400, 64], strides = [1, 1]} : vector<400x128xi32> to vector<400x64xi32>
    %shift_left3A_8 = arith.constant 16 : i32
    %shift_left3A_9 = vector.broadcast %shift_left3A_8 : i32 to vector<400x64xi32>
    %shift_left3A_10 = arith.shli %slice3A_7, %shift_left3A_9 : vector<400x64xi32>
    %bitcast_convert_type3A_11 = tpu.bitcast %shift_left3A_10 : vector<400x64xi32> -> vector<400x64xf32>
    %and3A_12 = arith.constant -65536 : i32
    %and3A_13 = vector.broadcast %and3A_12 : i32 to vector<400x64xi32>
    %and3A_14 = arith.andi %slice3A_7, %and3A_13 : vector<400x64xi32>
    %bitcast_convert_type3A_15 = tpu.bitcast %and3A_14 : vector<400x64xi32> -> vector<400x64xf32>
    %concatenate3A_16 = tpu.concatenate %bitcast_convert_type3A_11, %bitcast_convert_type3A_15 in 1 : vector<400x64xf32>, vector<400x64xf32> -> vector<400x128xf32>
    %convert_element_type3A_17 = arith.truncf %concatenate3A_16 : vector<400x128xf32> to vector<400x128xbf16>
    %get3A_18 = arith.constant 0 : index
    %get3A_19 = arith.constant 0 : index
    %get3A_20 = vector.load %arg3[%get3A_18, %get3A_19] : memref<400x128xi32, #tpu.memory_space<vmem>>, vector<400x128xi32>
    %slice3A_21 = vector.extract_strided_slice %get3A_20 {offsets = [0, 0], sizes = [400, 64], strides = [1, 1]} : vector<400x128xi32> to vector<400x64xi32>
    %shift_left3A_22 = arith.constant 16 : i32
    %shift_left3A_23 = vector.broadcast %shift_left3A_22 : i32 to vector<400x64xi32>
    %shift_left3A_24 = arith.shli %slice3A_21, %shift_left3A_23 : vector<400x64xi32>
    %bitcast_convert_type3A_25 = tpu.bitcast %shift_left3A_24 : vector<400x64xi32> -> vector<400x64xf32>
    %and3A_26 = arith.constant -65536 : i32
    %and3A_27 = vector.broadcast %and3A_26 : i32 to vector<400x64xi32>
    %and3A_28 = arith.andi %slice3A_21, %and3A_27 : vector<400x64xi32>
    %bitcast_convert_type3A_29 = tpu.bitcast %and3A_28 : vector<400x64xi32> -> vector<400x64xf32>
    %concatenate3A_30 = tpu.concatenate %bitcast_convert_type3A_25, %bitcast_convert_type3A_29 in 1 : vector<400x64xf32>, vector<400x64xf32> -> vector<400x128xf32>
    %convert_element_type3A_31 = arith.truncf %concatenate3A_30 : vector<400x128xf32> to vector<400x128xbf16>
    %slice3A_32 = vector.extract_strided_slice %get3A_20 {offsets = [0, 64], sizes = [400, 64], strides = [1, 1]} : vector<400x128xi32> to vector<400x64xi32>
    %shift_left3A_33 = arith.constant 16 : i32
    %shift_left3A_34 = vector.broadcast %shift_left3A_33 : i32 to vector<400x64xi32>
    %shift_left3A_35 = arith.shli %slice3A_32, %shift_left3A_34 : vector<400x64xi32>
    %bitcast_convert_type3A_36 = tpu.bitcast %shift_left3A_35 : vector<400x64xi32> -> vector<400x64xf32>
    %and3A_37 = arith.constant -65536 : i32
    %and3A_38 = vector.broadcast %and3A_37 : i32 to vector<400x64xi32>
    %and3A_39 = arith.andi %slice3A_32, %and3A_38 : vector<400x64xi32>
    %bitcast_convert_type3A_40 = tpu.bitcast %and3A_39 : vector<400x64xi32> -> vector<400x64xf32>
    %concatenate3A_41 = tpu.concatenate %bitcast_convert_type3A_36, %bitcast_convert_type3A_40 in 1 : vector<400x64xf32>, vector<400x64xf32> -> vector<400x128xf32>
    %convert_element_type3A_42 = arith.truncf %concatenate3A_41 : vector<400x128xf32> to vector<400x128xbf16>
    %get3A_43 = arith.constant 0 : index
    %get3A_44 = arith.constant 0 : index
    %get3A_45 = vector.load %arg4[%get3A_43, %get3A_44] : memref<800x16xf32, #tpu.memory_space<vmem>>, vector<800x16xf32>
    %get3A_46 = arith.constant 0 : index
    %get3A_47 = arith.constant 0 : index
    %get3A_48 = vector.load %arg5[%get3A_46, %get3A_47] : memref<800x16xf32, #tpu.memory_space<vmem>>, vector<800x16xf32>
    %sub3A = arith.subf %get3A_45, %get3A_48 : vector<800x16xf32>
    %mul3A = arith.mulf %sub3A, %sub3A : vector<800x16xf32>
    %reduce_sum3A = arith.constant dense<0.000000e+00> : vector<800xf32>
    %reduce_sum3A_49 = vector.multi_reduction <add>, %mul3A, %reduce_sum3A [1] : vector<800x16xf32> to vector<800xf32>
    %broadcast_in_dim3A = vector.shape_cast %reduce_sum3A_49 : vector<800xf32> to vector<800x1xf32>
    %get3A_50 = arith.constant 0 : index
    %get3A_51 = arith.constant 0 : index
    %get3A_52 = vector.load %arg6[%get3A_50, %get3A_51] : memref<800x16xbf16, #tpu.memory_space<vmem>>, vector<800x16xbf16>
    %get3A_53 = arith.constant 0 : index
    %get3A_54 = arith.constant 0 : index
    %get3A_55 = arith.constant 0 : index
    %get3A_56 = vector.load %arg7[%get3A_53, %get3A_54, %get3A_55] : memref<1x128x128xbf16, #tpu.memory_space<vmem>>, vector<1x128x128xbf16>
    %get3A_57 = vector.shape_cast %get3A_56 : vector<1x128x128xbf16> to vector<128x128xbf16>
    %dot_general3A = arith.constant dense<0.000000e+00> : vector<400x128xf32>
    %dot_general3A_58 = tpu.matmul %convert_element_type3A, %get3A_57, %dot_general3A {dimension_numbers = #tpu.dot_dimension_numbers<[1], [0], [0], [1], [0, 0, 1, 1], [], []>, transpose_lhs_hint = false} : vector<400x128xbf16>, vector<128x128xbf16>, vector<400x128xf32> -> vector<400x128xf32>
    %get3A_59 = arith.constant 0 : index
    %get3A_60 = arith.constant 0 : index
    %get3A_61 = arith.constant 0 : index
    %get3A_62 = vector.load %arg8[%get3A_59, %get3A_60, %get3A_61] : memref<1x128x128xbf16, #tpu.memory_space<vmem>>, vector<1x128x128xbf16>
    %get3A_63 = vector.shape_cast %get3A_62 : vector<1x128x128xbf16> to vector<128x128xbf16>
    %dot_general3A_64 = arith.constant dense<0.000000e+00> : vector<400x128xf32>
    %dot_general3A_65 = tpu.matmul %convert_element_type3A_31, %get3A_63, %dot_general3A_64 {dimension_numbers = #tpu.dot_dimension_numbers<[1], [0], [0], [1], [0, 0, 1, 1], [], []>, transpose_lhs_hint = false} : vector<400x128xbf16>, vector<128x128xbf16>, vector<400x128xf32> -> vector<400x128xf32>
    %add3A = arith.addf %dot_general3A_58, %dot_general3A_65 : vector<400x128xf32>
    %slice3A_66 = vector.extract_strided_slice %get3A_52 {offsets = [0, 0], sizes = [400, 16], strides = [1, 1]} : vector<800x16xbf16> to vector<400x16xbf16>
    %get3A_67 = arith.constant 0 : index
    %get3A_68 = arith.constant 0 : index
    %get3A_69 = arith.constant 0 : index
    %get3A_70 = vector.load %arg10[%get3A_67, %get3A_68, %get3A_69] : memref<1x16x128xbf16, #tpu.memory_space<vmem>>, vector<1x16x128xbf16>
    %get3A_71 = vector.shape_cast %get3A_70 : vector<1x16x128xbf16> to vector<16x128xbf16>
    %dot_general3A_72 = arith.constant dense<0.000000e+00> : vector<400x128xf32>
    %dot_general3A_73 = tpu.matmul %slice3A_66, %get3A_71, %dot_general3A_72 {dimension_numbers = #tpu.dot_dimension_numbers<[1], [0], [0], [1], [0, 0, 1, 1], [], []>, transpose_lhs_hint = false} : vector<400x16xbf16>, vector<16x128xbf16>, vector<400x128xf32> -> vector<400x128xf32>
    %add3A_74 = arith.addf %add3A, %dot_general3A_73 : vector<400x128xf32>
    %slice3A_75 = vector.extract_strided_slice %broadcast_in_dim3A {offsets = [0, 0], sizes = [400, 1], strides = [1, 1]} : vector<800x1xf32> to vector<400x1xf32>
    %get3A_76 = arith.constant 0 : index
    %get3A_77 = arith.constant 0 : index
    %get3A_78 = arith.constant 0 : index
    %get3A_79 = vector.load %arg9[%get3A_76, %get3A_77, %get3A_78] : memref<1x1x128xf32, #tpu.memory_space<vmem>>, vector<1x1x128xf32>
    %get3A_80 = vector.shape_cast %get3A_79 : vector<1x1x128xf32> to vector<1x128xf32>
    %mul3A_81 = vector.broadcast %slice3A_75 : vector<400x1xf32> to vector<400x128xf32>
    %mul3A_82 = vector.broadcast %get3A_80 : vector<1x128xf32> to vector<400x128xf32>
    %mul3A_83 = arith.mulf %mul3A_81, %mul3A_82 : vector<400x128xf32>
    %add3A_84 = arith.addf %add3A_74, %mul3A_83 : vector<400x128xf32>
    %get3A_85 = arith.constant 0 : index
    %get3A_86 = arith.constant 0 : index
    %get3A_87 = arith.constant 0 : index
    %get3A_88 = vector.load %arg11[%get3A_85, %get3A_86, %get3A_87] : memref<1x1x128xf32, #tpu.memory_space<vmem>>, vector<1x1x128xf32>
    %get3A_89 = vector.shape_cast %get3A_88 : vector<1x1x128xf32> to vector<1x128xf32>
    %add3A_90 = vector.broadcast %get3A_89 : vector<1x128xf32> to vector<400x128xf32>
    %add3A_91 = arith.addf %add3A_84, %add3A_90 : vector<400x128xf32>
    %logistic3A = arith.negf %add3A_91 : vector<400x128xf32>
    %logistic3A_92 = math.exp %logistic3A : vector<400x128xf32>
    %logistic3A_93 = arith.constant 1.000000e+00 : f32
    %logistic3A_94 = vector.broadcast %logistic3A_93 : f32 to vector<400x128xf32>
    %logistic3A_95 = arith.addf %logistic3A_94, %logistic3A_92 : vector<400x128xf32>
    %logistic3A_96 = arith.divf %logistic3A_94, %logistic3A_95 : vector<400x128xf32>
    %mul3A_97 = arith.mulf %add3A_91, %logistic3A_96 : vector<400x128xf32>
    %convert_element_type3A_98 = arith.truncf %mul3A_97 : vector<400x128xf32> to vector<400x128xbf16>
    %get3A_99 = arith.constant 0 : index
    %get3A_100 = arith.constant 0 : index
    %get3A_101 = arith.constant 0 : index
    %get3A_102 = vector.load %arg12[%get3A_99, %get3A_100, %get3A_101] : memref<1x128x128xbf16, #tpu.memory_space<vmem>>, vector<1x128x128xbf16>
    %get3A_103 = vector.shape_cast %get3A_102 : vector<1x128x128xbf16> to vector<128x128xbf16>
    %dot_general3A_104 = arith.constant dense<0.000000e+00> : vector<400x128xf32>
    %dot_general3A_105 = tpu.matmul %convert_element_type3A_98, %get3A_103, %dot_general3A_104 {dimension_numbers = #tpu.dot_dimension_numbers<[1], [0], [0], [1], [0, 0, 1, 1], [], []>, transpose_lhs_hint = false} : vector<400x128xbf16>, vector<128x128xbf16>, vector<400x128xf32> -> vector<400x128xf32>
    %get3A_106 = arith.constant 0 : index
    %get3A_107 = arith.constant 0 : index
    %get3A_108 = arith.constant 0 : index
    %get3A_109 = vector.load %arg13[%get3A_106, %get3A_107, %get3A_108] : memref<1x1x128xf32, #tpu.memory_space<vmem>>, vector<1x1x128xf32>
    %get3A_110 = vector.shape_cast %get3A_109 : vector<1x1x128xf32> to vector<1x128xf32>
    %add3A_111 = vector.broadcast %get3A_110 : vector<1x128xf32> to vector<400x128xf32>
    %add3A_112 = arith.addf %dot_general3A_105, %add3A_111 : vector<400x128xf32>
    %logistic3A_113 = arith.negf %add3A_112 : vector<400x128xf32>
    %logistic3A_114 = math.exp %logistic3A_113 : vector<400x128xf32>
    %logistic3A_115 = arith.constant 1.000000e+00 : f32
    %logistic3A_116 = vector.broadcast %logistic3A_115 : f32 to vector<400x128xf32>
    %logistic3A_117 = arith.addf %logistic3A_116, %logistic3A_114 : vector<400x128xf32>
    %logistic3A_118 = arith.divf %logistic3A_116, %logistic3A_117 : vector<400x128xf32>
    %mul3A_119 = arith.mulf %add3A_112, %logistic3A_118 : vector<400x128xf32>
    %get3A_120 = arith.constant 0 : index
    %get3A_121 = arith.constant 0 : index
    %get3A_122 = arith.constant 0 : index
    %get3A_123 = vector.load %arg14[%get3A_120, %get3A_121, %get3A_122] : memref<1x1x128xf32, #tpu.memory_space<vmem>>, vector<1x1x128xf32>
    %get3A_124 = vector.shape_cast %get3A_123 : vector<1x1x128xf32> to vector<1x128xf32>
    %mul3A_125 = vector.broadcast %get3A_124 : vector<1x128xf32> to vector<400x128xf32>
    %mul3A_126 = arith.mulf %mul3A_119, %mul3A_125 : vector<400x128xf32>
    %reduce_sum3A_127 = arith.constant dense<0.000000e+00> : vector<400xf32>
    %reduce_sum3A_128 = vector.multi_reduction <add>, %mul3A_126, %reduce_sum3A_127 [1] : vector<400x128xf32> to vector<400xf32>
    %broadcast_in_dim3A_129 = vector.shape_cast %reduce_sum3A_128 : vector<400xf32> to vector<400x1xf32>
    %slice3A_130 = vector.extract_strided_slice %sub3A {offsets = [0, 0], sizes = [400, 16], strides = [1, 1]} : vector<800x16xf32> to vector<400x16xf32>
    %mul3A_131 = vector.broadcast %broadcast_in_dim3A_129 : vector<400x1xf32> to vector<400x16xf32>
    %mul3A_132 = arith.mulf %slice3A_130, %mul3A_131 : vector<400x16xf32>
    %get3A_133 = arith.constant 0 : index
    %get3A_134 = arith.constant 0 : index
    %get3A_135 = arith.constant 0 : index
    %get3A_136 = vector.load %arg7[%get3A_133, %get3A_134, %get3A_135] : memref<1x128x128xbf16, #tpu.memory_space<vmem>>, vector<1x128x128xbf16>
    %get3A_137 = vector.shape_cast %get3A_136 : vector<1x128x128xbf16> to vector<128x128xbf16>
    %dot_general3A_138 = arith.constant dense<0.000000e+00> : vector<400x128xf32>
    %dot_general3A_139 = tpu.matmul %convert_element_type3A_17, %get3A_137, %dot_general3A_138 {dimension_numbers = #tpu.dot_dimension_numbers<[1], [0], [0], [1], [0, 0, 1, 1], [], []>, transpose_lhs_hint = false} : vector<400x128xbf16>, vector<128x128xbf16>, vector<400x128xf32> -> vector<400x128xf32>
    %get3A_140 = arith.constant 0 : index
    %get3A_141 = arith.constant 0 : index
    %get3A_142 = arith.constant 0 : index
    %get3A_143 = vector.load %arg8[%get3A_140, %get3A_141, %get3A_142] : memref<1x128x128xbf16, #tpu.memory_space<vmem>>, vector<1x128x128xbf16>
    %get3A_144 = vector.shape_cast %get3A_143 : vector<1x128x128xbf16> to vector<128x128xbf16>
    %dot_general3A_145 = arith.constant dense<0.000000e+00> : vector<400x128xf32>
    %dot_general3A_146 = tpu.matmul %convert_element_type3A_42, %get3A_144, %dot_general3A_145 {dimension_numbers = #tpu.dot_dimension_numbers<[1], [0], [0], [1], [0, 0, 1, 1], [], []>, transpose_lhs_hint = false} : vector<400x128xbf16>, vector<128x128xbf16>, vector<400x128xf32> -> vector<400x128xf32>
    %add3A_147 = arith.addf %dot_general3A_139, %dot_general3A_146 : vector<400x128xf32>
    %slice3A_148 = vector.extract_strided_slice %get3A_52 {offsets = [400, 0], sizes = [400, 16], strides = [1, 1]} : vector<800x16xbf16> to vector<400x16xbf16>
    %get3A_149 = arith.constant 0 : index
    %get3A_150 = arith.constant 0 : index
    %get3A_151 = arith.constant 0 : index
    %get3A_152 = vector.load %arg10[%get3A_149, %get3A_150, %get3A_151] : memref<1x16x128xbf16, #tpu.memory_space<vmem>>, vector<1x16x128xbf16>
    %get3A_153 = vector.shape_cast %get3A_152 : vector<1x16x128xbf16> to vector<16x128xbf16>
    %dot_general3A_154 = arith.constant dense<0.000000e+00> : vector<400x128xf32>
    %dot_general3A_155 = tpu.matmul %slice3A_148, %get3A_153, %dot_general3A_154 {dimension_numbers = #tpu.dot_dimension_numbers<[1], [0], [0], [1], [0, 0, 1, 1], [], []>, transpose_lhs_hint = false} : vector<400x16xbf16>, vector<16x128xbf16>, vector<400x128xf32> -> vector<400x128xf32>
    %add3A_156 = arith.addf %add3A_147, %dot_general3A_155 : vector<400x128xf32>
    %slice3A_157 = vector.extract_strided_slice %broadcast_in_dim3A {offsets = [400, 0], sizes = [400, 1], strides = [1, 1]} : vector<800x1xf32> to vector<400x1xf32>
    %get3A_158 = arith.constant 0 : index
    %get3A_159 = arith.constant 0 : index
    %get3A_160 = arith.constant 0 : index
    %get3A_161 = vector.load %arg9[%get3A_158, %get3A_159, %get3A_160] : memref<1x1x128xf32, #tpu.memory_space<vmem>>, vector<1x1x128xf32>
    %get3A_162 = vector.shape_cast %get3A_161 : vector<1x1x128xf32> to vector<1x128xf32>
    %mul3A_163 = vector.broadcast %slice3A_157 : vector<400x1xf32> to vector<400x128xf32>
    %mul3A_164 = vector.broadcast %get3A_162 : vector<1x128xf32> to vector<400x128xf32>
    %mul3A_165 = arith.mulf %mul3A_163, %mul3A_164 : vector<400x128xf32>
    %add3A_166 = arith.addf %add3A_156, %mul3A_165 : vector<400x128xf32>
    %get3A_167 = arith.constant 0 : index
    %get3A_168 = arith.constant 0 : index
    %get3A_169 = arith.constant 0 : index
    %get3A_170 = vector.load %arg11[%get3A_167, %get3A_168, %get3A_169] : memref<1x1x128xf32, #tpu.memory_space<vmem>>, vector<1x1x128xf32>
    %get3A_171 = vector.shape_cast %get3A_170 : vector<1x1x128xf32> to vector<1x128xf32>
    %add3A_172 = vector.broadcast %get3A_171 : vector<1x128xf32> to vector<400x128xf32>
    %add3A_173 = arith.addf %add3A_166, %add3A_172 : vector<400x128xf32>
    %logistic3A_174 = arith.negf %add3A_173 : vector<400x128xf32>
    %logistic3A_175 = math.exp %logistic3A_174 : vector<400x128xf32>
    %logistic3A_176 = arith.constant 1.000000e+00 : f32
    %logistic3A_177 = vector.broadcast %logistic3A_176 : f32 to vector<400x128xf32>
    %logistic3A_178 = arith.addf %logistic3A_177, %logistic3A_175 : vector<400x128xf32>
    %logistic3A_179 = arith.divf %logistic3A_177, %logistic3A_178 : vector<400x128xf32>
    %mul3A_180 = arith.mulf %add3A_173, %logistic3A_179 : vector<400x128xf32>
    %convert_element_type3A_181 = arith.truncf %mul3A_180 : vector<400x128xf32> to vector<400x128xbf16>
    %get3A_182 = arith.constant 0 : index
    %get3A_183 = arith.constant 0 : index
    %get3A_184 = arith.constant 0 : index
    %get3A_185 = vector.load %arg12[%get3A_182, %get3A_183, %get3A_184] : memref<1x128x128xbf16, #tpu.memory_space<vmem>>, vector<1x128x128xbf16>
    %get3A_186 = vector.shape_cast %get3A_185 : vector<1x128x128xbf16> to vector<128x128xbf16>
    %dot_general3A_187 = arith.constant dense<0.000000e+00> : vector<400x128xf32>
    %dot_general3A_188 = tpu.matmul %convert_element_type3A_181, %get3A_186, %dot_general3A_187 {dimension_numbers = #tpu.dot_dimension_numbers<[1], [0], [0], [1], [0, 0, 1, 1], [], []>, transpose_lhs_hint = false} : vector<400x128xbf16>, vector<128x128xbf16>, vector<400x128xf32> -> vector<400x128xf32>
    %get3A_189 = arith.constant 0 : index
    %get3A_190 = arith.constant 0 : index
    %get3A_191 = arith.constant 0 : index
    %get3A_192 = vector.load %arg13[%get3A_189, %get3A_190, %get3A_191] : memref<1x1x128xf32, #tpu.memory_space<vmem>>, vector<1x1x128xf32>
    %get3A_193 = vector.shape_cast %get3A_192 : vector<1x1x128xf32> to vector<1x128xf32>
    %add3A_194 = vector.broadcast %get3A_193 : vector<1x128xf32> to vector<400x128xf32>
    %add3A_195 = arith.addf %dot_general3A_188, %add3A_194 : vector<400x128xf32>
    %logistic3A_196 = arith.negf %add3A_195 : vector<400x128xf32>
    %logistic3A_197 = math.exp %logistic3A_196 : vector<400x128xf32>
    %logistic3A_198 = arith.constant 1.000000e+00 : f32
    %logistic3A_199 = vector.broadcast %logistic3A_198 : f32 to vector<400x128xf32>
    %logistic3A_200 = arith.addf %logistic3A_199, %logistic3A_197 : vector<400x128xf32>
    %logistic3A_201 = arith.divf %logistic3A_199, %logistic3A_200 : vector<400x128xf32>
    %mul3A_202 = arith.mulf %add3A_195, %logistic3A_201 : vector<400x128xf32>
    %get3A_203 = arith.constant 0 : index
    %get3A_204 = arith.constant 0 : index
    %get3A_205 = arith.constant 0 : index
    %get3A_206 = vector.load %arg14[%get3A_203, %get3A_204, %get3A_205] : memref<1x1x128xf32, #tpu.memory_space<vmem>>, vector<1x1x128xf32>
    %get3A_207 = vector.shape_cast %get3A_206 : vector<1x1x128xf32> to vector<1x128xf32>
    %mul3A_208 = vector.broadcast %get3A_207 : vector<1x128xf32> to vector<400x128xf32>
    %mul3A_209 = arith.mulf %mul3A_202, %mul3A_208 : vector<400x128xf32>
    %reduce_sum3A_210 = arith.constant dense<0.000000e+00> : vector<400xf32>
    %reduce_sum3A_211 = vector.multi_reduction <add>, %mul3A_209, %reduce_sum3A_210 [1] : vector<400x128xf32> to vector<400xf32>
    %broadcast_in_dim3A_212 = vector.shape_cast %reduce_sum3A_211 : vector<400xf32> to vector<400x1xf32>
    %slice3A_213 = vector.extract_strided_slice %sub3A {offsets = [400, 0], sizes = [400, 16], strides = [1, 1]} : vector<800x16xf32> to vector<400x16xf32>
    %mul3A_214 = vector.broadcast %broadcast_in_dim3A_212 : vector<400x1xf32> to vector<400x16xf32>
    %mul3A_215 = arith.mulf %slice3A_213, %mul3A_214 : vector<400x16xf32>
    %concatenate3A_216 = tpu.concatenate %mul3A_119, %mul3A_202 in 0 : vector<400x128xf32>, vector<400x128xf32> -> vector<800x128xf32>
    %swap3A = arith.constant 0 : index
    %swap3A_217 = arith.constant 0 : index
    %swap3A_218 = vector.load %arg15[%swap3A, %swap3A_217] : memref<800x128xf32, #tpu.memory_space<vmem>>, vector<800x128xf32>
    tpu.vector_store %arg15[%swap3A, %swap3A_217], %concatenate3A_216 {strides = array<i32>} : memref<800x128xf32, #tpu.memory_space<vmem>>, vector<800x128xf32>,
    %concatenate3A_219 = tpu.concatenate %mul3A_132, %mul3A_215 in 0 : vector<400x16xf32>, vector<400x16xf32> -> vector<800x16xf32>
    %swap3A_220 = arith.constant 0 : index
    %swap3A_221 = arith.constant 0 : index
    %swap3A_222 = vector.load %arg16[%swap3A_220, %swap3A_221] : memref<800x16xf32, #tpu.memory_space<vmem>>, vector<800x16xf32>
    tpu.vector_store %arg16[%swap3A_220, %swap3A_221], %concatenate3A_219 {strides = array<i32>} : memref<800x16xf32, #tpu.memory_space<vmem>>, vector<800x16xf32>,
    return
  }
  func.func @transform_0(%arg0: i32, %arg1: i32) -> (i32, i32) {
    %mul3A = arith.constant 200 : i32
    %mul3A_0 = arith.muli %arg0, %mul3A : i32
    %add3A = arith.addi %mul3A_0, %arg1 : i32
    %c0_i32 = arith.constant 0 : i32
    %c0_i32_1 = arith.constant 0 : i32
    return %add3A, %c0_i32 : i32, i32
  }
  func.func @transform_1(%arg0: i32, %arg1: i32) -> (i32, i32) {
    %mul3A = arith.constant 200 : i32
    %mul3A_0 = arith.muli %arg0, %mul3A : i32
    %add3A = arith.addi %mul3A_0, %arg1 : i32
    %c0_i32 = arith.constant 0 : i32
    %c0_i32_1 = arith.constant 0 : i32
    return %add3A, %c0_i32 : i32, i32
  }
  func.func @transform_2(%arg0: i32, %arg1: i32) -> (i32, i32) {
    %mul3A = arith.constant 200 : i32
    %mul3A_0 = arith.muli %arg0, %mul3A : i32
    %add3A = arith.addi %mul3A_0, %arg1 : i32
    %c0_i32 = arith.constant 0 : i32
    %c0_i32_1 = arith.constant 0 : i32
    return %add3A, %c0_i32 : i32, i32
  }
  func.func @transform_3(%arg0: i32, %arg1: i32) -> (i32, i32) {
    %mul3A = arith.constant 200 : i32
    %mul3A_0 = arith.muli %arg0, %mul3A : i32
    %add3A = arith.addi %mul3A_0, %arg1 : i32
    %c0_i32 = arith.constant 0 : i32
    %c0_i32_1 = arith.constant 0 : i32
    return %add3A, %c0_i32 : i32, i32
  }
  func.func @transform_4(%arg0: i32, %arg1: i32) -> (i32, i32) {
    %mul3A = arith.constant 200 : i32
    %mul3A_0 = arith.muli %arg0, %mul3A : i32
    %add3A = arith.addi %mul3A_0, %arg1 : i32
    %c0_i32 = arith.constant 0 : i32
    %c0_i32_1 = arith.constant 0 : i32
    return %add3A, %c0_i32 : i32, i32
  }
  func.func @transform_5(%arg0: i32, %arg1: i32) -> (i32, i32, i32) {
    %c0_i32 = arith.constant 0 : i32
    %c0_i32_0 = arith.constant 0 : i32
    %c0_i32_1 = arith.constant 0 : i32
    return %arg0, %c0_i32, %c0_i32_0 : i32, i32, i32
  }
  func.func @transform_6(%arg0: i32, %arg1: i32) -> (i32, i32, i32) {
    %c0_i32 = arith.constant 0 : i32
    %c0_i32_0 = arith.constant 0 : i32
    %c0_i32_1 = arith.constant 0 : i32
    return %arg0, %c0_i32, %c0_i32_0 : i32, i32, i32
  }
  func.func @transform_7(%arg0: i32, %arg1: i32) -> (i32, i32, i32) {
    %c0_i32 = arith.constant 0 : i32
    %c0_i32_0 = arith.constant 0 : i32
    %c0_i32_1 = arith.constant 0 : i32
    return %arg0, %c0_i32, %c0_i32_0 : i32, i32, i32
  }
  func.func @transform_8(%arg0: i32, %arg1: i32) -> (i32, i32, i32) {
    %c0_i32 = arith.constant 0 : i32
    %c0_i32_0 = arith.constant 0 : i32
    %c0_i32_1 = arith.constant 0 : i32
    return %arg0, %c0_i32, %c0_i32_0 : i32, i32, i32
  }
  func.func @transform_9(%arg0: i32, %arg1: i32) -> (i32, i32, i32) {
    %c0_i32 = arith.constant 0 : i32
    %c0_i32_0 = arith.constant 0 : i32
    %c0_i32_1 = arith.constant 0 : i32
    return %arg0, %c0_i32, %c0_i32_0 : i32, i32, i32
  }
  func.func @transform_10(%arg0: i32, %arg1: i32) -> (i32, i32, i32) {
    %c0_i32 = arith.constant 0 : i32
    %c0_i32_0 = arith.constant 0 : i32
    %c0_i32_1 = arith.constant 0 : i32
    return %arg0, %c0_i32, %c0_i32_0 : i32, i32, i32
  }
  func.func @transform_11(%arg0: i32, %arg1: i32) -> (i32, i32, i32) {
    %c0_i32 = arith.constant 0 : i32
    %c0_i32_0 = arith.constant 0 : i32
    %c0_i32_1 = arith.constant 0 : i32
    return %arg0, %c0_i32, %c0_i32_0 : i32, i32, i32
  }
  func.func @transform_12(%arg0: i32, %arg1: i32) -> (i32, i32, i32) {
    %c0_i32 = arith.constant 0 : i32
    %c0_i32_0 = arith.constant 0 : i32
    %c0_i32_1 = arith.constant 0 : i32
    return %arg0, %c0_i32, %c0_i32_0 : i32, i32, i32
  }
  func.func @transform_13(%arg0: i32, %arg1: i32) -> (i32, i32) {
    %mul3A = arith.constant 200 : i32
    %mul3A_0 = arith.muli %arg0, %mul3A : i32
    %add3A = arith.addi %mul3A_0, %arg1 : i32
    %c0_i32 = arith.constant 0 : i32
    %c0_i32_1 = arith.constant 0 : i32
    return %add3A, %c0_i32 : i32, i32
  }
  func.func @transform_14(%arg0: i32, %arg1: i32) -> (i32, i32) {
    %mul3A = arith.constant 200 : i32
    %mul3A_0 = arith.muli %arg0, %mul3A : i32
    %add3A = arith.addi %mul3A_0, %arg1 : i32
    %c0_i32 = arith.constant 0 : i32
    %c0_i32_1 = arith.constant 0 : i32
    return %add3A, %c0_i32 : i32, i32
  }
}

module attributes {stable_mosaic.version = 14 : i64} {
  func.func @body(%arg0: i32, %arg1: memref<1000x128xf32, #tpu.memory_space<vmem>>, %arg2: memref<1000x128xf32, #tpu.memory_space<vmem>>, %arg3: memref<1000x16xf32, #tpu.memory_space<vmem>>, %arg4: memref<1000x16xf32, #tpu.memory_space<vmem>>, %arg5: memref<1x128x128xf32, #tpu.memory_space<vmem>>, %arg6: memref<1x128x128xf32, #tpu.memory_space<vmem>>, %arg7: memref<1x1x128xf32, #tpu.memory_space<vmem>>, %arg8: memref<1000x128xf32, #tpu.memory_space<vmem>>, %arg9: memref<1000x16xf32, #tpu.memory_space<vmem>>, %arg10: memref<1000x64xi32, #tpu.memory_space<vmem>>) attributes {dimension_semantics = [#tpu.dimension_semantics<arbitrary>], iteration_bounds = array<i64: 20>, scalar_prefetch = 0 : i64, scratch_operands = 0 : i64, tpu.core_type = #tpu.core_type<tc>, window_params = [{transform_indices = @transform_0, window_bounds = array<i64: 1000, 128>}, {transform_indices = @transform_1, window_bounds = array<i64: 1000, 128>}, {transform_indices = @transform_2, window_bounds = array<i64: 1000, 16>}, {transform_indices = @transform_3, window_bounds = array<i64: 1000, 16>}, {transform_indices = @transform_4, window_bounds = array<i64: 1, 128, 128>}, {transform_indices = @transform_5, window_bounds = array<i64: 1, 128, 128>}, {transform_indices = @transform_6, window_bounds = array<i64: 1, 1, 128>}, {transform_indices = @transform_7, window_bounds = array<i64: 1000, 128>}, {transform_indices = @transform_8, window_bounds = array<i64: 1000, 16>}, {transform_indices = @transform_9, window_bounds = array<i64: 1000, 64>}]} {
    %get3A = arith.constant 0 : index
    %get3A_0 = arith.constant 0 : index
    %get3A_1 = vector.load %arg1[%get3A, %get3A_0] : memref<1000x128xf32, #tpu.memory_space<vmem>>, vector<1000x128xf32>
    %get3A_2 = arith.constant 0 : index
    %get3A_3 = arith.constant 0 : index
    %get3A_4 = arith.constant 0 : index
    %get3A_5 = vector.load %arg5[%get3A_2, %get3A_3, %get3A_4] : memref<1x128x128xf32, #tpu.memory_space<vmem>>, vector<1x128x128xf32>
    %get3A_6 = vector.shape_cast %get3A_5 : vector<1x128x128xf32> to vector<128x128xf32>
    %dot_general3A = arith.constant dense<0.000000e+00> : vector<1000x128xf32>
    %dot_general3A_7 = tpu.matmul %get3A_1, %get3A_6, %dot_general3A {dimension_numbers = #tpu.dot_dimension_numbers<[1], [0], [0], [1], [0, 0, 1, 1], [], []>, transpose_lhs_hint = false} : vector<1000x128xf32>, vector<128x128xf32>, vector<1000x128xf32> -> vector<1000x128xf32>
    %get3A_8 = arith.constant 0 : index
    %get3A_9 = arith.constant 0 : index
    %get3A_10 = vector.load %arg2[%get3A_8, %get3A_9] : memref<1000x128xf32, #tpu.memory_space<vmem>>, vector<1000x128xf32>
    %get3A_11 = arith.constant 0 : index
    %get3A_12 = arith.constant 0 : index
    %get3A_13 = arith.constant 0 : index
    %get3A_14 = vector.load %arg6[%get3A_11, %get3A_12, %get3A_13] : memref<1x128x128xf32, #tpu.memory_space<vmem>>, vector<1x128x128xf32>
    %get3A_15 = vector.shape_cast %get3A_14 : vector<1x128x128xf32> to vector<128x128xf32>
    %dot_general3A_16 = arith.constant dense<0.000000e+00> : vector<1000x128xf32>
    %dot_general3A_17 = tpu.matmul %get3A_10, %get3A_15, %dot_general3A_16 {dimension_numbers = #tpu.dot_dimension_numbers<[1], [0], [0], [1], [0, 0, 1, 1], [], []>, transpose_lhs_hint = false} : vector<1000x128xf32>, vector<128x128xf32>, vector<1000x128xf32> -> vector<1000x128xf32>
    %add3A = arith.addf %dot_general3A_7, %dot_general3A_17 : vector<1000x128xf32>
    %get3A_18 = arith.constant 0 : index
    %get3A_19 = arith.constant 0 : index
    %get3A_20 = arith.constant 0 : index
    %get3A_21 = vector.load %arg7[%get3A_18, %get3A_19, %get3A_20] : memref<1x1x128xf32, #tpu.memory_space<vmem>>, vector<1x1x128xf32>
    %get3A_22 = vector.shape_cast %get3A_21 : vector<1x1x128xf32> to vector<1x128xf32>
    %add3A_23 = vector.broadcast %get3A_22 : vector<1x128xf32> to vector<1000x128xf32>
    %add3A_24 = arith.addf %add3A, %add3A_23 : vector<1000x128xf32>
    %logistic3A = arith.negf %add3A_24 : vector<1000x128xf32>
    %logistic3A_25 = math.exp %logistic3A : vector<1000x128xf32>
    %logistic3A_26 = arith.constant 1.000000e+00 : f32
    %logistic3A_27 = vector.broadcast %logistic3A_26 : f32 to vector<1000x128xf32>
    %logistic3A_28 = arith.addf %logistic3A_27, %logistic3A_25 : vector<1000x128xf32>
    %logistic3A_29 = arith.divf %logistic3A_27, %logistic3A_28 : vector<1000x128xf32>
    %mul3A = arith.mulf %add3A_24, %logistic3A_29 : vector<1000x128xf32>
    %add3A_30 = arith.addf %get3A_1, %mul3A : vector<1000x128xf32>
    %swap3A = arith.constant 0 : index
    %swap3A_31 = arith.constant 0 : index
    %swap3A_32 = vector.load %arg8[%swap3A, %swap3A_31] : memref<1000x128xf32, #tpu.memory_space<vmem>>, vector<1000x128xf32>
    tpu.vector_store %arg8[%swap3A, %swap3A_31], %add3A_30 {strides = array<i32>} : memref<1000x128xf32, #tpu.memory_space<vmem>>, vector<1000x128xf32>,
    %slice3A = vector.extract_strided_slice %add3A_30 {offsets = [0, 0], sizes = [1000, 64], strides = [1, 1]} : vector<1000x128xf32> to vector<1000x64xf32>
    %convert_element_type3A = arith.truncf %slice3A : vector<1000x64xf32> to vector<1000x64xbf16>
    %convert_element_type3A_33 = arith.extf %convert_element_type3A : vector<1000x64xbf16> to vector<1000x64xf32>
    %bitcast_convert_type3A = tpu.bitcast %convert_element_type3A_33 : vector<1000x64xf32> -> vector<1000x64xi32>
    %slice3A_34 = vector.extract_strided_slice %add3A_30 {offsets = [0, 64], sizes = [1000, 64], strides = [1, 1]} : vector<1000x128xf32> to vector<1000x64xf32>
    %convert_element_type3A_35 = arith.truncf %slice3A_34 : vector<1000x64xf32> to vector<1000x64xbf16>
    %convert_element_type3A_36 = arith.extf %convert_element_type3A_35 : vector<1000x64xbf16> to vector<1000x64xf32>
    %bitcast_convert_type3A_37 = tpu.bitcast %convert_element_type3A_36 : vector<1000x64xf32> -> vector<1000x64xi32>
    %shift_right_logical3A = arith.constant 16 : i32
    %shift_right_logical3A_38 = vector.broadcast %shift_right_logical3A : i32 to vector<1000x64xi32>
    %shift_right_logical3A_39 = arith.shrui %bitcast_convert_type3A, %shift_right_logical3A_38 : vector<1000x64xi32>
    %or3A = arith.ori %bitcast_convert_type3A_37, %shift_right_logical3A_39 : vector<1000x64xi32>
    %swap3A_40 = arith.constant 0 : index
    %swap3A_41 = arith.constant 0 : index
    %swap3A_42 = vector.load %arg10[%swap3A_40, %swap3A_41] : memref<1000x64xi32, #tpu.memory_space<vmem>>, vector<1000x64xi32>
    tpu.vector_store %arg10[%swap3A_40, %swap3A_41], %or3A {strides = array<i32>} : memref<1000x64xi32, #tpu.memory_space<vmem>>, vector<1000x64xi32>,
    %get3A_43 = arith.constant 0 : index
    %get3A_44 = arith.constant 0 : index
    %get3A_45 = vector.load %arg3[%get3A_43, %get3A_44] : memref<1000x16xf32, #tpu.memory_space<vmem>>, vector<1000x16xf32>
    %get3A_46 = arith.constant 0 : index
    %get3A_47 = arith.constant 0 : index
    %get3A_48 = vector.load %arg4[%get3A_46, %get3A_47] : memref<1000x16xf32, #tpu.memory_space<vmem>>, vector<1000x16xf32>
    %mul3A_49 = arith.constant 3.125000e-02 : f32
    %mul3A_50 = vector.broadcast %mul3A_49 : f32 to vector<1000x16xf32>
    %mul3A_51 = arith.mulf %get3A_48, %mul3A_50 : vector<1000x16xf32>
    %add3A_52 = arith.addf %get3A_45, %mul3A_51 : vector<1000x16xf32>
    %swap3A_53 = arith.constant 0 : index
    %swap3A_54 = arith.constant 0 : index
    %swap3A_55 = vector.load %arg9[%swap3A_53, %swap3A_54] : memref<1000x16xf32, #tpu.memory_space<vmem>>, vector<1000x16xf32>
    tpu.vector_store %arg9[%swap3A_53, %swap3A_54], %add3A_52 {strides = array<i32>} : memref<1000x16xf32, #tpu.memory_space<vmem>>, vector<1000x16xf32>,
    return
  }
  func.func @transform_0(%arg0: i32) -> (i32, i32) {
    %c0_i32 = arith.constant 0 : i32
    %c0_i32_0 = arith.constant 0 : i32
    return %arg0, %c0_i32 : i32, i32
  }
  func.func @transform_1(%arg0: i32) -> (i32, i32) {
    %c0_i32 = arith.constant 0 : i32
    %c0_i32_0 = arith.constant 0 : i32
    return %arg0, %c0_i32 : i32, i32
  }
  func.func @transform_2(%arg0: i32) -> (i32, i32) {
    %c0_i32 = arith.constant 0 : i32
    %c0_i32_0 = arith.constant 0 : i32
    return %arg0, %c0_i32 : i32, i32
  }
  func.func @transform_3(%arg0: i32) -> (i32, i32) {
    %c0_i32 = arith.constant 0 : i32
    %c0_i32_0 = arith.constant 0 : i32
    return %arg0, %c0_i32 : i32, i32
  }
  func.func @transform_4(%arg0: i32) -> (i32, i32, i32) {
    %jit3A = arith.constant 10 : i32
    %div3A = arith.divsi %arg0, %jit3A : i32
    %sign3A = arith.constant 0 : i32
    %sign3A_0 = arith.cmpi sgt, %arg0, %sign3A : i32
    %sign3A_1 = arith.extui %sign3A_0 : i1 to i32
    %sign3A_2 = arith.constant 0 : i32
    %sign3A_3 = arith.cmpi slt, %arg0, %sign3A_2 : i32
    %sign3A_4 = arith.extui %sign3A_3 : i1 to i32
    %sign3A_5 = arith.subi %sign3A_1, %sign3A_4 : i32
    %sign3A_6 = arith.constant 0 : i32
    %sign3A_7 = arith.cmpi sgt, %jit3A, %sign3A_6 : i32
    %sign3A_8 = arith.extui %sign3A_7 : i1 to i32
    %sign3A_9 = arith.constant 0 : i32
    %sign3A_10 = arith.cmpi slt, %jit3A, %sign3A_9 : i32
    %sign3A_11 = arith.extui %sign3A_10 : i1 to i32
    %sign3A_12 = arith.subi %sign3A_8, %sign3A_11 : i32
    %ne3A = arith.cmpi ne, %sign3A_5, %sign3A_12 : i32
    %rem3A = arith.remsi %arg0, %jit3A : i32
    %ne3A_13 = arith.constant 0 : i32
    %ne3A_14 = arith.cmpi ne, %rem3A, %ne3A_13 : i32
    %and3A = arith.andi %ne3A, %ne3A_14 : i1
    %sub3A = arith.constant 1 : i32
    %sub3A_15 = arith.subi %div3A, %sub3A : i32
    %select_n3A = arith.select %and3A, %sub3A_15, %div3A : i32
    %c0_i32 = arith.constant 0 : i32
    %c0_i32_16 = arith.constant 0 : i32
    %c0_i32_17 = arith.constant 0 : i32
    return %select_n3A, %c0_i32, %c0_i32_16 : i32, i32, i32
  }
  func.func @transform_5(%arg0: i32) -> (i32, i32, i32) {
    %jit3A = arith.constant 10 : i32
    %div3A = arith.divsi %arg0, %jit3A : i32
    %sign3A = arith.constant 0 : i32
    %sign3A_0 = arith.cmpi sgt, %arg0, %sign3A : i32
    %sign3A_1 = arith.extui %sign3A_0 : i1 to i32
    %sign3A_2 = arith.constant 0 : i32
    %sign3A_3 = arith.cmpi slt, %arg0, %sign3A_2 : i32
    %sign3A_4 = arith.extui %sign3A_3 : i1 to i32
    %sign3A_5 = arith.subi %sign3A_1, %sign3A_4 : i32
    %sign3A_6 = arith.constant 0 : i32
    %sign3A_7 = arith.cmpi sgt, %jit3A, %sign3A_6 : i32
    %sign3A_8 = arith.extui %sign3A_7 : i1 to i32
    %sign3A_9 = arith.constant 0 : i32
    %sign3A_10 = arith.cmpi slt, %jit3A, %sign3A_9 : i32
    %sign3A_11 = arith.extui %sign3A_10 : i1 to i32
    %sign3A_12 = arith.subi %sign3A_8, %sign3A_11 : i32
    %ne3A = arith.cmpi ne, %sign3A_5, %sign3A_12 : i32
    %rem3A = arith.remsi %arg0, %jit3A : i32
    %ne3A_13 = arith.constant 0 : i32
    %ne3A_14 = arith.cmpi ne, %rem3A, %ne3A_13 : i32
    %and3A = arith.andi %ne3A, %ne3A_14 : i1
    %sub3A = arith.constant 1 : i32
    %sub3A_15 = arith.subi %div3A, %sub3A : i32
    %select_n3A = arith.select %and3A, %sub3A_15, %div3A : i32
    %c0_i32 = arith.constant 0 : i32
    %c0_i32_16 = arith.constant 0 : i32
    %c0_i32_17 = arith.constant 0 : i32
    return %select_n3A, %c0_i32, %c0_i32_16 : i32, i32, i32
  }
  func.func @transform_6(%arg0: i32) -> (i32, i32, i32) {
    %jit3A = arith.constant 10 : i32
    %div3A = arith.divsi %arg0, %jit3A : i32
    %sign3A = arith.constant 0 : i32
    %sign3A_0 = arith.cmpi sgt, %arg0, %sign3A : i32
    %sign3A_1 = arith.extui %sign3A_0 : i1 to i32
    %sign3A_2 = arith.constant 0 : i32
    %sign3A_3 = arith.cmpi slt, %arg0, %sign3A_2 : i32
    %sign3A_4 = arith.extui %sign3A_3 : i1 to i32
    %sign3A_5 = arith.subi %sign3A_1, %sign3A_4 : i32
    %sign3A_6 = arith.constant 0 : i32
    %sign3A_7 = arith.cmpi sgt, %jit3A, %sign3A_6 : i32
    %sign3A_8 = arith.extui %sign3A_7 : i1 to i32
    %sign3A_9 = arith.constant 0 : i32
    %sign3A_10 = arith.cmpi slt, %jit3A, %sign3A_9 : i32
    %sign3A_11 = arith.extui %sign3A_10 : i1 to i32
    %sign3A_12 = arith.subi %sign3A_8, %sign3A_11 : i32
    %ne3A = arith.cmpi ne, %sign3A_5, %sign3A_12 : i32
    %rem3A = arith.remsi %arg0, %jit3A : i32
    %ne3A_13 = arith.constant 0 : i32
    %ne3A_14 = arith.cmpi ne, %rem3A, %ne3A_13 : i32
    %and3A = arith.andi %ne3A, %ne3A_14 : i1
    %sub3A = arith.constant 1 : i32
    %sub3A_15 = arith.subi %div3A, %sub3A : i32
    %select_n3A = arith.select %and3A, %sub3A_15, %div3A : i32
    %c0_i32 = arith.constant 0 : i32
    %c0_i32_16 = arith.constant 0 : i32
    %c0_i32_17 = arith.constant 0 : i32
    return %select_n3A, %c0_i32, %c0_i32_16 : i32, i32, i32
  }
  func.func @transform_7(%arg0: i32) -> (i32, i32) {
    %c0_i32 = arith.constant 0 : i32
    %c0_i32_0 = arith.constant 0 : i32
    return %arg0, %c0_i32 : i32, i32
  }
  func.func @transform_8(%arg0: i32) -> (i32, i32) {
    %c0_i32 = arith.constant 0 : i32
    %c0_i32_0 = arith.constant 0 : i32
    return %arg0, %c0_i32 : i32, i32
  }
  func.func @transform_9(%arg0: i32) -> (i32, i32) {
    %c0_i32 = arith.constant 0 : i32
    %c0_i32_0 = arith.constant 0 : i32
    return %arg0, %c0_i32 : i32, i32
  }
}

module attributes {stable_mosaic.version = 14 : i64} {
  func.func @body(%arg0: i32, %arg1: memref<1000x128xf32, #tpu.memory_space<vmem>>, %arg2: memref<1000x16xf32, #tpu.memory_space<vmem>>, %arg3: memref<1000x16xf32, #tpu.memory_space<vmem>>, %arg4: memref<128x16xf32, #tpu.memory_space<vmem>>, %arg5: memref<1x16xf32, #tpu.memory_space<vmem>>, %arg6: memref<1x1xf32, #tpu.memory_space<vmem>>) attributes {dimension_semantics = [#tpu.dimension_semantics<arbitrary>], iteration_bounds = array<i64: 10>, scalar_prefetch = 0 : i64, scratch_operands = 0 : i64, tpu.core_type = #tpu.core_type<tc>, window_params = [{transform_indices = @transform_0, window_bounds = array<i64: 1000, 128>}, {transform_indices = @transform_1, window_bounds = array<i64: 1000, 16>}, {transform_indices = @transform_2, window_bounds = array<i64: 1000, 16>}, {pipeline_mode = #tpu.pipeline_mode<synchronous>, transform_indices = @transform_3, window_bounds = array<i64: 128, 16>}, {pipeline_mode = #tpu.pipeline_mode<synchronous>, transform_indices = @transform_4, window_bounds = array<i64: 1, 16>}, {pipeline_mode = #tpu.pipeline_mode<synchronous>, transform_indices = @transform_5, window_bounds = array<i64: 1, 1>}]} {
    %eq3A = arith.constant 0 : i32
    %eq3A_0 = arith.cmpi eq, %arg0, %eq3A : i32
    %convert_element_type3A = arith.extui %eq3A_0 : i1 to i32
    %cond3A = arith.constant 0 : i32
    %cond3A_1 = arith.cmpi ne, %convert_element_type3A, %cond3A : i32
    scf.if %cond3A_1 {
      %broadcast_in_dim3A = arith.constant 0.000000e+00 : f32
      %broadcast_in_dim3A_32 = vector.broadcast %broadcast_in_dim3A : f32 to vector<1x1xf32>
      %swap3A_33 = arith.constant 0 : index
      %swap3A_34 = arith.constant 0 : index
      %swap3A_35 = vector.load %arg6[%swap3A_33, %swap3A_34] : memref<1x1xf32, #tpu.memory_space<vmem>>, vector<1x1xf32>
      tpu.vector_store %arg6[%swap3A_33, %swap3A_34], %broadcast_in_dim3A_32 {strides = array<i32>} : memref<1x1xf32, #tpu.memory_space<vmem>>, vector<1x1xf32>,
    } else {
    }
    %get3A = arith.constant 0 : index
    %get3A_2 = arith.constant 0 : index
    %get3A_3 = vector.load %arg2[%get3A, %get3A_2] : memref<1000x16xf32, #tpu.memory_space<vmem>>, vector<1000x16xf32>
    %get3A_4 = arith.constant 0 : index
    %get3A_5 = arith.constant 0 : index
    %get3A_6 = vector.load %arg3[%get3A_4, %get3A_5] : memref<1000x16xf32, #tpu.memory_space<vmem>>, vector<1000x16xf32>
    %sub3A = arith.subf %get3A_3, %get3A_6 : vector<1000x16xf32>
    %get3A_7 = arith.constant 0 : index
    %get3A_8 = arith.constant 0 : index
    %get3A_9 = vector.load %arg1[%get3A_7, %get3A_8] : memref<1000x128xf32, #tpu.memory_space<vmem>>, vector<1000x128xf32>
    %get3A_10 = arith.constant 0 : index
    %get3A_11 = arith.constant 0 : index
    %get3A_12 = vector.load %arg4[%get3A_10, %get3A_11] : memref<128x16xf32, #tpu.memory_space<vmem>>, vector<128x16xf32>
    %dot_general3A = arith.constant dense<0.000000e+00> : vector<1000x16xf32>
    %dot_general3A_13 = tpu.matmul %get3A_9, %get3A_12, %dot_general3A {dimension_numbers = #tpu.dot_dimension_numbers<[1], [0], [0], [1], [0, 0, 1, 1], [], []>, transpose_lhs_hint = false} : vector<1000x128xf32>, vector<128x16xf32>, vector<1000x16xf32> -> vector<1000x16xf32>
    %add3A = arith.addf %sub3A, %dot_general3A_13 : vector<1000x16xf32>
    %get3A_14 = arith.constant 0 : index
    %get3A_15 = arith.constant 0 : index
    %get3A_16 = vector.load %arg5[%get3A_14, %get3A_15] : memref<1x16xf32, #tpu.memory_space<vmem>>, vector<1x16xf32>
    %add3A_17 = vector.broadcast %get3A_16 : vector<1x16xf32> to vector<1000x16xf32>
    %add3A_18 = arith.addf %add3A, %add3A_17 : vector<1000x16xf32>
    %get3A_19 = arith.constant 0 : index
    %get3A_20 = arith.constant 0 : index
    %get3A_21 = vector.load %arg6[%get3A_19, %get3A_20] : memref<1x1xf32, #tpu.memory_space<vmem>>, vector<1x1xf32>
    %mul3A = arith.mulf %add3A_18, %add3A_18 : vector<1000x16xf32>
    %reduce_sum3A = vector.shape_cast %mul3A : vector<1000x16xf32> to vector<1x1000x16xf32>
    %reduce_sum3A_22 = arith.constant dense<0.000000e+00> : vector<1xf32>
    %reduce_sum3A_23 = vector.multi_reduction <add>, %reduce_sum3A, %reduce_sum3A_22 [1, 2] : vector<1x1000x16xf32> to vector<1xf32>
    %reduce_sum3A_24 = vector.shape_cast %reduce_sum3A_23 : vector<1xf32> to vector<1x1x1xf32>
    %reduce_sum3A_25 = vector.extract %reduce_sum3A_24[0, 0, 0] : f32 from vector<1x1x1xf32>
    %mul3A_26 = arith.constant 3.33333337E-5 : f32
    %mul3A_27 = arith.mulf %reduce_sum3A_25, %mul3A_26 : f32
    %add3A_28 = vector.broadcast %mul3A_27 : f32 to vector<1x1xf32>
    %add3A_29 = arith.addf %get3A_21, %add3A_28 : vector<1x1xf32>
    %swap3A = arith.constant 0 : index
    %swap3A_30 = arith.constant 0 : index
    %swap3A_31 = vector.load %arg6[%swap3A, %swap3A_30] : memref<1x1xf32, #tpu.memory_space<vmem>>, vector<1x1xf32>
    tpu.vector_store %arg6[%swap3A, %swap3A_30], %add3A_29 {strides = array<i32>} : memref<1x1xf32, #tpu.memory_space<vmem>>, vector<1x1xf32>,
    return
  }
  func.func @transform_0(%arg0: i32) -> (i32, i32) {
    %c0_i32 = arith.constant 0 : i32
    %c0_i32_0 = arith.constant 0 : i32
    return %arg0, %c0_i32 : i32, i32
  }
  func.func @transform_1(%arg0: i32) -> (i32, i32) {
    %c0_i32 = arith.constant 0 : i32
    %c0_i32_0 = arith.constant 0 : i32
    return %arg0, %c0_i32 : i32, i32
  }
  func.func @transform_2(%arg0: i32) -> (i32, i32) {
    %c0_i32 = arith.constant 0 : i32
    %c0_i32_0 = arith.constant 0 : i32
    return %arg0, %c0_i32 : i32, i32
  }
  func.func @transform_3(%arg0: i32) -> (i32, i32) {
    %c0_i32 = arith.constant 0 : i32
    %c0_i32_0 = arith.constant 0 : i32
    %c0_i32_1 = arith.constant 0 : i32
    return %c0_i32, %c0_i32_0 : i32, i32
  }
  func.func @transform_4(%arg0: i32) -> (i32, i32) {
    %c0_i32 = arith.constant 0 : i32
    %c0_i32_0 = arith.constant 0 : i32
    %c0_i32_1 = arith.constant 0 : i32
    return %c0_i32, %c0_i32_0 : i32, i32
  }
  func.func @transform_5(%arg0: i32) -> (i32, i32) {
    %c0_i32 = arith.constant 0 : i32
    %c0_i32_0 = arith.constant 0 : i32
    %c0_i32_1 = arith.constant 0 : i32
    return %c0_i32, %c0_i32_0 : i32, i32
  }
}

</mosaic_0001>

<sc_bundles>
// kernel: gather_offload_async_start.1
scs
__scs_entry_jumppad:
0x0: {  	(pc) =	sbr.rel $0x88, $3  }
0x1: {  	(tag) =	ssettag $0x0;
	lr =	simm.s32 $0x1  }
0x2: {  	[smem:$0x3F7D] =	sst lr;
	_ =	strace $0xD0000000  }
0x3: {  	_ = 	snop  }
0x4: {  	_ = 	snop  }
0x5: {  	_ = 	snop  }
0x6: {  	_ = 	snop  }
0x7: {  	_ = 	snop  }
__scs_overlays_trampoline_lowered:
0x8: {  	[smem:$0x3F8C] =	sst s0  }
0x9: {  	[smem:$0x3F8D] =	sst s1  }
0xa: {  	[smem:$0x3F8E] =	sst s2  }
0xb: {  	[smem:$0x3F8F] =	sst s3  }
0xc: {  	[smem:$0x3F90] =	sst s4  }
0xd: {  	[smem:$0x3F91] =	sst s5  }
0xe: {  	[smem:$0x3F92] =	sst s6  }
0xf: {  	[smem:$0x3F93] =	sst s7  }
0x10: {  	[smem:$0x3F94] =	sst s8  }
0x11: {  	[smem:$0x3F95] =	sst s9;
	s0 =	simm.s32 @!p0 $0x0  }
0x12: {  	s1 =	sld [smem:$0x3F7B];
	s0 =	simm.s32 @p0 $0x1  }
0x13: {  	[smem:$0x3F96] =	sst s0;
	s0 =	simm.s32 @!p1 $0x0  }
0x14: {  	s2 =	sld [smem:$0x3F7A];
	s0 =	simm.s32 @p1 $0x1  }
0x15: {  	[smem:$0x3F97] =	sst s0;
	s0 =	simm.s32 @!p2 $0x0  }
0x16: {  	s3 =	sld [smem:$0x3FDB];
	s0 =	simm.s32 @p2 $0x1  }
0x17: {  	s4 =	simm.s32 $0x1BF5;
	[smem:$0x3F99] =	sst s0  }
0x18: {  	s0 =	sld [smem:$0x3F7C];
	_ =	swait.ge [sflag:s4], $0x0  }
0x19: {  	s7 =	sld [smem:$0x3F7D]  }
0x1a: {  	s8 =	sadd.s32 $0xFFFFE003, lr  }
0x1b: {  	s9 =	sadd.s32 $0xFFFFFEF7, lr;
	s5 =	simm.s32 $0xFFFFFFFF;
	p2 =	slt.u32 s8, $0xFFFFF086  }
0x1c: {  	p1 =	slt.u32 s9, $0xF7A;
	s5 =	simm.s32 @!p2 $0x0  }
0x1d: {  	s5 =	simm.s32 @p1 $0x1;
	p0 =	seq.s32 s7, s2  }
0x1e: {  	s7 =	smul.u32 @!p0 $0xF7A, s2;
	p2 =	seq.s32 @!p0 s5, $0x0  }
0x1f: {  	s9 =	smul.u32 $0xF7A, s1;
	s8 =	simm.s32 @!p0 $0x1BF5;
	p2 =	por !p2, p0  }
0x20: {  	[sflag:s8] =	ssyncset.s32 @!p0 $0xFFFFF086;
	s6 =	sadd.s32 @!p0 s3, s7;
	s7 =	simm.s32 @!p0 $0x108  }
0x21: {  	s3 =	sadd.s32 s3, s9;
	s6 =	sadd.s32 @!p0 $0x88, s6;
	s7 =	simm.s32 @p2 $0x1082  }
0x22: {  	[simem:s7], [sflag:s8] =	dma.local @!p0 [hbm:s6], $0xF7A  }
0x23: {  	s9 =	sor.u32 $0xD0000000, s2;
	s6 =	simm.s32 $0x108;
	_ =	swait.ge @!p0 [sflag:s8], $0x0  }
0x24: {  	s3 =	sadd.s32 $0x88, s3;
	s6 =	simm.s32 @!p1 $0x1082;
	[sflag:s4] =	ssyncset.s32 $0xFFFFF086  }
0x25: {  	[simem:s6], [sflag:s4] =	dma.local [hbm:s3], $0xF7A  }
0x26: {  	[smem:$0x3F7D] =	sst s1;
	(tag) =	ssettag s2;
	_ =	strace s9  }
0x27: {  	s1 =	sld [smem:$0x3F8D]  }
0x28: {  	s2 =	sld [smem:$0x3F8E]  }
0x29: {  	s4 =	sld [smem:$0x3F90]  }
0x2a: {  	p0 =	seq.s32 s5, $0x0;
	s5 =	sld [smem:$0x3F91]  }
0x2b: {  	s6 =	sld [smem:$0x3F92]  }
0x2c: {  	s7 =	sld [smem:$0x3F93]  }
0x2d: {  	s3 =	simm.s32 $0x108;
	s8 =	sld [smem:$0x3F94]  }
0x2e: {  	s3 =	simm.s32 @!p0 $0x1082;
	s9 =	sld [smem:$0x3F95]  }
0x2f: {  	lr =	sadd.s32 s0, s3;
	s0 =	sld [smem:$0x3F8C]  }
0x30: {  	s3 =	sld [smem:$0x3F8F]  }
0x31: {  	[smem:$0x3F98] =	sst s10  }
0x32: {  	s10 =	sld [smem:$0x3F96];
	_ =	sdelay $0x3  }
0x33: {  	p0 =	seq.s32 s10, $0x1;
	s10 =	sld [smem:$0x3F98];
	_ =	sdelay $0x3  }
0x34: {  	[smem:$0x3F98] =	sst s10  }
0x35: {  	s10 =	sld [smem:$0x3F97];
	_ =	sdelay $0x3  }
0x36: {  	p1 =	seq.s32 s10, $0x1;
	s10 =	sld [smem:$0x3F98];
	_ =	sdelay $0x3  }
0x37: {  	[smem:$0x3F98] =	sst s10  }
0x38: {  	s10 =	sld [smem:$0x3F99]  }
0x39: {  	_ = 	snop;
	(pc) =	sbr.ind lr, $3  }
0x3a: {  	_ = 	snop  }
0x3b: {  	_ = 	snop  }
0x3c: {  	p2 =	seq.s32 s10, $0x1;
	s10 =	sld [smem:$0x3F98]  }
0x3d: {  	_ =	shalt  }
0x3e: {  	_ =	shalt  }
0x3f: {  	_ =	shalt  }
0x40: {  	_ =	shalt  }
0x41: {  	_ =	shalt  }
0x42: {  	_ =	shalt  }
0x43: {  	_ =	shalt  }
0x44: {  	_ =	shalt  }
0x45: {  	_ =	shalt  }
0x46: {  	_ =	shalt  }
0x47: {  	_ =	shalt  }
0x48: {  	_ =	shalt  }
0x49: {  	_ =	shalt  }
0x4a: {  	_ =	shalt  }
0x4b: {  	_ =	shalt  }
0x4c: {  	_ =	shalt  }
0x4d: {  	_ =	shalt  }
0x4e: {  	_ =	shalt  }
0x4f: {  	_ =	shalt  }
0x50: {  	_ =	shalt  }
0x51: {  	_ =	shalt  }
0x52: {  	_ =	shalt  }
0x53: {  	_ =	shalt  }
0x54: {  	_ =	shalt  }
0x55: {  	_ =	shalt  }
0x56: {  	_ =	shalt  }
0x57: {  	_ =	shalt  }
0x58: {  	_ =	shalt  }
0x59: {  	_ =	shalt  }
0x5a: {  	_ =	shalt  }
0x5b: {  	_ =	shalt  }
0x5c: {  	_ =	shalt  }
0x5d: {  	_ =	shalt  }
0x5e: {  	_ =	shalt  }
0x5f: {  	_ =	shalt  }
0x60: {  	_ =	shalt  }
0x61: {  	_ =	shalt  }
0x62: {  	_ =	shalt  }
0x63: {  	_ =	shalt  }
0x64: {  	_ =	shalt  }
0x65: {  	_ =	shalt  }
0x66: {  	_ =	shalt  }
0x67: {  	_ =	shalt  }
0x68: {  	_ =	shalt  }
0x69: {  	_ =	shalt  }
0x6a: {  	_ =	shalt  }
0x6b: {  	_ =	shalt  }
0x6c: {  	_ =	shalt  }
0x6d: {  	_ =	shalt  }
0x6e: {  	_ =	shalt  }
0x6f: {  	_ =	shalt  }
0x70: {  	_ =	shalt  }
0x71: {  	_ =	shalt  }
0x72: {  	_ =	shalt  }
0x73: {  	_ =	shalt  }
0x74: {  	_ =	shalt  }
0x75: {  	_ =	shalt  }
0x76: {  	_ =	shalt  }
0x77: {  	_ =	shalt  }
0x78: {  	_ =	shalt  }
0x79: {  	_ =	shalt  }
0x7a: {  	_ =	shalt  }
0x7b: {  	_ =	shalt  }
0x7c: {  	_ =	shalt  }
0x7d: {  	_ =	shalt  }
0x7e: {  	_ =	shalt  }
0x7f: {  	_ =	shalt  }
0x80: {  	_ =	shalt  }
0x81: {  	_ =	shalt  }
0x82: {  	_ =	shalt  }
0x83: {  	_ =	shalt  }
0x84: {  	_ =	shalt  }
0x85: {  	_ =	shalt  }
0x86: {  	_ =	shalt  }
0x87: {  	_ =	shalt  }
.Lfunc_end0:
.L_simem_size_0:
called_computation.1_lowered:
.L_overlay_start_0:
0x88: {  	s2 =	sld [smem:$0x3FD9]  }
0x89: {  	s3 =	sld [smem:$0x3FFE];
	_ =	sdelay $0x1  }
0x8a: {  	s1 =	srdreg.scid  }
0x8b: {  	s0 =	sand.u32 $0x1, s1  }
0x8c: {  	s17 =	sshll.u32 s0, $0xA;
	s2 =	sadd.s32 s3, s2  }
0x8d: {  	s2 =	sadd.s32 s2, s17  }
0x8e: {  	[smem:$0x3FA4] =	sst s2  }
0x8f: {  	_ = 	snop  }
0x90: {  	(tm) =	ssettm $0x1  }
0x91: {  	s18 =	sld [smem:$0x3FFB];
	_ =	sdelay $0x3  }
0x92: {  	_ =	strace s18  }
0x93: {  	s2 =	sld [smem:$0x3FFC];
	_ =	sdelay $0x3  }
0x94: {  	_ =	strace s2  }
0x95: {  	s2 =	sld [smem:$0x3FFD];
	_ =	sdelay $0x3  }
0x96: {  	_ =	strace s2  }
0x97: {  	_ =	strace $0x8FFFFFFF  }
0x98: {  	s19 =	sld [smem:$0x3FDB];
	_ =	sdelay $0x1  }
0x99: {  	s20 =	simm.s32 $_scs_section_size  }
0x9a: {  	s4 =	simm.s32 $_size__tile_overlayer_lowered;
	s5 =	simm.s32 $_tile_overlayer_lowered  }
0x9b: {  	s6 =	simm.s32 $0x1BFF;
	s21 =	sshll.u32 s5, $0x1;
	s3 =	sadd.s32 s20, s19  }
0x9c: {  	s22 =	simm.s32 $0x0;
	s4 =	sshll.u32 s4, $0x1;
	s5 =	sadd.s32 s21, s3  }
0x9d: {  	[timem:s22], [sflag:s6] =	dma.local [hbm:s5], s4  }
0x9e: {  	_ =	swait.ge [sflag:s6], s4  }
0x9f: {  	s4 =	ssub.s32 $0x0, s4;
	[sflag:s6] =	ssyncset.done $0x0  }
0xa0: {  	[sflag:s6] =	ssyncadd.s32 s4;
	_ =	sdelay $0x1  }
0xa1: {  	s23 =	simm.s32 $0x1B8B  }
0xa2: {  	_ =	swait.ge [sflag:s23], $0x1  }
0xa3: {  	[sflag:s23] =	ssyncset.done $0x0  }
0xa4: {  	[sflag:s23] =	ssyncadd.s32 $0xFFFFFFFF  }
0xa5: {  	s4 =	sld [smem:$0x0]  }
0xa6: {  	s5 =	sand.u32 $0xFFFFFFFE, s1  }
0xa7: {  	p0 =	sne.s32 s1, s5  }
0xa8: {  	s5 =	sshll.u32 @p0 s5, $0xE  }
0xa9: {  	s5 =	sadd.s32 @p0 $0x11B8D, s5;
	s6 =	sshll.u32 @p0 s4, $0x11  }
0xaa: {  	s5 =	sor.u32 @p0 s6, s5  }
0xab: {  	[sflag:s5] =	ssyncadd.remote.s32 @p0 $0x1;
	_ =	sdelay $0x1  }
0xac: {  	s5 =	simm.s32 @p0 $0x1B8D  }
0xad: {  	_ =	swait.eq @p0 [sflag:s5], $0x1  }
0xae: {  	[sflag:s5] =	ssyncadd.s32 @p0 $0xFFFFFFFF  }
0xaf: {  	s6 =	sshll.u32 @!p0 s1, $0xE  }
0xb0: {  	s6 =	sor.u32 @!p0 $0x4000, s6;
	s5 =	simm.s32 @!p0 $0x1B8D  }
0xb1: {  	s4 =	sshll.u32 @!p0 s4, $0x11;
	s6 =	sadd.s32 @!p0 $0x11B8D, s6;
	_ =	swait.eq @!p0 [sflag:s5], $0x1  }
0xb2: {  	s4 =	sor.u32 @!p0 s4, s6;
	[sflag:s5] =	ssyncadd.s32 @!p0 $0xFFFFFFFF  }
0xb3: {  	s25 =	simm.s32 $0x1B8E;
	s24 =	sld [smem:$0x3FFE];
	[sflag:s4] =	ssyncadd.remote.s32 @!p0 $0x1  }
0xb4: {  	s26 =	simm.s32 $execute0_lowered;
	[smem:$0x3FD2] =	sst s25  }
0xb5: {  	s5 =	sshll.u32 s26, $0x1;
	_ =	strace $0x80000049;
	[dreg:$0x1] =	wrdreg $0xFFFFFFFF  }
0xb6: {  	s28 =	simm.s32 $_size_execute0_lowered;
	s3 =	sadd.s32 s3, s5;
	[dreg:$0x0] =	wrdreg $0x0  }
0xb7: {  	s5 =	sshll.u32 s28, $0x1;
	[dreg:$0x2] =	wrdreg s3  }
0xb8: {  	[dreg:$0x3] =	wrdreg s5  }
0xb9: {  	[dreg:$0x4] =	wrdreg $0xC0  }
0xba: {  	_ =	task [dreg:s22], $0x5FFFF  }
0xbb: {  	[dreg:$0x1] =	wrdreg $0xFFFFFFFF  }
0xbc: {  	[dreg:$0x0] =	wrdreg $0x60  }
0xbd: {  	[dreg:$0x2] =	wrdreg s24  }
0xbe: {  	[dreg:$0x3] =	wrdreg $0xA  }
0xbf: {  	_ =	task.clear_ibuf [dreg:s22], $0x4FFFF;
	_ =	strace $0x90000049  }
0xc0: {  	s29 =	simm.s32 $0xA;
	_ =	strace $0x8000004B  }
0xc1: {  	_ =	swait.ge [sflag:s29], $0x1  }
0xc2: {  	[sflag:s29] =	ssyncadd.s32 $0xFFFFFFFF  }
0xc3: {  	_ =	strace $0x9000004B  }
0xc4: {  	_ =	sfence  }
0xc5: {  	s30 =	sld [smem:$0x0];
	_ =	sdelay $0x2  }
0xc6: {  	s31 =	sshll.u32 s1, $0xD;
	s1 =	sshrl.u32 s1, $0x2  }
0xc7: {  	s4 =	sand.u32 $0x4000, s31;
	s1 =	sadd.s32 s1, s30  }
0xc8: {  	s0 =	sor.u32 s4, s0;
	s1 =	sshll.u32 s1, $0x11  }
0xc9: {  	s0 =	sor.u32 s1, s0  }
0xca: {  	s0 =	sadd.s32 $0x8F2B, s0  }
0xcb: {  	[sflag:s0] =	ssyncadd.remote.s32 $0x1  }
0xcc: {  	_ =	sfence.sel $0xFFFF  }
0xcd: {  	[dreg:$0x0] =	wrdreg $0xFFFFFFFF;
	(pc) =	sbr.abs _section_cstart, $3  }
0xce: {  	[dreg:$0x1] =	wrdreg $0xFFFFFFFF  }
0xcf: {  	_ =	task.clear_ibuf [dreg:s22], $0x2FFFF;
	_ =	strace $0x9FFFFFFF  }
0xd0: {  	(tm) =	ssettm $0x7FFFFFFF  }
0xd1: {  	_ =	shalt  }
tec
execute0_lowered:
.L_overlay_start_1:
0x0: {  	(tag) =	ssettag $0x1  }
0x1: {  	s8 =	rddreg [dreg:$0x0];
	s1 =	stileid.u32  }
0x2: {  	s2 =	srdreg.scid;
	s0 =	rddreg [dreg:$0x1]  }
0x3: {  	_ =	strace $0x8000004A;
	s5 =	simm.s32 $0x1;
	s9 =	simm.s32 $0x1  }
0x4: {  	s10 =	simm.s32 $0x3;
	s3 =	sand.u32 $0x1, s2;
	s4 =	sshll.u32 s1, $0x1  }
0x5: {  	s13 =	simm.s32 $0x0;
	s12 =	simm.s32 $0x0;
	s6 =	sor.u32 s4, s3  }
0x6: {  	s2 =	sadd.s32 $0x12F400, s8;
	[sflag:s5] =	ssyncpa.u1 $0x0;
	s4 =	smul.u32 $0x2EE0, s6  }
0x7: {  	s3 =	sadd.s32 $0x111C00, s8;
	p0 =	slt.u32 s6, $0x9;
	s6 =	simm.s32 $0x5DC00  }
.Ltmp0:
0x8: {  	s6 =	simm.s32 @!p0 $0x0;
	s7 =	ssub.s32 $0x75300, s4;
	(pc) =	sbr.rel .LBB2_1-.Ltmp0, $4  }
0x9: {  	s9 =	simm.s32 @!p0 $0x0;
	p0 =	sne.s32 s7, s6;
	s7 =	simm.s32 $0x1  }
0xa: {  	s8 =	sadd.s32 $0x14CC00, s8;
	s6 =	simm.s32 $0x2;
	s7 =	simm.s32 @!p0 $0x0  }
0xb: {  	s11 =	smov.u32 s4;
	[sflag:s6] =	ssyncpa.u1 $0x0;
	s7 =	sadd.s32 s9, s7  }
0xc: {  	vm0 =	vmmov $0xffff;
	[sflag:s10] =	ssyncpa.u1 $0x0;
	s10 =	simm.s32 $0x0;
	s9 =	sadd.s32 $0x1, s7  }
.LBB2_4:
0xd: {  	v2 =	vnsel vm1, $0x0, v2  }
0xe: {  	vm1 =	vgt.s32 v0, $0x0;
	v2 =	vmin.u32 v2, $0x752FF  }
0xf: {  	v0 =	vnsel vm1, $0x0, v0  }
0x10: {  	v0 =	vmin.u32 v0, $0x752FF  }
0x11: {  	[tilespmem:s18], [sflag:$0x1] =	stream.indirect_vreg.gather [hbm4b:s2+s10], $0x1, v1, vm0, $0x4038;
	[tilespmem:$0xBB80] =	vst v63  }
0x12: {  	(ifvalue) =	ssetifvalue $0x7FFFFFFF  }
0x13: {  	[tilespmem:s15], [sflag:$0x1] =	stream.indirect_vreg.gather [hbm4b:s2+s10], $0x1, v2, vm0, $0x4038;
	[tilespmem:$0xBB80] =	vst v63  }
0x14: {  	s29 =	sadd.s32 $0x10, s15;
	(ifvalue) =	ssetifvalue $0x7FFFFFFF  }
0x15: {  	[tilespmem:s29], [sflag:$0x1] =	stream.indirect_vreg.gather [hbm4b:s2+s10], $0x1, v0, vm0, $0x4038;
	[tilespmem:$0xBB80] =	vst v63  }
0x16: {  	_ =	swait.ge [sflag:s5], $0x2EE0  }
0x17: {  	s30 =	sshrl.u32 s13, $0x3;
	[sflag:s5] =	ssyncset.done $0x0  }
0x18: {  	s31 =	sand.u32 $0x7, s13;
	s15 =	sadd.s32 s8, s30;
	[sflag:s5] =	ssyncadd.s32 $0xFFFFD120  }
0x19: {  	[hbm4b:s15+s31] =	stream.linear.scatter [tilespmem:s14], [sflag:$0x3], $0x2EE0, $0x38;
	[tilespmem:$0xBB80] =	vst v63  }
.LBB2_5:
0x1a: {  	s15 =	sadd.s32 $0x5DC00, s11  }
0x1b: {  	p1 =	sgt.s32 s15, $0x752FF  }
0x1c: {  	s15 =	smov.u32 @p1 s4;
	p1 =	sne.s32 s12, s9  }
.Ltmp1:
0x1d: {  	p0 =	slt.u32 s12, $0x2;
	(pc) =	sbr.rel @!p1 .LBB2_6-.Ltmp1, $4  }
0x1e: {  	s14 =	simm.s32 @!p0 $0x3  }
0x1f: {  	_ =	swait.ge @!p0 [sflag:s14], $0x2EE0  }
0x20: {  	s16 =	sadd.s32 $0x1, s12;
	s13 =	smov.u32 s11;
	[sflag:s14] =	ssyncset.done @!p0 $0x0  }
0x21: {  	s12 =	smov.u32 s16;
	s11 =	smov.u32 s15;
	[sflag:s14] =	ssyncadd.s32 @!p0 $0xFFFFD120  }
.LBB2_1:
0x22: {  	p0 =	sge.u32 s12, s7  }
0x23: {  	s14 =	sxor.u32 @!p0 $0x1, s12  }
0x24: {  	s14 =	smul.u32 @!p0 $0xBB80, s14  }
0x25: {  	s31 =	sadd.s32 $0xFFFFFFFF, s12;
	s15 =	sshrl.u32 @!p0 s11, $0x3  }
0x26: {  	s16 =	sand.u32 @!p0 $0x7, s11;
	s15 =	sadd.s32 @!p0 s3, s15;
	s14 =	sshra.s32 @!p0 s14, $0x2  }
0x27: {  	[tilespmem:s14], [sflag:$0x2] =	stream.linear.gather @!p0 [hbm4b:s15+s16], $0x2EE0, $0x38;
	[tilespmem:$0xBB80] =	vst v63  }
0x28: {  	p0 =	sge.u32 s31, s7  }
.Ltmp2:
0x29: {  	_ = 	snop;
	(pc) =	sbr.rel @p0 .LBB2_5-.Ltmp2, $1  }
0x2a: {  	_ =	sdelay $0x3  }
0x2b: {  	s14 =	sand.u32 $0x1, s12  }
0x2c: {  	_ =	swait.ge [sflag:s6], $0x2EE0;
	p0 =	seq.s32 s14, $0x1;
	s14 =	simm.s32 $0x2EE0  }
0x2d: {  	[sflag:s6] =	ssyncset.done $0x0;
	s14 =	simm.s32 @!p0 $0x0  }
0x2e: {  	[sflag:s6] =	ssyncadd.s32 $0xFFFFD120;
	(ifvalue) =	ssetifvalue $0x7FFFFFFF;
	v0 =	vld.msk [tilespmem:s14+$0x0 ss:$0x1], $0xffff;
	_ =	sdelay $0x4  }
0x2f: {  	s15 =	sadd.s32 $0x10, s14;
	vm1 =	vgt.s32 v0, $0x0  }
0x30: {  	v2 =	vld.msk [tilespmem:s15+$0x0 ss:$0x1], $0xffff;
	v1 =	vnsel vm1, $0x0, v0  }
0x31: {  	v1 =	vmin.u32 v1, $0x752FF;
	_ =	sdelay $0x2  }
0x32: {  	s17 =	simm.s32 $0x20;
	s14 =	sadd.s32 $0x5DC0, s14;
	s16 =	sadd.s32 $0x10, s15  }
0x33: {  	s15 =	sadd.s32 $0x10, s14;
	s18 =	smov.u32 s14;
	v0 =	vld.msk [tilespmem:s16+$0x0 ss:$0x1], $0xffff;
	vm1 =	vgt.s32 v2, $0x0;
	(ifvalue) =	ssetifvalue $0x7FFFFFFF  }
.LBB2_3:
0x34: {  	[tilespmem:s18], [sflag:$0x1] =	stream.indirect_vreg.gather [hbm4b:s2+s10], $0x1, v1, vm0, $0x4038;
	[tilespmem:$0xBB80] =	vst v63  }
0x35: {  	s17 =	sadd.s32 $0x10, s17  }
0x36: {  	v2 =	vnsel vm1, $0x0, v2;
	p0 =	slt.u32 s17, $0x2ED0  }
.Ltmp3:
0x37: {  	s18 =	smov.u32 s15;
	v1 =	vmin.u32 v2, $0x752FF;
	(pc) =	sbr.rel @p0 .LBB2_3-.Ltmp3, $3  }
0x38: {  	_ =	sdelay $0x1  }
0x39: {  	s16 =	sadd.s32 $0x10, s16  }
0x3a: {  	vm1 =	vgt.s32 v0, $0x0;
	s15 =	sadd.s32 $0x10, s15;
	v2 =	vmov v0;
	(ifvalue) =	ssetifvalue $0x7FFFFFFF;
	v0 =	vld.msk [tilespmem:s16+$0x0 ss:$0x1], $0xffff  }
.Ltmp4:
0x3b: {  	_ = 	snop;
	(pc) =	sbr.rel .LBB2_4-.Ltmp4, $1  }
0x3c: {  	_ =	sdelay $0x3  }
.LBB2_6:
0x3d: {  	_ =	sfence.sel $0x180000  }
0x3e: {  	s2 =	simm.s32 $0x2;
	[bflag:$0x0] =	sbarrier.arrive $0xFFFF  }
0x3f: {  	s30 =	simm.s32 $0x3;
	[sflag:s2] =	ssyncpa.u1 $0x1  }
0x40: {  	s31 =	simm.s32 $0x1;
	[sflag:s30] =	ssyncpa.u1 $0x1  }
0x41: {  	[sflag:s31] =	ssyncpa.u1 $0x1  }
0x42: {  	p0 =	sne.s32 s1, $0x0;
	_ =	strace $0x9000004A  }
0x43: {  	s0 =	sadd.s32 @!p0 $0x100000, s0;
	[bflag:$0x2] =	sbarrier.arrive $0xFFFF  }
0x44: {  	[sflag:s0] =	ssyncadd.tile.s32 @!p0 $0x1;
	_ =	shalt  }
.Lfunc_end2:
_tile_overlayer_lowered:
.L_overlay_start_2:
0x45: {  	(tag) =	ssettag $0x2  }
0x46: {  	s0 =	rddreg [dreg:$0x0];
	s2 =	stileid.u32  }
0x47: {  	s1 =	rddreg [dreg:$0x1];
	p0 =	sne.s32 s2, $0x0  }
0x48: {  	s3 =	rddreg [dreg:$0x2];
	[bflag:$0x3] =	sbarrier.arrive $0xFFFF;
	s2 =	simm.s32 @!p0 $0x1C01  }
0x49: {  	[timem:s3], [sflag:s2] =	dma.local @!p0 [hbm:s0], s1  }
0x4a: {  	s0 =	simm.s32 @!p0 $0x1  }
0x4b: {  	_ =	swait.ge @!p0 [sflag:s0], s1  }
0x4c: {  	s1 =	ssub.s32 @!p0 $0x0, s1;
	[sflag:s0] =	ssyncset.done @!p0 $0x0  }
0x4d: {  	[sflag:s0] =	ssyncadd.s32 @!p0 s1  }
0x4e: {  	[bflag:$0x3] =	sbarrier.arrive $0xFFFF  }
0x4f: {  	_ =	shalt  }

// kernel: gather_offload_async_start
scs
__scs_entry_jumppad:
0x0: {  	(pc) =	sbr.rel $0x88, $3  }
0x1: {  	(tag) =	ssettag $0x0;
	lr =	simm.s32 $0x1  }
0x2: {  	[smem:$0x3F7D] =	sst lr;
	_ =	strace $0xD0000000  }
0x3: {  	_ = 	snop  }
0x4: {  	_ = 	snop  }
0x5: {  	_ = 	snop  }
0x6: {  	_ = 	snop  }
0x7: {  	_ = 	snop  }
__scs_overlays_trampoline_lowered:
0x8: {  	[smem:$0x3F8C] =	sst s0  }
0x9: {  	[smem:$0x3F8D] =	sst s1  }
0xa: {  	[smem:$0x3F8E] =	sst s2  }
0xb: {  	[smem:$0x3F8F] =	sst s3  }
0xc: {  	[smem:$0x3F90] =	sst s4  }
0xd: {  	[smem:$0x3F91] =	sst s5  }
0xe: {  	[smem:$0x3F92] =	sst s6  }
0xf: {  	[smem:$0x3F93] =	sst s7  }
0x10: {  	[smem:$0x3F94] =	sst s8  }
0x11: {  	[smem:$0x3F95] =	sst s9;
	s0 =	simm.s32 @!p0 $0x0  }
0x12: {  	s1 =	sld [smem:$0x3F7B];
	s0 =	simm.s32 @p0 $0x1  }
0x13: {  	[smem:$0x3F96] =	sst s0;
	s0 =	simm.s32 @!p1 $0x0  }
0x14: {  	s2 =	sld [smem:$0x3F7A];
	s0 =	simm.s32 @p1 $0x1  }
0x15: {  	[smem:$0x3F97] =	sst s0;
	s0 =	simm.s32 @!p2 $0x0  }
0x16: {  	s3 =	sld [smem:$0x3FDB];
	s0 =	simm.s32 @p2 $0x1  }
0x17: {  	s4 =	simm.s32 $0x1BF5;
	[smem:$0x3F99] =	sst s0  }
0x18: {  	s0 =	sld [smem:$0x3F7C];
	_ =	swait.ge [sflag:s4], $0x0  }
0x19: {  	s7 =	sld [smem:$0x3F7D]  }
0x1a: {  	s8 =	sadd.s32 $0xFFFFE003, lr  }
0x1b: {  	s9 =	sadd.s32 $0xFFFFFEF7, lr;
	s5 =	simm.s32 $0xFFFFFFFF;
	p2 =	slt.u32 s8, $0xFFFFF086  }
0x1c: {  	p1 =	slt.u32 s9, $0xF7A;
	s5 =	simm.s32 @!p2 $0x0  }
0x1d: {  	s5 =	simm.s32 @p1 $0x1;
	p0 =	seq.s32 s7, s2  }
0x1e: {  	s7 =	smul.u32 @!p0 $0xF7A, s2;
	p2 =	seq.s32 @!p0 s5, $0x0  }
0x1f: {  	s9 =	smul.u32 $0xF7A, s1;
	s8 =	simm.s32 @!p0 $0x1BF5;
	p2 =	por !p2, p0  }
0x20: {  	[sflag:s8] =	ssyncset.s32 @!p0 $0xFFFFF086;
	s6 =	sadd.s32 @!p0 s3, s7;
	s7 =	simm.s32 @!p0 $0x108  }
0x21: {  	s3 =	sadd.s32 s3, s9;
	s6 =	sadd.s32 @!p0 $0x88, s6;
	s7 =	simm.s32 @p2 $0x1082  }
0x22: {  	[simem:s7], [sflag:s8] =	dma.local @!p0 [hbm:s6], $0xF7A  }
0x23: {  	s9 =	sor.u32 $0xD0000000, s2;
	s6 =	simm.s32 $0x108;
	_ =	swait.ge @!p0 [sflag:s8], $0x0  }
0x24: {  	s3 =	sadd.s32 $0x88, s3;
	s6 =	simm.s32 @!p1 $0x1082;
	[sflag:s4] =	ssyncset.s32 $0xFFFFF086  }
0x25: {  	[simem:s6], [sflag:s4] =	dma.local [hbm:s3], $0xF7A  }
0x26: {  	[smem:$0x3F7D] =	sst s1;
	(tag) =	ssettag s2;
	_ =	strace s9  }
0x27: {  	s1 =	sld [smem:$0x3F8D]  }
0x28: {  	s2 =	sld [smem:$0x3F8E]  }
0x29: {  	s4 =	sld [smem:$0x3F90]  }
0x2a: {  	p0 =	seq.s32 s5, $0x0;
	s5 =	sld [smem:$0x3F91]  }
0x2b: {  	s6 =	sld [smem:$0x3F92]  }
0x2c: {  	s7 =	sld [smem:$0x3F93]  }
0x2d: {  	s3 =	simm.s32 $0x108;
	s8 =	sld [smem:$0x3F94]  }
0x2e: {  	s3 =	simm.s32 @!p0 $0x1082;
	s9 =	sld [smem:$0x3F95]  }
0x2f: {  	lr =	sadd.s32 s0, s3;
	s0 =	sld [smem:$0x3F8C]  }
0x30: {  	s3 =	sld [smem:$0x3F8F]  }
0x31: {  	[smem:$0x3F98] =	sst s10  }
0x32: {  	s10 =	sld [smem:$0x3F96];
	_ =	sdelay $0x3  }
0x33: {  	p0 =	seq.s32 s10, $0x1;
	s10 =	sld [smem:$0x3F98];
	_ =	sdelay $0x3  }
0x34: {  	[smem:$0x3F98] =	sst s10  }
0x35: {  	s10 =	sld [smem:$0x3F97];
	_ =	sdelay $0x3  }
0x36: {  	p1 =	seq.s32 s10, $0x1;
	s10 =	sld [smem:$0x3F98];
	_ =	sdelay $0x3  }
0x37: {  	[smem:$0x3F98] =	sst s10  }
0x38: {  	s10 =	sld [smem:$0x3F99]  }
0x39: {  	_ = 	snop;
	(pc) =	sbr.ind lr, $3  }
0x3a: {  	_ = 	snop  }
0x3b: {  	_ = 	snop  }
0x3c: {  	p2 =	seq.s32 s10, $0x1;
	s10 =	sld [smem:$0x3F98]  }
0x3d: {  	_ =	shalt  }
0x3e: {  	_ =	shalt  }
0x3f: {  	_ =	shalt  }
0x40: {  	_ =	shalt  }
0x41: {  	_ =	shalt  }
0x42: {  	_ =	shalt  }
0x43: {  	_ =	shalt  }
0x44: {  	_ =	shalt  }
0x45: {  	_ =	shalt  }
0x46: {  	_ =	shalt  }
0x47: {  	_ =	shalt  }
0x48: {  	_ =	shalt  }
0x49: {  	_ =	shalt  }
0x4a: {  	_ =	shalt  }
0x4b: {  	_ =	shalt  }
0x4c: {  	_ =	shalt  }
0x4d: {  	_ =	shalt  }
0x4e: {  	_ =	shalt  }
0x4f: {  	_ =	shalt  }
0x50: {  	_ =	shalt  }
0x51: {  	_ =	shalt  }
0x52: {  	_ =	shalt  }
0x53: {  	_ =	shalt  }
0x54: {  	_ =	shalt  }
0x55: {  	_ =	shalt  }
0x56: {  	_ =	shalt  }
0x57: {  	_ =	shalt  }
0x58: {  	_ =	shalt  }
0x59: {  	_ =	shalt  }
0x5a: {  	_ =	shalt  }
0x5b: {  	_ =	shalt  }
0x5c: {  	_ =	shalt  }
0x5d: {  	_ =	shalt  }
0x5e: {  	_ =	shalt  }
0x5f: {  	_ =	shalt  }
0x60: {  	_ =	shalt  }
0x61: {  	_ =	shalt  }
0x62: {  	_ =	shalt  }
0x63: {  	_ =	shalt  }
0x64: {  	_ =	shalt  }
0x65: {  	_ =	shalt  }
0x66: {  	_ =	shalt  }
0x67: {  	_ =	shalt  }
0x68: {  	_ =	shalt  }
0x69: {  	_ =	shalt  }
0x6a: {  	_ =	shalt  }
0x6b: {  	_ =	shalt  }
0x6c: {  	_ =	shalt  }
0x6d: {  	_ =	shalt  }
0x6e: {  	_ =	shalt  }
0x6f: {  	_ =	shalt  }
0x70: {  	_ =	shalt  }
0x71: {  	_ =	shalt  }
0x72: {  	_ =	shalt  }
0x73: {  	_ =	shalt  }
0x74: {  	_ =	shalt  }
0x75: {  	_ =	shalt  }
0x76: {  	_ =	shalt  }
0x77: {  	_ =	shalt  }
0x78: {  	_ =	shalt  }
0x79: {  	_ =	shalt  }
0x7a: {  	_ =	shalt  }
0x7b: {  	_ =	shalt  }
0x7c: {  	_ =	shalt  }
0x7d: {  	_ =	shalt  }
0x7e: {  	_ =	shalt  }
0x7f: {  	_ =	shalt  }
0x80: {  	_ =	shalt  }
0x81: {  	_ =	shalt  }
0x82: {  	_ =	shalt  }
0x83: {  	_ =	shalt  }
0x84: {  	_ =	shalt  }
0x85: {  	_ =	shalt  }
0x86: {  	_ =	shalt  }
0x87: {  	_ =	shalt  }
.Lfunc_end0:
.L_simem_size_0:
called_computation_lowered:
.L_overlay_start_0:
0x88: {  	s2 =	sld [smem:$0x3FD9]  }
0x89: {  	s3 =	sld [smem:$0x3FFE];
	_ =	sdelay $0x1  }
0x8a: {  	s1 =	srdreg.scid  }
0x8b: {  	s0 =	sand.u32 $0x1, s1  }
0x8c: {  	s16 =	sshll.u32 s0, $0xA;
	s2 =	sadd.s32 s3, s2  }
0x8d: {  	s2 =	sadd.s32 s2, s16  }
0x8e: {  	[smem:$0x3FA4] =	sst s2  }
0x8f: {  	_ = 	snop  }
0x90: {  	(tm) =	ssettm $0x1  }
0x91: {  	s17 =	sld [smem:$0x3FFB];
	_ =	sdelay $0x3  }
0x92: {  	_ =	strace s17  }
0x93: {  	s2 =	sld [smem:$0x3FFC];
	_ =	sdelay $0x3  }
0x94: {  	_ =	strace s2  }
0x95: {  	s2 =	sld [smem:$0x3FFD];
	_ =	sdelay $0x3  }
0x96: {  	_ =	strace s2  }
0x97: {  	_ =	strace $0x8FFFFFFF  }
0x98: {  	s18 =	sld [smem:$0x3FDB];
	_ =	sdelay $0x1  }
0x99: {  	s19 =	simm.s32 $_scs_section_size  }
0x9a: {  	s4 =	simm.s32 $_size__tile_overlayer_lowered;
	s5 =	simm.s32 $_tile_overlayer_lowered  }
0x9b: {  	s22 =	simm.s32 $0x1BFF;
	s21 =	sshll.u32 s5, $0x1;
	s2 =	sadd.s32 s19, s18  }
0x9c: {  	s6 =	simm.s32 $0x0;
	s20 =	sshll.u32 s4, $0x1;
	s4 =	sadd.s32 s21, s2  }
0x9d: {  	[timem:s6], [sflag:s22] =	dma.local [hbm:s4], s20  }
0x9e: {  	_ =	swait.ge [sflag:s22], s20  }
0x9f: {  	s3 =	ssub.s32 $0x0, s20;
	[sflag:s22] =	ssyncset.done $0x0  }
0xa0: {  	[sflag:s22] =	ssyncadd.s32 s3;
	_ =	sdelay $0x1  }
0xa1: {  	s23 =	simm.s32 $0x1B8B  }
0xa2: {  	_ =	swait.ge [sflag:s23], $0x1  }
0xa3: {  	[sflag:s23] =	ssyncset.done $0x0  }
0xa4: {  	s25 =	simm.s32 $0x1B8E;
	s24 =	sld [smem:$0x3FFE];
	[sflag:s23] =	ssyncadd.s32 $0xFFFFFFFF  }
0xa5: {  	s26 =	simm.s32 $execute0_lowered;
	[smem:$0x3FD2] =	sst s25  }
0xa6: {  	s4 =	sshll.u32 s26, $0x1;
	_ =	strace $0x80000046;
	[dreg:$0x1] =	wrdreg $0xFFFFFFFF  }
0xa7: {  	s28 =	simm.s32 $_size_execute0_lowered;
	s2 =	sadd.s32 s2, s4;
	[dreg:$0x0] =	wrdreg $0x0  }
0xa8: {  	s4 =	sshll.u32 s28, $0x1;
	[dreg:$0x2] =	wrdreg s2  }
0xa9: {  	[dreg:$0x3] =	wrdreg s4  }
0xaa: {  	[dreg:$0x4] =	wrdreg $0xC0  }
0xab: {  	_ =	task [dreg:s6], $0x5FFFF  }
0xac: {  	[dreg:$0x1] =	wrdreg $0xFFFFFFFF  }
0xad: {  	[dreg:$0x0] =	wrdreg $0x60  }
0xae: {  	[dreg:$0x2] =	wrdreg s24  }
0xaf: {  	[dreg:$0x3] =	wrdreg $0x9  }
0xb0: {  	_ =	task.clear_ibuf [dreg:s6], $0x4FFFF;
	_ =	strace $0x90000046  }
0xb1: {  	s29 =	simm.s32 $0x9;
	_ =	strace $0x80000048  }
0xb2: {  	_ =	swait.ge [sflag:s29], $0x1  }
0xb3: {  	[sflag:s29] =	ssyncadd.s32 $0xFFFFFFFF  }
0xb4: {  	_ =	strace $0x90000048  }
0xb5: {  	_ =	sfence  }
0xb6: {  	s30 =	sld [smem:$0x0];
	_ =	sdelay $0x2  }
0xb7: {  	s31 =	sshll.u32 s1, $0xD;
	s1 =	sshrl.u32 s1, $0x2  }
0xb8: {  	s3 =	sand.u32 $0x4000, s31;
	s1 =	sadd.s32 s1, s30  }
0xb9: {  	s0 =	sor.u32 s3, s0;
	s1 =	sshll.u32 s1, $0x11  }
0xba: {  	s0 =	sor.u32 s1, s0  }
0xbb: {  	s0 =	sadd.s32 $0x8F2B, s0  }
0xbc: {  	[sflag:s0] =	ssyncadd.remote.s32 $0x1  }
0xbd: {  	_ =	sfence.sel $0xFFFF  }
0xbe: {  	[dreg:$0x0] =	wrdreg $0xFFFFFFFF;
	(pc) =	sbr.abs _section_cstart, $3  }
0xbf: {  	[dreg:$0x1] =	wrdreg $0xFFFFFFFF  }
0xc0: {  	_ =	task.clear_ibuf [dreg:s6], $0x2FFFF;
	_ =	strace $0x9FFFFFFF  }
0xc1: {  	(tm) =	ssettm $0x7FFFFFFF  }
tec
execute0_lowered:
.L_overlay_start_1:
0x0: {  	(tag) =	ssettag $0x1  }
0x1: {  	s8 =	rddreg [dreg:$0x0];
	s1 =	stileid.u32  }
0x2: {  	s2 =	srdreg.scid;
	s0 =	rddreg [dreg:$0x1]  }
0x3: {  	_ =	strace $0x80000047;
	s5 =	simm.s32 $0x1;
	s9 =	simm.s32 $0x1  }
0x4: {  	s10 =	simm.s32 $0x3;
	s3 =	sand.u32 $0x1, s2;
	s4 =	sshll.u32 s1, $0x1  }
0x5: {  	s13 =	simm.s32 $0x0;
	s12 =	simm.s32 $0x0;
	s6 =	sor.u32 s4, s3  }
0x6: {  	s2 =	sadd.s32 $0x120800, s8;
	[sflag:s5] =	ssyncpa.u1 $0x0;
	s4 =	smul.u32 $0x2EE0, s6  }
0x7: {  	s3 =	sadd.s32 $0x111C00, s8;
	p0 =	slt.u32 s6, $0x9;
	s6 =	simm.s32 $0x5DC00  }
.Ltmp0:
0x8: {  	s6 =	simm.s32 @!p0 $0x0;
	s7 =	ssub.s32 $0x75300, s4;
	(pc) =	sbr.rel .LBB2_1-.Ltmp0, $4  }
0x9: {  	s9 =	simm.s32 @!p0 $0x0;
	p0 =	sne.s32 s7, s6;
	s7 =	simm.s32 $0x1  }
0xa: {  	s8 =	sadd.s32 $0x13E000, s8;
	s6 =	simm.s32 $0x2;
	s7 =	simm.s32 @!p0 $0x0  }
0xb: {  	s11 =	smov.u32 s4;
	[sflag:s6] =	ssyncpa.u1 $0x0;
	s7 =	sadd.s32 s9, s7  }
0xc: {  	vm0 =	vmmov $0xffff;
	[sflag:s10] =	ssyncpa.u1 $0x0;
	s10 =	simm.s32 $0x0;
	s9 =	sadd.s32 $0x1, s7  }
.LBB2_4:
0xd: {  	v2 =	vnsel vm1, $0x0, v2  }
0xe: {  	vm1 =	vgt.s32 v0, $0x0;
	v2 =	vmin.u32 v2, $0x752FF  }
0xf: {  	v0 =	vnsel vm1, $0x0, v0  }
0x10: {  	v0 =	vmin.u32 v0, $0x752FF  }
0x11: {  	[tilespmem:s18], [sflag:$0x1] =	stream.indirect_vreg.gather [hbm4b:s2+s10], $0x1, v1, vm0, $0x4038;
	[tilespmem:$0xBB80] =	vst v63  }
0x12: {  	(ifvalue) =	ssetifvalue $0x7FFFFFFF  }
0x13: {  	[tilespmem:s15], [sflag:$0x1] =	stream.indirect_vreg.gather [hbm4b:s2+s10], $0x1, v2, vm0, $0x4038;
	[tilespmem:$0xBB80] =	vst v63  }
0x14: {  	s29 =	sadd.s32 $0x10, s15;
	(ifvalue) =	ssetifvalue $0x7FFFFFFF  }
0x15: {  	[tilespmem:s29], [sflag:$0x1] =	stream.indirect_vreg.gather [hbm4b:s2+s10], $0x1, v0, vm0, $0x4038;
	[tilespmem:$0xBB80] =	vst v63  }
0x16: {  	_ =	swait.ge [sflag:s5], $0x2EE0  }
0x17: {  	s30 =	sshrl.u32 s13, $0x3;
	[sflag:s5] =	ssyncset.done $0x0  }
0x18: {  	s31 =	sand.u32 $0x7, s13;
	s15 =	sadd.s32 s8, s30;
	[sflag:s5] =	ssyncadd.s32 $0xFFFFD120  }
0x19: {  	[hbm4b:s15+s31] =	stream.linear.scatter [tilespmem:s14], [sflag:$0x3], $0x2EE0, $0x38;
	[tilespmem:$0xBB80] =	vst v63  }
.LBB2_5:
0x1a: {  	s15 =	sadd.s32 $0x5DC00, s11  }
0x1b: {  	p1 =	sgt.s32 s15, $0x752FF  }
0x1c: {  	s15 =	smov.u32 @p1 s4;
	p1 =	sne.s32 s12, s9  }
.Ltmp1:
0x1d: {  	p0 =	slt.u32 s12, $0x2;
	(pc) =	sbr.rel @!p1 .LBB2_6-.Ltmp1, $4  }
0x1e: {  	s14 =	simm.s32 @!p0 $0x3  }
0x1f: {  	_ =	swait.ge @!p0 [sflag:s14], $0x2EE0  }
0x20: {  	s16 =	sadd.s32 $0x1, s12;
	s13 =	smov.u32 s11;
	[sflag:s14] =	ssyncset.done @!p0 $0x0  }
0x21: {  	s12 =	smov.u32 s16;
	s11 =	smov.u32 s15;
	[sflag:s14] =	ssyncadd.s32 @!p0 $0xFFFFD120  }
.LBB2_1:
0x22: {  	p0 =	sge.u32 s12, s7  }
0x23: {  	s14 =	sxor.u32 @!p0 $0x1, s12  }
0x24: {  	s14 =	smul.u32 @!p0 $0xBB80, s14  }
0x25: {  	s31 =	sadd.s32 $0xFFFFFFFF, s12;
	s15 =	sshrl.u32 @!p0 s11, $0x3  }
0x26: {  	s16 =	sand.u32 @!p0 $0x7, s11;
	s15 =	sadd.s32 @!p0 s3, s15;
	s14 =	sshra.s32 @!p0 s14, $0x2  }
0x27: {  	[tilespmem:s14], [sflag:$0x2] =	stream.linear.gather @!p0 [hbm4b:s15+s16], $0x2EE0, $0x38;
	[tilespmem:$0xBB80] =	vst v63  }
0x28: {  	p0 =	sge.u32 s31, s7  }
.Ltmp2:
0x29: {  	_ = 	snop;
	(pc) =	sbr.rel @p0 .LBB2_5-.Ltmp2, $1  }
0x2a: {  	_ =	sdelay $0x3  }
0x2b: {  	s14 =	sand.u32 $0x1, s12  }
0x2c: {  	_ =	swait.ge [sflag:s6], $0x2EE0;
	p0 =	seq.s32 s14, $0x1;
	s14 =	simm.s32 $0x2EE0  }
0x2d: {  	[sflag:s6] =	ssyncset.done $0x0;
	s14 =	simm.s32 @!p0 $0x0  }
0x2e: {  	[sflag:s6] =	ssyncadd.s32 $0xFFFFD120;
	(ifvalue) =	ssetifvalue $0x7FFFFFFF;
	v0 =	vld.msk [tilespmem:s14+$0x0 ss:$0x1], $0xffff;
	_ =	sdelay $0x4  }
0x2f: {  	s15 =	sadd.s32 $0x10, s14;
	vm1 =	vgt.s32 v0, $0x0  }
0x30: {  	v2 =	vld.msk [tilespmem:s15+$0x0 ss:$0x1], $0xffff;
	v1 =	vnsel vm1, $0x0, v0  }
0x31: {  	v1 =	vmin.u32 v1, $0x752FF;
	_ =	sdelay $0x2  }
0x32: {  	s17 =	simm.s32 $0x20;
	s14 =	sadd.s32 $0x5DC0, s14;
	s16 =	sadd.s32 $0x10, s15  }
0x33: {  	s15 =	sadd.s32 $0x10, s14;
	s18 =	smov.u32 s14;
	v0 =	vld.msk [tilespmem:s16+$0x0 ss:$0x1], $0xffff;
	vm1 =	vgt.s32 v2, $0x0;
	(ifvalue) =	ssetifvalue $0x7FFFFFFF  }
.LBB2_3:
0x34: {  	[tilespmem:s18], [sflag:$0x1] =	stream.indirect_vreg.gather [hbm4b:s2+s10], $0x1, v1, vm0, $0x4038;
	[tilespmem:$0xBB80] =	vst v63  }
0x35: {  	s17 =	sadd.s32 $0x10, s17  }
0x36: {  	v2 =	vnsel vm1, $0x0, v2;
	p0 =	slt.u32 s17, $0x2ED0  }
.Ltmp3:
0x37: {  	s18 =	smov.u32 s15;
	v1 =	vmin.u32 v2, $0x752FF;
	(pc) =	sbr.rel @p0 .LBB2_3-.Ltmp3, $3  }
0x38: {  	_ =	sdelay $0x1  }
0x39: {  	s16 =	sadd.s32 $0x10, s16  }
0x3a: {  	vm1 =	vgt.s32 v0, $0x0;
	s15 =	sadd.s32 $0x10, s15;
	v2 =	vmov v0;
	(ifvalue) =	ssetifvalue $0x7FFFFFFF;
	v0 =	vld.msk [tilespmem:s16+$0x0 ss:$0x1], $0xffff  }
.Ltmp4:
0x3b: {  	_ = 	snop;
	(pc) =	sbr.rel .LBB2_4-.Ltmp4, $1  }
0x3c: {  	_ =	sdelay $0x3  }
.LBB2_6:
0x3d: {  	_ =	sfence.sel $0x180000  }
0x3e: {  	s2 =	simm.s32 $0x2;
	[bflag:$0x0] =	sbarrier.arrive $0xFFFF  }
0x3f: {  	s30 =	simm.s32 $0x3;
	[sflag:s2] =	ssyncpa.u1 $0x1  }
0x40: {  	s31 =	simm.s32 $0x1;
	[sflag:s30] =	ssyncpa.u1 $0x1  }
0x41: {  	[sflag:s31] =	ssyncpa.u1 $0x1  }
0x42: {  	p0 =	sne.s32 s1, $0x0;
	_ =	strace $0x90000047  }
0x43: {  	s0 =	sadd.s32 @!p0 $0x100000, s0;
	[bflag:$0x2] =	sbarrier.arrive $0xFFFF  }
0x44: {  	[sflag:s0] =	ssyncadd.tile.s32 @!p0 $0x1;
	_ =	shalt  }
.Lfunc_end2:
_tile_overlayer_lowered:
.L_overlay_start_2:
0x45: {  	(tag) =	ssettag $0x2  }
0x46: {  	s0 =	rddreg [dreg:$0x0];
	s2 =	stileid.u32  }
0x47: {  	s1 =	rddreg [dreg:$0x1];
	p0 =	sne.s32 s2, $0x0  }
0x48: {  	s3 =	rddreg [dreg:$0x2];
	[bflag:$0x3] =	sbarrier.arrive $0xFFFF;
	s2 =	simm.s32 @!p0 $0x1C01  }
0x49: {  	[timem:s3], [sflag:s2] =	dma.local @!p0 [hbm:s0], s1  }
0x4a: {  	s0 =	simm.s32 @!p0 $0x1  }
0x4b: {  	_ =	swait.ge @!p0 [sflag:s0], s1  }
0x4c: {  	s1 =	ssub.s32 @!p0 $0x0, s1;
	[sflag:s0] =	ssyncset.done @!p0 $0x0  }
0x4d: {  	[sflag:s0] =	ssyncadd.s32 @!p0 s1  }
0x4e: {  	[bflag:$0x3] =	sbarrier.arrive $0xFFFF  }
0x4f: {  	_ =	shalt  }

// kernel: kernel.12.cloned.1.call-start
scs
__scs_entry_jumppad:
0x0: {  	(pc) =	sbr.rel $0x88, $3  }
0x1: {  	(tag) =	ssettag $0x0;
	lr =	simm.s32 $0x1  }
0x2: {  	[smem:$0x3F7D] =	sst lr;
	_ =	strace $0xD0000000  }
0x3: {  	_ = 	snop  }
0x4: {  	_ = 	snop  }
0x5: {  	_ = 	snop  }
0x6: {  	_ = 	snop  }
0x7: {  	_ = 	snop  }
__scs_overlays_trampoline_lowered:
0x8: {  	[smem:$0x3F8C] =	sst s0  }
0x9: {  	[smem:$0x3F8D] =	sst s1  }
0xa: {  	[smem:$0x3F8E] =	sst s2  }
0xb: {  	[smem:$0x3F8F] =	sst s3  }
0xc: {  	[smem:$0x3F90] =	sst s4  }
0xd: {  	[smem:$0x3F91] =	sst s5  }
0xe: {  	[smem:$0x3F92] =	sst s6  }
0xf: {  	[smem:$0x3F93] =	sst s7  }
0x10: {  	[smem:$0x3F94] =	sst s8  }
0x11: {  	[smem:$0x3F95] =	sst s9;
	s0 =	simm.s32 @!p0 $0x0  }
0x12: {  	s1 =	sld [smem:$0x3F7B];
	s0 =	simm.s32 @p0 $0x1  }
0x13: {  	[smem:$0x3F96] =	sst s0;
	s0 =	simm.s32 @!p1 $0x0  }
0x14: {  	s2 =	sld [smem:$0x3F7A];
	s0 =	simm.s32 @p1 $0x1  }
0x15: {  	[smem:$0x3F97] =	sst s0;
	s0 =	simm.s32 @!p2 $0x0  }
0x16: {  	s3 =	sld [smem:$0x3FDB];
	s0 =	simm.s32 @p2 $0x1  }
0x17: {  	s4 =	simm.s32 $0x1BF5;
	[smem:$0x3F99] =	sst s0  }
0x18: {  	s0 =	sld [smem:$0x3F7C];
	_ =	swait.ge [sflag:s4], $0x0  }
0x19: {  	s7 =	sld [smem:$0x3F7D]  }
0x1a: {  	s8 =	sadd.s32 $0xFFFFE003, lr  }
0x1b: {  	s9 =	sadd.s32 $0xFFFFFEF7, lr;
	s5 =	simm.s32 $0xFFFFFFFF;
	p2 =	slt.u32 s8, $0xFFFFF086  }
0x1c: {  	p1 =	slt.u32 s9, $0xF7A;
	s5 =	simm.s32 @!p2 $0x0  }
0x1d: {  	s5 =	simm.s32 @p1 $0x1;
	p0 =	seq.s32 s7, s2  }
0x1e: {  	s7 =	smul.u32 @!p0 $0xF7A, s2;
	p2 =	seq.s32 @!p0 s5, $0x0  }
0x1f: {  	s9 =	smul.u32 $0xF7A, s1;
	s8 =	simm.s32 @!p0 $0x1BF5;
	p2 =	por !p2, p0  }
0x20: {  	[sflag:s8] =	ssyncset.s32 @!p0 $0xFFFFF086;
	s6 =	sadd.s32 @!p0 s3, s7;
	s7 =	simm.s32 @!p0 $0x108  }
0x21: {  	s3 =	sadd.s32 s3, s9;
	s6 =	sadd.s32 @!p0 $0x88, s6;
	s7 =	simm.s32 @p2 $0x1082  }
0x22: {  	[simem:s7], [sflag:s8] =	dma.local @!p0 [hbm:s6], $0xF7A  }
0x23: {  	s9 =	sor.u32 $0xD0000000, s2;
	s6 =	simm.s32 $0x108;
	_ =	swait.ge @!p0 [sflag:s8], $0x0  }
0x24: {  	s3 =	sadd.s32 $0x88, s3;
	s6 =	simm.s32 @!p1 $0x1082;
	[sflag:s4] =	ssyncset.s32 $0xFFFFF086  }
0x25: {  	[simem:s6], [sflag:s4] =	dma.local [hbm:s3], $0xF7A  }
0x26: {  	[smem:$0x3F7D] =	sst s1;
	(tag) =	ssettag s2;
	_ =	strace s9  }
0x27: {  	s1 =	sld [smem:$0x3F8D]  }
0x28: {  	s2 =	sld [smem:$0x3F8E]  }
0x29: {  	s4 =	sld [smem:$0x3F90]  }
0x2a: {  	p0 =	seq.s32 s5, $0x0;
	s5 =	sld [smem:$0x3F91]  }
0x2b: {  	s6 =	sld [smem:$0x3F92]  }
0x2c: {  	s7 =	sld [smem:$0x3F93]  }
0x2d: {  	s3 =	simm.s32 $0x108;
	s8 =	sld [smem:$0x3F94]  }
0x2e: {  	s3 =	simm.s32 @!p0 $0x1082;
	s9 =	sld [smem:$0x3F95]  }
0x2f: {  	lr =	sadd.s32 s0, s3;
	s0 =	sld [smem:$0x3F8C]  }
0x30: {  	s3 =	sld [smem:$0x3F8F]  }
0x31: {  	[smem:$0x3F98] =	sst s10  }
0x32: {  	s10 =	sld [smem:$0x3F96];
	_ =	sdelay $0x3  }
0x33: {  	p0 =	seq.s32 s10, $0x1;
	s10 =	sld [smem:$0x3F98];
	_ =	sdelay $0x3  }
0x34: {  	[smem:$0x3F98] =	sst s10  }
0x35: {  	s10 =	sld [smem:$0x3F97];
	_ =	sdelay $0x3  }
0x36: {  	p1 =	seq.s32 s10, $0x1;
	s10 =	sld [smem:$0x3F98];
	_ =	sdelay $0x3  }
0x37: {  	[smem:$0x3F98] =	sst s10  }
0x38: {  	s10 =	sld [smem:$0x3F99]  }
0x39: {  	_ = 	snop;
	(pc) =	sbr.ind lr, $3  }
0x3a: {  	_ = 	snop  }
0x3b: {  	_ = 	snop  }
0x3c: {  	p2 =	seq.s32 s10, $0x1;
	s10 =	sld [smem:$0x3F98]  }
0x3d: {  	_ =	shalt  }
0x3e: {  	_ =	shalt  }
0x3f: {  	_ =	shalt  }
0x40: {  	_ =	shalt  }
0x41: {  	_ =	shalt  }
0x42: {  	_ =	shalt  }
0x43: {  	_ =	shalt  }
0x44: {  	_ =	shalt  }
0x45: {  	_ =	shalt  }
0x46: {  	_ =	shalt  }
0x47: {  	_ =	shalt  }
0x48: {  	_ =	shalt  }
0x49: {  	_ =	shalt  }
0x4a: {  	_ =	shalt  }
0x4b: {  	_ =	shalt  }
0x4c: {  	_ =	shalt  }
0x4d: {  	_ =	shalt  }
0x4e: {  	_ =	shalt  }
0x4f: {  	_ =	shalt  }
0x50: {  	_ =	shalt  }
0x51: {  	_ =	shalt  }
0x52: {  	_ =	shalt  }
0x53: {  	_ =	shalt  }
0x54: {  	_ =	shalt  }
0x55: {  	_ =	shalt  }
0x56: {  	_ =	shalt  }
0x57: {  	_ =	shalt  }
0x58: {  	_ =	shalt  }
0x59: {  	_ =	shalt  }
0x5a: {  	_ =	shalt  }
0x5b: {  	_ =	shalt  }
0x5c: {  	_ =	shalt  }
0x5d: {  	_ =	shalt  }
0x5e: {  	_ =	shalt  }
0x5f: {  	_ =	shalt  }
0x60: {  	_ =	shalt  }
0x61: {  	_ =	shalt  }
0x62: {  	_ =	shalt  }
0x63: {  	_ =	shalt  }
0x64: {  	_ =	shalt  }
0x65: {  	_ =	shalt  }
0x66: {  	_ =	shalt  }
0x67: {  	_ =	shalt  }
0x68: {  	_ =	shalt  }
0x69: {  	_ =	shalt  }
0x6a: {  	_ =	shalt  }
0x6b: {  	_ =	shalt  }
0x6c: {  	_ =	shalt  }
0x6d: {  	_ =	shalt  }
0x6e: {  	_ =	shalt  }
0x6f: {  	_ =	shalt  }
0x70: {  	_ =	shalt  }
0x71: {  	_ =	shalt  }
0x72: {  	_ =	shalt  }
0x73: {  	_ =	shalt  }
0x74: {  	_ =	shalt  }
0x75: {  	_ =	shalt  }
0x76: {  	_ =	shalt  }
0x77: {  	_ =	shalt  }
0x78: {  	_ =	shalt  }
0x79: {  	_ =	shalt  }
0x7a: {  	_ =	shalt  }
0x7b: {  	_ =	shalt  }
0x7c: {  	_ =	shalt  }
0x7d: {  	_ =	shalt  }
0x7e: {  	_ =	shalt  }
0x7f: {  	_ =	shalt  }
0x80: {  	_ =	shalt  }
0x81: {  	_ =	shalt  }
0x82: {  	_ =	shalt  }
0x83: {  	_ =	shalt  }
0x84: {  	_ =	shalt  }
0x85: {  	_ =	shalt  }
0x86: {  	_ =	shalt  }
0x87: {  	_ =	shalt  }
.Lfunc_end0:
.L_simem_size_0:
called_computation.2_lowered:
.L_overlay_start_0:
0x88: {  	s2 =	sld [smem:$0x3FD9]  }
0x89: {  	s3 =	sld [smem:$0x3FFE];
	_ =	sdelay $0x1  }
0x8a: {  	s1 =	srdreg.scid  }
0x8b: {  	s0 =	sand.u32 $0x1, s1  }
0x8c: {  	s16 =	sshll.u32 s0, $0xA;
	s2 =	sadd.s32 s3, s2  }
0x8d: {  	s2 =	sadd.s32 s2, s16  }
0x8e: {  	[smem:$0x3FA4] =	sst s2  }
0x8f: {  	_ = 	snop  }
0x90: {  	(tm) =	ssettm $0x1  }
0x91: {  	s17 =	sld [smem:$0x3FFB];
	_ =	sdelay $0x3  }
0x92: {  	_ =	strace s17  }
0x93: {  	s2 =	sld [smem:$0x3FFC];
	_ =	sdelay $0x3  }
0x94: {  	_ =	strace s2  }
0x95: {  	s2 =	sld [smem:$0x3FFD];
	_ =	sdelay $0x3  }
0x96: {  	_ =	strace s2  }
0x97: {  	_ =	strace $0x8FFFFFFF  }
0x98: {  	s18 =	sld [smem:$0x3FDB];
	_ =	sdelay $0x1  }
0x99: {  	s19 =	simm.s32 $_scs_section_size  }
0x9a: {  	s4 =	simm.s32 $_size__tile_overlayer_lowered;
	s5 =	simm.s32 $_tile_overlayer_lowered  }
0x9b: {  	s22 =	simm.s32 $0x1BFF;
	s21 =	sshll.u32 s5, $0x1;
	s2 =	sadd.s32 s19, s18  }
0x9c: {  	s6 =	simm.s32 $0x0;
	s20 =	sshll.u32 s4, $0x1;
	s4 =	sadd.s32 s21, s2  }
0x9d: {  	[timem:s6], [sflag:s22] =	dma.local [hbm:s4], s20  }
0x9e: {  	_ =	swait.ge [sflag:s22], s20  }
0x9f: {  	s3 =	ssub.s32 $0x0, s20;
	[sflag:s22] =	ssyncset.done $0x0  }
0xa0: {  	[sflag:s22] =	ssyncadd.s32 s3;
	_ =	sdelay $0x1  }
0xa1: {  	s23 =	simm.s32 $0x1B8B  }
0xa2: {  	_ =	swait.ge [sflag:s23], $0x1  }
0xa3: {  	[sflag:s23] =	ssyncset.done $0x0  }
0xa4: {  	s25 =	simm.s32 $0x1B8E;
	s24 =	sld [smem:$0x3FFE];
	[sflag:s23] =	ssyncadd.s32 $0xFFFFFFFF  }
0xa5: {  	s26 =	simm.s32 $execute0_lowered;
	[smem:$0x3FD2] =	sst s25  }
0xa6: {  	s4 =	sshll.u32 s26, $0x1;
	_ =	strace $0x8000004C;
	[dreg:$0x1] =	wrdreg $0xFFFFFFFF  }
0xa7: {  	s28 =	simm.s32 $_size_execute0_lowered;
	s2 =	sadd.s32 s2, s4;
	[dreg:$0x0] =	wrdreg $0x0  }
0xa8: {  	s4 =	sshll.u32 s28, $0x1;
	[dreg:$0x2] =	wrdreg s2  }
0xa9: {  	[dreg:$0x3] =	wrdreg s4  }
0xaa: {  	[dreg:$0x4] =	wrdreg $0xC0  }
0xab: {  	_ =	task [dreg:s6], $0x5FFFF  }
0xac: {  	[dreg:$0x1] =	wrdreg $0xFFFFFFFF  }
0xad: {  	[dreg:$0x0] =	wrdreg $0x60  }
0xae: {  	[dreg:$0x2] =	wrdreg s24  }
0xaf: {  	[dreg:$0x3] =	wrdreg $0x9  }
0xb0: {  	_ =	task.clear_ibuf [dreg:s6], $0x4FFFF;
	_ =	strace $0x9000004C  }
0xb1: {  	s29 =	simm.s32 $0x9;
	_ =	strace $0x8000004E  }
0xb2: {  	_ =	swait.ge [sflag:s29], $0x1  }
0xb3: {  	[sflag:s29] =	ssyncadd.s32 $0xFFFFFFFF  }
0xb4: {  	_ =	strace $0x9000004E  }
0xb5: {  	_ =	sfence  }
0xb6: {  	s30 =	sld [smem:$0x0];
	_ =	sdelay $0x2  }
0xb7: {  	s31 =	sshll.u32 s1, $0xD;
	s1 =	sshrl.u32 s1, $0x2  }
0xb8: {  	s3 =	sand.u32 $0x4000, s31;
	s1 =	sadd.s32 s1, s30  }
0xb9: {  	s0 =	sor.u32 s3, s0;
	s1 =	sshll.u32 s1, $0x11  }
0xba: {  	s0 =	sor.u32 s1, s0  }
0xbb: {  	s0 =	sadd.s32 $0x8F2B, s0  }
0xbc: {  	[sflag:s0] =	ssyncadd.remote.s32 $0x1  }
0xbd: {  	_ =	sfence.sel $0xFFFF  }
0xbe: {  	[dreg:$0x0] =	wrdreg $0xFFFFFFFF;
	(pc) =	sbr.abs _section_cstart, $3  }
0xbf: {  	[dreg:$0x1] =	wrdreg $0xFFFFFFFF  }
0xc0: {  	_ =	task.clear_ibuf [dreg:s6], $0x2FFFF;
	_ =	strace $0x9FFFFFFF  }
0xc1: {  	(tm) =	ssettm $0x7FFFFFFF  }
tec
execute0_lowered:
.L_overlay_start_1:
0x0: {  	(tag) =	ssettag $0x1  }
0x1: {  	s0 =	srdreg.scid  }
0x2: {  	s14 =	stileid.u32;
	s2 =	rddreg [dreg:$0x0];
	s31 =	simm.s32 $0x9  }
0x3: {  	s29 =	simm.s32 $0x0;
	s0 =	sand.u32 $0x1, s0;
	s3 =	sadd.s32 $0x330400, s2  }
0x4: {  	s1 =	sshll.u32 s14, $0x1;
	s4 =	sadd.s32 $0x6D9C00, s2;
	s20 =	smul.u32 $0x7530, s14  }
0x5: {  	s25 =	smul.u32 $0xEA60, s14;
	s1 =	sor.u32 s0, s1;
	s6 =	ssub.s32 $0x2, s0  }
0x6: {  	s5 =	sadd.s32 $0x15B800, s2;
	s1 =	smul.u32 $0x3A98, s1;
	s9 =	sshrl.u32 s6, $0x1  }
0x7: {  	s8 =	sadd.s32 $0x245E00, s2;
	s12 =	smul.u32 $0x3A98, s0;
	s6 =	ssub.s32 s6, s9  }
0x8: {  	s7 =	sadd.s32 $0x3840, s1;
	s18 =	sadd.s32 $0x3390, s1;
	s11 =	sadd.s32 $0x35E8, s1  }
0x9: {  	s1 =	sshrl.u32 s1, $0x3;
	s10 =	sshll.u32 s7, $0x3;
	s7 =	sshll.u32 s7, $0x1  }
0xa: {  	s19 =	sshll.u32 s18, $0x3;
	s9 =	sshll.u32 s18, $0x1;
	s15 =	sadd.s32 s3, s10  }
0xb: {  	s22 =	sshll.u32 s11, $0x3;
	s16 =	sadd.s32 s5, s7;
	[dreg:$0x2] =	wrdreg s15  }
0xc: {  	s11 =	sshll.u32 s11, $0x1;
	s17 =	sadd.s32 s4, s10;
	[dreg:$0x3] =	wrdreg s16  }
0xd: {  	s1 =	sadd.s32 s1, s2;
	s7 =	sadd.s32 s8, s7;
	[dreg:$0x4] =	wrdreg s17  }
0xe: {  	s13 =	sadd.s32 s3, s19;
	s21 =	sadd.s32 s5, s9;
	[dreg:$0x5] =	wrdreg s7  }
0xf: {  	s10 =	sadd.s32 s12, s20;
	s23 =	sadd.s32 s5, s11;
	[dreg:$0x6] =	wrdreg s13  }
0x10: {  	s9 =	sadd.s32 s8, s9;
	s26 =	sadd.s32 s4, s22;
	[dreg:$0x7] =	wrdreg s21  }
0x11: {  	s28 =	sadd.s32 s8, s11;
	s18 =	sadd.s32 $0x13E000, s1;
	[dreg:$0x9] =	wrdreg s23  }
0x12: {  	s11 =	simm.s32 $0x7;
	s15 =	sadd.s32 s3, s22;
	[dreg:$0xb] =	wrdreg s9  }
0x13: {  	s7 =	sadd.s32 s4, s19;
	s24 =	sadd.s32 $0x258, s10;
	[dreg:$0xc] =	wrdreg s26  }
0x14: {  	[dreg:$0xd] =	wrdreg s28;
	s13 =	smul.u32 $0x7530, s0;
	s19 =	simm.s32 $0x0  }
0x15: {  	s0 =	smul.u32 $0x1D4C0, s0;
	s21 =	sadd.s32 $0x83A00, s2;
	s22 =	sadd.s32 $0xF8E00, s2  }
0x16: {  	s26 =	sadd.s32 $0x14CC00, s1;
	s28 =	sadd.s32 $0x12F400, s1;
	[dreg:$0x8] =	wrdreg s15  }
0x17: {  	s2 =	simm.s32 $0x1A130;
	s9 =	simm.s32 $0x4;
	[dreg:$0xa] =	wrdreg s7  }
0x18: {  	s7 =	sshrl.u32 s24, $0x3;
	s15 =	smul.u32 $0x3A980, s14;
	[smem:$0x7FF] =	sst s19  }
0x19: {  	s24 =	sadd.s32 $0x120800, s1;
	s1 =	simm.s32 $0x7530;
	s30 =	sshll.u32 s7, $0x4  }
0x1a: {  	s7 =	sshll.u32 s7, $0x6;
	s12 =	sadd.s32 s30, s5;
	s5 =	sadd.s32 s25, s5  }
0x1b: {  	s10 =	sadd.s32 s30, s8;
	s8 =	sadd.s32 s25, s8;
	s17 =	sadd.s32 s7, s3  }
0x1c: {  	s3 =	sadd.s32 s15, s3;
	s20 =	sadd.s32 s7, s4;
	s4 =	sadd.s32 s15, s4  }
0x1d: {  	s30 =	smax.u32 s6, $0x1;
	s6 =	simm.s32 $0x1;
	[dreg:$0xe] =	wrdreg s12  }
0x1e: {  	s7 =	simm.s32 $0x3;
	[dreg:$0xf] =	wrdreg s10;
	s5 =	sadd.s32 s13, s5  }
0x1f: {  	s16 =	sadd.s32 s13, s8;
	s23 =	sadd.s32 s0, s3;
	[dreg:$0x10] =	wrdreg s5  }
0x20: {  	s25 =	sadd.s32 s0, s4;
	_ =	strace $0x8000004D;
	[dreg:$0x11] =	wrdreg s18  }
0x21: {  	s0 =	simm.s32 $0x258;
	s3 =	simm.s32 $0x10B30;
	[dreg:$0x12] =	wrdreg s24  }
0x22: {  	s8 =	simm.s32 $0x2;
	s10 =	simm.s32 $0x5;
	[dreg:$0x13] =	wrdreg s26  }
0x23: {  	s12 =	simm.s32 $0x6;
	s5 =	simm.s32 $0x1C6B0;
	[dreg:$0x14] =	wrdreg s28  }
0x24: {  	[dreg:$0x15] =	wrdreg s30;
	s18 =	simm.s32 $0x3A98;
	s24 =	simm.s32 $0x8  }
.LBB2_1:
0x25: {  	s4 =	rddreg [dreg:$0x11]  }
0x26: {  	[tilespmem:s19], [sflag:$0x9] =	stream.linear.gather [hbm4b:s4+s19], $0x3A98, $0x38;
	[tilespmem:$0x1EC30] =	vst v63  }
0x27: {  	_ =	swait.ge [sflag:s31], $0x3A98  }
0x28: {  	[sflag:s31] =	ssyncset.done $0x0  }
0x29: {  	s14 =	rddreg [dreg:$0x12];
	[sflag:s31] =	ssyncadd.s32 $0xFFFFC568  }
0x2a: {  	[tilespmem:s18], [sflag:$0x9] =	stream.linear.gather [hbm4b:s14+s19], $0x3A98, $0x38;
	[tilespmem:$0x1EC30] =	vst v63  }
0x2b: {  	_ =	swait.ge [sflag:s31], $0x3A98  }
0x2c: {  	[sflag:s31] =	ssyncset.done $0x0  }
0x2d: {  	[sflag:s31] =	ssyncadd.s32 $0xFFFFC568  }
0x2e: {  	[tilespmem:s1], [sflag:$0x1] =	stream.indirect.gather [hbm4b:s21+s0], $0x40, s19, s0, $0xb8;
	[tilespmem:$0x1EC30] =	vst v63  }
0x2f: {  	_ = 	snop  }
0x30: {  	[tilespmem:s2], [sflag:$0x3] =	stream.indirect.gather [hbm4b:s22+s0], $0x10, s18, s0, $0xb8;
	[tilespmem:$0x1EC30] =	vst v63  }
0x31: {  	_ = 	snop  }
0x32: {  	[tilespmem:s3], [sflag:$0x2] =	stream.indirect.gather [hbm4b:s21+s0], $0x40, s0, s0, $0xb8;
	[tilespmem:$0x1EC30] =	vst v63  }
0x33: {  	s15 =	simm.s32 $0x3CF0  }
0x34: {  	[tilespmem:s5], [sflag:$0x4] =	stream.indirect.gather [hbm4b:s22+s0], $0x10, s15, s0, $0xb8;
	[tilespmem:$0x1EC30] =	vst v63  }
0x35: {  	_ =	swait.ge [sflag:s6], $0x9600  }
0x36: {  	[sflag:s6] =	ssyncset.done $0x0  }
0x37: {  	[sflag:s6] =	ssyncadd.s32 $0xFFFF6A00  }
0x38: {  	_ =	swait.ge [sflag:s7], $0x2580  }
0x39: {  	[sflag:s7] =	ssyncset.done $0x0  }
0x3a: {  	[sflag:s7] =	ssyncadd.s32 $0xFFFFDA80  }
0x3b: {  	[hbm4b:s23+s19] =	stream.linear.scatter [tilespmem:s1], [sflag:$0x5], $0x9600, $0x38;
	[tilespmem:$0x1EC30] =	vst v63  }
0x3c: {  	s14 =	rddreg [dreg:$0x10]  }
0x3d: {  	[hbm4b:s14+s19] =	stream.linear.scatter [tilespmem:s2], [sflag:$0x7], $0x2580, $0x38;
	[tilespmem:$0x1EC30] =	vst v63  }
0x3e: {  	_ =	swait.ge [sflag:s8], $0x9600  }
0x3f: {  	[sflag:s8] =	ssyncset.done $0x0  }
0x40: {  	[sflag:s8] =	ssyncadd.s32 $0xFFFF6A00  }
0x41: {  	_ =	swait.ge [sflag:s9], $0x2580  }
0x42: {  	[sflag:s9] =	ssyncset.done $0x0  }
0x43: {  	[sflag:s9] =	ssyncadd.s32 $0xFFFFDA80  }
0x44: {  	[hbm4b:s17+s19] =	stream.linear.scatter [tilespmem:s3], [sflag:$0x6], $0x9600, $0x38;
	[tilespmem:$0x1EC30] =	vst v63  }
0x45: {  	s13 =	rddreg [dreg:$0xe]  }
0x46: {  	[hbm4b:s13+s19] =	stream.linear.scatter [tilespmem:s5], [sflag:$0x8], $0x2580, $0x38;
	[tilespmem:$0x1EC30] =	vst v63  }
0x47: {  	_ =	swait.ge [sflag:s10], $0x9600  }
0x48: {  	[sflag:s10] =	ssyncset.done $0x0  }
0x49: {  	[sflag:s10] =	ssyncadd.s32 $0xFFFF6A00  }
0x4a: {  	_ =	swait.ge [sflag:s11], $0x2580  }
0x4b: {  	[sflag:s11] =	ssyncset.done $0x0  }
0x4c: {  	s26 =	simm.s32 $0x4B0;
	[sflag:s11] =	ssyncadd.s32 $0xFFFFDA80  }
0x4d: {  	[tilespmem:s1], [sflag:$0x1] =	stream.indirect.gather [hbm4b:s21+s0], $0x40, s26, s0, $0xb8;
	[tilespmem:$0x1EC30] =	vst v63  }
0x4e: {  	s15 =	simm.s32 $0x3F48  }
0x4f: {  	[tilespmem:s2], [sflag:$0x3] =	stream.indirect.gather [hbm4b:s22+s0], $0x10, s15, s0, $0xb8;
	[tilespmem:$0x1EC30] =	vst v63  }
0x50: {  	_ =	swait.ge [sflag:s12], $0x9600  }
0x51: {  	[sflag:s12] =	ssyncset.done $0x0  }
0x52: {  	[sflag:s12] =	ssyncadd.s32 $0xFFFF6A00  }
0x53: {  	_ =	swait.ge [sflag:s24], $0x2580  }
0x54: {  	s30 =	simm.s32 $0x12C0;
	s4 =	sadd.s32 $0x2580, s23;
	[sflag:s24] =	ssyncset.done $0x0  }
0x55: {  	s28 =	sadd.s32 $0x960, s13;
	s26 =	simm.s32 $0x708;
	[sflag:s24] =	ssyncadd.s32 $0xFFFFDA80  }
0x56: {  	[tilespmem:s3], [sflag:$0x2] =	stream.indirect.gather [hbm4b:s21+s0], $0x40, s26, s0, $0xb8;
	[tilespmem:$0x1EC30] =	vst v63  }
0x57: {  	s13 =	sadd.s32 $0x2580, s17;
	s26 =	sadd.s32 $0x960, s14;
	s14 =	simm.s32 $0x41A0  }
.LBB2_2:
0x58: {  	[tilespmem:s5], [sflag:$0x4] =	stream.indirect.gather [hbm4b:s22+s0], $0x10, s14, s0, $0xb8;
	[tilespmem:$0x1EC30] =	vst v63  }
0x59: {  	s14 =	smov.u32 s30  }
0x5a: {  	p0 =	sne.s32 s30, $0xBB80;
	s30 =	sadd.s32 $0x12C0, s30;
	_ =	swait.ge [sflag:s6], $0x9600  }
0x5b: {  	[sflag:s6] =	ssyncset.done $0x0  }
0x5c: {  	[sflag:s6] =	ssyncadd.s32 $0xFFFF6A00  }
0x5d: {  	_ =	swait.ge [sflag:s7], $0x2580  }
0x5e: {  	[sflag:s7] =	ssyncset.done $0x0  }
0x5f: {  	[sflag:s7] =	ssyncadd.s32 $0xFFFFDA80  }
0x60: {  	[hbm4b:s4+s19] =	stream.linear.scatter [tilespmem:s1], [sflag:$0x5], $0x9600, $0x38;
	[tilespmem:$0x1EC30] =	vst v63  }
0x61: {  	_ = 	snop  }
0x62: {  	[hbm4b:s26+s19] =	stream.linear.scatter [tilespmem:s2], [sflag:$0x7], $0x2580, $0x38;
	[tilespmem:$0x1EC30] =	vst v63  }
0x63: {  	_ =	swait.ge [sflag:s8], $0x9600  }
0x64: {  	[sflag:s8] =	ssyncset.done $0x0  }
0x65: {  	[sflag:s8] =	ssyncadd.s32 $0xFFFF6A00  }
0x66: {  	_ =	swait.ge [sflag:s9], $0x2580  }
0x67: {  	[sflag:s9] =	ssyncset.done $0x0  }
0x68: {  	[sflag:s9] =	ssyncadd.s32 $0xFFFFDA80  }
0x69: {  	[hbm4b:s13+s19] =	stream.linear.scatter [tilespmem:s3], [sflag:$0x6], $0x9600, $0x38;
	[tilespmem:$0x1EC30] =	vst v63  }
0x6a: {  	_ = 	snop  }
0x6b: {  	[hbm4b:s28+s19] =	stream.linear.scatter [tilespmem:s5], [sflag:$0x8], $0x2580, $0x38;
	[tilespmem:$0x1EC30] =	vst v63  }
0x6c: {  	_ =	swait.ge [sflag:s10], $0x9600  }
0x6d: {  	[sflag:s10] =	ssyncset.done $0x0  }
0x6e: {  	[sflag:s10] =	ssyncadd.s32 $0xFFFF6A00  }
0x6f: {  	_ =	swait.ge [sflag:s11], $0x2580  }
0x70: {  	s14 =	sshra.s32 s14, $0x2;
	[sflag:s11] =	ssyncset.done $0x0  }
0x71: {  	s15 =	sadd.s32 $0x4B0, s14;
	[sflag:s11] =	ssyncadd.s32 $0xFFFFDA80  }
0x72: {  	[tilespmem:s1], [sflag:$0x1] =	stream.indirect.gather [hbm4b:s21+s0], $0x40, s15, s0, $0xb8;
	[tilespmem:$0x1EC30] =	vst v63  }
0x73: {  	s15 =	sadd.s32 $0x3F48, s14  }
0x74: {  	[tilespmem:s2], [sflag:$0x3] =	stream.indirect.gather [hbm4b:s22+s0], $0x10, s15, s0, $0xb8;
	[tilespmem:$0x1EC30] =	vst v63  }
0x75: {  	_ =	swait.ge [sflag:s12], $0x9600  }
0x76: {  	[sflag:s12] =	ssyncset.done $0x0  }
0x77: {  	[sflag:s12] =	ssyncadd.s32 $0xFFFF6A00  }
.Ltmp0:
0x78: {  	_ =	swait.ge [sflag:s24], $0x2580;
	(pc) =	sbr.rel @p0 .LBB2_2-.Ltmp0, $4  }
0x79: {  	s4 =	sadd.s32 $0x2580, s4;
	[sflag:s24] =	ssyncset.done $0x0  }
0x7a: {  	s26 =	sadd.s32 $0x960, s26;
	s15 =	sadd.s32 $0x708, s14;
	[sflag:s24] =	ssyncadd.s32 $0xFFFFDA80  }
0x7b: {  	[tilespmem:s3], [sflag:$0x2] =	stream.indirect.gather [hbm4b:s21+s0], $0x40, s15, s0, $0xb8;
	[tilespmem:$0x1EC30] =	vst v63  }
0x7c: {  	s13 =	sadd.s32 $0x2580, s13;
	s28 =	sadd.s32 $0x960, s28;
	s14 =	sadd.s32 $0x41A0, s14  }
0x7d: {  	[tilespmem:s5], [sflag:$0x4] =	stream.indirect.gather [hbm4b:s22+s0], $0x10, s14, s0, $0xb8;
	[tilespmem:$0x1EC30] =	vst v63  }
0x7e: {  	_ =	swait.ge [sflag:s6], $0x9600  }
0x7f: {  	[sflag:s6] =	ssyncset.done $0x0  }
0x80: {  	[sflag:s6] =	ssyncadd.s32 $0xFFFF6A00  }
0x81: {  	_ =	swait.ge [sflag:s7], $0x2580  }
0x82: {  	[sflag:s7] =	ssyncset.done $0x0  }
0x83: {  	s4 =	simm.s32 $0x0;
	s13 =	rddreg [dreg:$0x6];
	[sflag:s7] =	ssyncadd.s32 $0xFFFFDA80  }
0x84: {  	[hbm4b:s13+s4] =	stream.linear.scatter [tilespmem:s1], [sflag:$0x5], $0x9600, $0x38;
	[tilespmem:$0x1EC30] =	vst v63  }
0x85: {  	s14 =	rddreg [dreg:$0x7]  }
0x86: {  	[hbm4b:s14+s4] =	stream.linear.scatter [tilespmem:s2], [sflag:$0x7], $0x2580, $0x38;
	[tilespmem:$0x1EC30] =	vst v63  }
0x87: {  	_ =	swait.ge [sflag:s8], $0x9600  }
0x88: {  	[sflag:s8] =	ssyncset.done $0x0  }
0x89: {  	[sflag:s8] =	ssyncadd.s32 $0xFFFF6A00  }
0x8a: {  	_ =	swait.ge [sflag:s9], $0x2580  }
0x8b: {  	[sflag:s9] =	ssyncset.done $0x0  }
0x8c: {  	s15 =	rddreg [dreg:$0x8];
	[sflag:s9] =	ssyncadd.s32 $0xFFFFDA80  }
0x8d: {  	[hbm4b:s15+s4] =	stream.linear.scatter [tilespmem:s3], [sflag:$0x6], $0x9600, $0x38;
	[tilespmem:$0x1EC30] =	vst v63  }
0x8e: {  	s26 =	rddreg [dreg:$0x9]  }
0x8f: {  	[hbm4b:s26+s4] =	stream.linear.scatter [tilespmem:s5], [sflag:$0x8], $0x2580, $0x38;
	[tilespmem:$0x1EC30] =	vst v63  }
0x90: {  	_ =	swait.ge [sflag:s10], $0x9600  }
0x91: {  	[sflag:s10] =	ssyncset.done $0x0  }
0x92: {  	[sflag:s10] =	ssyncadd.s32 $0xFFFF6A00  }
0x93: {  	_ =	swait.ge [sflag:s11], $0x2580  }
0x94: {  	[sflag:s11] =	ssyncset.done $0x0  }
0x95: {  	s14 =	simm.s32 $0x3840;
	[sflag:s11] =	ssyncadd.s32 $0xFFFFDA80  }
0x96: {  	[tilespmem:s1], [sflag:$0x1] =	stream.indirect.gather [hbm4b:s21+s0], $0x40, s14, s0, $0xb8;
	[tilespmem:$0x1EC30] =	vst v63  }
0x97: {  	s15 =	simm.s32 $0x72D8  }
0x98: {  	[tilespmem:s2], [sflag:$0x3] =	stream.indirect.gather [hbm4b:s22+s0], $0x10, s15, s0, $0xb8;
	[tilespmem:$0x1EC30] =	vst v63  }
0x99: {  	_ =	swait.ge [sflag:s12], $0x9600  }
0x9a: {  	[sflag:s12] =	ssyncset.done $0x0  }
0x9b: {  	[sflag:s12] =	ssyncadd.s32 $0xFFFF6A00  }
0x9c: {  	_ =	swait.ge [sflag:s24], $0x2580  }
0x9d: {  	[sflag:s24] =	ssyncset.done $0x0  }
0x9e: {  	[sflag:s24] =	ssyncadd.s32 $0xFFFFDA80  }
0x9f: {  	_ =	swait.ge [sflag:s6], $0x9600  }
0xa0: {  	[sflag:s6] =	ssyncset.done $0x0  }
0xa1: {  	[sflag:s6] =	ssyncadd.s32 $0xFFFF6A00  }
0xa2: {  	_ =	swait.ge [sflag:s7], $0x2580  }
0xa3: {  	[sflag:s7] =	ssyncset.done $0x0  }
0xa4: {  	s26 =	rddreg [dreg:$0x2];
	[sflag:s7] =	ssyncadd.s32 $0xFFFFDA80  }
0xa5: {  	[hbm4b:s26+s4] =	stream.linear.scatter [tilespmem:s1], [sflag:$0x5], $0x9600, $0x38;
	[tilespmem:$0x1EC30] =	vst v63  }
0xa6: {  	s14 =	rddreg [dreg:$0x3]  }
0xa7: {  	[hbm4b:s14+s4] =	stream.linear.scatter [tilespmem:s2], [sflag:$0x7], $0x2580, $0x38;
	[tilespmem:$0x1EC30] =	vst v63  }
0xa8: {  	_ =	swait.ge [sflag:s10], $0x9600  }
0xa9: {  	[sflag:s10] =	ssyncset.done $0x0  }
0xaa: {  	[sflag:s10] =	ssyncadd.s32 $0xFFFF6A00  }
0xab: {  	_ =	swait.ge [sflag:s11], $0x2580  }
0xac: {  	[sflag:s11] =	ssyncset.done $0x0  }
0xad: {  	s15 =	rddreg [dreg:$0x13];
	[sflag:s11] =	ssyncadd.s32 $0xFFFFDA80  }
0xae: {  	[tilespmem:s4], [sflag:$0x9] =	stream.linear.gather [hbm4b:s15+s4], $0x3A98, $0x38;
	[tilespmem:$0x1EC30] =	vst v63  }
0xaf: {  	_ =	swait.ge [sflag:s31], $0x3A98  }
0xb0: {  	[sflag:s31] =	ssyncset.done $0x0  }
0xb1: {  	s26 =	rddreg [dreg:$0x14];
	[sflag:s31] =	ssyncadd.s32 $0xFFFFC568  }
0xb2: {  	[tilespmem:s18], [sflag:$0x9] =	stream.linear.gather [hbm4b:s26+s4], $0x3A98, $0x38;
	[tilespmem:$0x1EC30] =	vst v63  }
0xb3: {  	_ =	swait.ge [sflag:s31], $0x3A98  }
0xb4: {  	[sflag:s31] =	ssyncset.done $0x0  }
0xb5: {  	[sflag:s31] =	ssyncadd.s32 $0xFFFFC568  }
0xb6: {  	[tilespmem:s1], [sflag:$0x1] =	stream.indirect.gather [hbm4b:s21+s0], $0x40, s4, s0, $0xb8;
	[tilespmem:$0x1EC30] =	vst v63  }
0xb7: {  	_ = 	snop  }
0xb8: {  	[tilespmem:s2], [sflag:$0x3] =	stream.indirect.gather [hbm4b:s22+s0], $0x10, s18, s0, $0xb8;
	[tilespmem:$0x1EC30] =	vst v63  }
0xb9: {  	_ = 	snop  }
0xba: {  	[tilespmem:s3], [sflag:$0x2] =	stream.indirect.gather [hbm4b:s21+s0], $0x40, s0, s0, $0xb8;
	[tilespmem:$0x1EC30] =	vst v63  }
0xbb: {  	s13 =	simm.s32 $0x3CF0  }
0xbc: {  	[tilespmem:s5], [sflag:$0x4] =	stream.indirect.gather [hbm4b:s22+s0], $0x10, s13, s0, $0xb8;
	[tilespmem:$0x1EC30] =	vst v63  }
0xbd: {  	_ =	swait.ge [sflag:s6], $0x9600  }
0xbe: {  	[sflag:s6] =	ssyncset.done $0x0  }
0xbf: {  	[sflag:s6] =	ssyncadd.s32 $0xFFFF6A00  }
0xc0: {  	_ =	swait.ge [sflag:s7], $0x2580  }
0xc1: {  	[sflag:s7] =	ssyncset.done $0x0  }
0xc2: {  	[sflag:s7] =	ssyncadd.s32 $0xFFFFDA80  }
0xc3: {  	[hbm4b:s25+s19] =	stream.linear.scatter [tilespmem:s1], [sflag:$0x5], $0x9600, $0x38;
	[tilespmem:$0x1EC30] =	vst v63  }
0xc4: {  	_ = 	snop  }
0xc5: {  	[hbm4b:s16+s19] =	stream.linear.scatter [tilespmem:s2], [sflag:$0x7], $0x2580, $0x38;
	[tilespmem:$0x1EC30] =	vst v63  }
0xc6: {  	_ =	swait.ge [sflag:s8], $0x9600  }
0xc7: {  	[sflag:s8] =	ssyncset.done $0x0  }
0xc8: {  	[sflag:s8] =	ssyncadd.s32 $0xFFFF6A00  }
0xc9: {  	_ =	swait.ge [sflag:s9], $0x2580  }
0xca: {  	[sflag:s9] =	ssyncset.done $0x0  }
0xcb: {  	[sflag:s9] =	ssyncadd.s32 $0xFFFFDA80  }
0xcc: {  	[hbm4b:s20+s19] =	stream.linear.scatter [tilespmem:s3], [sflag:$0x6], $0x9600, $0x38;
	[tilespmem:$0x1EC30] =	vst v63  }
0xcd: {  	s13 =	rddreg [dreg:$0xf]  }
0xce: {  	[hbm4b:s13+s19] =	stream.linear.scatter [tilespmem:s5], [sflag:$0x8], $0x2580, $0x38;
	[tilespmem:$0x1EC30] =	vst v63  }
0xcf: {  	_ =	swait.ge [sflag:s10], $0x9600  }
0xd0: {  	[sflag:s10] =	ssyncset.done $0x0  }
0xd1: {  	[sflag:s10] =	ssyncadd.s32 $0xFFFF6A00  }
0xd2: {  	_ =	swait.ge [sflag:s11], $0x2580  }
0xd3: {  	[sflag:s11] =	ssyncset.done $0x0  }
0xd4: {  	s14 =	simm.s32 $0x4B0;
	[sflag:s11] =	ssyncadd.s32 $0xFFFFDA80  }
0xd5: {  	[tilespmem:s1], [sflag:$0x1] =	stream.indirect.gather [hbm4b:s21+s0], $0x40, s14, s0, $0xb8;
	[tilespmem:$0x1EC30] =	vst v63  }
0xd6: {  	s15 =	simm.s32 $0x3F48  }
0xd7: {  	[tilespmem:s2], [sflag:$0x3] =	stream.indirect.gather [hbm4b:s22+s0], $0x10, s15, s0, $0xb8;
	[tilespmem:$0x1EC30] =	vst v63  }
0xd8: {  	_ =	swait.ge [sflag:s12], $0x9600  }
0xd9: {  	[sflag:s12] =	ssyncset.done $0x0  }
0xda: {  	[sflag:s12] =	ssyncadd.s32 $0xFFFF6A00  }
0xdb: {  	_ =	swait.ge [sflag:s24], $0x2580  }
0xdc: {  	s30 =	simm.s32 $0x12C0;
	s26 =	simm.s32 $0x708;
	[sflag:s24] =	ssyncset.done $0x0  }
0xdd: {  	s4 =	sadd.s32 $0x2580, s25;
	s28 =	sadd.s32 $0x960, s13;
	[sflag:s24] =	ssyncadd.s32 $0xFFFFDA80  }
0xde: {  	[tilespmem:s3], [sflag:$0x2] =	stream.indirect.gather [hbm4b:s21+s0], $0x40, s26, s0, $0xb8;
	[tilespmem:$0x1EC30] =	vst v63  }
0xdf: {  	s13 =	sadd.s32 $0x2580, s20;
	s14 =	simm.s32 $0x41A0;
	s26 =	sadd.s32 $0x960, s16  }
.LBB2_4:
0xe0: {  	[tilespmem:s5], [sflag:$0x4] =	stream.indirect.gather [hbm4b:s22+s0], $0x10, s14, s0, $0xb8;
	[tilespmem:$0x1EC30] =	vst v63  }
0xe1: {  	s14 =	smov.u32 s30  }
0xe2: {  	p0 =	sne.s32 s30, $0xBB80;
	s30 =	sadd.s32 $0x12C0, s30;
	_ =	swait.ge [sflag:s6], $0x9600  }
0xe3: {  	[sflag:s6] =	ssyncset.done $0x0  }
0xe4: {  	[sflag:s6] =	ssyncadd.s32 $0xFFFF6A00  }
0xe5: {  	_ =	swait.ge [sflag:s7], $0x2580  }
0xe6: {  	[sflag:s7] =	ssyncset.done $0x0  }
0xe7: {  	[sflag:s7] =	ssyncadd.s32 $0xFFFFDA80  }
0xe8: {  	[hbm4b:s4+s19] =	stream.linear.scatter [tilespmem:s1], [sflag:$0x5], $0x9600, $0x38;
	[tilespmem:$0x1EC30] =	vst v63  }
0xe9: {  	_ = 	snop  }
0xea: {  	[hbm4b:s26+s19] =	stream.linear.scatter [tilespmem:s2], [sflag:$0x7], $0x2580, $0x38;
	[tilespmem:$0x1EC30] =	vst v63  }
0xeb: {  	_ =	swait.ge [sflag:s8], $0x9600  }
0xec: {  	[sflag:s8] =	ssyncset.done $0x0  }
0xed: {  	[sflag:s8] =	ssyncadd.s32 $0xFFFF6A00  }
0xee: {  	_ =	swait.ge [sflag:s9], $0x2580  }
0xef: {  	[sflag:s9] =	ssyncset.done $0x0  }
0xf0: {  	[sflag:s9] =	ssyncadd.s32 $0xFFFFDA80  }
0xf1: {  	[hbm4b:s13+s19] =	stream.linear.scatter [tilespmem:s3], [sflag:$0x6], $0x9600, $0x38;
	[tilespmem:$0x1EC30] =	vst v63  }
0xf2: {  	_ = 	snop  }
0xf3: {  	[hbm4b:s28+s19] =	stream.linear.scatter [tilespmem:s5], [sflag:$0x8], $0x2580, $0x38;
	[tilespmem:$0x1EC30] =	vst v63  }
0xf4: {  	_ =	swait.ge [sflag:s10], $0x9600  }
0xf5: {  	[sflag:s10] =	ssyncset.done $0x0  }
0xf6: {  	[sflag:s10] =	ssyncadd.s32 $0xFFFF6A00  }
0xf7: {  	_ =	swait.ge [sflag:s11], $0x2580  }
0xf8: {  	s14 =	sshra.s32 s14, $0x2;
	[sflag:s11] =	ssyncset.done $0x0  }
0xf9: {  	s15 =	sadd.s32 $0x4B0, s14;
	[sflag:s11] =	ssyncadd.s32 $0xFFFFDA80  }
0xfa: {  	[tilespmem:s1], [sflag:$0x1] =	stream.indirect.gather [hbm4b:s21+s0], $0x40, s15, s0, $0xb8;
	[tilespmem:$0x1EC30] =	vst v63  }
0xfb: {  	s15 =	sadd.s32 $0x3F48, s14  }
0xfc: {  	[tilespmem:s2], [sflag:$0x3] =	stream.indirect.gather [hbm4b:s22+s0], $0x10, s15, s0, $0xb8;
	[tilespmem:$0x1EC30] =	vst v63  }
0xfd: {  	_ =	swait.ge [sflag:s12], $0x9600  }
0xfe: {  	[sflag:s12] =	ssyncset.done $0x0  }
0xff: {  	[sflag:s12] =	ssyncadd.s32 $0xFFFF6A00  }
.Ltmp1:
0x100: {  	_ =	swait.ge [sflag:s24], $0x2580;
	(pc) =	sbr.rel @p0 .LBB2_4-.Ltmp1, $4  }
0x101: {  	s4 =	sadd.s32 $0x2580, s4;
	[sflag:s24] =	ssyncset.done $0x0  }
0x102: {  	s26 =	sadd.s32 $0x960, s26;
	s15 =	sadd.s32 $0x708, s14;
	[sflag:s24] =	ssyncadd.s32 $0xFFFFDA80  }
0x103: {  	[tilespmem:s3], [sflag:$0x2] =	stream.indirect.gather [hbm4b:s21+s0], $0x40, s15, s0, $0xb8;
	[tilespmem:$0x1EC30] =	vst v63  }
0x104: {  	s13 =	sadd.s32 $0x2580, s13;
	s28 =	sadd.s32 $0x960, s28;
	s14 =	sadd.s32 $0x41A0, s14  }
0x105: {  	[tilespmem:s5], [sflag:$0x4] =	stream.indirect.gather [hbm4b:s22+s0], $0x10, s14, s0, $0xb8;
	[tilespmem:$0x1EC30] =	vst v63  }
0x106: {  	_ =	swait.ge [sflag:s6], $0x9600  }
0x107: {  	[sflag:s6] =	ssyncset.done $0x0  }
0x108: {  	[sflag:s6] =	ssyncadd.s32 $0xFFFF6A00  }
0x109: {  	_ =	swait.ge [sflag:s7], $0x2580  }
0x10a: {  	[sflag:s7] =	ssyncset.done $0x0  }
0x10b: {  	s4 =	rddreg [dreg:$0xa];
	[sflag:s7] =	ssyncadd.s32 $0xFFFFDA80  }
0x10c: {  	[hbm4b:s4+s19] =	stream.linear.scatter [tilespmem:s1], [sflag:$0x5], $0x9600, $0x38;
	[tilespmem:$0x1EC30] =	vst v63  }
0x10d: {  	s28 =	rddreg [dreg:$0xb]  }
0x10e: {  	[hbm4b:s28+s19] =	stream.linear.scatter [tilespmem:s2], [sflag:$0x7], $0x2580, $0x38;
	[tilespmem:$0x1EC30] =	vst v63  }
0x10f: {  	_ =	swait.ge [sflag:s8], $0x9600  }
0x110: {  	[sflag:s8] =	ssyncset.done $0x0  }
0x111: {  	[sflag:s8] =	ssyncadd.s32 $0xFFFF6A00  }
0x112: {  	_ =	swait.ge [sflag:s9], $0x2580  }
0x113: {  	[sflag:s9] =	ssyncset.done $0x0  }
0x114: {  	s30 =	rddreg [dreg:$0xc];
	[sflag:s9] =	ssyncadd.s32 $0xFFFFDA80  }
0x115: {  	[hbm4b:s30+s19] =	stream.linear.scatter [tilespmem:s3], [sflag:$0x6], $0x9600, $0x38;
	[tilespmem:$0x1EC30] =	vst v63  }
0x116: {  	s13 =	rddreg [dreg:$0xd]  }
0x117: {  	[hbm4b:s13+s19] =	stream.linear.scatter [tilespmem:s5], [sflag:$0x8], $0x2580, $0x38;
	[tilespmem:$0x1EC30] =	vst v63  }
0x118: {  	_ =	swait.ge [sflag:s10], $0x9600  }
0x119: {  	[sflag:s10] =	ssyncset.done $0x0  }
0x11a: {  	[sflag:s10] =	ssyncadd.s32 $0xFFFF6A00  }
0x11b: {  	_ =	swait.ge [sflag:s11], $0x2580  }
0x11c: {  	[sflag:s11] =	ssyncset.done $0x0  }
0x11d: {  	s14 =	simm.s32 $0x3840;
	[sflag:s11] =	ssyncadd.s32 $0xFFFFDA80  }
0x11e: {  	[tilespmem:s1], [sflag:$0x1] =	stream.indirect.gather [hbm4b:s21+s0], $0x40, s14, s0, $0xb8;
	[tilespmem:$0x1EC30] =	vst v63  }
0x11f: {  	s15 =	simm.s32 $0x72D8  }
0x120: {  	[tilespmem:s2], [sflag:$0x3] =	stream.indirect.gather [hbm4b:s22+s0], $0x10, s15, s0, $0xb8;
	[tilespmem:$0x1EC30] =	vst v63  }
0x121: {  	_ =	swait.ge [sflag:s12], $0x9600  }
0x122: {  	[sflag:s12] =	ssyncset.done $0x0  }
0x123: {  	[sflag:s12] =	ssyncadd.s32 $0xFFFF6A00  }
0x124: {  	_ =	swait.ge [sflag:s24], $0x2580  }
0x125: {  	[sflag:s24] =	ssyncset.done $0x0  }
0x126: {  	[sflag:s24] =	ssyncadd.s32 $0xFFFFDA80  }
0x127: {  	_ =	swait.ge [sflag:s6], $0x9600  }
0x128: {  	[sflag:s6] =	ssyncset.done $0x0  }
0x129: {  	[sflag:s6] =	ssyncadd.s32 $0xFFFF6A00  }
0x12a: {  	_ =	swait.ge [sflag:s7], $0x2580  }
0x12b: {  	[sflag:s7] =	ssyncset.done $0x0  }
0x12c: {  	s26 =	rddreg [dreg:$0x4];
	[sflag:s7] =	ssyncadd.s32 $0xFFFFDA80  }
0x12d: {  	[hbm4b:s26+s19] =	stream.linear.scatter [tilespmem:s1], [sflag:$0x5], $0x9600, $0x38;
	[tilespmem:$0x1EC30] =	vst v63  }
0x12e: {  	s28 =	rddreg [dreg:$0x5]  }
0x12f: {  	[hbm4b:s28+s19] =	stream.linear.scatter [tilespmem:s2], [sflag:$0x7], $0x2580, $0x38;
	[tilespmem:$0x1EC30] =	vst v63  }
0x130: {  	_ =	swait.ge [sflag:s10], $0x9600  }
0x131: {  	[sflag:s10] =	ssyncset.done $0x0  }
0x132: {  	[sflag:s10] =	ssyncadd.s32 $0xFFFF6A00  }
0x133: {  	_ =	swait.ge [sflag:s11], $0x2580  }
0x134: {  	s29 =	sadd.s32 $0x1, s29;
	s30 =	rddreg [dreg:$0x15]  }
0x135: {  	p0 =	sne.s32 s29, s30  }
.Ltmp2:
0x136: {  	_ = 	snop;
	(pc) =	sbr.rel @p0 .LBB2_1-.Ltmp2, $3  }
0x137: {  	_ =	sdelay $0x1  }
0x138: {  	[sflag:s11] =	ssyncset.done $0x0  }
0x139: {  	[sflag:s11] =	ssyncadd.s32 $0xFFFFDA80  }
0x13a: {  	_ =	sfence.sel $0x180000  }
0x13b: {  	[bflag:$0x0] =	sbarrier.arrive $0xFFFF  }
0x13c: {  	_ =	strace $0x9000004D  }
0x13d: {  	s0 =	stileid.u32;
	[bflag:$0x2] =	sbarrier.arrive $0xFFFF  }
0x13e: {  	p0 =	sne.s32 s0, $0x0;
	s0 =	rddreg [dreg:$0x1]  }
0x13f: {  	s0 =	sadd.s32 @!p0 $0x100000, s0  }
0x140: {  	[sflag:s0] =	ssyncadd.tile.s32 @!p0 $0x1;
	_ =	shalt  }
.Lfunc_end2:
_tile_overlayer_lowered:
.L_overlay_start_2:
0x141: {  	(tag) =	ssettag $0x2  }
0x142: {  	s0 =	rddreg [dreg:$0x0];
	s2 =	stileid.u32  }
0x143: {  	s1 =	rddreg [dreg:$0x1];
	p0 =	sne.s32 s2, $0x0  }
0x144: {  	s3 =	rddreg [dreg:$0x2];
	[bflag:$0x3] =	sbarrier.arrive $0xFFFF;
	s2 =	simm.s32 @!p0 $0x1C09  }
0x145: {  	[timem:s3], [sflag:s2] =	dma.local @!p0 [hbm:s0], s1  }
0x146: {  	s0 =	simm.s32 @!p0 $0x9  }
0x147: {  	_ =	swait.ge @!p0 [sflag:s0], s1  }
0x148: {  	s1 =	ssub.s32 @!p0 $0x0, s1;
	[sflag:s0] =	ssyncset.done @!p0 $0x0  }
0x149: {  	[sflag:s0] =	ssyncadd.s32 @!p0 s1  }
0x14a: {  	[bflag:$0x3] =	sbarrier.arrive $0xFFFF  }
0x14b: {  	_ =	shalt  }

// kernel: kernel.15.cloned.1.call-start
scs
__scs_entry_jumppad:
0x0: {  	(pc) =	sbr.rel $0x88, $3  }
0x1: {  	(tag) =	ssettag $0x0;
	lr =	simm.s32 $0x1  }
0x2: {  	[smem:$0x3F7D] =	sst lr;
	_ =	strace $0xD0000000  }
0x3: {  	_ = 	snop  }
0x4: {  	_ = 	snop  }
0x5: {  	_ = 	snop  }
0x6: {  	_ = 	snop  }
0x7: {  	_ = 	snop  }
__scs_overlays_trampoline_lowered:
0x8: {  	[smem:$0x3F8C] =	sst s0  }
0x9: {  	[smem:$0x3F8D] =	sst s1  }
0xa: {  	[smem:$0x3F8E] =	sst s2  }
0xb: {  	[smem:$0x3F8F] =	sst s3  }
0xc: {  	[smem:$0x3F90] =	sst s4  }
0xd: {  	[smem:$0x3F91] =	sst s5  }
0xe: {  	[smem:$0x3F92] =	sst s6  }
0xf: {  	[smem:$0x3F93] =	sst s7  }
0x10: {  	[smem:$0x3F94] =	sst s8  }
0x11: {  	[smem:$0x3F95] =	sst s9;
	s0 =	simm.s32 @!p0 $0x0  }
0x12: {  	s1 =	sld [smem:$0x3F7B];
	s0 =	simm.s32 @p0 $0x1  }
0x13: {  	[smem:$0x3F96] =	sst s0;
	s0 =	simm.s32 @!p1 $0x0  }
0x14: {  	s2 =	sld [smem:$0x3F7A];
	s0 =	simm.s32 @p1 $0x1  }
0x15: {  	[smem:$0x3F97] =	sst s0;
	s0 =	simm.s32 @!p2 $0x0  }
0x16: {  	s3 =	sld [smem:$0x3FDB];
	s0 =	simm.s32 @p2 $0x1  }
0x17: {  	s4 =	simm.s32 $0x1BF5;
	[smem:$0x3F99] =	sst s0  }
0x18: {  	s0 =	sld [smem:$0x3F7C];
	_ =	swait.ge [sflag:s4], $0x0  }
0x19: {  	s7 =	sld [smem:$0x3F7D]  }
0x1a: {  	s8 =	sadd.s32 $0xFFFFE003, lr  }
0x1b: {  	s9 =	sadd.s32 $0xFFFFFEF7, lr;
	s5 =	simm.s32 $0xFFFFFFFF;
	p2 =	slt.u32 s8, $0xFFFFF086  }
0x1c: {  	p1 =	slt.u32 s9, $0xF7A;
	s5 =	simm.s32 @!p2 $0x0  }
0x1d: {  	s5 =	simm.s32 @p1 $0x1;
	p0 =	seq.s32 s7, s2  }
0x1e: {  	s7 =	smul.u32 @!p0 $0xF7A, s2;
	p2 =	seq.s32 @!p0 s5, $0x0  }
0x1f: {  	s9 =	smul.u32 $0xF7A, s1;
	s8 =	simm.s32 @!p0 $0x1BF5;
	p2 =	por !p2, p0  }
0x20: {  	[sflag:s8] =	ssyncset.s32 @!p0 $0xFFFFF086;
	s6 =	sadd.s32 @!p0 s3, s7;
	s7 =	simm.s32 @!p0 $0x108  }
0x21: {  	s3 =	sadd.s32 s3, s9;
	s6 =	sadd.s32 @!p0 $0x88, s6;
	s7 =	simm.s32 @p2 $0x1082  }
0x22: {  	[simem:s7], [sflag:s8] =	dma.local @!p0 [hbm:s6], $0xF7A  }
0x23: {  	s9 =	sor.u32 $0xD0000000, s2;
	s6 =	simm.s32 $0x108;
	_ =	swait.ge @!p0 [sflag:s8], $0x0  }
0x24: {  	s3 =	sadd.s32 $0x88, s3;
	s6 =	simm.s32 @!p1 $0x1082;
	[sflag:s4] =	ssyncset.s32 $0xFFFFF086  }
0x25: {  	[simem:s6], [sflag:s4] =	dma.local [hbm:s3], $0xF7A  }
0x26: {  	[smem:$0x3F7D] =	sst s1;
	(tag) =	ssettag s2;
	_ =	strace s9  }
0x27: {  	s1 =	sld [smem:$0x3F8D]  }
0x28: {  	s2 =	sld [smem:$0x3F8E]  }
0x29: {  	s4 =	sld [smem:$0x3F90]  }
0x2a: {  	p0 =	seq.s32 s5, $0x0;
	s5 =	sld [smem:$0x3F91]  }
0x2b: {  	s6 =	sld [smem:$0x3F92]  }
0x2c: {  	s7 =	sld [smem:$0x3F93]  }
0x2d: {  	s3 =	simm.s32 $0x108;
	s8 =	sld [smem:$0x3F94]  }
0x2e: {  	s3 =	simm.s32 @!p0 $0x1082;
	s9 =	sld [smem:$0x3F95]  }
0x2f: {  	lr =	sadd.s32 s0, s3;
	s0 =	sld [smem:$0x3F8C]  }
0x30: {  	s3 =	sld [smem:$0x3F8F]  }
0x31: {  	[smem:$0x3F98] =	sst s10  }
0x32: {  	s10 =	sld [smem:$0x3F96];
	_ =	sdelay $0x3  }
0x33: {  	p0 =	seq.s32 s10, $0x1;
	s10 =	sld [smem:$0x3F98];
	_ =	sdelay $0x3  }
0x34: {  	[smem:$0x3F98] =	sst s10  }
0x35: {  	s10 =	sld [smem:$0x3F97];
	_ =	sdelay $0x3  }
0x36: {  	p1 =	seq.s32 s10, $0x1;
	s10 =	sld [smem:$0x3F98];
	_ =	sdelay $0x3  }
0x37: {  	[smem:$0x3F98] =	sst s10  }
0x38: {  	s10 =	sld [smem:$0x3F99]  }
0x39: {  	_ = 	snop;
	(pc) =	sbr.ind lr, $3  }
0x3a: {  	_ = 	snop  }
0x3b: {  	_ = 	snop  }
0x3c: {  	p2 =	seq.s32 s10, $0x1;
	s10 =	sld [smem:$0x3F98]  }
0x3d: {  	_ =	shalt  }
0x3e: {  	_ =	shalt  }
0x3f: {  	_ =	shalt  }
0x40: {  	_ =	shalt  }
0x41: {  	_ =	shalt  }
0x42: {  	_ =	shalt  }
0x43: {  	_ =	shalt  }
0x44: {  	_ =	shalt  }
0x45: {  	_ =	shalt  }
0x46: {  	_ =	shalt  }
0x47: {  	_ =	shalt  }
0x48: {  	_ =	shalt  }
0x49: {  	_ =	shalt  }
0x4a: {  	_ =	shalt  }
0x4b: {  	_ =	shalt  }
0x4c: {  	_ =	shalt  }
0x4d: {  	_ =	shalt  }
0x4e: {  	_ =	shalt  }
0x4f: {  	_ =	shalt  }
0x50: {  	_ =	shalt  }
0x51: {  	_ =	shalt  }
0x52: {  	_ =	shalt  }
0x53: {  	_ =	shalt  }
0x54: {  	_ =	shalt  }
0x55: {  	_ =	shalt  }
0x56: {  	_ =	shalt  }
0x57: {  	_ =	shalt  }
0x58: {  	_ =	shalt  }
0x59: {  	_ =	shalt  }
0x5a: {  	_ =	shalt  }
0x5b: {  	_ =	shalt  }
0x5c: {  	_ =	shalt  }
0x5d: {  	_ =	shalt  }
0x5e: {  	_ =	shalt  }
0x5f: {  	_ =	shalt  }
0x60: {  	_ =	shalt  }
0x61: {  	_ =	shalt  }
0x62: {  	_ =	shalt  }
0x63: {  	_ =	shalt  }
0x64: {  	_ =	shalt  }
0x65: {  	_ =	shalt  }
0x66: {  	_ =	shalt  }
0x67: {  	_ =	shalt  }
0x68: {  	_ =	shalt  }
0x69: {  	_ =	shalt  }
0x6a: {  	_ =	shalt  }
0x6b: {  	_ =	shalt  }
0x6c: {  	_ =	shalt  }
0x6d: {  	_ =	shalt  }
0x6e: {  	_ =	shalt  }
0x6f: {  	_ =	shalt  }
0x70: {  	_ =	shalt  }
0x71: {  	_ =	shalt  }
0x72: {  	_ =	shalt  }
0x73: {  	_ =	shalt  }
0x74: {  	_ =	shalt  }
0x75: {  	_ =	shalt  }
0x76: {  	_ =	shalt  }
0x77: {  	_ =	shalt  }
0x78: {  	_ =	shalt  }
0x79: {  	_ =	shalt  }
0x7a: {  	_ =	shalt  }
0x7b: {  	_ =	shalt  }
0x7c: {  	_ =	shalt  }
0x7d: {  	_ =	shalt  }
0x7e: {  	_ =	shalt  }
0x7f: {  	_ =	shalt  }
0x80: {  	_ =	shalt  }
0x81: {  	_ =	shalt  }
0x82: {  	_ =	shalt  }
0x83: {  	_ =	shalt  }
0x84: {  	_ =	shalt  }
0x85: {  	_ =	shalt  }
0x86: {  	_ =	shalt  }
0x87: {  	_ =	shalt  }
.Lfunc_end0:
.L_simem_size_0:
called_computation.3_lowered:
.L_overlay_start_0:
0x88: {  	s2 =	sld [smem:$0x3FD9]  }
0x89: {  	s3 =	sld [smem:$0x3FFE];
	_ =	sdelay $0x1  }
0x8a: {  	s1 =	srdreg.scid  }
0x8b: {  	s0 =	sand.u32 $0x1, s1  }
0x8c: {  	s16 =	sshll.u32 s0, $0xA;
	s2 =	sadd.s32 s3, s2  }
0x8d: {  	s2 =	sadd.s32 s2, s16  }
0x8e: {  	[smem:$0x3FA4] =	sst s2  }
0x8f: {  	_ = 	snop  }
0x90: {  	(tm) =	ssettm $0x1  }
0x91: {  	s17 =	sld [smem:$0x3FFB];
	_ =	sdelay $0x3  }
0x92: {  	_ =	strace s17  }
0x93: {  	s2 =	sld [smem:$0x3FFC];
	_ =	sdelay $0x3  }
0x94: {  	_ =	strace s2  }
0x95: {  	s2 =	sld [smem:$0x3FFD];
	_ =	sdelay $0x3  }
0x96: {  	_ =	strace s2  }
0x97: {  	_ =	strace $0x8FFFFFFF  }
0x98: {  	s18 =	sld [smem:$0x3FDB];
	_ =	sdelay $0x1  }
0x99: {  	s19 =	simm.s32 $_scs_section_size  }
0x9a: {  	s4 =	simm.s32 $_size__tile_overlayer_lowered;
	s5 =	simm.s32 $_tile_overlayer_lowered  }
0x9b: {  	s22 =	simm.s32 $0x1BFF;
	s21 =	sshll.u32 s5, $0x1;
	s2 =	sadd.s32 s19, s18  }
0x9c: {  	s6 =	simm.s32 $0x0;
	s20 =	sshll.u32 s4, $0x1;
	s4 =	sadd.s32 s21, s2  }
0x9d: {  	[timem:s6], [sflag:s22] =	dma.local [hbm:s4], s20  }
0x9e: {  	_ =	swait.ge [sflag:s22], s20  }
0x9f: {  	s3 =	ssub.s32 $0x0, s20;
	[sflag:s22] =	ssyncset.done $0x0  }
0xa0: {  	[sflag:s22] =	ssyncadd.s32 s3;
	_ =	sdelay $0x1  }
0xa1: {  	s23 =	simm.s32 $0x1B8B  }
0xa2: {  	_ =	swait.ge [sflag:s23], $0x1  }
0xa3: {  	[sflag:s23] =	ssyncset.done $0x0  }
0xa4: {  	s25 =	simm.s32 $0x1B8E;
	s24 =	sld [smem:$0x3FFE];
	[sflag:s23] =	ssyncadd.s32 $0xFFFFFFFF  }
0xa5: {  	s26 =	simm.s32 $execute0_lowered;
	[smem:$0x3FD2] =	sst s25  }
0xa6: {  	s4 =	sshll.u32 s26, $0x1;
	_ =	strace $0x8000004F;
	[dreg:$0x1] =	wrdreg $0xFFFFFFFF  }
0xa7: {  	s28 =	simm.s32 $_size_execute0_lowered;
	s2 =	sadd.s32 s2, s4;
	[dreg:$0x0] =	wrdreg $0x0  }
0xa8: {  	s4 =	sshll.u32 s28, $0x1;
	[dreg:$0x2] =	wrdreg s2  }
0xa9: {  	[dreg:$0x3] =	wrdreg s4  }
0xaa: {  	[dreg:$0x4] =	wrdreg $0xC0  }
0xab: {  	_ =	task [dreg:s6], $0x5FFFF  }
0xac: {  	[dreg:$0x1] =	wrdreg $0xFFFFFFFF  }
0xad: {  	[dreg:$0x0] =	wrdreg $0x60  }
0xae: {  	[dreg:$0x2] =	wrdreg s24  }
0xaf: {  	[dreg:$0x3] =	wrdreg $0x0  }
0xb0: {  	[dreg:$0x4] =	wrdreg $0x138800  }
0xb1: {  	[dreg:$0x5] =	wrdreg $0x9  }
0xb2: {  	_ =	task.clear_ibuf [dreg:s6], $0x6FFFF;
	_ =	strace $0x9000004F  }
0xb3: {  	s29 =	simm.s32 $0x9;
	_ =	strace $0x80000051  }
0xb4: {  	_ =	swait.ge [sflag:s29], $0x1  }
0xb5: {  	[sflag:s29] =	ssyncadd.s32 $0xFFFFFFFF  }
0xb6: {  	_ =	strace $0x90000051  }
0xb7: {  	_ =	sfence  }
0xb8: {  	s30 =	sld [smem:$0x0];
	_ =	sdelay $0x2  }
0xb9: {  	s31 =	sshll.u32 s1, $0xD;
	s1 =	sshrl.u32 s1, $0x2  }
0xba: {  	s3 =	sand.u32 $0x4000, s31;
	s1 =	sadd.s32 s1, s30  }
0xbb: {  	s0 =	sor.u32 s3, s0;
	s1 =	sshll.u32 s1, $0x11  }
0xbc: {  	s0 =	sor.u32 s1, s0  }
0xbd: {  	s0 =	sadd.s32 $0x8F2B, s0  }
0xbe: {  	[sflag:s0] =	ssyncadd.remote.s32 $0x1  }
0xbf: {  	_ =	sfence.sel $0xFFFF  }
0xc0: {  	[dreg:$0x0] =	wrdreg $0xFFFFFFFF;
	(pc) =	sbr.abs _section_cstart, $3  }
0xc1: {  	[dreg:$0x1] =	wrdreg $0xFFFFFFFF  }
0xc2: {  	_ =	task.clear_ibuf [dreg:s6], $0x2FFFF;
	_ =	strace $0x9FFFFFFF  }
0xc3: {  	(tm) =	ssettm $0x7FFFFFFF  }
tec
execute0_lowered:
.L_overlay_start_1:
0x0: {  	(tag) =	ssettag $0x1  }
0x1: {  	s0 =	rddreg [dreg:$0x0]  }
0x2: {  	s2 =	rddreg [dreg:$0x1]  }
0x3: {  	s3 =	rddreg [dreg:$0x2];
	s4 =	simm.s32 $0x0;
	s21 =	stileid.u32  }
0x4: {  	s6 =	srdreg.scid;
	s29 =	simm.s32 $0x5;
	s1 =	smul.u32 $0x13880, s21  }
0x5: {  	s30 =	simm.s32 $0x1B990;
	s31 =	simm.s32 $0x15F90;
	s5 =	smul.u32 $0x2710, s21  }
0x6: {  	s28 =	simm.s32 $0x1B490;
	s8 =	sadd.s32 $0x2425C00, s0;
	s7 =	smul.u32 $0x271, s21  }
0x7: {  	[smem:$0x7FF] =	sst s4;
	s11 =	sadd.s32 $0x15B800, s0;
	s20 =	smul.u32 $0x4E20, s21  }
0x8: {  	s6 =	sand.u32 $0x1, s6;
	s12 =	sadd.s32 $0x107C00, s0;
	s24 =	smul.u32 $0x4E200, s21  }
0x9: {  	s14 =	sadd.s32 $0x102C00, s0;
	s23 =	sshll.u32 s21, $0x6;
	s26 =	smul.u32 $0x9C40, s21  }
0xa: {  	_ =	strace $0x80000050;
	s9 =	smul.u32 $0x2710, s6;
	s10 =	sxor.u32 $0x1, s6  }
0xb: {  	s18 =	ssub.s32 $0x2, s6;
	p0 =	seq.s32 s6, $0x1;
	s13 =	sshrl.u32 s1, $0x3  }
0xc: {  	s10 =	smul.u32 $0x2710, s10;
	s16 =	sshrl.u32 s5, $0x3;
	s19 =	sshrl.u32 s18, $0x1  }
0xd: {  	s1 =	sadd.s32 s1, s2;
	s25 =	sadd.s32 s5, s3;
	s6 =	sshrl.u32 s20, $0x3  }
0xe: {  	s5 =	sshll.u32 s5, $0x4;
	s13 =	sadd.s32 s13, s0;
	s15 =	sadd.s32 s16, s0  }
0xf: {  	s9 =	sadd.s32 s7, s9;
	s18 =	ssub.s32 s18, s19;
	[dreg:$0x4] =	wrdreg s1  }
0x10: {  	[dreg:$0x6] =	wrdreg s25;
	s1 =	sadd.s32 $0x50, s20;
	s20 =	smul.u32 $0x138800, s21  }
0x11: {  	s5 =	sadd.s32 s8, s5;
	s25 =	smul.u32 $0x9C4, s21;
	s6 =	sadd.s32 s12, s6  }
0x12: {  	s16 =	sadd.s32 s14, s16;
	s7 =	sadd.s32 s7, s10;
	s9 =	sshll.u32 s9, $0x4  }
0x13: {  	s22 =	sadd.s32 $0x83A00, s13;
	s13 =	sshrl.u32 s1, $0x3;
	s19 =	sshll.u32 s1, $0x4  }
0x14: {  	s1 =	sshll.u32 s1, $0x1;
	s10 =	sadd.s32 s11, s26;
	[dreg:$0x9] =	wrdreg s6  }
0x15: {  	s5 =	sadd.s32 $0x4E2000, s5;
	[dreg:$0xc] =	wrdreg s16;
	s7 =	sshll.u32 s7, $0x1  }
0x16: {  	s17 =	sadd.s32 s9, s0;
	[dreg:$0x5] =	wrdreg s22;
	s9 =	sadd.s32 s8, s24  }
0x17: {  	s1 =	sadd.s32 s11, s1;
	s22 =	smul.u32 $0x27100, s21;
	s24 =	sshrl.u32 s20, $0x3  }
0x18: {  	s20 =	sadd.s32 $0x117000, s15;
	s26 =	sadd.s32 s12, s13;
	[dreg:$0xb] =	wrdreg s5  }
0x19: {  	s13 =	sadd.s32 s25, s12;
	s15 =	smul.u32 $0x4E2, s21;
	s25 =	sadd.s32 $0xA, s16  }
0x1a: {  	s12 =	simm.s32 $0x50;
	s0 =	sadd.s32 s7, s0;
	[dreg:$0x7] =	wrdreg s1  }
0x1b: {  	s7 =	sor.u32 $0x1C05, s23;
	s23 =	sadd.s32 s8, s19;
	[dreg:$0xa] =	wrdreg s26  }
0x1c: {  	s11 =	sadd.s32 s8, s24;
	s24 =	sadd.s32 $0x1E, s13;
	[dreg:$0x11] =	wrdreg s25  }
0x1d: {  	s26 =	sadd.s32 $0x4D8, s16;
	s16 =	simm.s32 $0x2;
	[dreg:$0x8] =	wrdreg s23  }
0x1e: {  	s1 =	sadd.s32 s22, s8;
	s11 =	sadd.s32 $0x4E2500, s11;
	s23 =	sadd.s32 $0x245E00, s17  }
0x1f: {  	s19 =	sadd.s32 $0xF8E00, s0;
	s21 =	sadd.s32 s15, s14;
	s14 =	smax.u32 s18, $0x1  }
.Ltmp0:
0x20: {  	[dreg:$0x12] =	wrdreg s26;
	s0 =	simm.s32 $0x1B9E0;
	(pc) =	sbr.rel .LBB2_1-.Ltmp0, $4  }
0x21: {  	s18 =	simm.s32 $0x3;
	s26 =	simm.s32 $0x1AF90;
	[dreg:$0xd] =	wrdreg s11  }
0x22: {  	s17 =	sadd.s32 $0x508C00, s1;
	s22 =	sadd.s32 $0x4E2F00, s1;
	[dreg:$0xf] =	wrdreg s14  }
0x23: {  	s1 =	simm.s32 $0x18790;
	s11 =	simm.s32 $0x1;
	[dreg:$0xe] =	wrdreg s17  }
0x24: {  	[dreg:$0x10] =	wrdreg s22;
	s22 =	simm.s32 $0x4;
	s17 =	simm.s32 $0x0  }
.LBB2_9:
0x25: {  	[tilespmem:s28], [sflag:$0x2] =	stream.linear.gather [hbm4b:s25+s4], $0x500, $0x38;
	[tilespmem:$0x1BA30] =	vst v63  }
0x26: {  	_ =	swait.ge [sflag:s11], $0x50  }
0x27: {  	[sflag:s11] =	ssyncset.done $0x0  }
0x28: {  	[sflag:s11] =	ssyncadd.s32 $0xFFFFFFB0  }
0x29: {  	_ =	swait.ge [sflag:s11], $0x500  }
0x2a: {  	[sflag:s11] =	ssyncset.done $0x0  }
0x2b: {  	[sflag:s11] =	ssyncadd.s32 $0xFFFFFB00  }
0x2c: {  	[spmem:s3] =	stream.indirect.scatter.add.f32 [tilespmem:s26], [sflag:$0x3], $0x10, s30, s12, $0xb8;
	[tilespmem:$0x1BA30] =	vst v63  }
0x2d: {  	_ =	swait.ge [sflag:s16], $0x50  }
0x2e: {  	[sflag:s16] =	ssyncset.done $0x0  }
0x2f: {  	[sflag:s16] =	ssyncadd.s32 $0xFFFFFFB0  }
0x30: {  	_ =	swait.ge [sflag:s16], $0x500  }
0x31: {  	[sflag:s16] =	ssyncset.done $0x0  }
0x32: {  	[sflag:s16] =	ssyncadd.s32 $0xFFFFFB00  }
0x33: {  	[spmem:s3] =	stream.indirect.scatter.add.f32 [tilespmem:s28], [sflag:$0x4], $0x10, s0, s12, $0xb8;
	[tilespmem:$0x1BA30] =	vst v63  }
0x34: {  	_ =	swait.ge [sflag:s18], $0x500  }
0x35: {  	[sflag:s18] =	ssyncset.done $0x0  }
0x36: {  	[sflag:s18] =	ssyncadd.s32 $0xFFFFFB00  }
0x37: {  	_ =	swait.ge [sflag:s22], $0x500  }
0x38: {  	[sflag:s22] =	ssyncset.done $0x0  }
0x39: {  	s19 =	smov.u32 s14;
	s14 =	rddreg [dreg:$0xf];
	[sflag:s22] =	ssyncadd.s32 $0xFFFFFB00  }
.LBB2_10:
0x3a: {  	[bflag:$0x0] =	sbarrier.arrive $0xFFFF  }
0x3b: {  	[hbm:s23], [sflag:s7] =	dma.local [spmem:s5], $0x2710  }
0x3c: {  	s17 =	sadd.s32 $0x1, s17;
	_ =	swait.ge [sflag:s29], $0x2710  }
0x3d: {  	p1 =	sne.s32 s17, s14;
	[sflag:s29] =	ssyncset.done $0x0  }
.Ltmp1:
0x3e: {  	[sflag:s29] =	ssyncadd.s32 $0xFFFFD8F0;
	(pc) =	sbr.rel @!p1 .LBB2_11-.Ltmp1, $4  }
0x3f: {  	[hbm:s19], [sflag:s7] =	dma.local [spmem:s6], $0x4E2  }
0x40: {  	_ =	swait.ge [sflag:s29], $0x4E2  }
0x41: {  	[sflag:s29] =	ssyncset.done $0x0  }
0x42: {  	[sflag:s29] =	ssyncadd.s32 $0xFFFFFB1E  }
.LBB2_1:
0x43: {  	s5 =	rddreg [dreg:$0x4]  }
0x44: {  	s6 =	rddreg [dreg:$0x5];
	s5 =	sshrl.u32 s5, $0x3  }
0x45: {  	[spmem:s5], [sflag:s7] =	dma.local [hbm:s6], $0x2710  }
0x46: {  	_ =	swait.ge [sflag:s29], $0x2710  }
0x47: {  	[sflag:s29] =	ssyncset.done $0x0;
	s25 =	rddreg [dreg:$0x6]  }
0x48: {  	[sflag:s29] =	ssyncadd.s32 $0xFFFFD8F0;
	s6 =	sshrl.u32 s25, $0x3  }
0x49: {  	[spmem:s6], [sflag:s7] =	dma.local [hbm:s20], $0x4E2  }
.Ltmp2:
0x4a: {  	_ =	swait.ge [sflag:s29], $0x4E2;
	(pc) =	sbr.rel @!p0 .LBB2_2-.Ltmp2, $3  }
0x4b: {  	[sflag:s29] =	ssyncset.done $0x0  }
0x4c: {  	[sflag:s29] =	ssyncadd.s32 $0xFFFFFB1E  }
0x4d: {  	[bflag:$0x0] =	sbarrier.arrive $0xFFFF;
	_ =	sdelay $0x1  }
0x4e: {  	s8 =	simm.s32 $0x0;
	s13 =	rddreg [dreg:$0xc]  }
0x4f: {  	[tilespmem:s30], [sflag:$0x1] =	stream.linear.gather [hbm4b:s13+s8], $0x50, $0x38;
	[tilespmem:$0x1BA30] =	vst v63  }
0x50: {  	s15 =	rddreg [dreg:$0xb]  }
0x51: {  	[tilespmem:s31], [sflag:$0x1] =	stream.linear.gather [hbm4b:s15+s8], $0x2800, $0x38;
	[tilespmem:$0x1BA30] =	vst v63  }
0x52: {  	s14 =	smov.u32 s19;
	s19 =	rddreg [dreg:$0x11]  }
0x53: {  	[tilespmem:s0], [sflag:$0x2] =	stream.linear.gather [hbm4b:s19+s8], $0x50, $0x38;
	[tilespmem:$0x1BA30] =	vst v63  }
0x54: {  	s25 =	rddreg [dreg:$0xd]  }
0x55: {  	[tilespmem:s1], [sflag:$0x2] =	stream.linear.gather [hbm4b:s25+s8], $0x2800, $0x38;
	[tilespmem:$0x1BA30] =	vst v63  }
0x56: {  	_ =	swait.ge [sflag:s11], $0x50  }
0x57: {  	[sflag:s11] =	ssyncset.done $0x0  }
0x58: {  	[sflag:s11] =	ssyncadd.s32 $0xFFFFFFB0  }
0x59: {  	_ =	swait.ge [sflag:s11], $0x2800  }
0x5a: {  	[sflag:s11] =	ssyncset.done $0x0  }
0x5b: {  	[sflag:s11] =	ssyncadd.s32 $0xFFFFD800  }
0x5c: {  	[spmem:s2] =	stream.indirect.scatter.add.f32 [tilespmem:s31], [sflag:$0x3], $0x80, s30, s12, $0xb8;
	[tilespmem:$0x1BA30] =	vst v63  }
0x5d: {  	_ =	swait.ge [sflag:s16], $0x50  }
0x5e: {  	[sflag:s16] =	ssyncset.done $0x0  }
0x5f: {  	[sflag:s16] =	ssyncadd.s32 $0xFFFFFFB0  }
0x60: {  	_ =	swait.ge [sflag:s16], $0x2800  }
0x61: {  	[sflag:s16] =	ssyncset.done $0x0  }
0x62: {  	[sflag:s16] =	ssyncadd.s32 $0xFFFFD800  }
0x63: {  	[spmem:s2] =	stream.indirect.scatter.add.f32 [tilespmem:s1], [sflag:$0x4], $0x80, s0, s12, $0xb8;
	[tilespmem:$0x1BA30] =	vst v63  }
0x64: {  	_ =	swait.ge [sflag:s18], $0x2800  }
0x65: {  	s8 =	sadd.s32 $0x0, s21;
	[sflag:s18] =	ssyncset.done $0x0  }
0x66: {  	s15 =	sadd.s32 $0x14, s8;
	s25 =	rddreg [dreg:$0x10];
	[sflag:s18] =	ssyncadd.s32 $0xFFFFD800  }
0x67: {  	[tilespmem:s30], [sflag:$0x1] =	stream.linear.gather [hbm4b:s15+s4], $0x50, $0x38;
	[tilespmem:$0x1BA30] =	vst v63  }
0x68: {  	s19 =	sadd.s32 $0xFFFFFB00, s25  }
0x69: {  	[tilespmem:s31], [sflag:$0x1] =	stream.linear.gather [hbm4b:s19+s4], $0x2800, $0x38;
	[tilespmem:$0x1BA30] =	vst v63  }
0x6a: {  	_ =	swait.ge [sflag:s22], $0x2800  }
0x6b: {  	[sflag:s22] =	ssyncset.done $0x0  }
0x6c: {  	s8 =	sadd.s32 $0x1E, s8;
	[sflag:s22] =	ssyncadd.s32 $0xFFFFD800  }
0x6d: {  	[tilespmem:s0], [sflag:$0x2] =	stream.linear.gather [hbm4b:s8+s4], $0x50, $0x38;
	[tilespmem:$0x1BA30] =	vst v63  }
0x6e: {  	s13 =	sadd.s32 $0xA00, s25;
	s8 =	simm.s32 $0x14  }
.LBB2_6:
0x6f: {  	[tilespmem:s1], [sflag:$0x2] =	stream.linear.gather [hbm4b:s25+s4], $0x2800, $0x38;
	[tilespmem:$0x1BA30] =	vst v63  }
0x70: {  	s15 =	smov.u32 s8;
	s25 =	smov.u32 s13  }
0x71: {  	p1 =	sne.s32 s8, $0x4B0;
	s8 =	sadd.s32 $0x14, s8;
	_ =	swait.ge [sflag:s11], $0x50  }
0x72: {  	[sflag:s11] =	ssyncset.done $0x0  }
0x73: {  	[sflag:s11] =	ssyncadd.s32 $0xFFFFFFB0  }
0x74: {  	_ =	swait.ge [sflag:s11], $0x2800  }
0x75: {  	[sflag:s11] =	ssyncset.done $0x0  }
0x76: {  	[sflag:s11] =	ssyncadd.s32 $0xFFFFD800  }
0x77: {  	[spmem:s2] =	stream.indirect.scatter.add.f32 [tilespmem:s31], [sflag:$0x3], $0x80, s30, s12, $0xb8;
	[tilespmem:$0x1BA30] =	vst v63  }
0x78: {  	_ =	swait.ge [sflag:s16], $0x50  }
0x79: {  	[sflag:s16] =	ssyncset.done $0x0  }
0x7a: {  	[sflag:s16] =	ssyncadd.s32 $0xFFFFFFB0  }
0x7b: {  	_ =	swait.ge [sflag:s16], $0x2800  }
0x7c: {  	[sflag:s16] =	ssyncset.done $0x0  }
0x7d: {  	[sflag:s16] =	ssyncadd.s32 $0xFFFFD800  }
0x7e: {  	[spmem:s2] =	stream.indirect.scatter.add.f32 [tilespmem:s1], [sflag:$0x4], $0x80, s0, s12, $0xb8;
	[tilespmem:$0x1BA30] =	vst v63  }
0x7f: {  	_ =	swait.ge [sflag:s18], $0x2800  }
0x80: {  	s15 =	sadd.s32 s15, s21;
	[sflag:s18] =	ssyncset.done $0x0  }
0x81: {  	s19 =	sadd.s32 $0x14, s15;
	[sflag:s18] =	ssyncadd.s32 $0xFFFFD800  }
0x82: {  	[tilespmem:s30], [sflag:$0x1] =	stream.linear.gather [hbm4b:s19+s4], $0x50, $0x38;
	[tilespmem:$0x1BA30] =	vst v63  }
0x83: {  	s19 =	sadd.s32 $0xFFFFFB00, s13  }
0x84: {  	[tilespmem:s31], [sflag:$0x1] =	stream.linear.gather [hbm4b:s19+s4], $0x2800, $0x38;
	[tilespmem:$0x1BA30] =	vst v63  }
.Ltmp3:
0x85: {  	_ =	swait.ge [sflag:s22], $0x2800;
	(pc) =	sbr.rel @p1 .LBB2_6-.Ltmp3, $4  }
0x86: {  	[sflag:s22] =	ssyncset.done $0x0  }
0x87: {  	s15 =	sadd.s32 $0x1E, s15;
	[sflag:s22] =	ssyncadd.s32 $0xFFFFD800  }
0x88: {  	[tilespmem:s0], [sflag:$0x2] =	stream.linear.gather [hbm4b:s15+s4], $0x50, $0x38;
	[tilespmem:$0x1BA30] =	vst v63  }
0x89: {  	s13 =	sadd.s32 $0xA00, s13  }
0x8a: {  	[tilespmem:s1], [sflag:$0x2] =	stream.linear.gather [hbm4b:s25+s4], $0x2800, $0x38;
	[tilespmem:$0x1BA30] =	vst v63  }
0x8b: {  	_ =	swait.ge [sflag:s11], $0x50  }
0x8c: {  	[sflag:s11] =	ssyncset.done $0x0  }
0x8d: {  	[sflag:s11] =	ssyncadd.s32 $0xFFFFFFB0  }
0x8e: {  	_ =	swait.ge [sflag:s11], $0x2800  }
0x8f: {  	[sflag:s11] =	ssyncset.done $0x0  }
0x90: {  	[sflag:s11] =	ssyncadd.s32 $0xFFFFD800  }
0x91: {  	[spmem:s2] =	stream.indirect.scatter.add.f32 [tilespmem:s31], [sflag:$0x3], $0x80, s30, s12, $0xb8;
	[tilespmem:$0x1BA30] =	vst v63  }
0x92: {  	_ =	swait.ge [sflag:s16], $0x50  }
0x93: {  	[sflag:s16] =	ssyncset.done $0x0  }
0x94: {  	[sflag:s16] =	ssyncadd.s32 $0xFFFFFFB0  }
0x95: {  	_ =	swait.ge [sflag:s16], $0x2800  }
0x96: {  	[sflag:s16] =	ssyncset.done $0x0  }
0x97: {  	[sflag:s16] =	ssyncadd.s32 $0xFFFFD800  }
0x98: {  	[spmem:s2] =	stream.indirect.scatter.add.f32 [tilespmem:s1], [sflag:$0x4], $0x80, s0, s12, $0xb8;
	[tilespmem:$0x1BA30] =	vst v63  }
0x99: {  	_ =	swait.ge [sflag:s18], $0x2800  }
0x9a: {  	[sflag:s18] =	ssyncset.done $0x0  }
0x9b: {  	s8 =	simm.s32 $0x0;
	s13 =	rddreg [dreg:$0x12];
	[sflag:s18] =	ssyncadd.s32 $0xFFFFD800  }
0x9c: {  	[tilespmem:s30], [sflag:$0x1] =	stream.linear.gather [hbm4b:s13+s8], $0x50, $0x38;
	[tilespmem:$0x1BA30] =	vst v63  }
0x9d: {  	s25 =	rddreg [dreg:$0xe]  }
0x9e: {  	[tilespmem:s31], [sflag:$0x1] =	stream.linear.gather [hbm4b:s25+s8], $0x2800, $0x38;
	[tilespmem:$0x1BA30] =	vst v63  }
0x9f: {  	_ =	swait.ge [sflag:s22], $0x2800  }
0xa0: {  	[sflag:s22] =	ssyncset.done $0x0  }
0xa1: {  	[sflag:s22] =	ssyncadd.s32 $0xFFFFD800  }
0xa2: {  	_ =	swait.ge [sflag:s11], $0x50  }
0xa3: {  	[sflag:s11] =	ssyncset.done $0x0  }
0xa4: {  	[sflag:s11] =	ssyncadd.s32 $0xFFFFFFB0  }
0xa5: {  	_ =	swait.ge [sflag:s11], $0x2800  }
0xa6: {  	[sflag:s11] =	ssyncset.done $0x0  }
0xa7: {  	[sflag:s11] =	ssyncadd.s32 $0xFFFFD800  }
0xa8: {  	[spmem:s2] =	stream.indirect.scatter.add.f32 [tilespmem:s31], [sflag:$0x3], $0x80, s30, s12, $0xb8;
	[tilespmem:$0x1BA30] =	vst v63  }
0xa9: {  	_ =	swait.ge [sflag:s18], $0x2800  }
0xaa: {  	[sflag:s18] =	ssyncset.done $0x0  }
0xab: {  	s15 =	rddreg [dreg:$0x9];
	[sflag:s18] =	ssyncadd.s32 $0xFFFFD800  }
0xac: {  	[tilespmem:s30], [sflag:$0x1] =	stream.linear.gather [hbm4b:s15+s8], $0x50, $0x38;
	[tilespmem:$0x1BA30] =	vst v63  }
0xad: {  	_ = 	snop  }
0xae: {  	[tilespmem:s26], [sflag:$0x1] =	stream.linear.gather [hbm4b:s10+s8], $0x500, $0x38;
	[tilespmem:$0x1BA30] =	vst v63  }
0xaf: {  	s19 =	rddreg [dreg:$0xa]  }
0xb0: {  	[tilespmem:s0], [sflag:$0x2] =	stream.linear.gather [hbm4b:s19+s8], $0x50, $0x38;
	[tilespmem:$0x1BA30] =	vst v63  }
0xb1: {  	s25 =	rddreg [dreg:$0x7]  }
0xb2: {  	[tilespmem:s28], [sflag:$0x2] =	stream.linear.gather [hbm4b:s25+s8], $0x500, $0x38;
	[tilespmem:$0x1BA30] =	vst v63  }
0xb3: {  	_ =	swait.ge [sflag:s11], $0x50  }
0xb4: {  	[sflag:s11] =	ssyncset.done $0x0  }
0xb5: {  	[sflag:s11] =	ssyncadd.s32 $0xFFFFFFB0  }
0xb6: {  	_ =	swait.ge [sflag:s11], $0x500  }
0xb7: {  	[sflag:s11] =	ssyncset.done $0x0  }
0xb8: {  	[sflag:s11] =	ssyncadd.s32 $0xFFFFFB00  }
0xb9: {  	[spmem:s3] =	stream.indirect.scatter.add.f32 [tilespmem:s26], [sflag:$0x3], $0x10, s30, s12, $0xb8;
	[tilespmem:$0x1BA30] =	vst v63  }
0xba: {  	_ =	swait.ge [sflag:s16], $0x50  }
0xbb: {  	[sflag:s16] =	ssyncset.done $0x0  }
0xbc: {  	[sflag:s16] =	ssyncadd.s32 $0xFFFFFFB0  }
0xbd: {  	_ =	swait.ge [sflag:s16], $0x500  }
0xbe: {  	[sflag:s16] =	ssyncset.done $0x0  }
0xbf: {  	[sflag:s16] =	ssyncadd.s32 $0xFFFFFB00  }
0xc0: {  	[spmem:s3] =	stream.indirect.scatter.add.f32 [tilespmem:s28], [sflag:$0x4], $0x10, s0, s12, $0xb8;
	[tilespmem:$0x1BA30] =	vst v63  }
0xc1: {  	_ =	swait.ge [sflag:s18], $0x500  }
0xc2: {  	[sflag:s18] =	ssyncset.done $0x0  }
0xc3: {  	s15 =	sadd.s32 $0xFFFFFFF6, s24;
	s19 =	sadd.s32 $0x0, s10;
	[sflag:s18] =	ssyncadd.s32 $0xFFFFFB00  }
0xc4: {  	[tilespmem:s30], [sflag:$0x1] =	stream.linear.gather [hbm4b:s15+s4], $0x50, $0x38;
	[tilespmem:$0x1BA30] =	vst v63  }
0xc5: {  	s25 =	sadd.s32 $0x140, s19  }
0xc6: {  	[tilespmem:s26], [sflag:$0x1] =	stream.linear.gather [hbm4b:s25+s4], $0x500, $0x38;
	[tilespmem:$0x1BA30] =	vst v63  }
0xc7: {  	_ =	swait.ge [sflag:s22], $0x500  }
0xc8: {  	s13 =	sadd.s32 $0x14, s24;
	[sflag:s22] =	ssyncset.done $0x0  }
0xc9: {  	s8 =	simm.s32 $0x140;
	s25 =	sadd.s32 $0x1E0, s19;
	[sflag:s22] =	ssyncadd.s32 $0xFFFFFB00  }
0xca: {  	[tilespmem:s0], [sflag:$0x2] =	stream.linear.gather [hbm4b:s24+s4], $0x50, $0x38;
	[tilespmem:$0x1BA30] =	vst v63  }
.LBB2_8:
0xcb: {  	[tilespmem:s28], [sflag:$0x2] =	stream.linear.gather [hbm4b:s25+s4], $0x500, $0x38;
	[tilespmem:$0x1BA30] =	vst v63  }
0xcc: {  	s15 =	smov.u32 s8  }
0xcd: {  	p1 =	sne.s32 s8, $0x99C0;
	s8 =	sadd.s32 $0x140, s8;
	_ =	swait.ge [sflag:s11], $0x50  }
0xce: {  	[sflag:s11] =	ssyncset.done $0x0  }
0xcf: {  	[sflag:s11] =	ssyncadd.s32 $0xFFFFFFB0  }
0xd0: {  	_ =	swait.ge [sflag:s11], $0x500  }
0xd1: {  	[sflag:s11] =	ssyncset.done $0x0  }
0xd2: {  	[sflag:s11] =	ssyncadd.s32 $0xFFFFFB00  }
0xd3: {  	[spmem:s3] =	stream.indirect.scatter.add.f32 [tilespmem:s26], [sflag:$0x3], $0x10, s30, s12, $0xb8;
	[tilespmem:$0x1BA30] =	vst v63  }
0xd4: {  	_ =	swait.ge [sflag:s16], $0x50  }
0xd5: {  	[sflag:s16] =	ssyncset.done $0x0  }
0xd6: {  	[sflag:s16] =	ssyncadd.s32 $0xFFFFFFB0  }
0xd7: {  	_ =	swait.ge [sflag:s16], $0x500  }
0xd8: {  	[sflag:s16] =	ssyncset.done $0x0  }
0xd9: {  	[sflag:s16] =	ssyncadd.s32 $0xFFFFFB00  }
0xda: {  	[spmem:s3] =	stream.indirect.scatter.add.f32 [tilespmem:s28], [sflag:$0x4], $0x10, s0, s12, $0xb8;
	[tilespmem:$0x1BA30] =	vst v63  }
0xdb: {  	_ =	swait.ge [sflag:s18], $0x500  }
0xdc: {  	[sflag:s18] =	ssyncset.done $0x0  }
0xdd: {  	s19 =	sadd.s32 $0xFFFFFFF6, s13;
	s15 =	sadd.s32 s15, s10;
	[sflag:s18] =	ssyncadd.s32 $0xFFFFFB00  }
0xde: {  	[tilespmem:s30], [sflag:$0x1] =	stream.linear.gather [hbm4b:s19+s4], $0x50, $0x38;
	[tilespmem:$0x1BA30] =	vst v63  }
0xdf: {  	s19 =	sadd.s32 $0x140, s15  }
0xe0: {  	[tilespmem:s26], [sflag:$0x1] =	stream.linear.gather [hbm4b:s19+s4], $0x500, $0x38;
	[tilespmem:$0x1BA30] =	vst v63  }
.Ltmp4:
0xe1: {  	_ =	swait.ge [sflag:s22], $0x500;
	(pc) =	sbr.rel @p1 .LBB2_8-.Ltmp4, $4  }
0xe2: {  	[sflag:s22] =	ssyncset.done $0x0  }
0xe3: {  	[sflag:s22] =	ssyncadd.s32 $0xFFFFFB00  }
0xe4: {  	[tilespmem:s0], [sflag:$0x2] =	stream.linear.gather [hbm4b:s13+s4], $0x50, $0x38;
	[tilespmem:$0x1BA30] =	vst v63  }
0xe5: {  	s25 =	sadd.s32 $0x1E0, s15;
	s13 =	sadd.s32 $0x14, s13  }
.Ltmp5:
0xe6: {  	_ = 	snop;
	(pc) =	sbr.rel .LBB2_9-.Ltmp5, $1  }
0xe7: {  	_ =	sdelay $0x3  }
.LBB2_2:
0xe8: {  	s8 =	simm.s32 $0x0;
	s13 =	rddreg [dreg:$0x9]  }
0xe9: {  	[tilespmem:s30], [sflag:$0x1] =	stream.linear.gather [hbm4b:s13+s8], $0x50, $0x38;
	[tilespmem:$0x1BA30] =	vst v63  }
0xea: {  	_ = 	snop  }
0xeb: {  	[tilespmem:s31], [sflag:$0x1] =	stream.linear.gather [hbm4b:s9+s8], $0x2800, $0x38;
	[tilespmem:$0x1BA30] =	vst v63  }
0xec: {  	s15 =	rddreg [dreg:$0xa]  }
0xed: {  	[tilespmem:s0], [sflag:$0x2] =	stream.linear.gather [hbm4b:s15+s8], $0x50, $0x38;
	[tilespmem:$0x1BA30] =	vst v63  }
0xee: {  	s25 =	rddreg [dreg:$0x8]  }
0xef: {  	[tilespmem:s1], [sflag:$0x2] =	stream.linear.gather [hbm4b:s25+s8], $0x2800, $0x38;
	[tilespmem:$0x1BA30] =	vst v63  }
0xf0: {  	_ =	swait.ge [sflag:s11], $0x50  }
0xf1: {  	[sflag:s11] =	ssyncset.done $0x0  }
0xf2: {  	[sflag:s11] =	ssyncadd.s32 $0xFFFFFFB0  }
0xf3: {  	_ =	swait.ge [sflag:s11], $0x2800  }
0xf4: {  	[sflag:s11] =	ssyncset.done $0x0  }
0xf5: {  	[sflag:s11] =	ssyncadd.s32 $0xFFFFD800  }
0xf6: {  	[spmem:s2] =	stream.indirect.scatter.add.f32 [tilespmem:s31], [sflag:$0x3], $0x80, s30, s12, $0xb8;
	[tilespmem:$0x1BA30] =	vst v63  }
0xf7: {  	_ =	swait.ge [sflag:s16], $0x50  }
0xf8: {  	[sflag:s16] =	ssyncset.done $0x0  }
0xf9: {  	[sflag:s16] =	ssyncadd.s32 $0xFFFFFFB0  }
0xfa: {  	_ =	swait.ge [sflag:s16], $0x2800  }
0xfb: {  	[sflag:s16] =	ssyncset.done $0x0  }
0xfc: {  	[sflag:s16] =	ssyncadd.s32 $0xFFFFD800  }
0xfd: {  	[spmem:s2] =	stream.indirect.scatter.add.f32 [tilespmem:s1], [sflag:$0x4], $0x80, s0, s12, $0xb8;
	[tilespmem:$0x1BA30] =	vst v63  }
0xfe: {  	_ =	swait.ge [sflag:s18], $0x2800  }
0xff: {  	[sflag:s18] =	ssyncset.done $0x0  }
0x100: {  	s13 =	sadd.s32 $0xFFFFFFF6, s24;
	s15 =	sadd.s32 $0x0, s9;
	[sflag:s18] =	ssyncadd.s32 $0xFFFFD800  }
0x101: {  	[tilespmem:s30], [sflag:$0x1] =	stream.linear.gather [hbm4b:s13+s4], $0x50, $0x38;
	[tilespmem:$0x1BA30] =	vst v63  }
0x102: {  	s25 =	sadd.s32 $0xA00, s15  }
0x103: {  	[tilespmem:s31], [sflag:$0x1] =	stream.linear.gather [hbm4b:s25+s4], $0x2800, $0x38;
	[tilespmem:$0x1BA30] =	vst v63  }
0x104: {  	_ =	swait.ge [sflag:s22], $0x2800  }
0x105: {  	s8 =	simm.s32 $0xA00;
	[sflag:s22] =	ssyncset.done $0x0  }
0x106: {  	s13 =	sadd.s32 $0x14, s24;
	s25 =	sadd.s32 $0xF00, s15;
	[sflag:s22] =	ssyncadd.s32 $0xFFFFD800  }
0x107: {  	[tilespmem:s0], [sflag:$0x2] =	stream.linear.gather [hbm4b:s24+s4], $0x50, $0x38;
	[tilespmem:$0x1BA30] =	vst v63  }
.LBB2_3:
0x108: {  	[tilespmem:s1], [sflag:$0x2] =	stream.linear.gather [hbm4b:s25+s4], $0x2800, $0x38;
	[tilespmem:$0x1BA30] =	vst v63  }
0x109: {  	s25 =	smov.u32 s8  }
0x10a: {  	p1 =	seq.s32 s8, $0x4CE00;
	s8 =	sadd.s32 $0xA00, s8;
	_ =	swait.ge [sflag:s11], $0x50  }
0x10b: {  	[sflag:s11] =	ssyncset.done $0x0  }
0x10c: {  	[sflag:s11] =	ssyncadd.s32 $0xFFFFFFB0  }
0x10d: {  	_ =	swait.ge [sflag:s11], $0x2800  }
0x10e: {  	[sflag:s11] =	ssyncset.done $0x0  }
0x10f: {  	[sflag:s11] =	ssyncadd.s32 $0xFFFFD800  }
0x110: {  	[spmem:s2] =	stream.indirect.scatter.add.f32 [tilespmem:s31], [sflag:$0x3], $0x80, s30, s12, $0xb8;
	[tilespmem:$0x1BA30] =	vst v63  }
0x111: {  	_ =	swait.ge [sflag:s16], $0x50  }
0x112: {  	[sflag:s16] =	ssyncset.done $0x0  }
0x113: {  	[sflag:s16] =	ssyncadd.s32 $0xFFFFFFB0  }
0x114: {  	_ =	swait.ge [sflag:s16], $0x2800  }
0x115: {  	[sflag:s16] =	ssyncset.done $0x0  }
0x116: {  	[sflag:s16] =	ssyncadd.s32 $0xFFFFD800  }
0x117: {  	[spmem:s2] =	stream.indirect.scatter.add.f32 [tilespmem:s1], [sflag:$0x4], $0x80, s0, s12, $0xb8;
	[tilespmem:$0x1BA30] =	vst v63  }
0x118: {  	_ =	swait.ge [sflag:s18], $0x2800  }
0x119: {  	[sflag:s18] =	ssyncset.done $0x0  }
0x11a: {  	s15 =	sadd.s32 $0xFFFFFFF6, s13;
	s25 =	sadd.s32 s25, s9;
	[sflag:s18] =	ssyncadd.s32 $0xFFFFD800  }
0x11b: {  	[tilespmem:s30], [sflag:$0x1] =	stream.linear.gather [hbm4b:s15+s4], $0x50, $0x38;
	[tilespmem:$0x1BA30] =	vst v63  }
0x11c: {  	s15 =	sadd.s32 $0xA00, s25  }
0x11d: {  	[tilespmem:s31], [sflag:$0x1] =	stream.linear.gather [hbm4b:s15+s4], $0x2800, $0x38;
	[tilespmem:$0x1BA30] =	vst v63  }
.Ltmp6:
0x11e: {  	_ =	swait.ge [sflag:s22], $0x2800;
	(pc) =	sbr.rel @!p1 .LBB2_3-.Ltmp6, $4  }
0x11f: {  	[sflag:s22] =	ssyncset.done $0x0  }
0x120: {  	[sflag:s22] =	ssyncadd.s32 $0xFFFFD800  }
0x121: {  	[tilespmem:s0], [sflag:$0x2] =	stream.linear.gather [hbm4b:s13+s4], $0x50, $0x38;
	[tilespmem:$0x1BA30] =	vst v63  }
0x122: {  	s25 =	sadd.s32 $0xF00, s25;
	s13 =	sadd.s32 $0x14, s13  }
0x123: {  	[tilespmem:s1], [sflag:$0x2] =	stream.linear.gather [hbm4b:s25+s4], $0x2800, $0x38;
	[tilespmem:$0x1BA30] =	vst v63  }
0x124: {  	_ =	swait.ge [sflag:s11], $0x50  }
0x125: {  	[sflag:s11] =	ssyncset.done $0x0  }
0x126: {  	[sflag:s11] =	ssyncadd.s32 $0xFFFFFFB0  }
0x127: {  	_ =	swait.ge [sflag:s11], $0x2800  }
0x128: {  	[sflag:s11] =	ssyncset.done $0x0  }
0x129: {  	[sflag:s11] =	ssyncadd.s32 $0xFFFFD800  }
0x12a: {  	[spmem:s2] =	stream.indirect.scatter.add.f32 [tilespmem:s31], [sflag:$0x3], $0x80, s30, s12, $0xb8;
	[tilespmem:$0x1BA30] =	vst v63  }
0x12b: {  	_ =	swait.ge [sflag:s16], $0x50  }
0x12c: {  	[sflag:s16] =	ssyncset.done $0x0  }
0x12d: {  	[sflag:s16] =	ssyncadd.s32 $0xFFFFFFB0  }
0x12e: {  	_ =	swait.ge [sflag:s16], $0x2800  }
0x12f: {  	[sflag:s16] =	ssyncset.done $0x0  }
0x130: {  	[sflag:s16] =	ssyncadd.s32 $0xFFFFD800  }
0x131: {  	[spmem:s2] =	stream.indirect.scatter.add.f32 [tilespmem:s1], [sflag:$0x4], $0x80, s0, s12, $0xb8;
	[tilespmem:$0x1BA30] =	vst v63  }
0x132: {  	_ =	swait.ge [sflag:s18], $0x2800  }
.Ltmp7:
0x133: {  	[sflag:s18] =	ssyncset.done $0x0;
	(pc) =	sbr.rel .LBB2_10-.Ltmp7, $4  }
0x134: {  	[sflag:s18] =	ssyncadd.s32 $0xFFFFD800  }
0x135: {  	_ =	swait.ge [sflag:s22], $0x2800  }
0x136: {  	[sflag:s22] =	ssyncset.done $0x0  }
0x137: {  	[sflag:s22] =	ssyncadd.s32 $0xFFFFD800  }
.LBB2_11:
0x138: {  	_ =	sfence.sel $0x180000  }
0x139: {  	[bflag:$0x0] =	sbarrier.arrive $0xFFFF  }
0x13a: {  	_ =	strace $0x90000050  }
0x13b: {  	s0 =	stileid.u32;
	[bflag:$0x2] =	sbarrier.arrive $0xFFFF  }
0x13c: {  	p0 =	sne.s32 s0, $0x0;
	s0 =	rddreg [dreg:$0x3]  }
0x13d: {  	s0 =	sadd.s32 @!p0 $0x100000, s0  }
0x13e: {  	[sflag:s0] =	ssyncadd.tile.s32 @!p0 $0x1;
	_ =	shalt  }
.Lfunc_end2:
_tile_overlayer_lowered:
.L_overlay_start_2:
0x13f: {  	(tag) =	ssettag $0x2  }
0x140: {  	s0 =	rddreg [dreg:$0x0];
	s2 =	stileid.u32  }
0x141: {  	s1 =	rddreg [dreg:$0x1];
	p0 =	sne.s32 s2, $0x0  }
0x142: {  	s3 =	rddreg [dreg:$0x2];
	[bflag:$0x3] =	sbarrier.arrive $0xFFFF;
	s2 =	simm.s32 @!p0 $0x1C05  }
0x143: {  	[timem:s3], [sflag:s2] =	dma.local @!p0 [hbm:s0], s1  }
0x144: {  	s0 =	simm.s32 @!p0 $0x5  }
0x145: {  	_ =	swait.ge @!p0 [sflag:s0], s1  }
0x146: {  	s1 =	ssub.s32 @!p0 $0x0, s1;
	[sflag:s0] =	ssyncset.done @!p0 $0x0  }
0x147: {  	[sflag:s0] =	ssyncadd.s32 @!p0 s1  }
0x148: {  	[bflag:$0x3] =	sbarrier.arrive $0xFFFF  }
0x149: {  	_ =	shalt  }

// kernel: kernel.18.cloned.1.call-start
scs
__scs_entry_jumppad:
0x0: {  	(pc) =	sbr.rel $0x88, $3  }
0x1: {  	(tag) =	ssettag $0x0;
	lr =	simm.s32 $0x1  }
0x2: {  	[smem:$0x3F7D] =	sst lr;
	_ =	strace $0xD0000000  }
0x3: {  	_ = 	snop  }
0x4: {  	_ = 	snop  }
0x5: {  	_ = 	snop  }
0x6: {  	_ = 	snop  }
0x7: {  	_ = 	snop  }
__scs_overlays_trampoline_lowered:
0x8: {  	[smem:$0x3F8C] =	sst s0  }
0x9: {  	[smem:$0x3F8D] =	sst s1  }
0xa: {  	[smem:$0x3F8E] =	sst s2  }
0xb: {  	[smem:$0x3F8F] =	sst s3  }
0xc: {  	[smem:$0x3F90] =	sst s4  }
0xd: {  	[smem:$0x3F91] =	sst s5  }
0xe: {  	[smem:$0x3F92] =	sst s6  }
0xf: {  	[smem:$0x3F93] =	sst s7  }
0x10: {  	[smem:$0x3F94] =	sst s8  }
0x11: {  	[smem:$0x3F95] =	sst s9;
	s0 =	simm.s32 @!p0 $0x0  }
0x12: {  	s1 =	sld [smem:$0x3F7B];
	s0 =	simm.s32 @p0 $0x1  }
0x13: {  	[smem:$0x3F96] =	sst s0;
	s0 =	simm.s32 @!p1 $0x0  }
0x14: {  	s2 =	sld [smem:$0x3F7A];
	s0 =	simm.s32 @p1 $0x1  }
0x15: {  	[smem:$0x3F97] =	sst s0;
	s0 =	simm.s32 @!p2 $0x0  }
0x16: {  	s3 =	sld [smem:$0x3FDB];
	s0 =	simm.s32 @p2 $0x1  }
0x17: {  	s4 =	simm.s32 $0x1BF5;
	[smem:$0x3F99] =	sst s0  }
0x18: {  	s0 =	sld [smem:$0x3F7C];
	_ =	swait.ge [sflag:s4], $0x0  }
0x19: {  	s7 =	sld [smem:$0x3F7D]  }
0x1a: {  	s8 =	sadd.s32 $0xFFFFE003, lr  }
0x1b: {  	s9 =	sadd.s32 $0xFFFFFEF7, lr;
	s5 =	simm.s32 $0xFFFFFFFF;
	p2 =	slt.u32 s8, $0xFFFFF086  }
0x1c: {  	p1 =	slt.u32 s9, $0xF7A;
	s5 =	simm.s32 @!p2 $0x0  }
0x1d: {  	s5 =	simm.s32 @p1 $0x1;
	p0 =	seq.s32 s7, s2  }
0x1e: {  	s7 =	smul.u32 @!p0 $0xF7A, s2;
	p2 =	seq.s32 @!p0 s5, $0x0  }
0x1f: {  	s9 =	smul.u32 $0xF7A, s1;
	s8 =	simm.s32 @!p0 $0x1BF5;
	p2 =	por !p2, p0  }
0x20: {  	[sflag:s8] =	ssyncset.s32 @!p0 $0xFFFFF086;
	s6 =	sadd.s32 @!p0 s3, s7;
	s7 =	simm.s32 @!p0 $0x108  }
0x21: {  	s3 =	sadd.s32 s3, s9;
	s6 =	sadd.s32 @!p0 $0x88, s6;
	s7 =	simm.s32 @p2 $0x1082  }
0x22: {  	[simem:s7], [sflag:s8] =	dma.local @!p0 [hbm:s6], $0xF7A  }
0x23: {  	s9 =	sor.u32 $0xD0000000, s2;
	s6 =	simm.s32 $0x108;
	_ =	swait.ge @!p0 [sflag:s8], $0x0  }
0x24: {  	s3 =	sadd.s32 $0x88, s3;
	s6 =	simm.s32 @!p1 $0x1082;
	[sflag:s4] =	ssyncset.s32 $0xFFFFF086  }
0x25: {  	[simem:s6], [sflag:s4] =	dma.local [hbm:s3], $0xF7A  }
0x26: {  	[smem:$0x3F7D] =	sst s1;
	(tag) =	ssettag s2;
	_ =	strace s9  }
0x27: {  	s1 =	sld [smem:$0x3F8D]  }
0x28: {  	s2 =	sld [smem:$0x3F8E]  }
0x29: {  	s4 =	sld [smem:$0x3F90]  }
0x2a: {  	p0 =	seq.s32 s5, $0x0;
	s5 =	sld [smem:$0x3F91]  }
0x2b: {  	s6 =	sld [smem:$0x3F92]  }
0x2c: {  	s7 =	sld [smem:$0x3F93]  }
0x2d: {  	s3 =	simm.s32 $0x108;
	s8 =	sld [smem:$0x3F94]  }
0x2e: {  	s3 =	simm.s32 @!p0 $0x1082;
	s9 =	sld [smem:$0x3F95]  }
0x2f: {  	lr =	sadd.s32 s0, s3;
	s0 =	sld [smem:$0x3F8C]  }
0x30: {  	s3 =	sld [smem:$0x3F8F]  }
0x31: {  	[smem:$0x3F98] =	sst s10  }
0x32: {  	s10 =	sld [smem:$0x3F96];
	_ =	sdelay $0x3  }
0x33: {  	p0 =	seq.s32 s10, $0x1;
	s10 =	sld [smem:$0x3F98];
	_ =	sdelay $0x3  }
0x34: {  	[smem:$0x3F98] =	sst s10  }
0x35: {  	s10 =	sld [smem:$0x3F97];
	_ =	sdelay $0x3  }
0x36: {  	p1 =	seq.s32 s10, $0x1;
	s10 =	sld [smem:$0x3F98];
	_ =	sdelay $0x3  }
0x37: {  	[smem:$0x3F98] =	sst s10  }
0x38: {  	s10 =	sld [smem:$0x3F99]  }
0x39: {  	_ = 	snop;
	(pc) =	sbr.ind lr, $3  }
0x3a: {  	_ = 	snop  }
0x3b: {  	_ = 	snop  }
0x3c: {  	p2 =	seq.s32 s10, $0x1;
	s10 =	sld [smem:$0x3F98]  }
0x3d: {  	_ =	shalt  }
0x3e: {  	_ =	shalt  }
0x3f: {  	_ =	shalt  }
0x40: {  	_ =	shalt  }
0x41: {  	_ =	shalt  }
0x42: {  	_ =	shalt  }
0x43: {  	_ =	shalt  }
0x44: {  	_ =	shalt  }
0x45: {  	_ =	shalt  }
0x46: {  	_ =	shalt  }
0x47: {  	_ =	shalt  }
0x48: {  	_ =	shalt  }
0x49: {  	_ =	shalt  }
0x4a: {  	_ =	shalt  }
0x4b: {  	_ =	shalt  }
0x4c: {  	_ =	shalt  }
0x4d: {  	_ =	shalt  }
0x4e: {  	_ =	shalt  }
0x4f: {  	_ =	shalt  }
0x50: {  	_ =	shalt  }
0x51: {  	_ =	shalt  }
0x52: {  	_ =	shalt  }
0x53: {  	_ =	shalt  }
0x54: {  	_ =	shalt  }
0x55: {  	_ =	shalt  }
0x56: {  	_ =	shalt  }
0x57: {  	_ =	shalt  }
0x58: {  	_ =	shalt  }
0x59: {  	_ =	shalt  }
0x5a: {  	_ =	shalt  }
0x5b: {  	_ =	shalt  }
0x5c: {  	_ =	shalt  }
0x5d: {  	_ =	shalt  }
0x5e: {  	_ =	shalt  }
0x5f: {  	_ =	shalt  }
0x60: {  	_ =	shalt  }
0x61: {  	_ =	shalt  }
0x62: {  	_ =	shalt  }
0x63: {  	_ =	shalt  }
0x64: {  	_ =	shalt  }
0x65: {  	_ =	shalt  }
0x66: {  	_ =	shalt  }
0x67: {  	_ =	shalt  }
0x68: {  	_ =	shalt  }
0x69: {  	_ =	shalt  }
0x6a: {  	_ =	shalt  }
0x6b: {  	_ =	shalt  }
0x6c: {  	_ =	shalt  }
0x6d: {  	_ =	shalt  }
0x6e: {  	_ =	shalt  }
0x6f: {  	_ =	shalt  }
0x70: {  	_ =	shalt  }
0x71: {  	_ =	shalt  }
0x72: {  	_ =	shalt  }
0x73: {  	_ =	shalt  }
0x74: {  	_ =	shalt  }
0x75: {  	_ =	shalt  }
0x76: {  	_ =	shalt  }
0x77: {  	_ =	shalt  }
0x78: {  	_ =	shalt  }
0x79: {  	_ =	shalt  }
0x7a: {  	_ =	shalt  }
0x7b: {  	_ =	shalt  }
0x7c: {  	_ =	shalt  }
0x7d: {  	_ =	shalt  }
0x7e: {  	_ =	shalt  }
0x7f: {  	_ =	shalt  }
0x80: {  	_ =	shalt  }
0x81: {  	_ =	shalt  }
0x82: {  	_ =	shalt  }
0x83: {  	_ =	shalt  }
0x84: {  	_ =	shalt  }
0x85: {  	_ =	shalt  }
0x86: {  	_ =	shalt  }
0x87: {  	_ =	shalt  }
.Lfunc_end0:
.L_simem_size_0:
called_computation.4_lowered:
.L_overlay_start_0:
0x88: {  	s2 =	sld [smem:$0x3FD9]  }
0x89: {  	s3 =	sld [smem:$0x3FFE];
	_ =	sdelay $0x1  }
0x8a: {  	s1 =	srdreg.scid  }
0x8b: {  	s0 =	sand.u32 $0x1, s1  }
0x8c: {  	s16 =	sshll.u32 s0, $0xA;
	s2 =	sadd.s32 s3, s2  }
0x8d: {  	s2 =	sadd.s32 s2, s16  }
0x8e: {  	[smem:$0x3FA4] =	sst s2  }
0x8f: {  	_ = 	snop  }
0x90: {  	(tm) =	ssettm $0x1  }
0x91: {  	s17 =	sld [smem:$0x3FFB];
	_ =	sdelay $0x3  }
0x92: {  	_ =	strace s17  }
0x93: {  	s2 =	sld [smem:$0x3FFC];
	_ =	sdelay $0x3  }
0x94: {  	_ =	strace s2  }
0x95: {  	s2 =	sld [smem:$0x3FFD];
	_ =	sdelay $0x3  }
0x96: {  	_ =	strace s2  }
0x97: {  	_ =	strace $0x8FFFFFFF  }
0x98: {  	s18 =	sld [smem:$0x3FDB];
	_ =	sdelay $0x1  }
0x99: {  	s19 =	simm.s32 $_scs_section_size  }
0x9a: {  	s4 =	simm.s32 $_size__tile_overlayer_lowered;
	s5 =	simm.s32 $_tile_overlayer_lowered  }
0x9b: {  	s22 =	simm.s32 $0x1BFF;
	s21 =	sshll.u32 s5, $0x1;
	s2 =	sadd.s32 s19, s18  }
0x9c: {  	s6 =	simm.s32 $0x0;
	s20 =	sshll.u32 s4, $0x1;
	s4 =	sadd.s32 s21, s2  }
0x9d: {  	[timem:s6], [sflag:s22] =	dma.local [hbm:s4], s20  }
0x9e: {  	_ =	swait.ge [sflag:s22], s20  }
0x9f: {  	s3 =	ssub.s32 $0x0, s20;
	[sflag:s22] =	ssyncset.done $0x0  }
0xa0: {  	[sflag:s22] =	ssyncadd.s32 s3;
	_ =	sdelay $0x1  }
0xa1: {  	s23 =	simm.s32 $0x1B8B  }
0xa2: {  	_ =	swait.ge [sflag:s23], $0x1  }
0xa3: {  	[sflag:s23] =	ssyncset.done $0x0  }
0xa4: {  	s25 =	simm.s32 $0x1B8E;
	s24 =	sld [smem:$0x3FFE];
	[sflag:s23] =	ssyncadd.s32 $0xFFFFFFFF  }
0xa5: {  	s26 =	simm.s32 $execute0_lowered;
	[smem:$0x3FD2] =	sst s25  }
0xa6: {  	s4 =	sshll.u32 s26, $0x1;
	_ =	strace $0x80000052;
	[dreg:$0x1] =	wrdreg $0xFFFFFFFF  }
0xa7: {  	s28 =	simm.s32 $_size_execute0_lowered;
	s2 =	sadd.s32 s2, s4;
	[dreg:$0x0] =	wrdreg $0x0  }
0xa8: {  	s4 =	sshll.u32 s28, $0x1;
	[dreg:$0x2] =	wrdreg s2  }
0xa9: {  	[dreg:$0x3] =	wrdreg s4  }
0xaa: {  	[dreg:$0x4] =	wrdreg $0xC0  }
0xab: {  	_ =	task [dreg:s6], $0x5FFFF  }
0xac: {  	[dreg:$0x1] =	wrdreg $0xFFFFFFFF  }
0xad: {  	[dreg:$0x0] =	wrdreg $0x60  }
0xae: {  	[dreg:$0x2] =	wrdreg s24  }
0xaf: {  	[dreg:$0x3] =	wrdreg $0x9  }
0xb0: {  	_ =	task.clear_ibuf [dreg:s6], $0x4FFFF;
	_ =	strace $0x90000052  }
0xb1: {  	s29 =	simm.s32 $0x9;
	_ =	strace $0x80000054  }
0xb2: {  	_ =	swait.ge [sflag:s29], $0x1  }
0xb3: {  	[sflag:s29] =	ssyncadd.s32 $0xFFFFFFFF  }
0xb4: {  	_ =	strace $0x90000054  }
0xb5: {  	_ =	sfence  }
0xb6: {  	s30 =	sld [smem:$0x0];
	_ =	sdelay $0x2  }
0xb7: {  	s31 =	sshll.u32 s1, $0xD;
	s1 =	sshrl.u32 s1, $0x2  }
0xb8: {  	s3 =	sand.u32 $0x4000, s31;
	s1 =	sadd.s32 s1, s30  }
0xb9: {  	s0 =	sor.u32 s3, s0;
	s1 =	sshll.u32 s1, $0x11  }
0xba: {  	s0 =	sor.u32 s1, s0  }
0xbb: {  	s0 =	sadd.s32 $0x8F2B, s0  }
0xbc: {  	[sflag:s0] =	ssyncadd.remote.s32 $0x1  }
0xbd: {  	_ =	sfence.sel $0xFFFF  }
0xbe: {  	[dreg:$0x0] =	wrdreg $0xFFFFFFFF;
	(pc) =	sbr.abs _section_cstart, $3  }
0xbf: {  	[dreg:$0x1] =	wrdreg $0xFFFFFFFF  }
0xc0: {  	_ =	task.clear_ibuf [dreg:s6], $0x2FFFF;
	_ =	strace $0x9FFFFFFF  }
0xc1: {  	(tm) =	ssettm $0x7FFFFFFF  }
tec
execute0_lowered:
.L_overlay_start_1:
0x0: {  	(tag) =	ssettag $0x1  }
0x1: {  	s0 =	srdreg.scid  }
0x2: {  	s14 =	stileid.u32;
	s2 =	rddreg [dreg:$0x0];
	s31 =	simm.s32 $0x9  }
0x3: {  	s29 =	simm.s32 $0x0;
	s0 =	sand.u32 $0x1, s0;
	s3 =	sadd.s32 $0x37E600, s2  }
0x4: {  	s1 =	sshll.u32 s14, $0x1;
	s4 =	sadd.s32 $0xE2CC00, s2;
	s20 =	smul.u32 $0x7530, s14  }
0x5: {  	s25 =	smul.u32 $0xEA60, s14;
	s1 =	sor.u32 s0, s1;
	s6 =	ssub.s32 $0x2, s0  }
0x6: {  	s5 =	sadd.s32 $0x1A9A00, s2;
	s1 =	smul.u32 $0x3A98, s1;
	s9 =	sshrl.u32 s6, $0x1  }
0x7: {  	s8 =	sadd.s32 $0x294000, s2;
	s12 =	smul.u32 $0x3A98, s0;
	s6 =	ssub.s32 s6, s9  }
0x8: {  	s7 =	sadd.s32 $0x3840, s1;
	s18 =	sadd.s32 $0x3390, s1;
	s11 =	sadd.s32 $0x35E8, s1  }
0x9: {  	s1 =	sshrl.u32 s1, $0x3;
	s10 =	sshll.u32 s7, $0x3;
	s7 =	sshll.u32 s7, $0x1  }
0xa: {  	s19 =	sshll.u32 s18, $0x3;
	s9 =	sshll.u32 s18, $0x1;
	s15 =	sadd.s32 s3, s10  }
0xb: {  	s22 =	sshll.u32 s11, $0x3;
	s16 =	sadd.s32 s5, s7;
	[dreg:$0x2] =	wrdreg s15  }
0xc: {  	s11 =	sshll.u32 s11, $0x1;
	s17 =	sadd.s32 s4, s10;
	[dreg:$0x3] =	wrdreg s16  }
0xd: {  	s1 =	sadd.s32 s1, s2;
	s7 =	sadd.s32 s8, s7;
	[dreg:$0x4] =	wrdreg s17  }
0xe: {  	s13 =	sadd.s32 s3, s19;
	s21 =	sadd.s32 s5, s9;
	[dreg:$0x5] =	wrdreg s7  }
0xf: {  	s10 =	sadd.s32 s12, s20;
	s23 =	sadd.s32 s5, s11;
	[dreg:$0x6] =	wrdreg s13  }
0x10: {  	s9 =	sadd.s32 s8, s9;
	s26 =	sadd.s32 s4, s22;
	[dreg:$0x7] =	wrdreg s21  }
0x11: {  	s28 =	sadd.s32 s8, s11;
	s18 =	sadd.s32 $0x13E000, s1;
	[dreg:$0x9] =	wrdreg s23  }
0x12: {  	s11 =	simm.s32 $0x7;
	s15 =	sadd.s32 s3, s22;
	[dreg:$0xb] =	wrdreg s9  }
0x13: {  	s7 =	sadd.s32 s4, s19;
	s24 =	sadd.s32 $0x258, s10;
	[dreg:$0xc] =	wrdreg s26  }
0x14: {  	[dreg:$0xd] =	wrdreg s28;
	s13 =	smul.u32 $0x7530, s0;
	s19 =	simm.s32 $0x0  }
0x15: {  	s0 =	smul.u32 $0x1D4C0, s0;
	s21 =	sadd.s32 $0xAAC00, s2;
	s22 =	sadd.s32 $0xD1E00, s2  }
0x16: {  	s26 =	sadd.s32 $0x14CC00, s1;
	s28 =	sadd.s32 $0x12F400, s1;
	[dreg:$0x8] =	wrdreg s15  }
0x17: {  	s2 =	simm.s32 $0x1A130;
	s9 =	simm.s32 $0x4;
	[dreg:$0xa] =	wrdreg s7  }
0x18: {  	s7 =	sshrl.u32 s24, $0x3;
	s15 =	smul.u32 $0x3A980, s14;
	[smem:$0x7FF] =	sst s19  }
0x19: {  	s24 =	sadd.s32 $0x120800, s1;
	s1 =	simm.s32 $0x7530;
	s30 =	sshll.u32 s7, $0x4  }
0x1a: {  	s7 =	sshll.u32 s7, $0x6;
	s12 =	sadd.s32 s30, s5;
	s5 =	sadd.s32 s25, s5  }
0x1b: {  	s10 =	sadd.s32 s30, s8;
	s8 =	sadd.s32 s25, s8;
	s17 =	sadd.s32 s7, s3  }
0x1c: {  	s3 =	sadd.s32 s15, s3;
	s20 =	sadd.s32 s7, s4;
	s4 =	sadd.s32 s15, s4  }
0x1d: {  	s30 =	smax.u32 s6, $0x1;
	s6 =	simm.s32 $0x1;
	[dreg:$0xe] =	wrdreg s12  }
0x1e: {  	s7 =	simm.s32 $0x3;
	[dreg:$0xf] =	wrdreg s10;
	s5 =	sadd.s32 s13, s5  }
0x1f: {  	s16 =	sadd.s32 s13, s8;
	s23 =	sadd.s32 s0, s3;
	[dreg:$0x10] =	wrdreg s5  }
0x20: {  	s25 =	sadd.s32 s0, s4;
	_ =	strace $0x80000053;
	[dreg:$0x11] =	wrdreg s18  }
0x21: {  	s0 =	simm.s32 $0x258;
	s3 =	simm.s32 $0x10B30;
	[dreg:$0x12] =	wrdreg s24  }
0x22: {  	s8 =	simm.s32 $0x2;
	s10 =	simm.s32 $0x5;
	[dreg:$0x13] =	wrdreg s26  }
0x23: {  	s12 =	simm.s32 $0x6;
	s5 =	simm.s32 $0x1C6B0;
	[dreg:$0x14] =	wrdreg s28  }
0x24: {  	[dreg:$0x15] =	wrdreg s30;
	s18 =	simm.s32 $0x3A98;
	s24 =	simm.s32 $0x8  }
.LBB2_1:
0x25: {  	s4 =	rddreg [dreg:$0x11]  }
0x26: {  	[tilespmem:s19], [sflag:$0x9] =	stream.linear.gather [hbm4b:s4+s19], $0x3A98, $0x38;
	[tilespmem:$0x1EC30] =	vst v63  }
0x27: {  	_ =	swait.ge [sflag:s31], $0x3A98  }
0x28: {  	[sflag:s31] =	ssyncset.done $0x0  }
0x29: {  	s14 =	rddreg [dreg:$0x12];
	[sflag:s31] =	ssyncadd.s32 $0xFFFFC568  }
0x2a: {  	[tilespmem:s18], [sflag:$0x9] =	stream.linear.gather [hbm4b:s14+s19], $0x3A98, $0x38;
	[tilespmem:$0x1EC30] =	vst v63  }
0x2b: {  	_ =	swait.ge [sflag:s31], $0x3A98  }
0x2c: {  	[sflag:s31] =	ssyncset.done $0x0  }
0x2d: {  	[sflag:s31] =	ssyncadd.s32 $0xFFFFC568  }
0x2e: {  	[tilespmem:s1], [sflag:$0x1] =	stream.indirect.gather [hbm4b:s21+s0], $0x40, s19, s0, $0xb8;
	[tilespmem:$0x1EC30] =	vst v63  }
0x2f: {  	_ = 	snop  }
0x30: {  	[tilespmem:s2], [sflag:$0x3] =	stream.indirect.gather [hbm4b:s22+s0], $0x10, s18, s0, $0xb8;
	[tilespmem:$0x1EC30] =	vst v63  }
0x31: {  	_ = 	snop  }
0x32: {  	[tilespmem:s3], [sflag:$0x2] =	stream.indirect.gather [hbm4b:s21+s0], $0x40, s0, s0, $0xb8;
	[tilespmem:$0x1EC30] =	vst v63  }
0x33: {  	s15 =	simm.s32 $0x3CF0  }
0x34: {  	[tilespmem:s5], [sflag:$0x4] =	stream.indirect.gather [hbm4b:s22+s0], $0x10, s15, s0, $0xb8;
	[tilespmem:$0x1EC30] =	vst v63  }
0x35: {  	_ =	swait.ge [sflag:s6], $0x9600  }
0x36: {  	[sflag:s6] =	ssyncset.done $0x0  }
0x37: {  	[sflag:s6] =	ssyncadd.s32 $0xFFFF6A00  }
0x38: {  	_ =	swait.ge [sflag:s7], $0x2580  }
0x39: {  	[sflag:s7] =	ssyncset.done $0x0  }
0x3a: {  	[sflag:s7] =	ssyncadd.s32 $0xFFFFDA80  }
0x3b: {  	[hbm4b:s23+s19] =	stream.linear.scatter [tilespmem:s1], [sflag:$0x5], $0x9600, $0x38;
	[tilespmem:$0x1EC30] =	vst v63  }
0x3c: {  	s14 =	rddreg [dreg:$0x10]  }
0x3d: {  	[hbm4b:s14+s19] =	stream.linear.scatter [tilespmem:s2], [sflag:$0x7], $0x2580, $0x38;
	[tilespmem:$0x1EC30] =	vst v63  }
0x3e: {  	_ =	swait.ge [sflag:s8], $0x9600  }
0x3f: {  	[sflag:s8] =	ssyncset.done $0x0  }
0x40: {  	[sflag:s8] =	ssyncadd.s32 $0xFFFF6A00  }
0x41: {  	_ =	swait.ge [sflag:s9], $0x2580  }
0x42: {  	[sflag:s9] =	ssyncset.done $0x0  }
0x43: {  	[sflag:s9] =	ssyncadd.s32 $0xFFFFDA80  }
0x44: {  	[hbm4b:s17+s19] =	stream.linear.scatter [tilespmem:s3], [sflag:$0x6], $0x9600, $0x38;
	[tilespmem:$0x1EC30] =	vst v63  }
0x45: {  	s13 =	rddreg [dreg:$0xe]  }
0x46: {  	[hbm4b:s13+s19] =	stream.linear.scatter [tilespmem:s5], [sflag:$0x8], $0x2580, $0x38;
	[tilespmem:$0x1EC30] =	vst v63  }
0x47: {  	_ =	swait.ge [sflag:s10], $0x9600  }
0x48: {  	[sflag:s10] =	ssyncset.done $0x0  }
0x49: {  	[sflag:s10] =	ssyncadd.s32 $0xFFFF6A00  }
0x4a: {  	_ =	swait.ge [sflag:s11], $0x2580  }
0x4b: {  	[sflag:s11] =	ssyncset.done $0x0  }
0x4c: {  	s26 =	simm.s32 $0x4B0;
	[sflag:s11] =	ssyncadd.s32 $0xFFFFDA80  }
0x4d: {  	[tilespmem:s1], [sflag:$0x1] =	stream.indirect.gather [hbm4b:s21+s0], $0x40, s26, s0, $0xb8;
	[tilespmem:$0x1EC30] =	vst v63  }
0x4e: {  	s15 =	simm.s32 $0x3F48  }
0x4f: {  	[tilespmem:s2], [sflag:$0x3] =	stream.indirect.gather [hbm4b:s22+s0], $0x10, s15, s0, $0xb8;
	[tilespmem:$0x1EC30] =	vst v63  }
0x50: {  	_ =	swait.ge [sflag:s12], $0x9600  }
0x51: {  	[sflag:s12] =	ssyncset.done $0x0  }
0x52: {  	[sflag:s12] =	ssyncadd.s32 $0xFFFF6A00  }
0x53: {  	_ =	swait.ge [sflag:s24], $0x2580  }
0x54: {  	s30 =	simm.s32 $0x12C0;
	s4 =	sadd.s32 $0x2580, s23;
	[sflag:s24] =	ssyncset.done $0x0  }
0x55: {  	s28 =	sadd.s32 $0x960, s13;
	s26 =	simm.s32 $0x708;
	[sflag:s24] =	ssyncadd.s32 $0xFFFFDA80  }
0x56: {  	[tilespmem:s3], [sflag:$0x2] =	stream.indirect.gather [hbm4b:s21+s0], $0x40, s26, s0, $0xb8;
	[tilespmem:$0x1EC30] =	vst v63  }
0x57: {  	s13 =	sadd.s32 $0x2580, s17;
	s26 =	sadd.s32 $0x960, s14;
	s14 =	simm.s32 $0x41A0  }
.LBB2_2:
0x58: {  	[tilespmem:s5], [sflag:$0x4] =	stream.indirect.gather [hbm4b:s22+s0], $0x10, s14, s0, $0xb8;
	[tilespmem:$0x1EC30] =	vst v63  }
0x59: {  	s14 =	smov.u32 s30  }
0x5a: {  	p0 =	sne.s32 s30, $0xBB80;
	s30 =	sadd.s32 $0x12C0, s30;
	_ =	swait.ge [sflag:s6], $0x9600  }
0x5b: {  	[sflag:s6] =	ssyncset.done $0x0  }
0x5c: {  	[sflag:s6] =	ssyncadd.s32 $0xFFFF6A00  }
0x5d: {  	_ =	swait.ge [sflag:s7], $0x2580  }
0x5e: {  	[sflag:s7] =	ssyncset.done $0x0  }
0x5f: {  	[sflag:s7] =	ssyncadd.s32 $0xFFFFDA80  }
0x60: {  	[hbm4b:s4+s19] =	stream.linear.scatter [tilespmem:s1], [sflag:$0x5], $0x9600, $0x38;
	[tilespmem:$0x1EC30] =	vst v63  }
0x61: {  	_ = 	snop  }
0x62: {  	[hbm4b:s26+s19] =	stream.linear.scatter [tilespmem:s2], [sflag:$0x7], $0x2580, $0x38;
	[tilespmem:$0x1EC30] =	vst v63  }
0x63: {  	_ =	swait.ge [sflag:s8], $0x9600  }
0x64: {  	[sflag:s8] =	ssyncset.done $0x0  }
0x65: {  	[sflag:s8] =	ssyncadd.s32 $0xFFFF6A00  }
0x66: {  	_ =	swait.ge [sflag:s9], $0x2580  }
0x67: {  	[sflag:s9] =	ssyncset.done $0x0  }
0x68: {  	[sflag:s9] =	ssyncadd.s32 $0xFFFFDA80  }
0x69: {  	[hbm4b:s13+s19] =	stream.linear.scatter [tilespmem:s3], [sflag:$0x6], $0x9600, $0x38;
	[tilespmem:$0x1EC30] =	vst v63  }
0x6a: {  	_ = 	snop  }
0x6b: {  	[hbm4b:s28+s19] =	stream.linear.scatter [tilespmem:s5], [sflag:$0x8], $0x2580, $0x38;
	[tilespmem:$0x1EC30] =	vst v63  }
0x6c: {  	_ =	swait.ge [sflag:s10], $0x9600  }
0x6d: {  	[sflag:s10] =	ssyncset.done $0x0  }
0x6e: {  	[sflag:s10] =	ssyncadd.s32 $0xFFFF6A00  }
0x6f: {  	_ =	swait.ge [sflag:s11], $0x2580  }
0x70: {  	s14 =	sshra.s32 s14, $0x2;
	[sflag:s11] =	ssyncset.done $0x0  }
0x71: {  	s15 =	sadd.s32 $0x4B0, s14;
	[sflag:s11] =	ssyncadd.s32 $0xFFFFDA80  }
0x72: {  	[tilespmem:s1], [sflag:$0x1] =	stream.indirect.gather [hbm4b:s21+s0], $0x40, s15, s0, $0xb8;
	[tilespmem:$0x1EC30] =	vst v63  }
0x73: {  	s15 =	sadd.s32 $0x3F48, s14  }
0x74: {  	[tilespmem:s2], [sflag:$0x3] =	stream.indirect.gather [hbm4b:s22+s0], $0x10, s15, s0, $0xb8;
	[tilespmem:$0x1EC30] =	vst v63  }
0x75: {  	_ =	swait.ge [sflag:s12], $0x9600  }
0x76: {  	[sflag:s12] =	ssyncset.done $0x0  }
0x77: {  	[sflag:s12] =	ssyncadd.s32 $0xFFFF6A00  }
.Ltmp0:
0x78: {  	_ =	swait.ge [sflag:s24], $0x2580;
	(pc) =	sbr.rel @p0 .LBB2_2-.Ltmp0, $4  }
0x79: {  	s4 =	sadd.s32 $0x2580, s4;
	[sflag:s24] =	ssyncset.done $0x0  }
0x7a: {  	s26 =	sadd.s32 $0x960, s26;
	s15 =	sadd.s32 $0x708, s14;
	[sflag:s24] =	ssyncadd.s32 $0xFFFFDA80  }
0x7b: {  	[tilespmem:s3], [sflag:$0x2] =	stream.indirect.gather [hbm4b:s21+s0], $0x40, s15, s0, $0xb8;
	[tilespmem:$0x1EC30] =	vst v63  }
0x7c: {  	s13 =	sadd.s32 $0x2580, s13;
	s28 =	sadd.s32 $0x960, s28;
	s14 =	sadd.s32 $0x41A0, s14  }
0x7d: {  	[tilespmem:s5], [sflag:$0x4] =	stream.indirect.gather [hbm4b:s22+s0], $0x10, s14, s0, $0xb8;
	[tilespmem:$0x1EC30] =	vst v63  }
0x7e: {  	_ =	swait.ge [sflag:s6], $0x9600  }
0x7f: {  	[sflag:s6] =	ssyncset.done $0x0  }
0x80: {  	[sflag:s6] =	ssyncadd.s32 $0xFFFF6A00  }
0x81: {  	_ =	swait.ge [sflag:s7], $0x2580  }
0x82: {  	[sflag:s7] =	ssyncset.done $0x0  }
0x83: {  	s4 =	simm.s32 $0x0;
	s13 =	rddreg [dreg:$0x6];
	[sflag:s7] =	ssyncadd.s32 $0xFFFFDA80  }
0x84: {  	[hbm4b:s13+s4] =	stream.linear.scatter [tilespmem:s1], [sflag:$0x5], $0x9600, $0x38;
	[tilespmem:$0x1EC30] =	vst v63  }
0x85: {  	s14 =	rddreg [dreg:$0x7]  }
0x86: {  	[hbm4b:s14+s4] =	stream.linear.scatter [tilespmem:s2], [sflag:$0x7], $0x2580, $0x38;
	[tilespmem:$0x1EC30] =	vst v63  }
0x87: {  	_ =	swait.ge [sflag:s8], $0x9600  }
0x88: {  	[sflag:s8] =	ssyncset.done $0x0  }
0x89: {  	[sflag:s8] =	ssyncadd.s32 $0xFFFF6A00  }
0x8a: {  	_ =	swait.ge [sflag:s9], $0x2580  }
0x8b: {  	[sflag:s9] =	ssyncset.done $0x0  }
0x8c: {  	s15 =	rddreg [dreg:$0x8];
	[sflag:s9] =	ssyncadd.s32 $0xFFFFDA80  }
0x8d: {  	[hbm4b:s15+s4] =	stream.linear.scatter [tilespmem:s3], [sflag:$0x6], $0x9600, $0x38;
	[tilespmem:$0x1EC30] =	vst v63  }
0x8e: {  	s26 =	rddreg [dreg:$0x9]  }
0x8f: {  	[hbm4b:s26+s4] =	stream.linear.scatter [tilespmem:s5], [sflag:$0x8], $0x2580, $0x38;
	[tilespmem:$0x1EC30] =	vst v63  }
0x90: {  	_ =	swait.ge [sflag:s10], $0x9600  }
0x91: {  	[sflag:s10] =	ssyncset.done $0x0  }
0x92: {  	[sflag:s10] =	ssyncadd.s32 $0xFFFF6A00  }
0x93: {  	_ =	swait.ge [sflag:s11], $0x2580  }
0x94: {  	[sflag:s11] =	ssyncset.done $0x0  }
0x95: {  	s14 =	simm.s32 $0x3840;
	[sflag:s11] =	ssyncadd.s32 $0xFFFFDA80  }
0x96: {  	[tilespmem:s1], [sflag:$0x1] =	stream.indirect.gather [hbm4b:s21+s0], $0x40, s14, s0, $0xb8;
	[tilespmem:$0x1EC30] =	vst v63  }
0x97: {  	s15 =	simm.s32 $0x72D8  }
0x98: {  	[tilespmem:s2], [sflag:$0x3] =	stream.indirect.gather [hbm4b:s22+s0], $0x10, s15, s0, $0xb8;
	[tilespmem:$0x1EC30] =	vst v63  }
0x99: {  	_ =	swait.ge [sflag:s12], $0x9600  }
0x9a: {  	[sflag:s12] =	ssyncset.done $0x0  }
0x9b: {  	[sflag:s12] =	ssyncadd.s32 $0xFFFF6A00  }
0x9c: {  	_ =	swait.ge [sflag:s24], $0x2580  }
0x9d: {  	[sflag:s24] =	ssyncset.done $0x0  }
0x9e: {  	[sflag:s24] =	ssyncadd.s32 $0xFFFFDA80  }
0x9f: {  	_ =	swait.ge [sflag:s6], $0x9600  }
0xa0: {  	[sflag:s6] =	ssyncset.done $0x0  }
0xa1: {  	[sflag:s6] =	ssyncadd.s32 $0xFFFF6A00  }
0xa2: {  	_ =	swait.ge [sflag:s7], $0x2580  }
0xa3: {  	[sflag:s7] =	ssyncset.done $0x0  }
0xa4: {  	s26 =	rddreg [dreg:$0x2];
	[sflag:s7] =	ssyncadd.s32 $0xFFFFDA80  }
0xa5: {  	[hbm4b:s26+s4] =	stream.linear.scatter [tilespmem:s1], [sflag:$0x5], $0x9600, $0x38;
	[tilespmem:$0x1EC30] =	vst v63  }
0xa6: {  	s14 =	rddreg [dreg:$0x3]  }
0xa7: {  	[hbm4b:s14+s4] =	stream.linear.scatter [tilespmem:s2], [sflag:$0x7], $0x2580, $0x38;
	[tilespmem:$0x1EC30] =	vst v63  }
0xa8: {  	_ =	swait.ge [sflag:s10], $0x9600  }
0xa9: {  	[sflag:s10] =	ssyncset.done $0x0  }
0xaa: {  	[sflag:s10] =	ssyncadd.s32 $0xFFFF6A00  }
0xab: {  	_ =	swait.ge [sflag:s11], $0x2580  }
0xac: {  	[sflag:s11] =	ssyncset.done $0x0  }
0xad: {  	s15 =	rddreg [dreg:$0x13];
	[sflag:s11] =	ssyncadd.s32 $0xFFFFDA80  }
0xae: {  	[tilespmem:s4], [sflag:$0x9] =	stream.linear.gather [hbm4b:s15+s4], $0x3A98, $0x38;
	[tilespmem:$0x1EC30] =	vst v63  }
0xaf: {  	_ =	swait.ge [sflag:s31], $0x3A98  }
0xb0: {  	[sflag:s31] =	ssyncset.done $0x0  }
0xb1: {  	s26 =	rddreg [dreg:$0x14];
	[sflag:s31] =	ssyncadd.s32 $0xFFFFC568  }
0xb2: {  	[tilespmem:s18], [sflag:$0x9] =	stream.linear.gather [hbm4b:s26+s4], $0x3A98, $0x38;
	[tilespmem:$0x1EC30] =	vst v63  }
0xb3: {  	_ =	swait.ge [sflag:s31], $0x3A98  }
0xb4: {  	[sflag:s31] =	ssyncset.done $0x0  }
0xb5: {  	[sflag:s31] =	ssyncadd.s32 $0xFFFFC568  }
0xb6: {  	[tilespmem:s1], [sflag:$0x1] =	stream.indirect.gather [hbm4b:s21+s0], $0x40, s4, s0, $0xb8;
	[tilespmem:$0x1EC30] =	vst v63  }
0xb7: {  	_ = 	snop  }
0xb8: {  	[tilespmem:s2], [sflag:$0x3] =	stream.indirect.gather [hbm4b:s22+s0], $0x10, s18, s0, $0xb8;
	[tilespmem:$0x1EC30] =	vst v63  }
0xb9: {  	_ = 	snop  }
0xba: {  	[tilespmem:s3], [sflag:$0x2] =	stream.indirect.gather [hbm4b:s21+s0], $0x40, s0, s0, $0xb8;
	[tilespmem:$0x1EC30] =	vst v63  }
0xbb: {  	s13 =	simm.s32 $0x3CF0  }
0xbc: {  	[tilespmem:s5], [sflag:$0x4] =	stream.indirect.gather [hbm4b:s22+s0], $0x10, s13, s0, $0xb8;
	[tilespmem:$0x1EC30] =	vst v63  }
0xbd: {  	_ =	swait.ge [sflag:s6], $0x9600  }
0xbe: {  	[sflag:s6] =	ssyncset.done $0x0  }
0xbf: {  	[sflag:s6] =	ssyncadd.s32 $0xFFFF6A00  }
0xc0: {  	_ =	swait.ge [sflag:s7], $0x2580  }
0xc1: {  	[sflag:s7] =	ssyncset.done $0x0  }
0xc2: {  	[sflag:s7] =	ssyncadd.s32 $0xFFFFDA80  }
0xc3: {  	[hbm4b:s25+s19] =	stream.linear.scatter [tilespmem:s1], [sflag:$0x5], $0x9600, $0x38;
	[tilespmem:$0x1EC30] =	vst v63  }
0xc4: {  	_ = 	snop  }
0xc5: {  	[hbm4b:s16+s19] =	stream.linear.scatter [tilespmem:s2], [sflag:$0x7], $0x2580, $0x38;
	[tilespmem:$0x1EC30] =	vst v63  }
0xc6: {  	_ =	swait.ge [sflag:s8], $0x9600  }
0xc7: {  	[sflag:s8] =	ssyncset.done $0x0  }
0xc8: {  	[sflag:s8] =	ssyncadd.s32 $0xFFFF6A00  }
0xc9: {  	_ =	swait.ge [sflag:s9], $0x2580  }
0xca: {  	[sflag:s9] =	ssyncset.done $0x0  }
0xcb: {  	[sflag:s9] =	ssyncadd.s32 $0xFFFFDA80  }
0xcc: {  	[hbm4b:s20+s19] =	stream.linear.scatter [tilespmem:s3], [sflag:$0x6], $0x9600, $0x38;
	[tilespmem:$0x1EC30] =	vst v63  }
0xcd: {  	s13 =	rddreg [dreg:$0xf]  }
0xce: {  	[hbm4b:s13+s19] =	stream.linear.scatter [tilespmem:s5], [sflag:$0x8], $0x2580, $0x38;
	[tilespmem:$0x1EC30] =	vst v63  }
0xcf: {  	_ =	swait.ge [sflag:s10], $0x9600  }
0xd0: {  	[sflag:s10] =	ssyncset.done $0x0  }
0xd1: {  	[sflag:s10] =	ssyncadd.s32 $0xFFFF6A00  }
0xd2: {  	_ =	swait.ge [sflag:s11], $0x2580  }
0xd3: {  	[sflag:s11] =	ssyncset.done $0x0  }
0xd4: {  	s14 =	simm.s32 $0x4B0;
	[sflag:s11] =	ssyncadd.s32 $0xFFFFDA80  }
0xd5: {  	[tilespmem:s1], [sflag:$0x1] =	stream.indirect.gather [hbm4b:s21+s0], $0x40, s14, s0, $0xb8;
	[tilespmem:$0x1EC30] =	vst v63  }
0xd6: {  	s15 =	simm.s32 $0x3F48  }
0xd7: {  	[tilespmem:s2], [sflag:$0x3] =	stream.indirect.gather [hbm4b:s22+s0], $0x10, s15, s0, $0xb8;
	[tilespmem:$0x1EC30] =	vst v63  }
0xd8: {  	_ =	swait.ge [sflag:s12], $0x9600  }
0xd9: {  	[sflag:s12] =	ssyncset.done $0x0  }
0xda: {  	[sflag:s12] =	ssyncadd.s32 $0xFFFF6A00  }
0xdb: {  	_ =	swait.ge [sflag:s24], $0x2580  }
0xdc: {  	s30 =	simm.s32 $0x12C0;
	s26 =	simm.s32 $0x708;
	[sflag:s24] =	ssyncset.done $0x0  }
0xdd: {  	s4 =	sadd.s32 $0x2580, s25;
	s28 =	sadd.s32 $0x960, s13;
	[sflag:s24] =	ssyncadd.s32 $0xFFFFDA80  }
0xde: {  	[tilespmem:s3], [sflag:$0x2] =	stream.indirect.gather [hbm4b:s21+s0], $0x40, s26, s0, $0xb8;
	[tilespmem:$0x1EC30] =	vst v63  }
0xdf: {  	s13 =	sadd.s32 $0x2580, s20;
	s14 =	simm.s32 $0x41A0;
	s26 =	sadd.s32 $0x960, s16  }
.LBB2_4:
0xe0: {  	[tilespmem:s5], [sflag:$0x4] =	stream.indirect.gather [hbm4b:s22+s0], $0x10, s14, s0, $0xb8;
	[tilespmem:$0x1EC30] =	vst v63  }
0xe1: {  	s14 =	smov.u32 s30  }
0xe2: {  	p0 =	sne.s32 s30, $0xBB80;
	s30 =	sadd.s32 $0x12C0, s30;
	_ =	swait.ge [sflag:s6], $0x9600  }
0xe3: {  	[sflag:s6] =	ssyncset.done $0x0  }
0xe4: {  	[sflag:s6] =	ssyncadd.s32 $0xFFFF6A00  }
0xe5: {  	_ =	swait.ge [sflag:s7], $0x2580  }
0xe6: {  	[sflag:s7] =	ssyncset.done $0x0  }
0xe7: {  	[sflag:s7] =	ssyncadd.s32 $0xFFFFDA80  }
0xe8: {  	[hbm4b:s4+s19] =	stream.linear.scatter [tilespmem:s1], [sflag:$0x5], $0x9600, $0x38;
	[tilespmem:$0x1EC30] =	vst v63  }
0xe9: {  	_ = 	snop  }
0xea: {  	[hbm4b:s26+s19] =	stream.linear.scatter [tilespmem:s2], [sflag:$0x7], $0x2580, $0x38;
	[tilespmem:$0x1EC30] =	vst v63  }
0xeb: {  	_ =	swait.ge [sflag:s8], $0x9600  }
0xec: {  	[sflag:s8] =	ssyncset.done $0x0  }
0xed: {  	[sflag:s8] =	ssyncadd.s32 $0xFFFF6A00  }
0xee: {  	_ =	swait.ge [sflag:s9], $0x2580  }
0xef: {  	[sflag:s9] =	ssyncset.done $0x0  }
0xf0: {  	[sflag:s9] =	ssyncadd.s32 $0xFFFFDA80  }
0xf1: {  	[hbm4b:s13+s19] =	stream.linear.scatter [tilespmem:s3], [sflag:$0x6], $0x9600, $0x38;
	[tilespmem:$0x1EC30] =	vst v63  }
0xf2: {  	_ = 	snop  }
0xf3: {  	[hbm4b:s28+s19] =	stream.linear.scatter [tilespmem:s5], [sflag:$0x8], $0x2580, $0x38;
	[tilespmem:$0x1EC30] =	vst v63  }
0xf4: {  	_ =	swait.ge [sflag:s10], $0x9600  }
0xf5: {  	[sflag:s10] =	ssyncset.done $0x0  }
0xf6: {  	[sflag:s10] =	ssyncadd.s32 $0xFFFF6A00  }
0xf7: {  	_ =	swait.ge [sflag:s11], $0x2580  }
0xf8: {  	s14 =	sshra.s32 s14, $0x2;
	[sflag:s11] =	ssyncset.done $0x0  }
0xf9: {  	s15 =	sadd.s32 $0x4B0, s14;
	[sflag:s11] =	ssyncadd.s32 $0xFFFFDA80  }
0xfa: {  	[tilespmem:s1], [sflag:$0x1] =	stream.indirect.gather [hbm4b:s21+s0], $0x40, s15, s0, $0xb8;
	[tilespmem:$0x1EC30] =	vst v63  }
0xfb: {  	s15 =	sadd.s32 $0x3F48, s14  }
0xfc: {  	[tilespmem:s2], [sflag:$0x3] =	stream.indirect.gather [hbm4b:s22+s0], $0x10, s15, s0, $0xb8;
	[tilespmem:$0x1EC30] =	vst v63  }
0xfd: {  	_ =	swait.ge [sflag:s12], $0x9600  }
0xfe: {  	[sflag:s12] =	ssyncset.done $0x0  }
0xff: {  	[sflag:s12] =	ssyncadd.s32 $0xFFFF6A00  }
.Ltmp1:
0x100: {  	_ =	swait.ge [sflag:s24], $0x2580;
	(pc) =	sbr.rel @p0 .LBB2_4-.Ltmp1, $4  }
0x101: {  	s4 =	sadd.s32 $0x2580, s4;
	[sflag:s24] =	ssyncset.done $0x0  }
0x102: {  	s26 =	sadd.s32 $0x960, s26;
	s15 =	sadd.s32 $0x708, s14;
	[sflag:s24] =	ssyncadd.s32 $0xFFFFDA80  }
0x103: {  	[tilespmem:s3], [sflag:$0x2] =	stream.indirect.gather [hbm4b:s21+s0], $0x40, s15, s0, $0xb8;
	[tilespmem:$0x1EC30] =	vst v63  }
0x104: {  	s13 =	sadd.s32 $0x2580, s13;
	s28 =	sadd.s32 $0x960, s28;
	s14 =	sadd.s32 $0x41A0, s14  }
0x105: {  	[tilespmem:s5], [sflag:$0x4] =	stream.indirect.gather [hbm4b:s22+s0], $0x10, s14, s0, $0xb8;
	[tilespmem:$0x1EC30] =	vst v63  }
0x106: {  	_ =	swait.ge [sflag:s6], $0x9600  }
0x107: {  	[sflag:s6] =	ssyncset.done $0x0  }
0x108: {  	[sflag:s6] =	ssyncadd.s32 $0xFFFF6A00  }
0x109: {  	_ =	swait.ge [sflag:s7], $0x2580  }
0x10a: {  	[sflag:s7] =	ssyncset.done $0x0  }
0x10b: {  	s4 =	rddreg [dreg:$0xa];
	[sflag:s7] =	ssyncadd.s32 $0xFFFFDA80  }
0x10c: {  	[hbm4b:s4+s19] =	stream.linear.scatter [tilespmem:s1], [sflag:$0x5], $0x9600, $0x38;
	[tilespmem:$0x1EC30] =	vst v63  }
0x10d: {  	s28 =	rddreg [dreg:$0xb]  }
0x10e: {  	[hbm4b:s28+s19] =	stream.linear.scatter [tilespmem:s2], [sflag:$0x7], $0x2580, $0x38;
	[tilespmem:$0x1EC30] =	vst v63  }
0x10f: {  	_ =	swait.ge [sflag:s8], $0x9600  }
0x110: {  	[sflag:s8] =	ssyncset.done $0x0  }
0x111: {  	[sflag:s8] =	ssyncadd.s32 $0xFFFF6A00  }
0x112: {  	_ =	swait.ge [sflag:s9], $0x2580  }
0x113: {  	[sflag:s9] =	ssyncset.done $0x0  }
0x114: {  	s30 =	rddreg [dreg:$0xc];
	[sflag:s9] =	ssyncadd.s32 $0xFFFFDA80  }
0x115: {  	[hbm4b:s30+s19] =	stream.linear.scatter [tilespmem:s3], [sflag:$0x6], $0x9600, $0x38;
	[tilespmem:$0x1EC30] =	vst v63  }
0x116: {  	s13 =	rddreg [dreg:$0xd]  }
0x117: {  	[hbm4b:s13+s19] =	stream.linear.scatter [tilespmem:s5], [sflag:$0x8], $0x2580, $0x38;
	[tilespmem:$0x1EC30] =	vst v63  }
0x118: {  	_ =	swait.ge [sflag:s10], $0x9600  }
0x119: {  	[sflag:s10] =	ssyncset.done $0x0  }
0x11a: {  	[sflag:s10] =	ssyncadd.s32 $0xFFFF6A00  }
0x11b: {  	_ =	swait.ge [sflag:s11], $0x2580  }
0x11c: {  	[sflag:s11] =	ssyncset.done $0x0  }
0x11d: {  	s14 =	simm.s32 $0x3840;
	[sflag:s11] =	ssyncadd.s32 $0xFFFFDA80  }
0x11e: {  	[tilespmem:s1], [sflag:$0x1] =	stream.indirect.gather [hbm4b:s21+s0], $0x40, s14, s0, $0xb8;
	[tilespmem:$0x1EC30] =	vst v63  }
0x11f: {  	s15 =	simm.s32 $0x72D8  }
0x120: {  	[tilespmem:s2], [sflag:$0x3] =	stream.indirect.gather [hbm4b:s22+s0], $0x10, s15, s0, $0xb8;
	[tilespmem:$0x1EC30] =	vst v63  }
0x121: {  	_ =	swait.ge [sflag:s12], $0x9600  }
0x122: {  	[sflag:s12] =	ssyncset.done $0x0  }
0x123: {  	[sflag:s12] =	ssyncadd.s32 $0xFFFF6A00  }
0x124: {  	_ =	swait.ge [sflag:s24], $0x2580  }
0x125: {  	[sflag:s24] =	ssyncset.done $0x0  }
0x126: {  	[sflag:s24] =	ssyncadd.s32 $0xFFFFDA80  }
0x127: {  	_ =	swait.ge [sflag:s6], $0x9600  }
0x128: {  	[sflag:s6] =	ssyncset.done $0x0  }
0x129: {  	[sflag:s6] =	ssyncadd.s32 $0xFFFF6A00  }
0x12a: {  	_ =	swait.ge [sflag:s7], $0x2580  }
0x12b: {  	[sflag:s7] =	ssyncset.done $0x0  }
0x12c: {  	s26 =	rddreg [dreg:$0x4];
	[sflag:s7] =	ssyncadd.s32 $0xFFFFDA80  }
0x12d: {  	[hbm4b:s26+s19] =	stream.linear.scatter [tilespmem:s1], [sflag:$0x5], $0x9600, $0x38;
	[tilespmem:$0x1EC30] =	vst v63  }
0x12e: {  	s28 =	rddreg [dreg:$0x5]  }
0x12f: {  	[hbm4b:s28+s19] =	stream.linear.scatter [tilespmem:s2], [sflag:$0x7], $0x2580, $0x38;
	[tilespmem:$0x1EC30] =	vst v63  }
0x130: {  	_ =	swait.ge [sflag:s10], $0x9600  }
0x131: {  	[sflag:s10] =	ssyncset.done $0x0  }
0x132: {  	[sflag:s10] =	ssyncadd.s32 $0xFFFF6A00  }
0x133: {  	_ =	swait.ge [sflag:s11], $0x2580  }
0x134: {  	s29 =	sadd.s32 $0x1, s29;
	s30 =	rddreg [dreg:$0x15]  }
0x135: {  	p0 =	sne.s32 s29, s30  }
.Ltmp2:
0x136: {  	_ = 	snop;
	(pc) =	sbr.rel @p0 .LBB2_1-.Ltmp2, $3  }
0x137: {  	_ =	sdelay $0x1  }
0x138: {  	[sflag:s11] =	ssyncset.done $0x0  }
0x139: {  	[sflag:s11] =	ssyncadd.s32 $0xFFFFDA80  }
0x13a: {  	_ =	sfence.sel $0x180000  }
0x13b: {  	[bflag:$0x0] =	sbarrier.arrive $0xFFFF  }
0x13c: {  	_ =	strace $0x90000053  }
0x13d: {  	s0 =	stileid.u32;
	[bflag:$0x2] =	sbarrier.arrive $0xFFFF  }
0x13e: {  	p0 =	sne.s32 s0, $0x0;
	s0 =	rddreg [dreg:$0x1]  }
0x13f: {  	s0 =	sadd.s32 @!p0 $0x100000, s0  }
0x140: {  	[sflag:s0] =	ssyncadd.tile.s32 @!p0 $0x1;
	_ =	shalt  }
.Lfunc_end2:
_tile_overlayer_lowered:
.L_overlay_start_2:
0x141: {  	(tag) =	ssettag $0x2  }
0x142: {  	s0 =	rddreg [dreg:$0x0];
	s2 =	stileid.u32  }
0x143: {  	s1 =	rddreg [dreg:$0x1];
	p0 =	sne.s32 s2, $0x0  }
0x144: {  	s3 =	rddreg [dreg:$0x2];
	[bflag:$0x3] =	sbarrier.arrive $0xFFFF;
	s2 =	simm.s32 @!p0 $0x1C09  }
0x145: {  	[timem:s3], [sflag:s2] =	dma.local @!p0 [hbm:s0], s1  }
0x146: {  	s0 =	simm.s32 @!p0 $0x9  }
0x147: {  	_ =	swait.ge @!p0 [sflag:s0], s1  }
0x148: {  	s1 =	ssub.s32 @!p0 $0x0, s1;
	[sflag:s0] =	ssyncset.done @!p0 $0x0  }
0x149: {  	[sflag:s0] =	ssyncadd.s32 @!p0 s1  }
0x14a: {  	[bflag:$0x3] =	sbarrier.arrive $0xFFFF  }
0x14b: {  	_ =	shalt  }

// kernel: kernel.21.cloned.1.call-start
scs
__scs_entry_jumppad:
0x0: {  	(pc) =	sbr.rel $0x88, $3  }
0x1: {  	(tag) =	ssettag $0x0;
	lr =	simm.s32 $0x1  }
0x2: {  	[smem:$0x3F7D] =	sst lr;
	_ =	strace $0xD0000000  }
0x3: {  	_ = 	snop  }
0x4: {  	_ = 	snop  }
0x5: {  	_ = 	snop  }
0x6: {  	_ = 	snop  }
0x7: {  	_ = 	snop  }
__scs_overlays_trampoline_lowered:
0x8: {  	[smem:$0x3F8C] =	sst s0  }
0x9: {  	[smem:$0x3F8D] =	sst s1  }
0xa: {  	[smem:$0x3F8E] =	sst s2  }
0xb: {  	[smem:$0x3F8F] =	sst s3  }
0xc: {  	[smem:$0x3F90] =	sst s4  }
0xd: {  	[smem:$0x3F91] =	sst s5  }
0xe: {  	[smem:$0x3F92] =	sst s6  }
0xf: {  	[smem:$0x3F93] =	sst s7  }
0x10: {  	[smem:$0x3F94] =	sst s8  }
0x11: {  	[smem:$0x3F95] =	sst s9;
	s0 =	simm.s32 @!p0 $0x0  }
0x12: {  	s1 =	sld [smem:$0x3F7B];
	s0 =	simm.s32 @p0 $0x1  }
0x13: {  	[smem:$0x3F96] =	sst s0;
	s0 =	simm.s32 @!p1 $0x0  }
0x14: {  	s2 =	sld [smem:$0x3F7A];
	s0 =	simm.s32 @p1 $0x1  }
0x15: {  	[smem:$0x3F97] =	sst s0;
	s0 =	simm.s32 @!p2 $0x0  }
0x16: {  	s3 =	sld [smem:$0x3FDB];
	s0 =	simm.s32 @p2 $0x1  }
0x17: {  	s4 =	simm.s32 $0x1BF5;
	[smem:$0x3F99] =	sst s0  }
0x18: {  	s0 =	sld [smem:$0x3F7C];
	_ =	swait.ge [sflag:s4], $0x0  }
0x19: {  	s7 =	sld [smem:$0x3F7D]  }
0x1a: {  	s8 =	sadd.s32 $0xFFFFE003, lr  }
0x1b: {  	s9 =	sadd.s32 $0xFFFFFEF7, lr;
	s5 =	simm.s32 $0xFFFFFFFF;
	p2 =	slt.u32 s8, $0xFFFFF086  }
0x1c: {  	p1 =	slt.u32 s9, $0xF7A;
	s5 =	simm.s32 @!p2 $0x0  }
0x1d: {  	s5 =	simm.s32 @p1 $0x1;
	p0 =	seq.s32 s7, s2  }
0x1e: {  	s7 =	smul.u32 @!p0 $0xF7A, s2;
	p2 =	seq.s32 @!p0 s5, $0x0  }
0x1f: {  	s9 =	smul.u32 $0xF7A, s1;
	s8 =	simm.s32 @!p0 $0x1BF5;
	p2 =	por !p2, p0  }
0x20: {  	[sflag:s8] =	ssyncset.s32 @!p0 $0xFFFFF086;
	s6 =	sadd.s32 @!p0 s3, s7;
	s7 =	simm.s32 @!p0 $0x108  }
0x21: {  	s3 =	sadd.s32 s3, s9;
	s6 =	sadd.s32 @!p0 $0x88, s6;
	s7 =	simm.s32 @p2 $0x1082  }
0x22: {  	[simem:s7], [sflag:s8] =	dma.local @!p0 [hbm:s6], $0xF7A  }
0x23: {  	s9 =	sor.u32 $0xD0000000, s2;
	s6 =	simm.s32 $0x108;
	_ =	swait.ge @!p0 [sflag:s8], $0x0  }
0x24: {  	s3 =	sadd.s32 $0x88, s3;
	s6 =	simm.s32 @!p1 $0x1082;
	[sflag:s4] =	ssyncset.s32 $0xFFFFF086  }
0x25: {  	[simem:s6], [sflag:s4] =	dma.local [hbm:s3], $0xF7A  }
0x26: {  	[smem:$0x3F7D] =	sst s1;
	(tag) =	ssettag s2;
	_ =	strace s9  }
0x27: {  	s1 =	sld [smem:$0x3F8D]  }
0x28: {  	s2 =	sld [smem:$0x3F8E]  }
0x29: {  	s4 =	sld [smem:$0x3F90]  }
0x2a: {  	p0 =	seq.s32 s5, $0x0;
	s5 =	sld [smem:$0x3F91]  }
0x2b: {  	s6 =	sld [smem:$0x3F92]  }
0x2c: {  	s7 =	sld [smem:$0x3F93]  }
0x2d: {  	s3 =	simm.s32 $0x108;
	s8 =	sld [smem:$0x3F94]  }
0x2e: {  	s3 =	simm.s32 @!p0 $0x1082;
	s9 =	sld [smem:$0x3F95]  }
0x2f: {  	lr =	sadd.s32 s0, s3;
	s0 =	sld [smem:$0x3F8C]  }
0x30: {  	s3 =	sld [smem:$0x3F8F]  }
0x31: {  	[smem:$0x3F98] =	sst s10  }
0x32: {  	s10 =	sld [smem:$0x3F96];
	_ =	sdelay $0x3  }
0x33: {  	p0 =	seq.s32 s10, $0x1;
	s10 =	sld [smem:$0x3F98];
	_ =	sdelay $0x3  }
0x34: {  	[smem:$0x3F98] =	sst s10  }
0x35: {  	s10 =	sld [smem:$0x3F97];
	_ =	sdelay $0x3  }
0x36: {  	p1 =	seq.s32 s10, $0x1;
	s10 =	sld [smem:$0x3F98];
	_ =	sdelay $0x3  }
0x37: {  	[smem:$0x3F98] =	sst s10  }
0x38: {  	s10 =	sld [smem:$0x3F99]  }
0x39: {  	_ = 	snop;
	(pc) =	sbr.ind lr, $3  }
0x3a: {  	_ = 	snop  }
0x3b: {  	_ = 	snop  }
0x3c: {  	p2 =	seq.s32 s10, $0x1;
	s10 =	sld [smem:$0x3F98]  }
0x3d: {  	_ =	shalt  }
0x3e: {  	_ =	shalt  }
0x3f: {  	_ =	shalt  }
0x40: {  	_ =	shalt  }
0x41: {  	_ =	shalt  }
0x42: {  	_ =	shalt  }
0x43: {  	_ =	shalt  }
0x44: {  	_ =	shalt  }
0x45: {  	_ =	shalt  }
0x46: {  	_ =	shalt  }
0x47: {  	_ =	shalt  }
0x48: {  	_ =	shalt  }
0x49: {  	_ =	shalt  }
0x4a: {  	_ =	shalt  }
0x4b: {  	_ =	shalt  }
0x4c: {  	_ =	shalt  }
0x4d: {  	_ =	shalt  }
0x4e: {  	_ =	shalt  }
0x4f: {  	_ =	shalt  }
0x50: {  	_ =	shalt  }
0x51: {  	_ =	shalt  }
0x52: {  	_ =	shalt  }
0x53: {  	_ =	shalt  }
0x54: {  	_ =	shalt  }
0x55: {  	_ =	shalt  }
0x56: {  	_ =	shalt  }
0x57: {  	_ =	shalt  }
0x58: {  	_ =	shalt  }
0x59: {  	_ =	shalt  }
0x5a: {  	_ =	shalt  }
0x5b: {  	_ =	shalt  }
0x5c: {  	_ =	shalt  }
0x5d: {  	_ =	shalt  }
0x5e: {  	_ =	shalt  }
0x5f: {  	_ =	shalt  }
0x60: {  	_ =	shalt  }
0x61: {  	_ =	shalt  }
0x62: {  	_ =	shalt  }
0x63: {  	_ =	shalt  }
0x64: {  	_ =	shalt  }
0x65: {  	_ =	shalt  }
0x66: {  	_ =	shalt  }
0x67: {  	_ =	shalt  }
0x68: {  	_ =	shalt  }
0x69: {  	_ =	shalt  }
0x6a: {  	_ =	shalt  }
0x6b: {  	_ =	shalt  }
0x6c: {  	_ =	shalt  }
0x6d: {  	_ =	shalt  }
0x6e: {  	_ =	shalt  }
0x6f: {  	_ =	shalt  }
0x70: {  	_ =	shalt  }
0x71: {  	_ =	shalt  }
0x72: {  	_ =	shalt  }
0x73: {  	_ =	shalt  }
0x74: {  	_ =	shalt  }
0x75: {  	_ =	shalt  }
0x76: {  	_ =	shalt  }
0x77: {  	_ =	shalt  }
0x78: {  	_ =	shalt  }
0x79: {  	_ =	shalt  }
0x7a: {  	_ =	shalt  }
0x7b: {  	_ =	shalt  }
0x7c: {  	_ =	shalt  }
0x7d: {  	_ =	shalt  }
0x7e: {  	_ =	shalt  }
0x7f: {  	_ =	shalt  }
0x80: {  	_ =	shalt  }
0x81: {  	_ =	shalt  }
0x82: {  	_ =	shalt  }
0x83: {  	_ =	shalt  }
0x84: {  	_ =	shalt  }
0x85: {  	_ =	shalt  }
0x86: {  	_ =	shalt  }
0x87: {  	_ =	shalt  }
.Lfunc_end0:
.L_simem_size_0:
called_computation.5_lowered:
.L_overlay_start_0:
0x88: {  	s2 =	sld [smem:$0x3FD9]  }
0x89: {  	s3 =	sld [smem:$0x3FFE];
	_ =	sdelay $0x1  }
0x8a: {  	s1 =	srdreg.scid  }
0x8b: {  	s0 =	sand.u32 $0x1, s1  }
0x8c: {  	s16 =	sshll.u32 s0, $0xA;
	s2 =	sadd.s32 s3, s2  }
0x8d: {  	s2 =	sadd.s32 s2, s16  }
0x8e: {  	[smem:$0x3FA4] =	sst s2  }
0x8f: {  	_ = 	snop  }
0x90: {  	(tm) =	ssettm $0x1  }
0x91: {  	s17 =	sld [smem:$0x3FFB];
	_ =	sdelay $0x3  }
0x92: {  	_ =	strace s17  }
0x93: {  	s2 =	sld [smem:$0x3FFC];
	_ =	sdelay $0x3  }
0x94: {  	_ =	strace s2  }
0x95: {  	s2 =	sld [smem:$0x3FFD];
	_ =	sdelay $0x3  }
0x96: {  	_ =	strace s2  }
0x97: {  	_ =	strace $0x8FFFFFFF  }
0x98: {  	s18 =	sld [smem:$0x3FDB];
	_ =	sdelay $0x1  }
0x99: {  	s19 =	simm.s32 $_scs_section_size  }
0x9a: {  	s4 =	simm.s32 $_size__tile_overlayer_lowered;
	s5 =	simm.s32 $_tile_overlayer_lowered  }
0x9b: {  	s22 =	simm.s32 $0x1BFF;
	s21 =	sshll.u32 s5, $0x1;
	s2 =	sadd.s32 s19, s18  }
0x9c: {  	s6 =	simm.s32 $0x0;
	s20 =	sshll.u32 s4, $0x1;
	s4 =	sadd.s32 s21, s2  }
0x9d: {  	[timem:s6], [sflag:s22] =	dma.local [hbm:s4], s20  }
0x9e: {  	_ =	swait.ge [sflag:s22], s20  }
0x9f: {  	s3 =	ssub.s32 $0x0, s20;
	[sflag:s22] =	ssyncset.done $0x0  }
0xa0: {  	[sflag:s22] =	ssyncadd.s32 s3;
	_ =	sdelay $0x1  }
0xa1: {  	s23 =	simm.s32 $0x1B8B  }
0xa2: {  	_ =	swait.ge [sflag:s23], $0x1  }
0xa3: {  	[sflag:s23] =	ssyncset.done $0x0  }
0xa4: {  	s25 =	simm.s32 $0x1B8E;
	s24 =	sld [smem:$0x3FFE];
	[sflag:s23] =	ssyncadd.s32 $0xFFFFFFFF  }
0xa5: {  	s26 =	simm.s32 $execute0_lowered;
	[smem:$0x3FD2] =	sst s25  }
0xa6: {  	s4 =	sshll.u32 s26, $0x1;
	_ =	strace $0x80000055;
	[dreg:$0x1] =	wrdreg $0xFFFFFFFF  }
0xa7: {  	s28 =	simm.s32 $_size_execute0_lowered;
	s2 =	sadd.s32 s2, s4;
	[dreg:$0x0] =	wrdreg $0x0  }
0xa8: {  	s4 =	sshll.u32 s28, $0x1;
	[dreg:$0x2] =	wrdreg s2  }
0xa9: {  	[dreg:$0x3] =	wrdreg s4  }
0xaa: {  	[dreg:$0x4] =	wrdreg $0xC0  }
0xab: {  	_ =	task [dreg:s6], $0x5FFFF  }
0xac: {  	[dreg:$0x1] =	wrdreg $0xFFFFFFFF  }
0xad: {  	[dreg:$0x0] =	wrdreg $0x60  }
0xae: {  	[dreg:$0x2] =	wrdreg s24  }
0xaf: {  	[dreg:$0x3] =	wrdreg $0x0  }
0xb0: {  	[dreg:$0x4] =	wrdreg $0x138800  }
0xb1: {  	[dreg:$0x5] =	wrdreg $0x9  }
0xb2: {  	_ =	task.clear_ibuf [dreg:s6], $0x6FFFF;
	_ =	strace $0x90000055  }
0xb3: {  	s29 =	simm.s32 $0x9;
	_ =	strace $0x80000057  }
0xb4: {  	_ =	swait.ge [sflag:s29], $0x1  }
0xb5: {  	[sflag:s29] =	ssyncadd.s32 $0xFFFFFFFF  }
0xb6: {  	_ =	strace $0x90000057  }
0xb7: {  	_ =	sfence  }
0xb8: {  	s30 =	sld [smem:$0x0];
	_ =	sdelay $0x2  }
0xb9: {  	s31 =	sshll.u32 s1, $0xD;
	s1 =	sshrl.u32 s1, $0x2  }
0xba: {  	s3 =	sand.u32 $0x4000, s31;
	s1 =	sadd.s32 s1, s30  }
0xbb: {  	s0 =	sor.u32 s3, s0;
	s1 =	sshll.u32 s1, $0x11  }
0xbc: {  	s0 =	sor.u32 s1, s0  }
0xbd: {  	s0 =	sadd.s32 $0x8F2B, s0  }
0xbe: {  	[sflag:s0] =	ssyncadd.remote.s32 $0x1  }
0xbf: {  	_ =	sfence.sel $0xFFFF  }
0xc0: {  	[dreg:$0x0] =	wrdreg $0xFFFFFFFF;
	(pc) =	sbr.abs _section_cstart, $3  }
0xc1: {  	[dreg:$0x1] =	wrdreg $0xFFFFFFFF  }
0xc2: {  	_ =	task.clear_ibuf [dreg:s6], $0x2FFFF;
	_ =	strace $0x9FFFFFFF  }
0xc3: {  	(tm) =	ssettm $0x7FFFFFFF  }
tec
execute0_lowered:
.L_overlay_start_1:
0x0: {  	(tag) =	ssettag $0x1  }
0x1: {  	s0 =	rddreg [dreg:$0x0]  }
0x2: {  	s2 =	rddreg [dreg:$0x1]  }
0x3: {  	s3 =	rddreg [dreg:$0x2];
	s4 =	simm.s32 $0x0;
	s21 =	stileid.u32  }
0x4: {  	s6 =	srdreg.scid;
	s29 =	simm.s32 $0x5;
	s1 =	smul.u32 $0x13880, s21  }
0x5: {  	s30 =	simm.s32 $0x1B990;
	s31 =	simm.s32 $0x15F90;
	s5 =	smul.u32 $0x2710, s21  }
0x6: {  	s28 =	simm.s32 $0x1B490;
	s8 =	sadd.s32 $0x27CF400, s0;
	s7 =	smul.u32 $0x271, s21  }
0x7: {  	[smem:$0x7FF] =	sst s4;
	s11 =	sadd.s32 $0x1A9A00, s0;
	s19 =	smul.u32 $0x4E20, s21  }
0x8: {  	s6 =	sand.u32 $0x1, s6;
	s12 =	sadd.s32 $0x107C00, s0;
	s23 =	smul.u32 $0x4E200, s21  }
0x9: {  	s14 =	sadd.s32 $0x102C00, s0;
	s22 =	sshll.u32 s21, $0x6;
	s25 =	smul.u32 $0x9C40, s21  }
0xa: {  	_ =	strace $0x80000056;
	s9 =	smul.u32 $0x2710, s6;
	s10 =	sxor.u32 $0x1, s6  }
0xb: {  	s26 =	ssub.s32 $0x2, s6;
	p0 =	seq.s32 s6, $0x1;
	s13 =	sshrl.u32 s1, $0x3  }
0xc: {  	s10 =	smul.u32 $0x2710, s10;
	s16 =	sshrl.u32 s5, $0x3;
	s18 =	sshrl.u32 s26, $0x1  }
0xd: {  	s1 =	sadd.s32 s1, s2;
	s24 =	sadd.s32 s5, s3;
	s6 =	sshrl.u32 s19, $0x3  }
0xe: {  	s5 =	sshll.u32 s5, $0x4;
	s13 =	sadd.s32 s13, s0;
	s15 =	sadd.s32 s16, s0  }
0xf: {  	s9 =	sadd.s32 s7, s9;
	s18 =	ssub.s32 s26, s18;
	[dreg:$0x4] =	wrdreg s1  }
0x10: {  	[dreg:$0x6] =	wrdreg s24;
	s1 =	sadd.s32 $0x50, s19;
	s26 =	smul.u32 $0x27100, s21  }
0x11: {  	s5 =	sadd.s32 s8, s5;
	s24 =	smul.u32 $0x9C4, s21;
	s6 =	sadd.s32 s12, s6  }
0x12: {  	s7 =	sadd.s32 s7, s10;
	s9 =	sshll.u32 s9, $0x4;
	s20 =	sadd.s32 $0x83A00, s13  }
0x13: {  	s13 =	sshrl.u32 s1, $0x3;
	s19 =	sshll.u32 s1, $0x4;
	s1 =	sshll.u32 s1, $0x1  }
0x14: {  	s10 =	sadd.s32 s11, s25;
	[dreg:$0x9] =	wrdreg s6;
	s5 =	sadd.s32 $0x4E2000, s5  }
0x15: {  	s7 =	sshll.u32 s7, $0x1;
	s17 =	sadd.s32 s9, s0;
	[dreg:$0x5] =	wrdreg s20  }
0x16: {  	s9 =	sadd.s32 s8, s23;
	s20 =	smul.u32 $0x138800, s21;
	s1 =	sadd.s32 s11, s1  }
0x17: {  	s25 =	sadd.s32 s12, s13;
	s12 =	sadd.s32 s24, s12;
	[dreg:$0xc] =	wrdreg s5  }
0x18: {  	s0 =	sadd.s32 s7, s0;
	s7 =	sor.u32 $0x1C05, s22;
	[dreg:$0x7] =	wrdreg s1  }
0x19: {  	s22 =	sadd.s32 s8, s19;
	s1 =	sadd.s32 s26, s8;
	[dreg:$0xa] =	wrdreg s25  }
0x1a: {  	s26 =	sadd.s32 s14, s16;
	s24 =	sadd.s32 $0x1E, s12;
	s12 =	simm.s32 $0x50  }
0x1b: {  	[dreg:$0x8] =	wrdreg s22;
	s23 =	sshrl.u32 s20, $0x3;
	s20 =	sadd.s32 $0x117000, s15  }
0x1c: {  	s15 =	smul.u32 $0x4E2, s21;
	s19 =	sadd.s32 $0x11D000, s0;
	s22 =	sadd.s32 $0x4E2F00, s1  }
0x1d: {  	s25 =	sadd.s32 $0xA, s26;
	[dreg:$0xb] =	wrdreg s26;
	s26 =	sadd.s32 $0x4D8, s26  }
0x1e: {  	s0 =	simm.s32 $0x1B9E0;
	s11 =	sadd.s32 s8, s23;
	[dreg:$0x10] =	wrdreg s22  }
0x1f: {  	s23 =	sadd.s32 $0xAAC00, s17;
	s17 =	sadd.s32 $0x508C00, s1;
	[dreg:$0x11] =	wrdreg s25  }
.Ltmp0:
0x20: {  	[dreg:$0x12] =	wrdreg s26;
	s1 =	simm.s32 $0x18790;
	(pc) =	sbr.rel .LBB2_1-.Ltmp0, $4  }
0x21: {  	s22 =	simm.s32 $0x4;
	s26 =	simm.s32 $0x1AF90;
	s16 =	sadd.s32 $0x4E2500, s11  }
0x22: {  	s21 =	sadd.s32 s15, s14;
	[dreg:$0xe] =	wrdreg s17;
	s14 =	smax.u32 s18, $0x1  }
0x23: {  	s11 =	simm.s32 $0x1;
	s17 =	simm.s32 $0x2;
	[dreg:$0xd] =	wrdreg s16  }
0x24: {  	s18 =	simm.s32 $0x3;
	s16 =	simm.s32 $0x0;
	[dreg:$0xf] =	wrdreg s14  }
.LBB2_9:
0x25: {  	[tilespmem:s28], [sflag:$0x2] =	stream.linear.gather [hbm4b:s25+s4], $0x500, $0x38;
	[tilespmem:$0x1BA30] =	vst v63  }
0x26: {  	_ =	swait.ge [sflag:s11], $0x50  }
0x27: {  	[sflag:s11] =	ssyncset.done $0x0  }
0x28: {  	[sflag:s11] =	ssyncadd.s32 $0xFFFFFFB0  }
0x29: {  	_ =	swait.ge [sflag:s11], $0x500  }
0x2a: {  	[sflag:s11] =	ssyncset.done $0x0  }
0x2b: {  	[sflag:s11] =	ssyncadd.s32 $0xFFFFFB00  }
0x2c: {  	[spmem:s3] =	stream.indirect.scatter.add.f32 [tilespmem:s26], [sflag:$0x3], $0x10, s30, s12, $0xb8;
	[tilespmem:$0x1BA30] =	vst v63  }
0x2d: {  	_ =	swait.ge [sflag:s17], $0x50  }
0x2e: {  	[sflag:s17] =	ssyncset.done $0x0  }
0x2f: {  	[sflag:s17] =	ssyncadd.s32 $0xFFFFFFB0  }
0x30: {  	_ =	swait.ge [sflag:s17], $0x500  }
0x31: {  	[sflag:s17] =	ssyncset.done $0x0  }
0x32: {  	[sflag:s17] =	ssyncadd.s32 $0xFFFFFB00  }
0x33: {  	[spmem:s3] =	stream.indirect.scatter.add.f32 [tilespmem:s28], [sflag:$0x4], $0x10, s0, s12, $0xb8;
	[tilespmem:$0x1BA30] =	vst v63  }
0x34: {  	_ =	swait.ge [sflag:s18], $0x500  }
0x35: {  	[sflag:s18] =	ssyncset.done $0x0  }
0x36: {  	[sflag:s18] =	ssyncadd.s32 $0xFFFFFB00  }
0x37: {  	_ =	swait.ge [sflag:s22], $0x500  }
0x38: {  	[sflag:s22] =	ssyncset.done $0x0  }
0x39: {  	s19 =	smov.u32 s14;
	s14 =	rddreg [dreg:$0xf];
	[sflag:s22] =	ssyncadd.s32 $0xFFFFFB00  }
.LBB2_10:
0x3a: {  	[bflag:$0x0] =	sbarrier.arrive $0xFFFF  }
0x3b: {  	[hbm:s23], [sflag:s7] =	dma.local [spmem:s5], $0x2710  }
0x3c: {  	s16 =	sadd.s32 $0x1, s16;
	_ =	swait.ge [sflag:s29], $0x2710  }
0x3d: {  	p1 =	sne.s32 s16, s14;
	[sflag:s29] =	ssyncset.done $0x0  }
.Ltmp1:
0x3e: {  	[sflag:s29] =	ssyncadd.s32 $0xFFFFD8F0;
	(pc) =	sbr.rel @!p1 .LBB2_11-.Ltmp1, $4  }
0x3f: {  	[hbm:s19], [sflag:s7] =	dma.local [spmem:s6], $0x4E2  }
0x40: {  	_ =	swait.ge [sflag:s29], $0x4E2  }
0x41: {  	[sflag:s29] =	ssyncset.done $0x0  }
0x42: {  	[sflag:s29] =	ssyncadd.s32 $0xFFFFFB1E  }
.LBB2_1:
0x43: {  	s5 =	rddreg [dreg:$0x4]  }
0x44: {  	s6 =	rddreg [dreg:$0x5];
	s5 =	sshrl.u32 s5, $0x3  }
0x45: {  	[spmem:s5], [sflag:s7] =	dma.local [hbm:s6], $0x2710  }
0x46: {  	_ =	swait.ge [sflag:s29], $0x2710  }
0x47: {  	[sflag:s29] =	ssyncset.done $0x0;
	s25 =	rddreg [dreg:$0x6]  }
0x48: {  	[sflag:s29] =	ssyncadd.s32 $0xFFFFD8F0;
	s6 =	sshrl.u32 s25, $0x3  }
0x49: {  	[spmem:s6], [sflag:s7] =	dma.local [hbm:s20], $0x4E2  }
.Ltmp2:
0x4a: {  	_ =	swait.ge [sflag:s29], $0x4E2;
	(pc) =	sbr.rel @!p0 .LBB2_2-.Ltmp2, $3  }
0x4b: {  	[sflag:s29] =	ssyncset.done $0x0  }
0x4c: {  	[sflag:s29] =	ssyncadd.s32 $0xFFFFFB1E  }
0x4d: {  	[bflag:$0x0] =	sbarrier.arrive $0xFFFF;
	_ =	sdelay $0x1  }
0x4e: {  	s8 =	simm.s32 $0x0;
	s13 =	rddreg [dreg:$0xb]  }
0x4f: {  	[tilespmem:s30], [sflag:$0x1] =	stream.linear.gather [hbm4b:s13+s8], $0x50, $0x38;
	[tilespmem:$0x1BA30] =	vst v63  }
0x50: {  	s15 =	rddreg [dreg:$0xc]  }
0x51: {  	[tilespmem:s31], [sflag:$0x1] =	stream.linear.gather [hbm4b:s15+s8], $0x2800, $0x38;
	[tilespmem:$0x1BA30] =	vst v63  }
0x52: {  	s14 =	smov.u32 s19;
	s19 =	rddreg [dreg:$0x11]  }
0x53: {  	[tilespmem:s0], [sflag:$0x2] =	stream.linear.gather [hbm4b:s19+s8], $0x50, $0x38;
	[tilespmem:$0x1BA30] =	vst v63  }
0x54: {  	s25 =	rddreg [dreg:$0xd]  }
0x55: {  	[tilespmem:s1], [sflag:$0x2] =	stream.linear.gather [hbm4b:s25+s8], $0x2800, $0x38;
	[tilespmem:$0x1BA30] =	vst v63  }
0x56: {  	_ =	swait.ge [sflag:s11], $0x50  }
0x57: {  	[sflag:s11] =	ssyncset.done $0x0  }
0x58: {  	[sflag:s11] =	ssyncadd.s32 $0xFFFFFFB0  }
0x59: {  	_ =	swait.ge [sflag:s11], $0x2800  }
0x5a: {  	[sflag:s11] =	ssyncset.done $0x0  }
0x5b: {  	[sflag:s11] =	ssyncadd.s32 $0xFFFFD800  }
0x5c: {  	[spmem:s2] =	stream.indirect.scatter.add.f32 [tilespmem:s31], [sflag:$0x3], $0x80, s30, s12, $0xb8;
	[tilespmem:$0x1BA30] =	vst v63  }
0x5d: {  	_ =	swait.ge [sflag:s17], $0x50  }
0x5e: {  	[sflag:s17] =	ssyncset.done $0x0  }
0x5f: {  	[sflag:s17] =	ssyncadd.s32 $0xFFFFFFB0  }
0x60: {  	_ =	swait.ge [sflag:s17], $0x2800  }
0x61: {  	[sflag:s17] =	ssyncset.done $0x0  }
0x62: {  	[sflag:s17] =	ssyncadd.s32 $0xFFFFD800  }
0x63: {  	[spmem:s2] =	stream.indirect.scatter.add.f32 [tilespmem:s1], [sflag:$0x4], $0x80, s0, s12, $0xb8;
	[tilespmem:$0x1BA30] =	vst v63  }
0x64: {  	_ =	swait.ge [sflag:s18], $0x2800  }
0x65: {  	s8 =	sadd.s32 $0x0, s21;
	[sflag:s18] =	ssyncset.done $0x0  }
0x66: {  	s15 =	sadd.s32 $0x14, s8;
	s25 =	rddreg [dreg:$0x10];
	[sflag:s18] =	ssyncadd.s32 $0xFFFFD800  }
0x67: {  	[tilespmem:s30], [sflag:$0x1] =	stream.linear.gather [hbm4b:s15+s4], $0x50, $0x38;
	[tilespmem:$0x1BA30] =	vst v63  }
0x68: {  	s19 =	sadd.s32 $0xFFFFFB00, s25  }
0x69: {  	[tilespmem:s31], [sflag:$0x1] =	stream.linear.gather [hbm4b:s19+s4], $0x2800, $0x38;
	[tilespmem:$0x1BA30] =	vst v63  }
0x6a: {  	_ =	swait.ge [sflag:s22], $0x2800  }
0x6b: {  	[sflag:s22] =	ssyncset.done $0x0  }
0x6c: {  	s8 =	sadd.s32 $0x1E, s8;
	[sflag:s22] =	ssyncadd.s32 $0xFFFFD800  }
0x6d: {  	[tilespmem:s0], [sflag:$0x2] =	stream.linear.gather [hbm4b:s8+s4], $0x50, $0x38;
	[tilespmem:$0x1BA30] =	vst v63  }
0x6e: {  	s13 =	sadd.s32 $0xA00, s25;
	s8 =	simm.s32 $0x14  }
.LBB2_6:
0x6f: {  	[tilespmem:s1], [sflag:$0x2] =	stream.linear.gather [hbm4b:s25+s4], $0x2800, $0x38;
	[tilespmem:$0x1BA30] =	vst v63  }
0x70: {  	s15 =	smov.u32 s8;
	s25 =	smov.u32 s13  }
0x71: {  	p1 =	sne.s32 s8, $0x4B0;
	s8 =	sadd.s32 $0x14, s8;
	_ =	swait.ge [sflag:s11], $0x50  }
0x72: {  	[sflag:s11] =	ssyncset.done $0x0  }
0x73: {  	[sflag:s11] =	ssyncadd.s32 $0xFFFFFFB0  }
0x74: {  	_ =	swait.ge [sflag:s11], $0x2800  }
0x75: {  	[sflag:s11] =	ssyncset.done $0x0  }
0x76: {  	[sflag:s11] =	ssyncadd.s32 $0xFFFFD800  }
0x77: {  	[spmem:s2] =	stream.indirect.scatter.add.f32 [tilespmem:s31], [sflag:$0x3], $0x80, s30, s12, $0xb8;
	[tilespmem:$0x1BA30] =	vst v63  }
0x78: {  	_ =	swait.ge [sflag:s17], $0x50  }
0x79: {  	[sflag:s17] =	ssyncset.done $0x0  }
0x7a: {  	[sflag:s17] =	ssyncadd.s32 $0xFFFFFFB0  }
0x7b: {  	_ =	swait.ge [sflag:s17], $0x2800  }
0x7c: {  	[sflag:s17] =	ssyncset.done $0x0  }
0x7d: {  	[sflag:s17] =	ssyncadd.s32 $0xFFFFD800  }
0x7e: {  	[spmem:s2] =	stream.indirect.scatter.add.f32 [tilespmem:s1], [sflag:$0x4], $0x80, s0, s12, $0xb8;
	[tilespmem:$0x1BA30] =	vst v63  }
0x7f: {  	_ =	swait.ge [sflag:s18], $0x2800  }
0x80: {  	s15 =	sadd.s32 s15, s21;
	[sflag:s18] =	ssyncset.done $0x0  }
0x81: {  	s19 =	sadd.s32 $0x14, s15;
	[sflag:s18] =	ssyncadd.s32 $0xFFFFD800  }
0x82: {  	[tilespmem:s30], [sflag:$0x1] =	stream.linear.gather [hbm4b:s19+s4], $0x50, $0x38;
	[tilespmem:$0x1BA30] =	vst v63  }
0x83: {  	s19 =	sadd.s32 $0xFFFFFB00, s13  }
0x84: {  	[tilespmem:s31], [sflag:$0x1] =	stream.linear.gather [hbm4b:s19+s4], $0x2800, $0x38;
	[tilespmem:$0x1BA30] =	vst v63  }
.Ltmp3:
0x85: {  	_ =	swait.ge [sflag:s22], $0x2800;
	(pc) =	sbr.rel @p1 .LBB2_6-.Ltmp3, $4  }
0x86: {  	[sflag:s22] =	ssyncset.done $0x0  }
0x87: {  	s15 =	sadd.s32 $0x1E, s15;
	[sflag:s22] =	ssyncadd.s32 $0xFFFFD800  }
0x88: {  	[tilespmem:s0], [sflag:$0x2] =	stream.linear.gather [hbm4b:s15+s4], $0x50, $0x38;
	[tilespmem:$0x1BA30] =	vst v63  }
0x89: {  	s13 =	sadd.s32 $0xA00, s13  }
0x8a: {  	[tilespmem:s1], [sflag:$0x2] =	stream.linear.gather [hbm4b:s25+s4], $0x2800, $0x38;
	[tilespmem:$0x1BA30] =	vst v63  }
0x8b: {  	_ =	swait.ge [sflag:s11], $0x50  }
0x8c: {  	[sflag:s11] =	ssyncset.done $0x0  }
0x8d: {  	[sflag:s11] =	ssyncadd.s32 $0xFFFFFFB0  }
0x8e: {  	_ =	swait.ge [sflag:s11], $0x2800  }
0x8f: {  	[sflag:s11] =	ssyncset.done $0x0  }
0x90: {  	[sflag:s11] =	ssyncadd.s32 $0xFFFFD800  }
0x91: {  	[spmem:s2] =	stream.indirect.scatter.add.f32 [tilespmem:s31], [sflag:$0x3], $0x80, s30, s12, $0xb8;
	[tilespmem:$0x1BA30] =	vst v63  }
0x92: {  	_ =	swait.ge [sflag:s17], $0x50  }
0x93: {  	[sflag:s17] =	ssyncset.done $0x0  }
0x94: {  	[sflag:s17] =	ssyncadd.s32 $0xFFFFFFB0  }
0x95: {  	_ =	swait.ge [sflag:s17], $0x2800  }
0x96: {  	[sflag:s17] =	ssyncset.done $0x0  }
0x97: {  	[sflag:s17] =	ssyncadd.s32 $0xFFFFD800  }
0x98: {  	[spmem:s2] =	stream.indirect.scatter.add.f32 [tilespmem:s1], [sflag:$0x4], $0x80, s0, s12, $0xb8;
	[tilespmem:$0x1BA30] =	vst v63  }
0x99: {  	_ =	swait.ge [sflag:s18], $0x2800  }
0x9a: {  	[sflag:s18] =	ssyncset.done $0x0  }
0x9b: {  	s8 =	simm.s32 $0x0;
	s13 =	rddreg [dreg:$0x12];
	[sflag:s18] =	ssyncadd.s32 $0xFFFFD800  }
0x9c: {  	[tilespmem:s30], [sflag:$0x1] =	stream.linear.gather [hbm4b:s13+s8], $0x50, $0x38;
	[tilespmem:$0x1BA30] =	vst v63  }
0x9d: {  	s25 =	rddreg [dreg:$0xe]  }
0x9e: {  	[tilespmem:s31], [sflag:$0x1] =	stream.linear.gather [hbm4b:s25+s8], $0x2800, $0x38;
	[tilespmem:$0x1BA30] =	vst v63  }
0x9f: {  	_ =	swait.ge [sflag:s22], $0x2800  }
0xa0: {  	[sflag:s22] =	ssyncset.done $0x0  }
0xa1: {  	[sflag:s22] =	ssyncadd.s32 $0xFFFFD800  }
0xa2: {  	_ =	swait.ge [sflag:s11], $0x50  }
0xa3: {  	[sflag:s11] =	ssyncset.done $0x0  }
0xa4: {  	[sflag:s11] =	ssyncadd.s32 $0xFFFFFFB0  }
0xa5: {  	_ =	swait.ge [sflag:s11], $0x2800  }
0xa6: {  	[sflag:s11] =	ssyncset.done $0x0  }
0xa7: {  	[sflag:s11] =	ssyncadd.s32 $0xFFFFD800  }
0xa8: {  	[spmem:s2] =	stream.indirect.scatter.add.f32 [tilespmem:s31], [sflag:$0x3], $0x80, s30, s12, $0xb8;
	[tilespmem:$0x1BA30] =	vst v63  }
0xa9: {  	_ =	swait.ge [sflag:s18], $0x2800  }
0xaa: {  	[sflag:s18] =	ssyncset.done $0x0  }
0xab: {  	s15 =	rddreg [dreg:$0x9];
	[sflag:s18] =	ssyncadd.s32 $0xFFFFD800  }
0xac: {  	[tilespmem:s30], [sflag:$0x1] =	stream.linear.gather [hbm4b:s15+s8], $0x50, $0x38;
	[tilespmem:$0x1BA30] =	vst v63  }
0xad: {  	_ = 	snop  }
0xae: {  	[tilespmem:s26], [sflag:$0x1] =	stream.linear.gather [hbm4b:s10+s8], $0x500, $0x38;
	[tilespmem:$0x1BA30] =	vst v63  }
0xaf: {  	s19 =	rddreg [dreg:$0xa]  }
0xb0: {  	[tilespmem:s0], [sflag:$0x2] =	stream.linear.gather [hbm4b:s19+s8], $0x50, $0x38;
	[tilespmem:$0x1BA30] =	vst v63  }
0xb1: {  	s25 =	rddreg [dreg:$0x7]  }
0xb2: {  	[tilespmem:s28], [sflag:$0x2] =	stream.linear.gather [hbm4b:s25+s8], $0x500, $0x38;
	[tilespmem:$0x1BA30] =	vst v63  }
0xb3: {  	_ =	swait.ge [sflag:s11], $0x50  }
0xb4: {  	[sflag:s11] =	ssyncset.done $0x0  }
0xb5: {  	[sflag:s11] =	ssyncadd.s32 $0xFFFFFFB0  }
0xb6: {  	_ =	swait.ge [sflag:s11], $0x500  }
0xb7: {  	[sflag:s11] =	ssyncset.done $0x0  }
0xb8: {  	[sflag:s11] =	ssyncadd.s32 $0xFFFFFB00  }
0xb9: {  	[spmem:s3] =	stream.indirect.scatter.add.f32 [tilespmem:s26], [sflag:$0x3], $0x10, s30, s12, $0xb8;
	[tilespmem:$0x1BA30] =	vst v63  }
0xba: {  	_ =	swait.ge [sflag:s17], $0x50  }
0xbb: {  	[sflag:s17] =	ssyncset.done $0x0  }
0xbc: {  	[sflag:s17] =	ssyncadd.s32 $0xFFFFFFB0  }
0xbd: {  	_ =	swait.ge [sflag:s17], $0x500  }
0xbe: {  	[sflag:s17] =	ssyncset.done $0x0  }
0xbf: {  	[sflag:s17] =	ssyncadd.s32 $0xFFFFFB00  }
0xc0: {  	[spmem:s3] =	stream.indirect.scatter.add.f32 [tilespmem:s28], [sflag:$0x4], $0x10, s0, s12, $0xb8;
	[tilespmem:$0x1BA30] =	vst v63  }
0xc1: {  	_ =	swait.ge [sflag:s18], $0x500  }
0xc2: {  	[sflag:s18] =	ssyncset.done $0x0  }
0xc3: {  	s15 =	sadd.s32 $0xFFFFFFF6, s24;
	s19 =	sadd.s32 $0x0, s10;
	[sflag:s18] =	ssyncadd.s32 $0xFFFFFB00  }
0xc4: {  	[tilespmem:s30], [sflag:$0x1] =	stream.linear.gather [hbm4b:s15+s4], $0x50, $0x38;
	[tilespmem:$0x1BA30] =	vst v63  }
0xc5: {  	s25 =	sadd.s32 $0x140, s19  }
0xc6: {  	[tilespmem:s26], [sflag:$0x1] =	stream.linear.gather [hbm4b:s25+s4], $0x500, $0x38;
	[tilespmem:$0x1BA30] =	vst v63  }
0xc7: {  	_ =	swait.ge [sflag:s22], $0x500  }
0xc8: {  	s13 =	sadd.s32 $0x14, s24;
	[sflag:s22] =	ssyncset.done $0x0  }
0xc9: {  	s8 =	simm.s32 $0x140;
	s25 =	sadd.s32 $0x1E0, s19;
	[sflag:s22] =	ssyncadd.s32 $0xFFFFFB00  }
0xca: {  	[tilespmem:s0], [sflag:$0x2] =	stream.linear.gather [hbm4b:s24+s4], $0x50, $0x38;
	[tilespmem:$0x1BA30] =	vst v63  }
.LBB2_8:
0xcb: {  	[tilespmem:s28], [sflag:$0x2] =	stream.linear.gather [hbm4b:s25+s4], $0x500, $0x38;
	[tilespmem:$0x1BA30] =	vst v63  }
0xcc: {  	s15 =	smov.u32 s8  }
0xcd: {  	p1 =	sne.s32 s8, $0x99C0;
	s8 =	sadd.s32 $0x140, s8;
	_ =	swait.ge [sflag:s11], $0x50  }
0xce: {  	[sflag:s11] =	ssyncset.done $0x0  }
0xcf: {  	[sflag:s11] =	ssyncadd.s32 $0xFFFFFFB0  }
0xd0: {  	_ =	swait.ge [sflag:s11], $0x500  }
0xd1: {  	[sflag:s11] =	ssyncset.done $0x0  }
0xd2: {  	[sflag:s11] =	ssyncadd.s32 $0xFFFFFB00  }
0xd3: {  	[spmem:s3] =	stream.indirect.scatter.add.f32 [tilespmem:s26], [sflag:$0x3], $0x10, s30, s12, $0xb8;
	[tilespmem:$0x1BA30] =	vst v63  }
0xd4: {  	_ =	swait.ge [sflag:s17], $0x50  }
0xd5: {  	[sflag:s17] =	ssyncset.done $0x0  }
0xd6: {  	[sflag:s17] =	ssyncadd.s32 $0xFFFFFFB0  }
0xd7: {  	_ =	swait.ge [sflag:s17], $0x500  }
0xd8: {  	[sflag:s17] =	ssyncset.done $0x0  }
0xd9: {  	[sflag:s17] =	ssyncadd.s32 $0xFFFFFB00  }
0xda: {  	[spmem:s3] =	stream.indirect.scatter.add.f32 [tilespmem:s28], [sflag:$0x4], $0x10, s0, s12, $0xb8;
	[tilespmem:$0x1BA30] =	vst v63  }
0xdb: {  	_ =	swait.ge [sflag:s18], $0x500  }
0xdc: {  	[sflag:s18] =	ssyncset.done $0x0  }
0xdd: {  	s19 =	sadd.s32 $0xFFFFFFF6, s13;
	s15 =	sadd.s32 s15, s10;
	[sflag:s18] =	ssyncadd.s32 $0xFFFFFB00  }
0xde: {  	[tilespmem:s30], [sflag:$0x1] =	stream.linear.gather [hbm4b:s19+s4], $0x50, $0x38;
	[tilespmem:$0x1BA30] =	vst v63  }
0xdf: {  	s19 =	sadd.s32 $0x140, s15  }
0xe0: {  	[tilespmem:s26], [sflag:$0x1] =	stream.linear.gather [hbm4b:s19+s4], $0x500, $0x38;
	[tilespmem:$0x1BA30] =	vst v63  }
.Ltmp4:
0xe1: {  	_ =	swait.ge [sflag:s22], $0x500;
	(pc) =	sbr.rel @p1 .LBB2_8-.Ltmp4, $4  }
0xe2: {  	[sflag:s22] =	ssyncset.done $0x0  }
0xe3: {  	[sflag:s22] =	ssyncadd.s32 $0xFFFFFB00  }
0xe4: {  	[tilespmem:s0], [sflag:$0x2] =	stream.linear.gather [hbm4b:s13+s4], $0x50, $0x38;
	[tilespmem:$0x1BA30] =	vst v63  }
0xe5: {  	s25 =	sadd.s32 $0x1E0, s15;
	s13 =	sadd.s32 $0x14, s13  }
.Ltmp5:
0xe6: {  	_ = 	snop;
	(pc) =	sbr.rel .LBB2_9-.Ltmp5, $1  }
0xe7: {  	_ =	sdelay $0x3  }
.LBB2_2:
0xe8: {  	s8 =	simm.s32 $0x0;
	s13 =	rddreg [dreg:$0x9]  }
0xe9: {  	[tilespmem:s30], [sflag:$0x1] =	stream.linear.gather [hbm4b:s13+s8], $0x50, $0x38;
	[tilespmem:$0x1BA30] =	vst v63  }
0xea: {  	_ = 	snop  }
0xeb: {  	[tilespmem:s31], [sflag:$0x1] =	stream.linear.gather [hbm4b:s9+s8], $0x2800, $0x38;
	[tilespmem:$0x1BA30] =	vst v63  }
0xec: {  	s15 =	rddreg [dreg:$0xa]  }
0xed: {  	[tilespmem:s0], [sflag:$0x2] =	stream.linear.gather [hbm4b:s15+s8], $0x50, $0x38;
	[tilespmem:$0x1BA30] =	vst v63  }
0xee: {  	s25 =	rddreg [dreg:$0x8]  }
0xef: {  	[tilespmem:s1], [sflag:$0x2] =	stream.linear.gather [hbm4b:s25+s8], $0x2800, $0x38;
	[tilespmem:$0x1BA30] =	vst v63  }
0xf0: {  	_ =	swait.ge [sflag:s11], $0x50  }
0xf1: {  	[sflag:s11] =	ssyncset.done $0x0  }
0xf2: {  	[sflag:s11] =	ssyncadd.s32 $0xFFFFFFB0  }
0xf3: {  	_ =	swait.ge [sflag:s11], $0x2800  }
0xf4: {  	[sflag:s11] =	ssyncset.done $0x0  }
0xf5: {  	[sflag:s11] =	ssyncadd.s32 $0xFFFFD800  }
0xf6: {  	[spmem:s2] =	stream.indirect.scatter.add.f32 [tilespmem:s31], [sflag:$0x3], $0x80, s30, s12, $0xb8;
	[tilespmem:$0x1BA30] =	vst v63  }
0xf7: {  	_ =	swait.ge [sflag:s17], $0x50  }
0xf8: {  	[sflag:s17] =	ssyncset.done $0x0  }
0xf9: {  	[sflag:s17] =	ssyncadd.s32 $0xFFFFFFB0  }
0xfa: {  	_ =	swait.ge [sflag:s17], $0x2800  }
0xfb: {  	[sflag:s17] =	ssyncset.done $0x0  }
0xfc: {  	[sflag:s17] =	ssyncadd.s32 $0xFFFFD800  }
0xfd: {  	[spmem:s2] =	stream.indirect.scatter.add.f32 [tilespmem:s1], [sflag:$0x4], $0x80, s0, s12, $0xb8;
	[tilespmem:$0x1BA30] =	vst v63  }
0xfe: {  	_ =	swait.ge [sflag:s18], $0x2800  }
0xff: {  	[sflag:s18] =	ssyncset.done $0x0  }
0x100: {  	s13 =	sadd.s32 $0xFFFFFFF6, s24;
	s15 =	sadd.s32 $0x0, s9;
	[sflag:s18] =	ssyncadd.s32 $0xFFFFD800  }
0x101: {  	[tilespmem:s30], [sflag:$0x1] =	stream.linear.gather [hbm4b:s13+s4], $0x50, $0x38;
	[tilespmem:$0x1BA30] =	vst v63  }
0x102: {  	s25 =	sadd.s32 $0xA00, s15  }
0x103: {  	[tilespmem:s31], [sflag:$0x1] =	stream.linear.gather [hbm4b:s25+s4], $0x2800, $0x38;
	[tilespmem:$0x1BA30] =	vst v63  }
0x104: {  	_ =	swait.ge [sflag:s22], $0x2800  }
0x105: {  	s8 =	simm.s32 $0xA00;
	[sflag:s22] =	ssyncset.done $0x0  }
0x106: {  	s13 =	sadd.s32 $0x14, s24;
	s25 =	sadd.s32 $0xF00, s15;
	[sflag:s22] =	ssyncadd.s32 $0xFFFFD800  }
0x107: {  	[tilespmem:s0], [sflag:$0x2] =	stream.linear.gather [hbm4b:s24+s4], $0x50, $0x38;
	[tilespmem:$0x1BA30] =	vst v63  }
.LBB2_3:
0x108: {  	[tilespmem:s1], [sflag:$0x2] =	stream.linear.gather [hbm4b:s25+s4], $0x2800, $0x38;
	[tilespmem:$0x1BA30] =	vst v63  }
0x109: {  	s25 =	smov.u32 s8  }
0x10a: {  	p1 =	seq.s32 s8, $0x4CE00;
	s8 =	sadd.s32 $0xA00, s8;
	_ =	swait.ge [sflag:s11], $0x50  }
0x10b: {  	[sflag:s11] =	ssyncset.done $0x0  }
0x10c: {  	[sflag:s11] =	ssyncadd.s32 $0xFFFFFFB0  }
0x10d: {  	_ =	swait.ge [sflag:s11], $0x2800  }
0x10e: {  	[sflag:s11] =	ssyncset.done $0x0  }
0x10f: {  	[sflag:s11] =	ssyncadd.s32 $0xFFFFD800  }
0x110: {  	[spmem:s2] =	stream.indirect.scatter.add.f32 [tilespmem:s31], [sflag:$0x3], $0x80, s30, s12, $0xb8;
	[tilespmem:$0x1BA30] =	vst v63  }
0x111: {  	_ =	swait.ge [sflag:s17], $0x50  }
0x112: {  	[sflag:s17] =	ssyncset.done $0x0  }
0x113: {  	[sflag:s17] =	ssyncadd.s32 $0xFFFFFFB0  }
0x114: {  	_ =	swait.ge [sflag:s17], $0x2800  }
0x115: {  	[sflag:s17] =	ssyncset.done $0x0  }
0x116: {  	[sflag:s17] =	ssyncadd.s32 $0xFFFFD800  }
0x117: {  	[spmem:s2] =	stream.indirect.scatter.add.f32 [tilespmem:s1], [sflag:$0x4], $0x80, s0, s12, $0xb8;
	[tilespmem:$0x1BA30] =	vst v63  }
0x118: {  	_ =	swait.ge [sflag:s18], $0x2800  }
0x119: {  	[sflag:s18] =	ssyncset.done $0x0  }
0x11a: {  	s15 =	sadd.s32 $0xFFFFFFF6, s13;
	s25 =	sadd.s32 s25, s9;
	[sflag:s18] =	ssyncadd.s32 $0xFFFFD800  }
0x11b: {  	[tilespmem:s30], [sflag:$0x1] =	stream.linear.gather [hbm4b:s15+s4], $0x50, $0x38;
	[tilespmem:$0x1BA30] =	vst v63  }
0x11c: {  	s15 =	sadd.s32 $0xA00, s25  }
0x11d: {  	[tilespmem:s31], [sflag:$0x1] =	stream.linear.gather [hbm4b:s15+s4], $0x2800, $0x38;
	[tilespmem:$0x1BA30] =	vst v63  }
.Ltmp6:
0x11e: {  	_ =	swait.ge [sflag:s22], $0x2800;
	(pc) =	sbr.rel @!p1 .LBB2_3-.Ltmp6, $4  }
0x11f: {  	[sflag:s22] =	ssyncset.done $0x0  }
0x120: {  	[sflag:s22] =	ssyncadd.s32 $0xFFFFD800  }
0x121: {  	[tilespmem:s0], [sflag:$0x2] =	stream.linear.gather [hbm4b:s13+s4], $0x50, $0x38;
	[tilespmem:$0x1BA30] =	vst v63  }
0x122: {  	s25 =	sadd.s32 $0xF00, s25;
	s13 =	sadd.s32 $0x14, s13  }
0x123: {  	[tilespmem:s1], [sflag:$0x2] =	stream.linear.gather [hbm4b:s25+s4], $0x2800, $0x38;
	[tilespmem:$0x1BA30] =	vst v63  }
0x124: {  	_ =	swait.ge [sflag:s11], $0x50  }
0x125: {  	[sflag:s11] =	ssyncset.done $0x0  }
0x126: {  	[sflag:s11] =	ssyncadd.s32 $0xFFFFFFB0  }
0x127: {  	_ =	swait.ge [sflag:s11], $0x2800  }
0x128: {  	[sflag:s11] =	ssyncset.done $0x0  }
0x129: {  	[sflag:s11] =	ssyncadd.s32 $0xFFFFD800  }
0x12a: {  	[spmem:s2] =	stream.indirect.scatter.add.f32 [tilespmem:s31], [sflag:$0x3], $0x80, s30, s12, $0xb8;
	[tilespmem:$0x1BA30] =	vst v63  }
0x12b: {  	_ =	swait.ge [sflag:s17], $0x50  }
0x12c: {  	[sflag:s17] =	ssyncset.done $0x0  }
0x12d: {  	[sflag:s17] =	ssyncadd.s32 $0xFFFFFFB0  }
0x12e: {  	_ =	swait.ge [sflag:s17], $0x2800  }
0x12f: {  	[sflag:s17] =	ssyncset.done $0x0  }
0x130: {  	[sflag:s17] =	ssyncadd.s32 $0xFFFFD800  }
0x131: {  	[spmem:s2] =	stream.indirect.scatter.add.f32 [tilespmem:s1], [sflag:$0x4], $0x80, s0, s12, $0xb8;
	[tilespmem:$0x1BA30] =	vst v63  }
0x132: {  	_ =	swait.ge [sflag:s18], $0x2800  }
.Ltmp7:
0x133: {  	[sflag:s18] =	ssyncset.done $0x0;
	(pc) =	sbr.rel .LBB2_10-.Ltmp7, $4  }
0x134: {  	[sflag:s18] =	ssyncadd.s32 $0xFFFFD800  }
0x135: {  	_ =	swait.ge [sflag:s22], $0x2800  }
0x136: {  	[sflag:s22] =	ssyncset.done $0x0  }
0x137: {  	[sflag:s22] =	ssyncadd.s32 $0xFFFFD800  }
.LBB2_11:
0x138: {  	_ =	sfence.sel $0x180000  }
0x139: {  	[bflag:$0x0] =	sbarrier.arrive $0xFFFF  }
0x13a: {  	_ =	strace $0x90000056  }
0x13b: {  	s0 =	stileid.u32;
	[bflag:$0x2] =	sbarrier.arrive $0xFFFF  }
0x13c: {  	p0 =	sne.s32 s0, $0x0;
	s0 =	rddreg [dreg:$0x3]  }
0x13d: {  	s0 =	sadd.s32 @!p0 $0x100000, s0  }
0x13e: {  	[sflag:s0] =	ssyncadd.tile.s32 @!p0 $0x1;
	_ =	shalt  }
.Lfunc_end2:
_tile_overlayer_lowered:
.L_overlay_start_2:
0x13f: {  	(tag) =	ssettag $0x2  }
0x140: {  	s0 =	rddreg [dreg:$0x0];
	s2 =	stileid.u32  }
0x141: {  	s1 =	rddreg [dreg:$0x1];
	p0 =	sne.s32 s2, $0x0  }
0x142: {  	s3 =	rddreg [dreg:$0x2];
	[bflag:$0x3] =	sbarrier.arrive $0xFFFF;
	s2 =	simm.s32 @!p0 $0x1C05  }
0x143: {  	[timem:s3], [sflag:s2] =	dma.local @!p0 [hbm:s0], s1  }
0x144: {  	s0 =	simm.s32 @!p0 $0x5  }
0x145: {  	_ =	swait.ge @!p0 [sflag:s0], s1  }
0x146: {  	s1 =	ssub.s32 @!p0 $0x0, s1;
	[sflag:s0] =	ssyncset.done @!p0 $0x0  }
0x147: {  	[sflag:s0] =	ssyncadd.s32 @!p0 s1  }
0x148: {  	[bflag:$0x3] =	sbarrier.arrive $0xFFFF  }
0x149: {  	_ =	shalt  }

</sc_bundles>
